<compile_context>
chip_gen: v7x
topology: tpu7x:2x2x1
jax: 0.10.2.dev20260603
libtpu: 0.0.44.dev20260713+nightly
codegen_flags: <defaults>
</compile_context>

<pallas_src>
import functools

import jax
import jax.numpy as jnp
from jax import lax
from jax.experimental import pallas as pl
from jax.experimental.pallas import tpu as pltpu
from jax.experimental.pallas import tpu_sc as plsc

N = 10000
E = 320000
D = 128

NC = 2
NS = 16
NW = NC * NS
BLK = 128
BPT0 = 80
BPT1 = 160 - BPT0
NBLK = NS * (BPT0 + BPT1)
EPAD = NBLK * BLK
NPAD = 10112
RPT = NPAD // NS


@functools.lru_cache(maxsize=None)
def _make_agg(d, with_deg):
    NR = 2
    NI = 4
    out_type = [jax.ShapeDtypeStruct((NC, NPAD, d), jnp.float32)]
    scratch = [
        pltpu.VMEM((NI, BLK), jnp.int32),
        pltpu.VMEM((NI, BLK), jnp.int32),
        pltpu.VMEM((NR, BLK, d), jnp.float32),
        pltpu.VMEM_SHARED((NPAD, d), jnp.float32),
        pltpu.SemaphoreType.DMA,
        pltpu.SemaphoreType.DMA,
        pltpu.SemaphoreType.DMA,
    ]
    if with_deg:
        out_type.append(jax.ShapeDtypeStruct((NW, 1, NPAD), jnp.float32))
        scratch.insert(3, pltpu.VMEM((NPAD,), jnp.float32))

    mesh = plsc.VectorSubcoreMesh(core_axis_name="c", subcore_axis_name="s",
                                  num_cores=NC, num_subcores=NS)

    def body(*refs):
        if with_deg:
            (table, srcp, dstp, zeros, zdeg,
             out_sum, out_deg, idx_s, idx_d, rows, degv, acc,
             isem, gsem, ssem) = refs
        else:
            (table, srcp, dstp, zeros,
             out_sum, idx_s, idx_d, rows, acc, isem, gsem, ssem) = refs
        c = lax.axis_index("c")
        s = lax.axis_index("s")
        wid = c * NS + s

        ones16 = jnp.ones((16,), jnp.float32)
        nblk = lax.select(c == 0, BPT0, BPT1)
        base = lax.select(c == 0, s * BPT0, NS * BPT0 + s * BPT1) * BLK

        def i_start(blk, ib):
            off = base + blk * BLK
            pltpu.async_copy(srcp.at[pl.ds(off, BLK)], idx_s.at[ib], isem)
            pltpu.async_copy(dstp.at[pl.ds(off, BLK)], idx_d.at[ib], isem)

        def i_wait(ib):
            pltpu.make_async_copy(srcp.at[pl.ds(0, BLK)], idx_s.at[ib],
                                  isem).wait()
            pltpu.make_async_copy(dstp.at[pl.ds(0, BLK)], idx_d.at[ib],
                                  isem).wait()

        def g_start(ib, rb):
            pltpu.async_copy(table.at[idx_s.at[ib]], rows.at[rb], gsem)

        def g_wait(rb):
            pltpu.make_async_copy(table.at[idx_s.at[0]], rows.at[rb],
                                  gsem).wait()

        def s_start(ib, rb):
            pltpu.async_copy(rows.at[rb], acc.at[idx_d.at[ib]], ssem,
                             add=True)

        def s_wait(rb):
            pltpu.make_async_copy(rows.at[rb], acc.at[idx_d.at[0]],
                                  ssem).wait()

        pltpu.sync_copy(zeros.at[pl.ds(s * RPT, RPT)],
                        acc.at[pl.ds(s * RPT, RPT)])
        if with_deg:
            pltpu.sync_copy(zdeg, degv)
        plsc.subcore_barrier()

        for p in range(NI - 1):
            i_start(p, p)
        i_wait(0)
        g_start(0, 0)

        @pl.loop(0, nblk, step=NI)
        def _(g):
            for b4 in range(NI):
                blk = g + b4
                b2 = b4 % NR
                g_wait(b2)
                s_start(b4, b2)
                if with_deg:
                    for j in range(BLK // 16):
                        iv = idx_d[b4, pl.ds(j * 16, 16)]
                        plsc.addupdate_scatter(degv, [iv], ones16)

                @pl.when(blk >= 1)
                def _():
                    s_wait(1 - b2)

                @pl.when(blk + 1 < nblk)
                def _():
                    i_wait((b4 + 1) % NI)
                    g_start((b4 + 1) % NI, 1 - b2)

                @pl.when(blk + NI - 1 < nblk)
                def _():
                    i_start(blk + NI - 1, (b4 + NI - 1) % NI)

        s_wait(1)
        plsc.subcore_barrier()
        pltpu.sync_copy(acc.at[pl.ds(s * RPT, RPT)],
                        out_sum.at[c, pl.ds(s * RPT, RPT)])
        if with_deg:
            pltpu.sync_copy(degv, out_deg.at[wid, 0])

    return pl.kernel(body, out_type=out_type, mesh=mesh, scratch_types=scratch,
                     compiler_params=pltpu.CompilerParams(
                         needs_layout_passes=False))


def _psum(sum_ref):
    t = sum_ref[0]
    for i in range(1, sum_ref.shape[0]):
        t = t + sum_ref[i]
    return t[:N]


def _bn_relu(pre, g, be):
    mu = jnp.mean(pre, axis=0, keepdims=True)
    var = jnp.mean(jnp.square(pre - mu), axis=0, keepdims=True)
    return jnp.maximum((pre - mu) * lax.rsqrt(var + 1e-5) * g + be, 0.0)


def _tc1_body(sum_ref, degt_ref, x_ref, wl_ref, bl_ref, wr_ref, g_ref, be_ref,
              h_out, dinv_out):
    s = _psum(sum_ref)
    deg = jnp.sum(degt_ref[...], axis=1, keepdims=True)[:N]
    dinv = 1.0 / jnp.maximum(deg, 1.0)
    pre = (jnp.dot(s * dinv, wl_ref[...], preferred_element_type=jnp.float32)
           + bl_ref[...]
           + jnp.dot(x_ref[...], wr_ref[...],
                     preferred_element_type=jnp.float32))
    h_out[...] = _bn_relu(pre, g_ref[...], be_ref[...])
    dinv_out[...] = dinv


def _tc2_body(sum_ref, dinv_ref, h_ref, wl_ref, bl_ref, wr_ref, g_ref, be_ref,
              h_out):
    s = _psum(sum_ref)
    pre = (jnp.dot(s * dinv_ref[...], wl_ref[...],
                   preferred_element_type=jnp.float32)
           + bl_ref[...]
           + jnp.dot(h_ref[...], wr_ref[...],
                     preferred_element_type=jnp.float32))
    h_out[...] = _bn_relu(pre, g_ref[...], be_ref[...])


def _tc3_body(sum_ref, dinv_ref, h_ref, wl_ref, bl_ref, wr_ref, g_ref, be_ref,
              wc1_ref, bc1_ref, wc2_ref, bc2_ref, wc3_ref, bc3_ref, out_ref):
    s = _psum(sum_ref)
    pre = (jnp.dot(s * dinv_ref[...], wl_ref[...],
                   preferred_element_type=jnp.float32)
           + bl_ref[...]
           + jnp.dot(h_ref[...], wr_ref[...],
                     preferred_element_type=jnp.float32))
    h = _bn_relu(pre, g_ref[...], be_ref[...])
    a = jnp.maximum(jnp.dot(h, wc1_ref[...],
                            preferred_element_type=jnp.float32)
                    + bc1_ref[...], 0.0)
    b = jnp.maximum(jnp.dot(a, wc2_ref[...],
                            preferred_element_type=jnp.float32)
                    + bc2_ref[...], 0.0)
    out_ref[...] = (jnp.dot(b, wc3_ref[...],
                            preferred_element_type=jnp.float32)
                    + bc3_ref[...])


def _tc_call(body, out_shapes, *args):
    return pl.pallas_call(body, out_shape=out_shapes)(*args)


def kernel(x, edge_index, Wl1, bl1, Wr1, g1, be1, Wl2, bl2, Wr2, g2, be2,
           Wl3, bl3, Wr3, g3, be3, Wc1, bc1, Wc2, bc2, Wc3, bc3):
    f32 = jnp.float32
    ei = edge_index.astype(jnp.int32)
    pad_i = jnp.arange(EPAD - E, dtype=jnp.int32)
    srcp = jnp.concatenate([ei[0], pad_i % N])
    dstp = jnp.concatenate([ei[1], N + pad_i % (NPAD - N)])
    z128 = jnp.zeros((NPAD, D), f32)
    zdeg = jnp.zeros((NPAD,), f32)

    row = lambda v: v.reshape(1, -1)

    sum1, degp = _make_agg(D, True)(x, srcp, dstp, z128, zdeg)
    degt = degp.reshape(NW, NPAD).T
    h1, dinv = _tc_call(
        _tc1_body,
        [jax.ShapeDtypeStruct((N, D), f32), jax.ShapeDtypeStruct((N, 1), f32)],
        sum1, degt, x, Wl1, row(bl1), Wr1, row(g1), row(be1))

    sum2, = _make_agg(D, False)(h1, srcp, dstp, z128)
    h2 = _tc_call(
        _tc2_body,
        jax.ShapeDtypeStruct((N, D), f32),
        sum2, dinv, h1, Wl2, row(bl2), Wr2, row(g2), row(be2))

    sum3, = _make_agg(D, False)(h2, srcp, dstp, z128)
    out = _tc_call(
        _tc3_body,
        jax.ShapeDtypeStruct((N, 1), f32),
        sum3, dinv, h2, Wl3, row(bl3), Wr3, row(g3), row(be3),
        Wc1, row(bc1), Wc2, row(bc2), Wc3, row(bc3))

    return out.squeeze(-1)

# --- scband reference (transcript-rebuilt; emitter-appended) ---
"""Pipeline reference for scband-graph-sagefraud-detector-34660386078847 (READ-ONLY COPY).

The authoritative reference and input builder live on the scoring server;
editing this copy changes nothing except your own understanding.
"""

import jax, jax.numpy as jnp
import numpy as np

N = 10000
E = 320000
D = 128
H = 128


def setup_inputs(seed: int = 0) -> dict:
    key = jax.random.key(seed)
    ks = jax.random.split(key, 32)
    s = 0.05
    inp = {}
    inp['x'] = jax.random.normal(ks[0], (N, D), dtype=jnp.float32)
    inp['edge_index'] = jax.random.randint(ks[1], (2, E), 0, N)
    # SAGE layer 1: D -> H
    inp['Wl1'] = jax.random.normal(ks[2], (D, H), dtype=jnp.float32) * s
    inp['bl1'] = jnp.zeros((H,), dtype=jnp.float32)
    inp['Wr1'] = jax.random.normal(ks[3], (D, H), dtype=jnp.float32) * s
    inp['g1'] = jnp.ones((H,), dtype=jnp.float32)
    inp['be1'] = jnp.zeros((H,), dtype=jnp.float32)
    # SAGE layer 2: H -> H
    inp['Wl2'] = jax.random.normal(ks[4], (H, H), dtype=jnp.float32) * s
    inp['bl2'] = jnp.zeros((H,), dtype=jnp.float32)
    inp['Wr2'] = jax.random.normal(ks[5], (H, H), dtype=jnp.float32) * s
    inp['g2'] = jnp.ones((H,), dtype=jnp.float32)
    inp['be2'] = jnp.zeros((H,), dtype=jnp.float32)
    # SAGE layer 3: H -> H//2
    inp['Wl3'] = jax.random.normal(ks[6], (H, H // 2), dtype=jnp.float32) * s
    inp['bl3'] = jnp.zeros((H // 2,), dtype=jnp.float32)
    inp['Wr3'] = jax.random.normal(ks[7], (H, H // 2), dtype=jnp.float32) * s
    inp['g3'] = jnp.ones((H // 2,), dtype=jnp.float32)
    inp['be3'] = jnp.zeros((H // 2,), dtype=jnp.float32)
    # classifier head: 64 -> 64 -> 32 -> 1
    inp['Wc1'] = jax.random.normal(ks[8], (H // 2, 64), dtype=jnp.float32) * s
    inp['bc1'] = jnp.zeros((64,), dtype=jnp.float32)
    inp['Wc2'] = jax.random.normal(ks[9], (64, 32), dtype=jnp.float32) * s
    inp['bc2'] = jnp.zeros((32,), dtype=jnp.float32)
    inp['Wc3'] = jax.random.normal(ks[10], (32, 1), dtype=jnp.float32) * s
    inp['bc3'] = jnp.zeros((1,), dtype=jnp.float32)
    return inp


def _sage_bn_relu(x, src, dst, Wl, bl, Wr, gamma, beta):
    n = x.shape[0]
    msgs = x[src]  # gather neighbor features [E, d]
    summed = jax.ops.segment_sum(msgs, dst, num_segments=n)
    deg = jax.ops.segment_sum(jnp.ones((src.shape[0],), x.dtype), dst, num_segments=n)
    agg = summed / jnp.clip(deg, 1.0, None)[:, None]  # mean aggregation
    h = agg @ Wl + bl + x @ Wr  # SAGEConv: lin_l(aggr) + lin_r(root)
    mu = jnp.mean(h, axis=0)
    var = jnp.var(h, axis=0)
    h = (h - mu) / jnp.sqrt(var + 1e-5) * gamma + beta  # BatchNorm (batch stats)
    return jax.nn.relu(h)


def reference(x, edge_index, Wl1, bl1, Wr1, g1, be1, Wl2, bl2, Wr2, g2, be2, Wl3, bl3, Wr3, g3, be3, Wc1, bc1, Wc2, bc2, Wc3, bc3):
    src = edge_index[0]
    dst = edge_index[1]
    h = _sage_bn_relu(x, src, dst, Wl1, bl1, Wr1, g1, be1)
    h = _sage_bn_relu(h, src, dst, Wl2, bl2, Wr2, g2, be2)
    h = _sage_bn_relu(h, src, dst, Wl3, bl3, Wr3, g3, be3)
    # classifier head (dropout is identity in eval mode)
    h = jax.nn.relu(h @ Wc1 + bc1)
    h = jax.nn.relu(h @ Wc2 + bc2)
    out = (h @ Wc3 + bc3).squeeze(-1)
    return out

if __name__ == "__main__":
    import jax
    _d = setup_inputs()
    print(jax.jit(kernel)(*tuple(_d.values())))

</pallas_src>

<mosaic_0001>
#map = affine_map<(d0, d1) -> (0, 0)>
#map1 = affine_map<(d0, d1) -> (0)>
#map2 = affine_map<(d0, d1) -> (0, 0, 0)>
module attributes {stable_mosaic.version = 14 : i64} {
  func.func @body(%arg0: i32, %arg1: i32, %arg2: memref<10000x128xf32, #tpu.memory_space<hbm>>, %arg3: memref<327680xi32, #tpu.memory_space<hbm>>, %arg4: memref<327680xi32, #tpu.memory_space<hbm>>, %arg5: memref<10112x128xf32, #tpu.memory_space<hbm>>, %arg6: memref<10112xf32, #tpu.memory_space<hbm>>, %arg7: memref<2x10112x128xf32, #tpu.memory_space<hbm>>, %arg8: memref<32x1x10112xf32, #tpu.memory_space<hbm>>, %arg9: memref<4x128xi32, #tpu.memory_space<vmem>>, %arg10: memref<4x128xi32, #tpu.memory_space<vmem>>, %arg11: memref<2x128x128xf32, #tpu.memory_space<vmem>>, %arg12: memref<10112xf32, #tpu.memory_space<vmem>>, %arg13: memref<10112x128xf32, #tpu.memory_space<vmem_shared>>, %arg14: memref<!tpu.dma_semaphore, #tpu.memory_space<semaphore_mem>>, %arg15: memref<!tpu.dma_semaphore, #tpu.memory_space<semaphore_mem>>, %arg16: memref<!tpu.dma_semaphore, #tpu.memory_space<semaphore_mem>>) attributes {dimension_semantics = [#tpu.dimension_semantics<core_parallel>, #tpu.dimension_semantics<subcore_parallel>], iteration_bounds = array<i64: 2, 16>, scalar_prefetch = 0 : i64, scratch_operands = 8 : i64, tpu.core_type = #tpu.core_type<sc_vector_subcore>, window_params = [{transform_indices = #map}, {transform_indices = #map1}, {transform_indices = #map1}, {transform_indices = #map}, {transform_indices = #map1}, {transform_indices = #map2}, {transform_indices = #map2}]} {
    %mul3A = arith.constant 16 : i32
    %mul3A_0 = arith.muli %arg0, %mul3A : i32
    %add3A = arith.addi %mul3A_0, %arg1 : i32
    %broadcast_in_dim3A = arith.constant 1.000000e+00 : f32
    %broadcast_in_dim3A_1 = vector.broadcast %broadcast_in_dim3A : f32 to vector<16xf32>
    %eq3A = arith.constant 0 : i32
    %eq3A_2 = arith.cmpi eq, %arg0, %eq3A : i32
    %select_n3A = arith.constant 80 : i32
    %select_n3A_3 = arith.constant 80 : i32
    %select_n3A_4 = arith.select %eq3A_2, %select_n3A_3, %select_n3A : i32
    %eq3A_5 = arith.constant 0 : i32
    %eq3A_6 = arith.cmpi eq, %arg0, %eq3A_5 : i32
    %mul3A_7 = arith.constant 80 : i32
    %mul3A_8 = arith.muli %arg1, %mul3A_7 : i32
    %mul3A_9 = arith.constant 80 : i32
    %mul3A_10 = arith.muli %arg1, %mul3A_9 : i32
    %add3A_11 = arith.constant 1280 : i32
    %add3A_12 = arith.addi %add3A_11, %mul3A_10 : i32
    %select_n3A_13 = arith.select %eq3A_6, %mul3A_8, %add3A_12 : i32
    %mul3A_14 = arith.constant 128 : i32
    %mul3A_15 = arith.muli %select_n3A_13, %mul3A_14 : i32
    %mul3A_16 = arith.constant 632 : i32
    %mul3A_17 = arith.muli %arg1, %mul3A_16 : i32
    %mul3A_18 = arith.constant 632 : i32
    %mul3A_19 = arith.muli %arg1, %mul3A_18 : i32
    "tpu.region"() ({
      %run_scoped3A_145 = tpu.sem_alloc : memref<!tpu.dma_semaphore, #tpu.memory_space<semaphore_mem>>
      %dma_start3A_146 = arith.constant 0 : i32
      %dma_start3A_147 = tpu.memref_slice %arg13[%mul3A_19, %dma_start3A_146] : memref<10112x128xf32, #tpu.memory_space<vmem_shared>> -> memref<632x128xf32, #tpu.memory_space<vmem_shared>>
      %dma_start3A_148 = arith.constant 0 : i32
      %dma_start3A_149 = tpu.memref_slice %arg5[%mul3A_17, %dma_start3A_148] : memref<10112x128xf32, #tpu.memory_space<hbm>> -> memref<632x128xf32, #tpu.memory_space<hbm>>
      tpu.enqueue_dma source(%dma_start3A_149 : memref<632x128xf32, #tpu.memory_space<hbm>>) target(%dma_start3A_147 : memref<632x128xf32, #tpu.memory_space<vmem_shared>>) target_semaphore(%run_scoped3A_145 : memref<!tpu.dma_semaphore, #tpu.memory_space<semaphore_mem>>)
      %dma_wait3A_150 = arith.constant 0 : i32
      %dma_wait3A_151 = tpu.memref_slice %arg13[%mul3A_19, %dma_wait3A_150] : memref<10112x128xf32, #tpu.memory_space<vmem_shared>> -> memref<632x128xf32, #tpu.memory_space<vmem_shared>>
      %dma_wait3A_152 = arith.constant 0 : i32
      %dma_wait3A_153 = tpu.memref_slice %arg5[%mul3A_17, %dma_wait3A_152] : memref<10112x128xf32, #tpu.memory_space<hbm>> -> memref<632x128xf32, #tpu.memory_space<hbm>>
      tpu.wait_dma2 semaphore(%run_scoped3A_145 : memref<!tpu.dma_semaphore, #tpu.memory_space<semaphore_mem>>) src(%dma_wait3A_153 : memref<632x128xf32, #tpu.memory_space<hbm>>) dst(%dma_wait3A_151 : memref<632x128xf32, #tpu.memory_space<vmem_shared>>)
      tpu.yield
    }) : () -> ()
    "tpu.region"() ({
      %run_scoped3A_145 = tpu.sem_alloc : memref<!tpu.dma_semaphore, #tpu.memory_space<semaphore_mem>>
      tpu.enqueue_dma source(%arg6 : memref<10112xf32, #tpu.memory_space<hbm>>) target(%arg12 : memref<10112xf32, #tpu.memory_space<vmem>>) target_semaphore(%run_scoped3A_145 : memref<!tpu.dma_semaphore, #tpu.memory_space<semaphore_mem>>)
      tpu.wait_dma2 semaphore(%run_scoped3A_145 : memref<!tpu.dma_semaphore, #tpu.memory_space<semaphore_mem>>) src(%arg6 : memref<10112xf32, #tpu.memory_space<hbm>>) dst(%arg12 : memref<10112xf32, #tpu.memory_space<vmem>>)
      tpu.yield
    }) : () -> ()
    %barrier3A = arith.constant 0 : index
    tpu.barrier barrier_id(%barrier3A)
    %add3A_20 = arith.constant 0 : i32
    %add3A_21 = arith.addi %mul3A_15, %add3A_20 : i32
    %dma_start3A = arith.constant 0 : i32
    %dma_start3A_22 = arith.constant 0 : i32
    %dma_start3A_23 = tpu.memref_slice %arg9[%dma_start3A, %dma_start3A_22] : memref<4x128xi32, #tpu.memory_space<vmem>> -> memref<1x128xi32, #tpu.memory_space<vmem>>
    %dma_start3A_24 = tpu.memref_squeeze %dma_start3A_23 : memref<1x128xi32, #tpu.memory_space<vmem>> -> memref<128xi32, #tpu.memory_space<vmem>>
    %dma_start3A_25 = tpu.memref_slice %arg3[%add3A_21] : memref<327680xi32, #tpu.memory_space<hbm>> -> memref<128xi32, #tpu.memory_space<hbm>>
    %dma_start3A_26 = arith.constant 0 : i32
    %dma_start3A_27 = tpu.memref_slice %arg9[%dma_start3A, %dma_start3A_26] : memref<4x128xi32, #tpu.memory_space<vmem>> -> memref<1x128xi32, #tpu.memory_space<vmem>>
    %dma_start3A_28 = tpu.memref_squeeze %dma_start3A_27 : memref<1x128xi32, #tpu.memory_space<vmem>> -> memref<128xi32, #tpu.memory_space<vmem>>
    %dma_start3A_29 = tpu.memref_slice %arg3[%add3A_21] : memref<327680xi32, #tpu.memory_space<hbm>> -> memref<128xi32, #tpu.memory_space<hbm>>
    tpu.enqueue_dma source(%dma_start3A_29 : memref<128xi32, #tpu.memory_space<hbm>>) target(%dma_start3A_28 : memref<128xi32, #tpu.memory_space<vmem>>) target_semaphore(%arg14 : memref<!tpu.dma_semaphore, #tpu.memory_space<semaphore_mem>>)
    %dma_start3A_30 = arith.constant 0 : i32
    %dma_start3A_31 = arith.constant 0 : i32
    %dma_start3A_32 = tpu.memref_slice %arg10[%dma_start3A_30, %dma_start3A_31] : memref<4x128xi32, #tpu.memory_space<vmem>> -> memref<1x128xi32, #tpu.memory_space<vmem>>
    %dma_start3A_33 = tpu.memref_squeeze %dma_start3A_32 : memref<1x128xi32, #tpu.memory_space<vmem>> -> memref<128xi32, #tpu.memory_space<vmem>>
    %dma_start3A_34 = tpu.memref_slice %arg4[%add3A_21] : memref<327680xi32, #tpu.memory_space<hbm>> -> memref<128xi32, #tpu.memory_space<hbm>>
    %dma_start3A_35 = arith.constant 0 : i32
    %dma_start3A_36 = tpu.memref_slice %arg10[%dma_start3A_30, %dma_start3A_35] : memref<4x128xi32, #tpu.memory_space<vmem>> -> memref<1x128xi32, #tpu.memory_space<vmem>>
    %dma_start3A_37 = tpu.memref_squeeze %dma_start3A_36 : memref<1x128xi32, #tpu.memory_space<vmem>> -> memref<128xi32, #tpu.memory_space<vmem>>
    %dma_start3A_38 = tpu.memref_slice %arg4[%add3A_21] : memref<327680xi32, #tpu.memory_space<hbm>> -> memref<128xi32, #tpu.memory_space<hbm>>
    tpu.enqueue_dma source(%dma_start3A_38 : memref<128xi32, #tpu.memory_space<hbm>>) target(%dma_start3A_37 : memref<128xi32, #tpu.memory_space<vmem>>) target_semaphore(%arg14 : memref<!tpu.dma_semaphore, #tpu.memory_space<semaphore_mem>>)
    %add3A_39 = arith.constant 128 : i32
    %add3A_40 = arith.addi %mul3A_15, %add3A_39 : i32
    %dma_start3A_41 = arith.constant 1 : i32
    %dma_start3A_42 = arith.constant 0 : i32
    %dma_start3A_43 = tpu.memref_slice %arg9[%dma_start3A_41, %dma_start3A_42] : memref<4x128xi32, #tpu.memory_space<vmem>> -> memref<1x128xi32, #tpu.memory_space<vmem>>
    %dma_start3A_44 = tpu.memref_squeeze %dma_start3A_43 : memref<1x128xi32, #tpu.memory_space<vmem>> -> memref<128xi32, #tpu.memory_space<vmem>>
    %dma_start3A_45 = tpu.memref_slice %arg3[%add3A_40] : memref<327680xi32, #tpu.memory_space<hbm>> -> memref<128xi32, #tpu.memory_space<hbm>>
    %dma_start3A_46 = arith.constant 0 : i32
    %dma_start3A_47 = tpu.memref_slice %arg9[%dma_start3A_41, %dma_start3A_46] : memref<4x128xi32, #tpu.memory_space<vmem>> -> memref<1x128xi32, #tpu.memory_space<vmem>>
    %dma_start3A_48 = tpu.memref_squeeze %dma_start3A_47 : memref<1x128xi32, #tpu.memory_space<vmem>> -> memref<128xi32, #tpu.memory_space<vmem>>
    %dma_start3A_49 = tpu.memref_slice %arg3[%add3A_40] : memref<327680xi32, #tpu.memory_space<hbm>> -> memref<128xi32, #tpu.memory_space<hbm>>
    tpu.enqueue_dma source(%dma_start3A_49 : memref<128xi32, #tpu.memory_space<hbm>>) target(%dma_start3A_48 : memref<128xi32, #tpu.memory_space<vmem>>) target_semaphore(%arg14 : memref<!tpu.dma_semaphore, #tpu.memory_space<semaphore_mem>>)
    %dma_start3A_50 = arith.constant 1 : i32
    %dma_start3A_51 = arith.constant 0 : i32
    %dma_start3A_52 = tpu.memref_slice %arg10[%dma_start3A_50, %dma_start3A_51] : memref<4x128xi32, #tpu.memory_space<vmem>> -> memref<1x128xi32, #tpu.memory_space<vmem>>
    %dma_start3A_53 = tpu.memref_squeeze %dma_start3A_52 : memref<1x128xi32, #tpu.memory_space<vmem>> -> memref<128xi32, #tpu.memory_space<vmem>>
    %dma_start3A_54 = tpu.memref_slice %arg4[%add3A_40] : memref<327680xi32, #tpu.memory_space<hbm>> -> memref<128xi32, #tpu.memory_space<hbm>>
    %dma_start3A_55 = arith.constant 0 : i32
    %dma_start3A_56 = tpu.memref_slice %arg10[%dma_start3A_50, %dma_start3A_55] : memref<4x128xi32, #tpu.memory_space<vmem>> -> memref<1x128xi32, #tpu.memory_space<vmem>>
    %dma_start3A_57 = tpu.memref_squeeze %dma_start3A_56 : memref<1x128xi32, #tpu.memory_space<vmem>> -> memref<128xi32, #tpu.memory_space<vmem>>
    %dma_start3A_58 = tpu.memref_slice %arg4[%add3A_40] : memref<327680xi32, #tpu.memory_space<hbm>> -> memref<128xi32, #tpu.memory_space<hbm>>
    tpu.enqueue_dma source(%dma_start3A_58 : memref<128xi32, #tpu.memory_space<hbm>>) target(%dma_start3A_57 : memref<128xi32, #tpu.memory_space<vmem>>) target_semaphore(%arg14 : memref<!tpu.dma_semaphore, #tpu.memory_space<semaphore_mem>>)
    %add3A_59 = arith.constant 256 : i32
    %add3A_60 = arith.addi %mul3A_15, %add3A_59 : i32
    %dma_start3A_61 = arith.constant 2 : i32
    %dma_start3A_62 = arith.constant 0 : i32
    %dma_start3A_63 = tpu.memref_slice %arg9[%dma_start3A_61, %dma_start3A_62] : memref<4x128xi32, #tpu.memory_space<vmem>> -> memref<1x128xi32, #tpu.memory_space<vmem>>
    %dma_start3A_64 = tpu.memref_squeeze %dma_start3A_63 : memref<1x128xi32, #tpu.memory_space<vmem>> -> memref<128xi32, #tpu.memory_space<vmem>>
    %dma_start3A_65 = tpu.memref_slice %arg3[%add3A_60] : memref<327680xi32, #tpu.memory_space<hbm>> -> memref<128xi32, #tpu.memory_space<hbm>>
    %dma_start3A_66 = arith.constant 0 : i32
    %dma_start3A_67 = tpu.memref_slice %arg9[%dma_start3A_61, %dma_start3A_66] : memref<4x128xi32, #tpu.memory_space<vmem>> -> memref<1x128xi32, #tpu.memory_space<vmem>>
    %dma_start3A_68 = tpu.memref_squeeze %dma_start3A_67 : memref<1x128xi32, #tpu.memory_space<vmem>> -> memref<128xi32, #tpu.memory_space<vmem>>
    %dma_start3A_69 = tpu.memref_slice %arg3[%add3A_60] : memref<327680xi32, #tpu.memory_space<hbm>> -> memref<128xi32, #tpu.memory_space<hbm>>
    tpu.enqueue_dma source(%dma_start3A_69 : memref<128xi32, #tpu.memory_space<hbm>>) target(%dma_start3A_68 : memref<128xi32, #tpu.memory_space<vmem>>) target_semaphore(%arg14 : memref<!tpu.dma_semaphore, #tpu.memory_space<semaphore_mem>>)
    %dma_start3A_70 = arith.constant 2 : i32
    %dma_start3A_71 = arith.constant 0 : i32
    %dma_start3A_72 = tpu.memref_slice %arg10[%dma_start3A_70, %dma_start3A_71] : memref<4x128xi32, #tpu.memory_space<vmem>> -> memref<1x128xi32, #tpu.memory_space<vmem>>
    %dma_start3A_73 = tpu.memref_squeeze %dma_start3A_72 : memref<1x128xi32, #tpu.memory_space<vmem>> -> memref<128xi32, #tpu.memory_space<vmem>>
    %dma_start3A_74 = tpu.memref_slice %arg4[%add3A_60] : memref<327680xi32, #tpu.memory_space<hbm>> -> memref<128xi32, #tpu.memory_space<hbm>>
    %dma_start3A_75 = arith.constant 0 : i32
    %dma_start3A_76 = tpu.memref_slice %arg10[%dma_start3A_70, %dma_start3A_75] : memref<4x128xi32, #tpu.memory_space<vmem>> -> memref<1x128xi32, #tpu.memory_space<vmem>>
    %dma_start3A_77 = tpu.memref_squeeze %dma_start3A_76 : memref<1x128xi32, #tpu.memory_space<vmem>> -> memref<128xi32, #tpu.memory_space<vmem>>
    %dma_start3A_78 = tpu.memref_slice %arg4[%add3A_60] : memref<327680xi32, #tpu.memory_space<hbm>> -> memref<128xi32, #tpu.memory_space<hbm>>
    tpu.enqueue_dma source(%dma_start3A_78 : memref<128xi32, #tpu.memory_space<hbm>>) target(%dma_start3A_77 : memref<128xi32, #tpu.memory_space<vmem>>) target_semaphore(%arg14 : memref<!tpu.dma_semaphore, #tpu.memory_space<semaphore_mem>>)
    %dma_wait3A = arith.constant 0 : i32
    %dma_wait3A_79 = arith.constant 0 : i32
    %dma_wait3A_80 = tpu.memref_slice %arg9[%dma_wait3A, %dma_wait3A_79] : memref<4x128xi32, #tpu.memory_space<vmem>> -> memref<1x128xi32, #tpu.memory_space<vmem>>
    %dma_wait3A_81 = tpu.memref_squeeze %dma_wait3A_80 : memref<1x128xi32, #tpu.memory_space<vmem>> -> memref<128xi32, #tpu.memory_space<vmem>>
    %dma_wait3A_82 = arith.constant 0 : i32
    %dma_wait3A_83 = tpu.memref_slice %arg3[%dma_wait3A_82] : memref<327680xi32, #tpu.memory_space<hbm>> -> memref<128xi32, #tpu.memory_space<hbm>>
    %dma_wait3A_84 = arith.constant 0 : i32
    %dma_wait3A_85 = tpu.memref_slice %arg9[%dma_wait3A, %dma_wait3A_84] : memref<4x128xi32, #tpu.memory_space<vmem>> -> memref<1x128xi32, #tpu.memory_space<vmem>>
    %dma_wait3A_86 = tpu.memref_squeeze %dma_wait3A_85 : memref<1x128xi32, #tpu.memory_space<vmem>> -> memref<128xi32, #tpu.memory_space<vmem>>
    %dma_wait3A_87 = arith.constant 0 : i32
    %dma_wait3A_88 = tpu.memref_slice %arg3[%dma_wait3A_87] : memref<327680xi32, #tpu.memory_space<hbm>> -> memref<128xi32, #tpu.memory_space<hbm>>
    tpu.wait_dma2 semaphore(%arg14 : memref<!tpu.dma_semaphore, #tpu.memory_space<semaphore_mem>>) src(%dma_wait3A_88 : memref<128xi32, #tpu.memory_space<hbm>>) dst(%dma_wait3A_86 : memref<128xi32, #tpu.memory_space<vmem>>)
    %dma_wait3A_89 = arith.constant 0 : i32
    %dma_wait3A_90 = arith.constant 0 : i32
    %dma_wait3A_91 = tpu.memref_slice %arg10[%dma_wait3A_89, %dma_wait3A_90] : memref<4x128xi32, #tpu.memory_space<vmem>> -> memref<1x128xi32, #tpu.memory_space<vmem>>
    %dma_wait3A_92 = tpu.memref_squeeze %dma_wait3A_91 : memref<1x128xi32, #tpu.memory_space<vmem>> -> memref<128xi32, #tpu.memory_space<vmem>>
    %dma_wait3A_93 = arith.constant 0 : i32
    %dma_wait3A_94 = tpu.memref_slice %arg4[%dma_wait3A_93] : memref<327680xi32, #tpu.memory_space<hbm>> -> memref<128xi32, #tpu.memory_space<hbm>>
    %dma_wait3A_95 = arith.constant 0 : i32
    %dma_wait3A_96 = tpu.memref_slice %arg10[%dma_wait3A_89, %dma_wait3A_95] : memref<4x128xi32, #tpu.memory_space<vmem>> -> memref<1x128xi32, #tpu.memory_space<vmem>>
    %dma_wait3A_97 = tpu.memref_squeeze %dma_wait3A_96 : memref<1x128xi32, #tpu.memory_space<vmem>> -> memref<128xi32, #tpu.memory_space<vmem>>
    %dma_wait3A_98 = arith.constant 0 : i32
    %dma_wait3A_99 = tpu.memref_slice %arg4[%dma_wait3A_98] : memref<327680xi32, #tpu.memory_space<hbm>> -> memref<128xi32, #tpu.memory_space<hbm>>
    tpu.wait_dma2 semaphore(%arg14 : memref<!tpu.dma_semaphore, #tpu.memory_space<semaphore_mem>>) src(%dma_wait3A_99 : memref<128xi32, #tpu.memory_space<hbm>>) dst(%dma_wait3A_97 : memref<128xi32, #tpu.memory_space<vmem>>)
    %dma_start3A_100 = arith.constant 0 : i32
    %dma_start3A_101 = arith.constant 0 : i32
    %dma_start3A_102 = arith.constant 0 : i32
    %dma_start3A_103 = arith.constant 0 : i32
    %dma_start3A_104 = tpu.memref_slice %arg11[%dma_start3A_101, %dma_start3A_102, %dma_start3A_103] : memref<2x128x128xf32, #tpu.memory_space<vmem>> -> memref<1x128x128xf32, #tpu.memory_space<vmem>>
    %dma_start3A_105 = tpu.memref_squeeze %dma_start3A_104 : memref<1x128x128xf32, #tpu.memory_space<vmem>> -> memref<128x128xf32, #tpu.memory_space<vmem>>
    %dma_start3A_106 = arith.constant 0 : i32
    %dma_start3A_107 = tpu.memref_slice %arg9[%dma_start3A_100, %dma_start3A_106] : memref<4x128xi32, #tpu.memory_space<vmem>> -> memref<1x128xi32, #tpu.memory_space<vmem>>
    %dma_start3A_108 = tpu.memref_squeeze %dma_start3A_107 : memref<1x128xi32, #tpu.memory_space<vmem>> -> memref<128xi32, #tpu.memory_space<vmem>>
    %dma_start3A_109 = arith.constant 0 : i32
    %dma_start3A_110 = arith.constant 0 : i32
    %dma_start3A_111 = tpu.memref_slice %arg2[%dma_start3A_109, %dma_start3A_110] : memref<10000x128xf32, #tpu.memory_space<hbm>> -> memref<10000x128xf32, #tpu.memory_space<hbm>>
    tpu.enqueue_indirect_dma source(%dma_start3A_111 : memref<10000x128xf32, #tpu.memory_space<hbm>>) target(%dma_start3A_105 : memref<128x128xf32, #tpu.memory_space<vmem>>) offsets(%dma_start3A_108 : memref<128xi32, #tpu.memory_space<vmem>>) semaphore(%arg15 : memref<!tpu.dma_semaphore, #tpu.memory_space<semaphore_mem>>)
    %sub3A = arith.constant 0 : i32
    %sub3A_112 = arith.subi %select_n3A_4, %sub3A : i32
    %sub3A_113 = arith.constant 4 : i32
    %sub3A_114 = arith.constant 1 : i32
    %sub3A_115 = arith.subi %sub3A_113, %sub3A_114 : i32
    %add3A_116 = arith.addi %sub3A_112, %sub3A_115 : i32
    %div3A = arith.constant 4 : i32
    %div3A_117 = arith.divsi %add3A_116, %div3A : i32
    %while3A = arith.constant 4 : i32
    %while3A_118 = arith.constant 0 : i32
    %while3A_119 = arith.constant 0 : i32
    %while3A_120 = arith.subi %div3A_117, %while3A_119 : i32
    %while3A_121 = arith.addi %while3A_119, %while3A_120 : i32
    %while3A_122 = arith.constant 1 : i32
    %while3A_123 = arith.divsi %while3A_120, %while3A_122 : i32
    %while3A_124 = arith.muli %while3A_123, %while3A_122 : i32
    %while3A_125 = arith.addi %while3A_119, %while3A_124 : i32
    %while3A_126 = arith.constant 1 : i32
    scf.for %while3A_145 = %while3A_119 to %while3A_125 step %while3A_126  : i32 {
      %mul3A_146 = arith.muli %while3A_145, %while3A : i32
      %add3A_147 = arith.addi %while3A_118, %mul3A_146 : i32
      %add3A_148 = arith.constant 0 : i32
      %add3A_149 = arith.addi %add3A_147, %add3A_148 : i32
      %dma_wait3A_150 = arith.constant 0 : i32
      %dma_wait3A_151 = arith.constant 0 : i32
      %dma_wait3A_152 = arith.constant 0 : i32
      %dma_wait3A_153 = arith.constant 0 : i32
      %dma_wait3A_154 = tpu.memref_slice %arg11[%dma_wait3A_151, %dma_wait3A_152, %dma_wait3A_153] : memref<2x128x128xf32, #tpu.memory_space<vmem>> -> memref<1x128x128xf32, #tpu.memory_space<vmem>>
      %dma_wait3A_155 = tpu.memref_squeeze %dma_wait3A_154 : memref<1x128x128xf32, #tpu.memory_space<vmem>> -> memref<128x128xf32, #tpu.memory_space<vmem>>
      %dma_wait3A_156 = arith.constant 0 : i32
      %dma_wait3A_157 = tpu.memref_slice %arg9[%dma_wait3A_150, %dma_wait3A_156] : memref<4x128xi32, #tpu.memory_space<vmem>> -> memref<1x128xi32, #tpu.memory_space<vmem>>
      %dma_wait3A_158 = tpu.memref_squeeze %dma_wait3A_157 : memref<1x128xi32, #tpu.memory_space<vmem>> -> memref<128xi32, #tpu.memory_space<vmem>>
      %dma_wait3A_159 = arith.constant 0 : i32
      %dma_wait3A_160 = arith.constant 0 : i32
      %dma_wait3A_161 = tpu.memref_slice %arg2[%dma_wait3A_159, %dma_wait3A_160] : memref<10000x128xf32, #tpu.memory_space<hbm>> -> memref<10000x128xf32, #tpu.memory_space<hbm>>
      tpu.wait_indirect_dma semaphore(%arg15 : memref<!tpu.dma_semaphore, #tpu.memory_space<semaphore_mem>>) src(%dma_wait3A_161 : memref<10000x128xf32, #tpu.memory_space<hbm>>) dst(%dma_wait3A_155 : memref<128x128xf32, #tpu.memory_space<vmem>>)
      %dma_start3A_162 = arith.constant 0 : i32
      %dma_start3A_163 = arith.constant 0 : i32
      %dma_start3A_164 = arith.constant 0 : i32
      %dma_start3A_165 = arith.constant 0 : i32
      %dma_start3A_166 = tpu.memref_slice %arg11[%dma_start3A_162, %dma_start3A_164, %dma_start3A_165] : memref<2x128x128xf32, #tpu.memory_space<vmem>> -> memref<1x128x128xf32, #tpu.memory_space<vmem>>
      %dma_start3A_167 = tpu.memref_squeeze %dma_start3A_166 : memref<1x128x128xf32, #tpu.memory_space<vmem>> -> memref<128x128xf32, #tpu.memory_space<vmem>>
      %dma_start3A_168 = arith.constant 0 : i32
      %dma_start3A_169 = tpu.memref_slice %arg10[%dma_start3A_163, %dma_start3A_168] : memref<4x128xi32, #tpu.memory_space<vmem>> -> memref<1x128xi32, #tpu.memory_space<vmem>>
      %dma_start3A_170 = tpu.memref_squeeze %dma_start3A_169 : memref<1x128xi32, #tpu.memory_space<vmem>> -> memref<128xi32, #tpu.memory_space<vmem>>
      %dma_start3A_171 = arith.constant 0 : i32
      %dma_start3A_172 = arith.constant 0 : i32
      %dma_start3A_173 = tpu.memref_slice %arg13[%dma_start3A_171, %dma_start3A_172] : memref<10112x128xf32, #tpu.memory_space<vmem_shared>> -> memref<10112x128xf32, #tpu.memory_space<vmem_shared>>
      tpu.enqueue_indirect_dma source(%dma_start3A_167 : memref<128x128xf32, #tpu.memory_space<vmem>>) target(%dma_start3A_173 : memref<10112x128xf32, #tpu.memory_space<vmem_shared>>) offsets(%dma_start3A_170 : memref<128xi32, #tpu.memory_space<vmem>>) semaphore(%arg16 : memref<!tpu.dma_semaphore, #tpu.memory_space<semaphore_mem>>) {add = true}
      %get3A = arith.constant 0 : i32
      %get3A_174 = arith.index_cast %get3A : i32 to index
      %get3A_175 = arith.constant 0 : index
      %get3A_176 = tpu.vector_load %arg10[%get3A_174, %get3A_175] {strides = array<i32>} : memref<4x128xi32, #tpu.memory_space<vmem>>, vector<16xi32>,
      tpu.vector_store_idx %arg12[%get3A_176], %broadcast_in_dim3A_1 {add = true} : memref<10112xf32, #tpu.memory_space<vmem>>[vector<16xi32>], vector<16xf32>,
      %get3A_177 = arith.constant 0 : i32
      %get3A_178 = arith.index_cast %get3A_177 : i32 to index
      %get3A_179 = arith.constant 16 : index
      %get3A_180 = tpu.vector_load %arg10[%get3A_178, %get3A_179] {strides = array<i32>} : memref<4x128xi32, #tpu.memory_space<vmem>>, vector<16xi32>,
      tpu.vector_store_idx %arg12[%get3A_180], %broadcast_in_dim3A_1 {add = true} : memref<10112xf32, #tpu.memory_space<vmem>>[vector<16xi32>], vector<16xf32>,
      %get3A_181 = arith.constant 0 : i32
      %get3A_182 = arith.index_cast %get3A_181 : i32 to index
      %get3A_183 = arith.constant 32 : index
      %get3A_184 = tpu.vector_load %arg10[%get3A_182, %get3A_183] {strides = array<i32>} : memref<4x128xi32, #tpu.memory_space<vmem>>, vector<16xi32>,
      tpu.vector_store_idx %arg12[%get3A_184], %broadcast_in_dim3A_1 {add = true} : memref<10112xf32, #tpu.memory_space<vmem>>[vector<16xi32>], vector<16xf32>,
      %get3A_185 = arith.constant 0 : i32
      %get3A_186 = arith.index_cast %get3A_185 : i32 to index
      %get3A_187 = arith.constant 48 : index
      %get3A_188 = tpu.vector_load %arg10[%get3A_186, %get3A_187] {strides = array<i32>} : memref<4x128xi32, #tpu.memory_space<vmem>>, vector<16xi32>,
      tpu.vector_store_idx %arg12[%get3A_188], %broadcast_in_dim3A_1 {add = true} : memref<10112xf32, #tpu.memory_space<vmem>>[vector<16xi32>], vector<16xf32>,
      %get3A_189 = arith.constant 0 : i32
      %get3A_190 = arith.index_cast %get3A_189 : i32 to index
      %get3A_191 = arith.constant 64 : index
      %get3A_192 = tpu.vector_load %arg10[%get3A_190, %get3A_191] {strides = array<i32>} : memref<4x128xi32, #tpu.memory_space<vmem>>, vector<16xi32>,
      tpu.vector_store_idx %arg12[%get3A_192], %broadcast_in_dim3A_1 {add = true} : memref<10112xf32, #tpu.memory_space<vmem>>[vector<16xi32>], vector<16xf32>,
      %get3A_193 = arith.constant 0 : i32
      %get3A_194 = arith.index_cast %get3A_193 : i32 to index
      %get3A_195 = arith.constant 80 : index
      %get3A_196 = tpu.vector_load %arg10[%get3A_194, %get3A_195] {strides = array<i32>} : memref<4x128xi32, #tpu.memory_space<vmem>>, vector<16xi32>,
      tpu.vector_store_idx %arg12[%get3A_196], %broadcast_in_dim3A_1 {add = true} : memref<10112xf32, #tpu.memory_space<vmem>>[vector<16xi32>], vector<16xf32>,
      %get3A_197 = arith.constant 0 : i32
      %get3A_198 = arith.index_cast %get3A_197 : i32 to index
      %get3A_199 = arith.constant 96 : index
      %get3A_200 = tpu.vector_load %arg10[%get3A_198, %get3A_199] {strides = array<i32>} : memref<4x128xi32, #tpu.memory_space<vmem>>, vector<16xi32>,
      tpu.vector_store_idx %arg12[%get3A_200], %broadcast_in_dim3A_1 {add = true} : memref<10112xf32, #tpu.memory_space<vmem>>[vector<16xi32>], vector<16xf32>,
      %get3A_201 = arith.constant 0 : i32
      %get3A_202 = arith.index_cast %get3A_201 : i32 to index
      %get3A_203 = arith.constant 112 : index
      %get3A_204 = tpu.vector_load %arg10[%get3A_202, %get3A_203] {strides = array<i32>} : memref<4x128xi32, #tpu.memory_space<vmem>>, vector<16xi32>,
      tpu.vector_store_idx %arg12[%get3A_204], %broadcast_in_dim3A_1 {add = true} : memref<10112xf32, #tpu.memory_space<vmem>>[vector<16xi32>], vector<16xf32>,
      %ge3A = arith.constant 1 : i32
      %ge3A_205 = arith.cmpi sge, %add3A_149, %ge3A : i32
      %convert_element_type3A = arith.extui %ge3A_205 : i1 to i32
      %cond3A = arith.constant 0 : i32
      %cond3A_206 = arith.cmpi ne, %convert_element_type3A, %cond3A : i32
      scf.if %cond3A_206 {
        %dma_wait3A_451 = arith.constant 1 : i32
        %dma_wait3A_452 = arith.constant 0 : i32
        %dma_wait3A_453 = arith.constant 0 : i32
        %dma_wait3A_454 = arith.constant 0 : i32
        %dma_wait3A_455 = tpu.memref_slice %arg11[%dma_wait3A_451, %dma_wait3A_453, %dma_wait3A_454] : memref<2x128x128xf32, #tpu.memory_space<vmem>> -> memref<1x128x128xf32, #tpu.memory_space<vmem>>
        %dma_wait3A_456 = tpu.memref_squeeze %dma_wait3A_455 : memref<1x128x128xf32, #tpu.memory_space<vmem>> -> memref<128x128xf32, #tpu.memory_space<vmem>>
        %dma_wait3A_457 = arith.constant 0 : i32
        %dma_wait3A_458 = tpu.memref_slice %arg10[%dma_wait3A_452, %dma_wait3A_457] : memref<4x128xi32, #tpu.memory_space<vmem>> -> memref<1x128xi32, #tpu.memory_space<vmem>>
        %dma_wait3A_459 = tpu.memref_squeeze %dma_wait3A_458 : memref<1x128xi32, #tpu.memory_space<vmem>> -> memref<128xi32, #tpu.memory_space<vmem>>
        %dma_wait3A_460 = arith.constant 0 : i32
        %dma_wait3A_461 = arith.constant 0 : i32
        %dma_wait3A_462 = tpu.memref_slice %arg13[%dma_wait3A_460, %dma_wait3A_461] : memref<10112x128xf32, #tpu.memory_space<vmem_shared>> -> memref<10112x128xf32, #tpu.memory_space<vmem_shared>>
        tpu.wait_indirect_dma semaphore(%arg16 : memref<!tpu.dma_semaphore, #tpu.memory_space<semaphore_mem>>) src(%dma_wait3A_456 : memref<128x128xf32, #tpu.memory_space<vmem>>) dst(%dma_wait3A_462 : memref<10112x128xf32, #tpu.memory_space<vmem_shared>>)
      } else {
      }
      %add3A_207 = arith.constant 1 : i32
      %add3A_208 = arith.addi %add3A_149, %add3A_207 : i32
      %lt3A = arith.cmpi slt, %add3A_208, %select_n3A_4 : i32
      %convert_element_type3A_209 = arith.extui %lt3A : i1 to i32
      %cond3A_210 = arith.constant 0 : i32
      %cond3A_211 = arith.cmpi ne, %convert_element_type3A_209, %cond3A_210 : i32
      scf.if %cond3A_211 {
        %dma_wait3A_451 = arith.constant 1 : i32
        %dma_wait3A_452 = arith.constant 0 : i32
        %dma_wait3A_453 = tpu.memref_slice %arg9[%dma_wait3A_451, %dma_wait3A_452] : memref<4x128xi32, #tpu.memory_space<vmem>> -> memref<1x128xi32, #tpu.memory_space<vmem>>
        %dma_wait3A_454 = tpu.memref_squeeze %dma_wait3A_453 : memref<1x128xi32, #tpu.memory_space<vmem>> -> memref<128xi32, #tpu.memory_space<vmem>>
        %dma_wait3A_455 = arith.constant 0 : i32
        %dma_wait3A_456 = tpu.memref_slice %arg3[%dma_wait3A_455] : memref<327680xi32, #tpu.memory_space<hbm>> -> memref<128xi32, #tpu.memory_space<hbm>>
        %dma_wait3A_457 = arith.constant 0 : i32
        %dma_wait3A_458 = tpu.memref_slice %arg9[%dma_wait3A_451, %dma_wait3A_457] : memref<4x128xi32, #tpu.memory_space<vmem>> -> memref<1x128xi32, #tpu.memory_space<vmem>>
        %dma_wait3A_459 = tpu.memref_squeeze %dma_wait3A_458 : memref<1x128xi32, #tpu.memory_space<vmem>> -> memref<128xi32, #tpu.memory_space<vmem>>
        %dma_wait3A_460 = arith.constant 0 : i32
        %dma_wait3A_461 = tpu.memref_slice %arg3[%dma_wait3A_460] : memref<327680xi32, #tpu.memory_space<hbm>> -> memref<128xi32, #tpu.memory_space<hbm>>
        tpu.wait_dma2 semaphore(%arg14 : memref<!tpu.dma_semaphore, #tpu.memory_space<semaphore_mem>>) src(%dma_wait3A_461 : memref<128xi32, #tpu.memory_space<hbm>>) dst(%dma_wait3A_459 : memref<128xi32, #tpu.memory_space<vmem>>)
        %dma_wait3A_462 = arith.constant 1 : i32
        %dma_wait3A_463 = arith.constant 0 : i32
        %dma_wait3A_464 = tpu.memref_slice %arg10[%dma_wait3A_462, %dma_wait3A_463] : memref<4x128xi32, #tpu.memory_space<vmem>> -> memref<1x128xi32, #tpu.memory_space<vmem>>
        %dma_wait3A_465 = tpu.memref_squeeze %dma_wait3A_464 : memref<1x128xi32, #tpu.memory_space<vmem>> -> memref<128xi32, #tpu.memory_space<vmem>>
        %dma_wait3A_466 = arith.constant 0 : i32
        %dma_wait3A_467 = tpu.memref_slice %arg4[%dma_wait3A_466] : memref<327680xi32, #tpu.memory_space<hbm>> -> memref<128xi32, #tpu.memory_space<hbm>>
        %dma_wait3A_468 = arith.constant 0 : i32
        %dma_wait3A_469 = tpu.memref_slice %arg10[%dma_wait3A_462, %dma_wait3A_468] : memref<4x128xi32, #tpu.memory_space<vmem>> -> memref<1x128xi32, #tpu.memory_space<vmem>>
        %dma_wait3A_470 = tpu.memref_squeeze %dma_wait3A_469 : memref<1x128xi32, #tpu.memory_space<vmem>> -> memref<128xi32, #tpu.memory_space<vmem>>
        %dma_wait3A_471 = arith.constant 0 : i32
        %dma_wait3A_472 = tpu.memref_slice %arg4[%dma_wait3A_471] : memref<327680xi32, #tpu.memory_space<hbm>> -> memref<128xi32, #tpu.memory_space<hbm>>
        tpu.wait_dma2 semaphore(%arg14 : memref<!tpu.dma_semaphore, #tpu.memory_space<semaphore_mem>>) src(%dma_wait3A_472 : memref<128xi32, #tpu.memory_space<hbm>>) dst(%dma_wait3A_470 : memref<128xi32, #tpu.memory_space<vmem>>)
        %dma_start3A_473 = arith.constant 1 : i32
        %dma_start3A_474 = arith.constant 1 : i32
        %dma_start3A_475 = arith.constant 0 : i32
        %dma_start3A_476 = arith.constant 0 : i32
        %dma_start3A_477 = tpu.memref_slice %arg11[%dma_start3A_474, %dma_start3A_475, %dma_start3A_476] : memref<2x128x128xf32, #tpu.memory_space<vmem>> -> memref<1x128x128xf32, #tpu.memory_space<vmem>>
        %dma_start3A_478 = tpu.memref_squeeze %dma_start3A_477 : memref<1x128x128xf32, #tpu.memory_space<vmem>> -> memref<128x128xf32, #tpu.memory_space<vmem>>
        %dma_start3A_479 = arith.constant 0 : i32
        %dma_start3A_480 = tpu.memref_slice %arg9[%dma_start3A_473, %dma_start3A_479] : memref<4x128xi32, #tpu.memory_space<vmem>> -> memref<1x128xi32, #tpu.memory_space<vmem>>
        %dma_start3A_481 = tpu.memref_squeeze %dma_start3A_480 : memref<1x128xi32, #tpu.memory_space<vmem>> -> memref<128xi32, #tpu.memory_space<vmem>>
        %dma_start3A_482 = arith.constant 0 : i32
        %dma_start3A_483 = arith.constant 0 : i32
        %dma_start3A_484 = tpu.memref_slice %arg2[%dma_start3A_482, %dma_start3A_483] : memref<10000x128xf32, #tpu.memory_space<hbm>> -> memref<10000x128xf32, #tpu.memory_space<hbm>>
        tpu.enqueue_indirect_dma source(%dma_start3A_484 : memref<10000x128xf32, #tpu.memory_space<hbm>>) target(%dma_start3A_478 : memref<128x128xf32, #tpu.memory_space<vmem>>) offsets(%dma_start3A_481 : memref<128xi32, #tpu.memory_space<vmem>>) semaphore(%arg15 : memref<!tpu.dma_semaphore, #tpu.memory_space<semaphore_mem>>)
      } else {
      }
      %add3A_212 = arith.constant 4 : i32
      %add3A_213 = arith.addi %add3A_149, %add3A_212 : i32
      %sub3A_214 = arith.constant 1 : i32
      %sub3A_215 = arith.subi %add3A_213, %sub3A_214 : i32
      %lt3A_216 = arith.cmpi slt, %sub3A_215, %select_n3A_4 : i32
      %convert_element_type3A_217 = arith.extui %lt3A_216 : i1 to i32
      %cond3A_218 = arith.constant 0 : i32
      %cond3A_219 = arith.cmpi ne, %convert_element_type3A_217, %cond3A_218 : i32
      scf.if %cond3A_219 {
        %add3A_451 = arith.constant 4 : i32
        %add3A_452 = arith.addi %add3A_149, %add3A_451 : i32
        %sub3A_453 = arith.constant 1 : i32
        %sub3A_454 = arith.subi %add3A_452, %sub3A_453 : i32
        %mul3A_455 = arith.constant 128 : i32
        %mul3A_456 = arith.muli %sub3A_454, %mul3A_455 : i32
        %add3A_457 = arith.addi %mul3A_15, %mul3A_456 : i32
        %dma_start3A_458 = arith.constant 3 : i32
        %dma_start3A_459 = arith.constant 0 : i32
        %dma_start3A_460 = tpu.memref_slice %arg9[%dma_start3A_458, %dma_start3A_459] : memref<4x128xi32, #tpu.memory_space<vmem>> -> memref<1x128xi32, #tpu.memory_space<vmem>>
        %dma_start3A_461 = tpu.memref_squeeze %dma_start3A_460 : memref<1x128xi32, #tpu.memory_space<vmem>> -> memref<128xi32, #tpu.memory_space<vmem>>
        %dma_start3A_462 = tpu.memref_slice %arg3[%add3A_457] : memref<327680xi32, #tpu.memory_space<hbm>> -> memref<128xi32, #tpu.memory_space<hbm>>
        %dma_start3A_463 = arith.constant 0 : i32
        %dma_start3A_464 = tpu.memref_slice %arg9[%dma_start3A_458, %dma_start3A_463] : memref<4x128xi32, #tpu.memory_space<vmem>> -> memref<1x128xi32, #tpu.memory_space<vmem>>
        %dma_start3A_465 = tpu.memref_squeeze %dma_start3A_464 : memref<1x128xi32, #tpu.memory_space<vmem>> -> memref<128xi32, #tpu.memory_space<vmem>>
        %dma_start3A_466 = tpu.memref_slice %arg3[%add3A_457] : memref<327680xi32, #tpu.memory_space<hbm>> -> memref<128xi32, #tpu.memory_space<hbm>>
        tpu.enqueue_dma source(%dma_start3A_466 : memref<128xi32, #tpu.memory_space<hbm>>) target(%dma_start3A_465 : memref<128xi32, #tpu.memory_space<vmem>>) target_semaphore(%arg14 : memref<!tpu.dma_semaphore, #tpu.memory_space<semaphore_mem>>)
        %dma_start3A_467 = arith.constant 3 : i32
        %dma_start3A_468 = arith.constant 0 : i32
        %dma_start3A_469 = tpu.memref_slice %arg10[%dma_start3A_467, %dma_start3A_468] : memref<4x128xi32, #tpu.memory_space<vmem>> -> memref<1x128xi32, #tpu.memory_space<vmem>>
        %dma_start3A_470 = tpu.memref_squeeze %dma_start3A_469 : memref<1x128xi32, #tpu.memory_space<vmem>> -> memref<128xi32, #tpu.memory_space<vmem>>
        %dma_start3A_471 = tpu.memref_slice %arg4[%add3A_457] : memref<327680xi32, #tpu.memory_space<hbm>> -> memref<128xi32, #tpu.memory_space<hbm>>
        %dma_start3A_472 = arith.constant 0 : i32
        %dma_start3A_473 = tpu.memref_slice %arg10[%dma_start3A_467, %dma_start3A_472] : memref<4x128xi32, #tpu.memory_space<vmem>> -> memref<1x128xi32, #tpu.memory_space<vmem>>
        %dma_start3A_474 = tpu.memref_squeeze %dma_start3A_473 : memref<1x128xi32, #tpu.memory_space<vmem>> -> memref<128xi32, #tpu.memory_space<vmem>>
        %dma_start3A_475 = tpu.memref_slice %arg4[%add3A_457] : memref<327680xi32, #tpu.memory_space<hbm>> -> memref<128xi32, #tpu.memory_space<hbm>>
        tpu.enqueue_dma source(%dma_start3A_475 : memref<128xi32, #tpu.memory_space<hbm>>) target(%dma_start3A_474 : memref<128xi32, #tpu.memory_space<vmem>>) target_semaphore(%arg14 : memref<!tpu.dma_semaphore, #tpu.memory_space<semaphore_mem>>)
      } else {
      }
      %add3A_220 = arith.constant 1 : i32
      %add3A_221 = arith.addi %add3A_147, %add3A_220 : i32
      %dma_wait3A_222 = arith.constant 0 : i32
      %dma_wait3A_223 = arith.constant 1 : i32
      %dma_wait3A_224 = arith.constant 0 : i32
      %dma_wait3A_225 = arith.constant 0 : i32
      %dma_wait3A_226 = tpu.memref_slice %arg11[%dma_wait3A_223, %dma_wait3A_224, %dma_wait3A_225] : memref<2x128x128xf32, #tpu.memory_space<vmem>> -> memref<1x128x128xf32, #tpu.memory_space<vmem>>
      %dma_wait3A_227 = tpu.memref_squeeze %dma_wait3A_226 : memref<1x128x128xf32, #tpu.memory_space<vmem>> -> memref<128x128xf32, #tpu.memory_space<vmem>>
      %dma_wait3A_228 = arith.constant 0 : i32
      %dma_wait3A_229 = tpu.memref_slice %arg9[%dma_wait3A_222, %dma_wait3A_228] : memref<4x128xi32, #tpu.memory_space<vmem>> -> memref<1x128xi32, #tpu.memory_space<vmem>>
      %dma_wait3A_230 = tpu.memref_squeeze %dma_wait3A_229 : memref<1x128xi32, #tpu.memory_space<vmem>> -> memref<128xi32, #tpu.memory_space<vmem>>
      %dma_wait3A_231 = arith.constant 0 : i32
      %dma_wait3A_232 = arith.constant 0 : i32
      %dma_wait3A_233 = tpu.memref_slice %arg2[%dma_wait3A_231, %dma_wait3A_232] : memref<10000x128xf32, #tpu.memory_space<hbm>> -> memref<10000x128xf32, #tpu.memory_space<hbm>>
      tpu.wait_indirect_dma semaphore(%arg15 : memref<!tpu.dma_semaphore, #tpu.memory_space<semaphore_mem>>) src(%dma_wait3A_233 : memref<10000x128xf32, #tpu.memory_space<hbm>>) dst(%dma_wait3A_227 : memref<128x128xf32, #tpu.memory_space<vmem>>)
      %dma_start3A_234 = arith.constant 1 : i32
      %dma_start3A_235 = arith.constant 1 : i32
      %dma_start3A_236 = arith.constant 0 : i32
      %dma_start3A_237 = arith.constant 0 : i32
      %dma_start3A_238 = tpu.memref_slice %arg11[%dma_start3A_234, %dma_start3A_236, %dma_start3A_237] : memref<2x128x128xf32, #tpu.memory_space<vmem>> -> memref<1x128x128xf32, #tpu.memory_space<vmem>>
      %dma_start3A_239 = tpu.memref_squeeze %dma_start3A_238 : memref<1x128x128xf32, #tpu.memory_space<vmem>> -> memref<128x128xf32, #tpu.memory_space<vmem>>
      %dma_start3A_240 = arith.constant 0 : i32
      %dma_start3A_241 = tpu.memref_slice %arg10[%dma_start3A_235, %dma_start3A_240] : memref<4x128xi32, #tpu.memory_space<vmem>> -> memref<1x128xi32, #tpu.memory_space<vmem>>
      %dma_start3A_242 = tpu.memref_squeeze %dma_start3A_241 : memref<1x128xi32, #tpu.memory_space<vmem>> -> memref<128xi32, #tpu.memory_space<vmem>>
      %dma_start3A_243 = arith.constant 0 : i32
      %dma_start3A_244 = arith.constant 0 : i32
      %dma_start3A_245 = tpu.memref_slice %arg13[%dma_start3A_243, %dma_start3A_244] : memref<10112x128xf32, #tpu.memory_space<vmem_shared>> -> memref<10112x128xf32, #tpu.memory_space<vmem_shared>>
      tpu.enqueue_indirect_dma source(%dma_start3A_239 : memref<128x128xf32, #tpu.memory_space<vmem>>) target(%dma_start3A_245 : memref<10112x128xf32, #tpu.memory_space<vmem_shared>>) offsets(%dma_start3A_242 : memref<128xi32, #tpu.memory_space<vmem>>) semaphore(%arg16 : memref<!tpu.dma_semaphore, #tpu.memory_space<semaphore_mem>>) {add = true}
      %get3A_246 = arith.constant 1 : i32
      %get3A_247 = arith.index_cast %get3A_246 : i32 to index
      %get3A_248 = arith.constant 0 : index
      %get3A_249 = tpu.vector_load %arg10[%get3A_247, %get3A_248] {strides = array<i32>} : memref<4x128xi32, #tpu.memory_space<vmem>>, vector<16xi32>,
      tpu.vector_store_idx %arg12[%get3A_249], %broadcast_in_dim3A_1 {add = true} : memref<10112xf32, #tpu.memory_space<vmem>>[vector<16xi32>], vector<16xf32>,
      %get3A_250 = arith.constant 1 : i32
      %get3A_251 = arith.index_cast %get3A_250 : i32 to index
      %get3A_252 = arith.constant 16 : index
      %get3A_253 = tpu.vector_load %arg10[%get3A_251, %get3A_252] {strides = array<i32>} : memref<4x128xi32, #tpu.memory_space<vmem>>, vector<16xi32>,
      tpu.vector_store_idx %arg12[%get3A_253], %broadcast_in_dim3A_1 {add = true} : memref<10112xf32, #tpu.memory_space<vmem>>[vector<16xi32>], vector<16xf32>,
      %get3A_254 = arith.constant 1 : i32
      %get3A_255 = arith.index_cast %get3A_254 : i32 to index
      %get3A_256 = arith.constant 32 : index
      %get3A_257 = tpu.vector_load %arg10[%get3A_255, %get3A_256] {strides = array<i32>} : memref<4x128xi32, #tpu.memory_space<vmem>>, vector<16xi32>,
      tpu.vector_store_idx %arg12[%get3A_257], %broadcast_in_dim3A_1 {add = true} : memref<10112xf32, #tpu.memory_space<vmem>>[vector<16xi32>], vector<16xf32>,
      %get3A_258 = arith.constant 1 : i32
      %get3A_259 = arith.index_cast %get3A_258 : i32 to index
      %get3A_260 = arith.constant 48 : index
      %get3A_261 = tpu.vector_load %arg10[%get3A_259, %get3A_260] {strides = array<i32>} : memref<4x128xi32, #tpu.memory_space<vmem>>, vector<16xi32>,
      tpu.vector_store_idx %arg12[%get3A_261], %broadcast_in_dim3A_1 {add = true} : memref<10112xf32, #tpu.memory_space<vmem>>[vector<16xi32>], vector<16xf32>,
      %get3A_262 = arith.constant 1 : i32
      %get3A_263 = arith.index_cast %get3A_262 : i32 to index
      %get3A_264 = arith.constant 64 : index
      %get3A_265 = tpu.vector_load %arg10[%get3A_263, %get3A_264] {strides = array<i32>} : memref<4x128xi32, #tpu.memory_space<vmem>>, vector<16xi32>,
      tpu.vector_store_idx %arg12[%get3A_265], %broadcast_in_dim3A_1 {add = true} : memref<10112xf32, #tpu.memory_space<vmem>>[vector<16xi32>], vector<16xf32>,
      %get3A_266 = arith.constant 1 : i32
      %get3A_267 = arith.index_cast %get3A_266 : i32 to index
      %get3A_268 = arith.constant 80 : index
      %get3A_269 = tpu.vector_load %arg10[%get3A_267, %get3A_268] {strides = array<i32>} : memref<4x128xi32, #tpu.memory_space<vmem>>, vector<16xi32>,
      tpu.vector_store_idx %arg12[%get3A_269], %broadcast_in_dim3A_1 {add = true} : memref<10112xf32, #tpu.memory_space<vmem>>[vector<16xi32>], vector<16xf32>,
      %get3A_270 = arith.constant 1 : i32
      %get3A_271 = arith.index_cast %get3A_270 : i32 to index
      %get3A_272 = arith.constant 96 : index
      %get3A_273 = tpu.vector_load %arg10[%get3A_271, %get3A_272] {strides = array<i32>} : memref<4x128xi32, #tpu.memory_space<vmem>>, vector<16xi32>,
      tpu.vector_store_idx %arg12[%get3A_273], %broadcast_in_dim3A_1 {add = true} : memref<10112xf32, #tpu.memory_space<vmem>>[vector<16xi32>], vector<16xf32>,
      %get3A_274 = arith.constant 1 : i32
      %get3A_275 = arith.index_cast %get3A_274 : i32 to index
      %get3A_276 = arith.constant 112 : index
      %get3A_277 = tpu.vector_load %arg10[%get3A_275, %get3A_276] {strides = array<i32>} : memref<4x128xi32, #tpu.memory_space<vmem>>, vector<16xi32>,
      tpu.vector_store_idx %arg12[%get3A_277], %broadcast_in_dim3A_1 {add = true} : memref<10112xf32, #tpu.memory_space<vmem>>[vector<16xi32>], vector<16xf32>,
      %ge3A_278 = arith.constant 1 : i32
      %ge3A_279 = arith.cmpi sge, %add3A_221, %ge3A_278 : i32
      %convert_element_type3A_280 = arith.extui %ge3A_279 : i1 to i32
      %cond3A_281 = arith.constant 0 : i32
      %cond3A_282 = arith.cmpi ne, %convert_element_type3A_280, %cond3A_281 : i32
      scf.if %cond3A_282 {
        %dma_wait3A_451 = arith.constant 0 : i32
        %dma_wait3A_452 = arith.constant 0 : i32
        %dma_wait3A_453 = arith.constant 0 : i32
        %dma_wait3A_454 = arith.constant 0 : i32
        %dma_wait3A_455 = tpu.memref_slice %arg11[%dma_wait3A_451, %dma_wait3A_453, %dma_wait3A_454] : memref<2x128x128xf32, #tpu.memory_space<vmem>> -> memref<1x128x128xf32, #tpu.memory_space<vmem>>
        %dma_wait3A_456 = tpu.memref_squeeze %dma_wait3A_455 : memref<1x128x128xf32, #tpu.memory_space<vmem>> -> memref<128x128xf32, #tpu.memory_space<vmem>>
        %dma_wait3A_457 = arith.constant 0 : i32
        %dma_wait3A_458 = tpu.memref_slice %arg10[%dma_wait3A_452, %dma_wait3A_457] : memref<4x128xi32, #tpu.memory_space<vmem>> -> memref<1x128xi32, #tpu.memory_space<vmem>>
        %dma_wait3A_459 = tpu.memref_squeeze %dma_wait3A_458 : memref<1x128xi32, #tpu.memory_space<vmem>> -> memref<128xi32, #tpu.memory_space<vmem>>
        %dma_wait3A_460 = arith.constant 0 : i32
        %dma_wait3A_461 = arith.constant 0 : i32
        %dma_wait3A_462 = tpu.memref_slice %arg13[%dma_wait3A_460, %dma_wait3A_461] : memref<10112x128xf32, #tpu.memory_space<vmem_shared>> -> memref<10112x128xf32, #tpu.memory_space<vmem_shared>>
        tpu.wait_indirect_dma semaphore(%arg16 : memref<!tpu.dma_semaphore, #tpu.memory_space<semaphore_mem>>) src(%dma_wait3A_456 : memref<128x128xf32, #tpu.memory_space<vmem>>) dst(%dma_wait3A_462 : memref<10112x128xf32, #tpu.memory_space<vmem_shared>>)
      } else {
      }
      %add3A_283 = arith.constant 1 : i32
      %add3A_284 = arith.addi %add3A_221, %add3A_283 : i32
      %lt3A_285 = arith.cmpi slt, %add3A_284, %select_n3A_4 : i32
      %convert_element_type3A_286 = arith.extui %lt3A_285 : i1 to i32
      %cond3A_287 = arith.constant 0 : i32
      %cond3A_288 = arith.cmpi ne, %convert_element_type3A_286, %cond3A_287 : i32
      scf.if %cond3A_288 {
        %dma_wait3A_451 = arith.constant 2 : i32
        %dma_wait3A_452 = arith.constant 0 : i32
        %dma_wait3A_453 = tpu.memref_slice %arg9[%dma_wait3A_451, %dma_wait3A_452] : memref<4x128xi32, #tpu.memory_space<vmem>> -> memref<1x128xi32, #tpu.memory_space<vmem>>
        %dma_wait3A_454 = tpu.memref_squeeze %dma_wait3A_453 : memref<1x128xi32, #tpu.memory_space<vmem>> -> memref<128xi32, #tpu.memory_space<vmem>>
        %dma_wait3A_455 = arith.constant 0 : i32
        %dma_wait3A_456 = tpu.memref_slice %arg3[%dma_wait3A_455] : memref<327680xi32, #tpu.memory_space<hbm>> -> memref<128xi32, #tpu.memory_space<hbm>>
        %dma_wait3A_457 = arith.constant 0 : i32
        %dma_wait3A_458 = tpu.memref_slice %arg9[%dma_wait3A_451, %dma_wait3A_457] : memref<4x128xi32, #tpu.memory_space<vmem>> -> memref<1x128xi32, #tpu.memory_space<vmem>>
        %dma_wait3A_459 = tpu.memref_squeeze %dma_wait3A_458 : memref<1x128xi32, #tpu.memory_space<vmem>> -> memref<128xi32, #tpu.memory_space<vmem>>
        %dma_wait3A_460 = arith.constant 0 : i32
        %dma_wait3A_461 = tpu.memref_slice %arg3[%dma_wait3A_460] : memref<327680xi32, #tpu.memory_space<hbm>> -> memref<128xi32, #tpu.memory_space<hbm>>
        tpu.wait_dma2 semaphore(%arg14 : memref<!tpu.dma_semaphore, #tpu.memory_space<semaphore_mem>>) src(%dma_wait3A_461 : memref<128xi32, #tpu.memory_space<hbm>>) dst(%dma_wait3A_459 : memref<128xi32, #tpu.memory_space<vmem>>)
        %dma_wait3A_462 = arith.constant 2 : i32
        %dma_wait3A_463 = arith.constant 0 : i32
        %dma_wait3A_464 = tpu.memref_slice %arg10[%dma_wait3A_462, %dma_wait3A_463] : memref<4x128xi32, #tpu.memory_space<vmem>> -> memref<1x128xi32, #tpu.memory_space<vmem>>
        %dma_wait3A_465 = tpu.memref_squeeze %dma_wait3A_464 : memref<1x128xi32, #tpu.memory_space<vmem>> -> memref<128xi32, #tpu.memory_space<vmem>>
        %dma_wait3A_466 = arith.constant 0 : i32
        %dma_wait3A_467 = tpu.memref_slice %arg4[%dma_wait3A_466] : memref<327680xi32, #tpu.memory_space<hbm>> -> memref<128xi32, #tpu.memory_space<hbm>>
        %dma_wait3A_468 = arith.constant 0 : i32
        %dma_wait3A_469 = tpu.memref_slice %arg10[%dma_wait3A_462, %dma_wait3A_468] : memref<4x128xi32, #tpu.memory_space<vmem>> -> memref<1x128xi32, #tpu.memory_space<vmem>>
        %dma_wait3A_470 = tpu.memref_squeeze %dma_wait3A_469 : memref<1x128xi32, #tpu.memory_space<vmem>> -> memref<128xi32, #tpu.memory_space<vmem>>
        %dma_wait3A_471 = arith.constant 0 : i32
        %dma_wait3A_472 = tpu.memref_slice %arg4[%dma_wait3A_471] : memref<327680xi32, #tpu.memory_space<hbm>> -> memref<128xi32, #tpu.memory_space<hbm>>
        tpu.wait_dma2 semaphore(%arg14 : memref<!tpu.dma_semaphore, #tpu.memory_space<semaphore_mem>>) src(%dma_wait3A_472 : memref<128xi32, #tpu.memory_space<hbm>>) dst(%dma_wait3A_470 : memref<128xi32, #tpu.memory_space<vmem>>)
        %dma_start3A_473 = arith.constant 2 : i32
        %dma_start3A_474 = arith.constant 0 : i32
        %dma_start3A_475 = arith.constant 0 : i32
        %dma_start3A_476 = arith.constant 0 : i32
        %dma_start3A_477 = tpu.memref_slice %arg11[%dma_start3A_474, %dma_start3A_475, %dma_start3A_476] : memref<2x128x128xf32, #tpu.memory_space<vmem>> -> memref<1x128x128xf32, #tpu.memory_space<vmem>>
        %dma_start3A_478 = tpu.memref_squeeze %dma_start3A_477 : memref<1x128x128xf32, #tpu.memory_space<vmem>> -> memref<128x128xf32, #tpu.memory_space<vmem>>
        %dma_start3A_479 = arith.constant 0 : i32
        %dma_start3A_480 = tpu.memref_slice %arg9[%dma_start3A_473, %dma_start3A_479] : memref<4x128xi32, #tpu.memory_space<vmem>> -> memref<1x128xi32, #tpu.memory_space<vmem>>
        %dma_start3A_481 = tpu.memref_squeeze %dma_start3A_480 : memref<1x128xi32, #tpu.memory_space<vmem>> -> memref<128xi32, #tpu.memory_space<vmem>>
        %dma_start3A_482 = arith.constant 0 : i32
        %dma_start3A_483 = arith.constant 0 : i32
        %dma_start3A_484 = tpu.memref_slice %arg2[%dma_start3A_482, %dma_start3A_483] : memref<10000x128xf32, #tpu.memory_space<hbm>> -> memref<10000x128xf32, #tpu.memory_space<hbm>>
        tpu.enqueue_indirect_dma source(%dma_start3A_484 : memref<10000x128xf32, #tpu.memory_space<hbm>>) target(%dma_start3A_478 : memref<128x128xf32, #tpu.memory_space<vmem>>) offsets(%dma_start3A_481 : memref<128xi32, #tpu.memory_space<vmem>>) semaphore(%arg15 : memref<!tpu.dma_semaphore, #tpu.memory_space<semaphore_mem>>)
      } else {
      }
      %add3A_289 = arith.constant 4 : i32
      %add3A_290 = arith.addi %add3A_221, %add3A_289 : i32
      %sub3A_291 = arith.constant 1 : i32
      %sub3A_292 = arith.subi %add3A_290, %sub3A_291 : i32
      %lt3A_293 = arith.cmpi slt, %sub3A_292, %select_n3A_4 : i32
      %convert_element_type3A_294 = arith.extui %lt3A_293 : i1 to i32
      %cond3A_295 = arith.constant 0 : i32
      %cond3A_296 = arith.cmpi ne, %convert_element_type3A_294, %cond3A_295 : i32
      scf.if %cond3A_296 {
        %add3A_451 = arith.constant 4 : i32
        %add3A_452 = arith.addi %add3A_221, %add3A_451 : i32
        %sub3A_453 = arith.constant 1 : i32
        %sub3A_454 = arith.subi %add3A_452, %sub3A_453 : i32
        %mul3A_455 = arith.constant 128 : i32
        %mul3A_456 = arith.muli %sub3A_454, %mul3A_455 : i32
        %add3A_457 = arith.addi %mul3A_15, %mul3A_456 : i32
        %dma_start3A_458 = arith.constant 0 : i32
        %dma_start3A_459 = arith.constant 0 : i32
        %dma_start3A_460 = tpu.memref_slice %arg9[%dma_start3A_458, %dma_start3A_459] : memref<4x128xi32, #tpu.memory_space<vmem>> -> memref<1x128xi32, #tpu.memory_space<vmem>>
        %dma_start3A_461 = tpu.memref_squeeze %dma_start3A_460 : memref<1x128xi32, #tpu.memory_space<vmem>> -> memref<128xi32, #tpu.memory_space<vmem>>
        %dma_start3A_462 = tpu.memref_slice %arg3[%add3A_457] : memref<327680xi32, #tpu.memory_space<hbm>> -> memref<128xi32, #tpu.memory_space<hbm>>
        %dma_start3A_463 = arith.constant 0 : i32
        %dma_start3A_464 = tpu.memref_slice %arg9[%dma_start3A_458, %dma_start3A_463] : memref<4x128xi32, #tpu.memory_space<vmem>> -> memref<1x128xi32, #tpu.memory_space<vmem>>
        %dma_start3A_465 = tpu.memref_squeeze %dma_start3A_464 : memref<1x128xi32, #tpu.memory_space<vmem>> -> memref<128xi32, #tpu.memory_space<vmem>>
        %dma_start3A_466 = tpu.memref_slice %arg3[%add3A_457] : memref<327680xi32, #tpu.memory_space<hbm>> -> memref<128xi32, #tpu.memory_space<hbm>>
        tpu.enqueue_dma source(%dma_start3A_466 : memref<128xi32, #tpu.memory_space<hbm>>) target(%dma_start3A_465 : memref<128xi32, #tpu.memory_space<vmem>>) target_semaphore(%arg14 : memref<!tpu.dma_semaphore, #tpu.memory_space<semaphore_mem>>)
        %dma_start3A_467 = arith.constant 0 : i32
        %dma_start3A_468 = arith.constant 0 : i32
        %dma_start3A_469 = tpu.memref_slice %arg10[%dma_start3A_467, %dma_start3A_468] : memref<4x128xi32, #tpu.memory_space<vmem>> -> memref<1x128xi32, #tpu.memory_space<vmem>>
        %dma_start3A_470 = tpu.memref_squeeze %dma_start3A_469 : memref<1x128xi32, #tpu.memory_space<vmem>> -> memref<128xi32, #tpu.memory_space<vmem>>
        %dma_start3A_471 = tpu.memref_slice %arg4[%add3A_457] : memref<327680xi32, #tpu.memory_space<hbm>> -> memref<128xi32, #tpu.memory_space<hbm>>
        %dma_start3A_472 = arith.constant 0 : i32
        %dma_start3A_473 = tpu.memref_slice %arg10[%dma_start3A_467, %dma_start3A_472] : memref<4x128xi32, #tpu.memory_space<vmem>> -> memref<1x128xi32, #tpu.memory_space<vmem>>
        %dma_start3A_474 = tpu.memref_squeeze %dma_start3A_473 : memref<1x128xi32, #tpu.memory_space<vmem>> -> memref<128xi32, #tpu.memory_space<vmem>>
        %dma_start3A_475 = tpu.memref_slice %arg4[%add3A_457] : memref<327680xi32, #tpu.memory_space<hbm>> -> memref<128xi32, #tpu.memory_space<hbm>>
        tpu.enqueue_dma source(%dma_start3A_475 : memref<128xi32, #tpu.memory_space<hbm>>) target(%dma_start3A_474 : memref<128xi32, #tpu.memory_space<vmem>>) target_semaphore(%arg14 : memref<!tpu.dma_semaphore, #tpu.memory_space<semaphore_mem>>)
      } else {
      }
      %add3A_297 = arith.constant 2 : i32
      %add3A_298 = arith.addi %add3A_147, %add3A_297 : i32
      %dma_wait3A_299 = arith.constant 0 : i32
      %dma_wait3A_300 = arith.constant 0 : i32
      %dma_wait3A_301 = arith.constant 0 : i32
      %dma_wait3A_302 = arith.constant 0 : i32
      %dma_wait3A_303 = tpu.memref_slice %arg11[%dma_wait3A_300, %dma_wait3A_301, %dma_wait3A_302] : memref<2x128x128xf32, #tpu.memory_space<vmem>> -> memref<1x128x128xf32, #tpu.memory_space<vmem>>
      %dma_wait3A_304 = tpu.memref_squeeze %dma_wait3A_303 : memref<1x128x128xf32, #tpu.memory_space<vmem>> -> memref<128x128xf32, #tpu.memory_space<vmem>>
      %dma_wait3A_305 = arith.constant 0 : i32
      %dma_wait3A_306 = tpu.memref_slice %arg9[%dma_wait3A_299, %dma_wait3A_305] : memref<4x128xi32, #tpu.memory_space<vmem>> -> memref<1x128xi32, #tpu.memory_space<vmem>>
      %dma_wait3A_307 = tpu.memref_squeeze %dma_wait3A_306 : memref<1x128xi32, #tpu.memory_space<vmem>> -> memref<128xi32, #tpu.memory_space<vmem>>
      %dma_wait3A_308 = arith.constant 0 : i32
      %dma_wait3A_309 = arith.constant 0 : i32
      %dma_wait3A_310 = tpu.memref_slice %arg2[%dma_wait3A_308, %dma_wait3A_309] : memref<10000x128xf32, #tpu.memory_space<hbm>> -> memref<10000x128xf32, #tpu.memory_space<hbm>>
      tpu.wait_indirect_dma semaphore(%arg15 : memref<!tpu.dma_semaphore, #tpu.memory_space<semaphore_mem>>) src(%dma_wait3A_310 : memref<10000x128xf32, #tpu.memory_space<hbm>>) dst(%dma_wait3A_304 : memref<128x128xf32, #tpu.memory_space<vmem>>)
      %dma_start3A_311 = arith.constant 0 : i32
      %dma_start3A_312 = arith.constant 2 : i32
      %dma_start3A_313 = arith.constant 0 : i32
      %dma_start3A_314 = arith.constant 0 : i32
      %dma_start3A_315 = tpu.memref_slice %arg11[%dma_start3A_311, %dma_start3A_313, %dma_start3A_314] : memref<2x128x128xf32, #tpu.memory_space<vmem>> -> memref<1x128x128xf32, #tpu.memory_space<vmem>>
      %dma_start3A_316 = tpu.memref_squeeze %dma_start3A_315 : memref<1x128x128xf32, #tpu.memory_space<vmem>> -> memref<128x128xf32, #tpu.memory_space<vmem>>
      %dma_start3A_317 = arith.constant 0 : i32
      %dma_start3A_318 = tpu.memref_slice %arg10[%dma_start3A_312, %dma_start3A_317] : memref<4x128xi32, #tpu.memory_space<vmem>> -> memref<1x128xi32, #tpu.memory_space<vmem>>
      %dma_start3A_319 = tpu.memref_squeeze %dma_start3A_318 : memref<1x128xi32, #tpu.memory_space<vmem>> -> memref<128xi32, #tpu.memory_space<vmem>>
      %dma_start3A_320 = arith.constant 0 : i32
      %dma_start3A_321 = arith.constant 0 : i32
      %dma_start3A_322 = tpu.memref_slice %arg13[%dma_start3A_320, %dma_start3A_321] : memref<10112x128xf32, #tpu.memory_space<vmem_shared>> -> memref<10112x128xf32, #tpu.memory_space<vmem_shared>>
      tpu.enqueue_indirect_dma source(%dma_start3A_316 : memref<128x128xf32, #tpu.memory_space<vmem>>) target(%dma_start3A_322 : memref<10112x128xf32, #tpu.memory_space<vmem_shared>>) offsets(%dma_start3A_319 : memref<128xi32, #tpu.memory_space<vmem>>) semaphore(%arg16 : memref<!tpu.dma_semaphore, #tpu.memory_space<semaphore_mem>>) {add = true}
      %get3A_323 = arith.constant 2 : i32
      %get3A_324 = arith.index_cast %get3A_323 : i32 to index
      %get3A_325 = arith.constant 0 : index
      %get3A_326 = tpu.vector_load %arg10[%get3A_324, %get3A_325] {strides = array<i32>} : memref<4x128xi32, #tpu.memory_space<vmem>>, vector<16xi32>,
      tpu.vector_store_idx %arg12[%get3A_326], %broadcast_in_dim3A_1 {add = true} : memref<10112xf32, #tpu.memory_space<vmem>>[vector<16xi32>], vector<16xf32>,
      %get3A_327 = arith.constant 2 : i32
      %get3A_328 = arith.index_cast %get3A_327 : i32 to index
      %get3A_329 = arith.constant 16 : index
      %get3A_330 = tpu.vector_load %arg10[%get3A_328, %get3A_329] {strides = array<i32>} : memref<4x128xi32, #tpu.memory_space<vmem>>, vector<16xi32>,
      tpu.vector_store_idx %arg12[%get3A_330], %broadcast_in_dim3A_1 {add = true} : memref<10112xf32, #tpu.memory_space<vmem>>[vector<16xi32>], vector<16xf32>,
      %get3A_331 = arith.constant 2 : i32
      %get3A_332 = arith.index_cast %get3A_331 : i32 to index
      %get3A_333 = arith.constant 32 : index
      %get3A_334 = tpu.vector_load %arg10[%get3A_332, %get3A_333] {strides = array<i32>} : memref<4x128xi32, #tpu.memory_space<vmem>>, vector<16xi32>,
      tpu.vector_store_idx %arg12[%get3A_334], %broadcast_in_dim3A_1 {add = true} : memref<10112xf32, #tpu.memory_space<vmem>>[vector<16xi32>], vector<16xf32>,
      %get3A_335 = arith.constant 2 : i32
      %get3A_336 = arith.index_cast %get3A_335 : i32 to index
      %get3A_337 = arith.constant 48 : index
      %get3A_338 = tpu.vector_load %arg10[%get3A_336, %get3A_337] {strides = array<i32>} : memref<4x128xi32, #tpu.memory_space<vmem>>, vector<16xi32>,
      tpu.vector_store_idx %arg12[%get3A_338], %broadcast_in_dim3A_1 {add = true} : memref<10112xf32, #tpu.memory_space<vmem>>[vector<16xi32>], vector<16xf32>,
      %get3A_339 = arith.constant 2 : i32
      %get3A_340 = arith.index_cast %get3A_339 : i32 to index
      %get3A_341 = arith.constant 64 : index
      %get3A_342 = tpu.vector_load %arg10[%get3A_340, %get3A_341] {strides = array<i32>} : memref<4x128xi32, #tpu.memory_space<vmem>>, vector<16xi32>,
      tpu.vector_store_idx %arg12[%get3A_342], %broadcast_in_dim3A_1 {add = true} : memref<10112xf32, #tpu.memory_space<vmem>>[vector<16xi32>], vector<16xf32>,
      %get3A_343 = arith.constant 2 : i32
      %get3A_344 = arith.index_cast %get3A_343 : i32 to index
      %get3A_345 = arith.constant 80 : index
      %get3A_346 = tpu.vector_load %arg10[%get3A_344, %get3A_345] {strides = array<i32>} : memref<4x128xi32, #tpu.memory_space<vmem>>, vector<16xi32>,
      tpu.vector_store_idx %arg12[%get3A_346], %broadcast_in_dim3A_1 {add = true} : memref<10112xf32, #tpu.memory_space<vmem>>[vector<16xi32>], vector<16xf32>,
      %get3A_347 = arith.constant 2 : i32
      %get3A_348 = arith.index_cast %get3A_347 : i32 to index
      %get3A_349 = arith.constant 96 : index
      %get3A_350 = tpu.vector_load %arg10[%get3A_348, %get3A_349] {strides = array<i32>} : memref<4x128xi32, #tpu.memory_space<vmem>>, vector<16xi32>,
      tpu.vector_store_idx %arg12[%get3A_350], %broadcast_in_dim3A_1 {add = true} : memref<10112xf32, #tpu.memory_space<vmem>>[vector<16xi32>], vector<16xf32>,
      %get3A_351 = arith.constant 2 : i32
      %get3A_352 = arith.index_cast %get3A_351 : i32 to index
      %get3A_353 = arith.constant 112 : index
      %get3A_354 = tpu.vector_load %arg10[%get3A_352, %get3A_353] {strides = array<i32>} : memref<4x128xi32, #tpu.memory_space<vmem>>, vector<16xi32>,
      tpu.vector_store_idx %arg12[%get3A_354], %broadcast_in_dim3A_1 {add = true} : memref<10112xf32, #tpu.memory_space<vmem>>[vector<16xi32>], vector<16xf32>,
      %ge3A_355 = arith.constant 1 : i32
      %ge3A_356 = arith.cmpi sge, %add3A_298, %ge3A_355 : i32
      %convert_element_type3A_357 = arith.extui %ge3A_356 : i1 to i32
      %cond3A_358 = arith.constant 0 : i32
      %cond3A_359 = arith.cmpi ne, %convert_element_type3A_357, %cond3A_358 : i32
      scf.if %cond3A_359 {
        %dma_wait3A_451 = arith.constant 1 : i32
        %dma_wait3A_452 = arith.constant 0 : i32
        %dma_wait3A_453 = arith.constant 0 : i32
        %dma_wait3A_454 = arith.constant 0 : i32
        %dma_wait3A_455 = tpu.memref_slice %arg11[%dma_wait3A_451, %dma_wait3A_453, %dma_wait3A_454] : memref<2x128x128xf32, #tpu.memory_space<vmem>> -> memref<1x128x128xf32, #tpu.memory_space<vmem>>
        %dma_wait3A_456 = tpu.memref_squeeze %dma_wait3A_455 : memref<1x128x128xf32, #tpu.memory_space<vmem>> -> memref<128x128xf32, #tpu.memory_space<vmem>>
        %dma_wait3A_457 = arith.constant 0 : i32
        %dma_wait3A_458 = tpu.memref_slice %arg10[%dma_wait3A_452, %dma_wait3A_457] : memref<4x128xi32, #tpu.memory_space<vmem>> -> memref<1x128xi32, #tpu.memory_space<vmem>>
        %dma_wait3A_459 = tpu.memref_squeeze %dma_wait3A_458 : memref<1x128xi32, #tpu.memory_space<vmem>> -> memref<128xi32, #tpu.memory_space<vmem>>
        %dma_wait3A_460 = arith.constant 0 : i32
        %dma_wait3A_461 = arith.constant 0 : i32
        %dma_wait3A_462 = tpu.memref_slice %arg13[%dma_wait3A_460, %dma_wait3A_461] : memref<10112x128xf32, #tpu.memory_space<vmem_shared>> -> memref<10112x128xf32, #tpu.memory_space<vmem_shared>>
        tpu.wait_indirect_dma semaphore(%arg16 : memref<!tpu.dma_semaphore, #tpu.memory_space<semaphore_mem>>) src(%dma_wait3A_456 : memref<128x128xf32, #tpu.memory_space<vmem>>) dst(%dma_wait3A_462 : memref<10112x128xf32, #tpu.memory_space<vmem_shared>>)
      } else {
      }
      %add3A_360 = arith.constant 1 : i32
      %add3A_361 = arith.addi %add3A_298, %add3A_360 : i32
      %lt3A_362 = arith.cmpi slt, %add3A_361, %select_n3A_4 : i32
      %convert_element_type3A_363 = arith.extui %lt3A_362 : i1 to i32
      %cond3A_364 = arith.constant 0 : i32
      %cond3A_365 = arith.cmpi ne, %convert_element_type3A_363, %cond3A_364 : i32
      scf.if %cond3A_365 {
        %dma_wait3A_451 = arith.constant 3 : i32
        %dma_wait3A_452 = arith.constant 0 : i32
        %dma_wait3A_453 = tpu.memref_slice %arg9[%dma_wait3A_451, %dma_wait3A_452] : memref<4x128xi32, #tpu.memory_space<vmem>> -> memref<1x128xi32, #tpu.memory_space<vmem>>
        %dma_wait3A_454 = tpu.memref_squeeze %dma_wait3A_453 : memref<1x128xi32, #tpu.memory_space<vmem>> -> memref<128xi32, #tpu.memory_space<vmem>>
        %dma_wait3A_455 = arith.constant 0 : i32
        %dma_wait3A_456 = tpu.memref_slice %arg3[%dma_wait3A_455] : memref<327680xi32, #tpu.memory_space<hbm>> -> memref<128xi32, #tpu.memory_space<hbm>>
        %dma_wait3A_457 = arith.constant 0 : i32
        %dma_wait3A_458 = tpu.memref_slice %arg9[%dma_wait3A_451, %dma_wait3A_457] : memref<4x128xi32, #tpu.memory_space<vmem>> -> memref<1x128xi32, #tpu.memory_space<vmem>>
        %dma_wait3A_459 = tpu.memref_squeeze %dma_wait3A_458 : memref<1x128xi32, #tpu.memory_space<vmem>> -> memref<128xi32, #tpu.memory_space<vmem>>
        %dma_wait3A_460 = arith.constant 0 : i32
        %dma_wait3A_461 = tpu.memref_slice %arg3[%dma_wait3A_460] : memref<327680xi32, #tpu.memory_space<hbm>> -> memref<128xi32, #tpu.memory_space<hbm>>
        tpu.wait_dma2 semaphore(%arg14 : memref<!tpu.dma_semaphore, #tpu.memory_space<semaphore_mem>>) src(%dma_wait3A_461 : memref<128xi32, #tpu.memory_space<hbm>>) dst(%dma_wait3A_459 : memref<128xi32, #tpu.memory_space<vmem>>)
        %dma_wait3A_462 = arith.constant 3 : i32
        %dma_wait3A_463 = arith.constant 0 : i32
        %dma_wait3A_464 = tpu.memref_slice %arg10[%dma_wait3A_462, %dma_wait3A_463] : memref<4x128xi32, #tpu.memory_space<vmem>> -> memref<1x128xi32, #tpu.memory_space<vmem>>
        %dma_wait3A_465 = tpu.memref_squeeze %dma_wait3A_464 : memref<1x128xi32, #tpu.memory_space<vmem>> -> memref<128xi32, #tpu.memory_space<vmem>>
        %dma_wait3A_466 = arith.constant 0 : i32
        %dma_wait3A_467 = tpu.memref_slice %arg4[%dma_wait3A_466] : memref<327680xi32, #tpu.memory_space<hbm>> -> memref<128xi32, #tpu.memory_space<hbm>>
        %dma_wait3A_468 = arith.constant 0 : i32
        %dma_wait3A_469 = tpu.memref_slice %arg10[%dma_wait3A_462, %dma_wait3A_468] : memref<4x128xi32, #tpu.memory_space<vmem>> -> memref<1x128xi32, #tpu.memory_space<vmem>>
        %dma_wait3A_470 = tpu.memref_squeeze %dma_wait3A_469 : memref<1x128xi32, #tpu.memory_space<vmem>> -> memref<128xi32, #tpu.memory_space<vmem>>
        %dma_wait3A_471 = arith.constant 0 : i32
        %dma_wait3A_472 = tpu.memref_slice %arg4[%dma_wait3A_471] : memref<327680xi32, #tpu.memory_space<hbm>> -> memref<128xi32, #tpu.memory_space<hbm>>
        tpu.wait_dma2 semaphore(%arg14 : memref<!tpu.dma_semaphore, #tpu.memory_space<semaphore_mem>>) src(%dma_wait3A_472 : memref<128xi32, #tpu.memory_space<hbm>>) dst(%dma_wait3A_470 : memref<128xi32, #tpu.memory_space<vmem>>)
        %dma_start3A_473 = arith.constant 3 : i32
        %dma_start3A_474 = arith.constant 1 : i32
        %dma_start3A_475 = arith.constant 0 : i32
        %dma_start3A_476 = arith.constant 0 : i32
        %dma_start3A_477 = tpu.memref_slice %arg11[%dma_start3A_474, %dma_start3A_475, %dma_start3A_476] : memref<2x128x128xf32, #tpu.memory_space<vmem>> -> memref<1x128x128xf32, #tpu.memory_space<vmem>>
        %dma_start3A_478 = tpu.memref_squeeze %dma_start3A_477 : memref<1x128x128xf32, #tpu.memory_space<vmem>> -> memref<128x128xf32, #tpu.memory_space<vmem>>
        %dma_start3A_479 = arith.constant 0 : i32
        %dma_start3A_480 = tpu.memref_slice %arg9[%dma_start3A_473, %dma_start3A_479] : memref<4x128xi32, #tpu.memory_space<vmem>> -> memref<1x128xi32, #tpu.memory_space<vmem>>
        %dma_start3A_481 = tpu.memref_squeeze %dma_start3A_480 : memref<1x128xi32, #tpu.memory_space<vmem>> -> memref<128xi32, #tpu.memory_space<vmem>>
        %dma_start3A_482 = arith.constant 0 : i32
        %dma_start3A_483 = arith.constant 0 : i32
        %dma_start3A_484 = tpu.memref_slice %arg2[%dma_start3A_482, %dma_start3A_483] : memref<10000x128xf32, #tpu.memory_space<hbm>> -> memref<10000x128xf32, #tpu.memory_space<hbm>>
        tpu.enqueue_indirect_dma source(%dma_start3A_484 : memref<10000x128xf32, #tpu.memory_space<hbm>>) target(%dma_start3A_478 : memref<128x128xf32, #tpu.memory_space<vmem>>) offsets(%dma_start3A_481 : memref<128xi32, #tpu.memory_space<vmem>>) semaphore(%arg15 : memref<!tpu.dma_semaphore, #tpu.memory_space<semaphore_mem>>)
      } else {
      }
      %add3A_366 = arith.constant 4 : i32
      %add3A_367 = arith.addi %add3A_298, %add3A_366 : i32
      %sub3A_368 = arith.constant 1 : i32
      %sub3A_369 = arith.subi %add3A_367, %sub3A_368 : i32
      %lt3A_370 = arith.cmpi slt, %sub3A_369, %select_n3A_4 : i32
      %convert_element_type3A_371 = arith.extui %lt3A_370 : i1 to i32
      %cond3A_372 = arith.constant 0 : i32
      %cond3A_373 = arith.cmpi ne, %convert_element_type3A_371, %cond3A_372 : i32
      scf.if %cond3A_373 {
        %add3A_451 = arith.constant 4 : i32
        %add3A_452 = arith.addi %add3A_298, %add3A_451 : i32
        %sub3A_453 = arith.constant 1 : i32
        %sub3A_454 = arith.subi %add3A_452, %sub3A_453 : i32
        %mul3A_455 = arith.constant 128 : i32
        %mul3A_456 = arith.muli %sub3A_454, %mul3A_455 : i32
        %add3A_457 = arith.addi %mul3A_15, %mul3A_456 : i32
        %dma_start3A_458 = arith.constant 1 : i32
        %dma_start3A_459 = arith.constant 0 : i32
        %dma_start3A_460 = tpu.memref_slice %arg9[%dma_start3A_458, %dma_start3A_459] : memref<4x128xi32, #tpu.memory_space<vmem>> -> memref<1x128xi32, #tpu.memory_space<vmem>>
        %dma_start3A_461 = tpu.memref_squeeze %dma_start3A_460 : memref<1x128xi32, #tpu.memory_space<vmem>> -> memref<128xi32, #tpu.memory_space<vmem>>
        %dma_start3A_462 = tpu.memref_slice %arg3[%add3A_457] : memref<327680xi32, #tpu.memory_space<hbm>> -> memref<128xi32, #tpu.memory_space<hbm>>
        %dma_start3A_463 = arith.constant 0 : i32
        %dma_start3A_464 = tpu.memref_slice %arg9[%dma_start3A_458, %dma_start3A_463] : memref<4x128xi32, #tpu.memory_space<vmem>> -> memref<1x128xi32, #tpu.memory_space<vmem>>
        %dma_start3A_465 = tpu.memref_squeeze %dma_start3A_464 : memref<1x128xi32, #tpu.memory_space<vmem>> -> memref<128xi32, #tpu.memory_space<vmem>>
        %dma_start3A_466 = tpu.memref_slice %arg3[%add3A_457] : memref<327680xi32, #tpu.memory_space<hbm>> -> memref<128xi32, #tpu.memory_space<hbm>>
        tpu.enqueue_dma source(%dma_start3A_466 : memref<128xi32, #tpu.memory_space<hbm>>) target(%dma_start3A_465 : memref<128xi32, #tpu.memory_space<vmem>>) target_semaphore(%arg14 : memref<!tpu.dma_semaphore, #tpu.memory_space<semaphore_mem>>)
        %dma_start3A_467 = arith.constant 1 : i32
        %dma_start3A_468 = arith.constant 0 : i32
        %dma_start3A_469 = tpu.memref_slice %arg10[%dma_start3A_467, %dma_start3A_468] : memref<4x128xi32, #tpu.memory_space<vmem>> -> memref<1x128xi32, #tpu.memory_space<vmem>>
        %dma_start3A_470 = tpu.memref_squeeze %dma_start3A_469 : memref<1x128xi32, #tpu.memory_space<vmem>> -> memref<128xi32, #tpu.memory_space<vmem>>
        %dma_start3A_471 = tpu.memref_slice %arg4[%add3A_457] : memref<327680xi32, #tpu.memory_space<hbm>> -> memref<128xi32, #tpu.memory_space<hbm>>
        %dma_start3A_472 = arith.constant 0 : i32
        %dma_start3A_473 = tpu.memref_slice %arg10[%dma_start3A_467, %dma_start3A_472] : memref<4x128xi32, #tpu.memory_space<vmem>> -> memref<1x128xi32, #tpu.memory_space<vmem>>
        %dma_start3A_474 = tpu.memref_squeeze %dma_start3A_473 : memref<1x128xi32, #tpu.memory_space<vmem>> -> memref<128xi32, #tpu.memory_space<vmem>>
        %dma_start3A_475 = tpu.memref_slice %arg4[%add3A_457] : memref<327680xi32, #tpu.memory_space<hbm>> -> memref<128xi32, #tpu.memory_space<hbm>>
        tpu.enqueue_dma source(%dma_start3A_475 : memref<128xi32, #tpu.memory_space<hbm>>) target(%dma_start3A_474 : memref<128xi32, #tpu.memory_space<vmem>>) target_semaphore(%arg14 : memref<!tpu.dma_semaphore, #tpu.memory_space<semaphore_mem>>)
      } else {
      }
      %add3A_374 = arith.constant 3 : i32
      %add3A_375 = arith.addi %add3A_147, %add3A_374 : i32
      %dma_wait3A_376 = arith.constant 0 : i32
      %dma_wait3A_377 = arith.constant 1 : i32
      %dma_wait3A_378 = arith.constant 0 : i32
      %dma_wait3A_379 = arith.constant 0 : i32
      %dma_wait3A_380 = tpu.memref_slice %arg11[%dma_wait3A_377, %dma_wait3A_378, %dma_wait3A_379] : memref<2x128x128xf32, #tpu.memory_space<vmem>> -> memref<1x128x128xf32, #tpu.memory_space<vmem>>
      %dma_wait3A_381 = tpu.memref_squeeze %dma_wait3A_380 : memref<1x128x128xf32, #tpu.memory_space<vmem>> -> memref<128x128xf32, #tpu.memory_space<vmem>>
      %dma_wait3A_382 = arith.constant 0 : i32
      %dma_wait3A_383 = tpu.memref_slice %arg9[%dma_wait3A_376, %dma_wait3A_382] : memref<4x128xi32, #tpu.memory_space<vmem>> -> memref<1x128xi32, #tpu.memory_space<vmem>>
      %dma_wait3A_384 = tpu.memref_squeeze %dma_wait3A_383 : memref<1x128xi32, #tpu.memory_space<vmem>> -> memref<128xi32, #tpu.memory_space<vmem>>
      %dma_wait3A_385 = arith.constant 0 : i32
      %dma_wait3A_386 = arith.constant 0 : i32
      %dma_wait3A_387 = tpu.memref_slice %arg2[%dma_wait3A_385, %dma_wait3A_386] : memref<10000x128xf32, #tpu.memory_space<hbm>> -> memref<10000x128xf32, #tpu.memory_space<hbm>>
      tpu.wait_indirect_dma semaphore(%arg15 : memref<!tpu.dma_semaphore, #tpu.memory_space<semaphore_mem>>) src(%dma_wait3A_387 : memref<10000x128xf32, #tpu.memory_space<hbm>>) dst(%dma_wait3A_381 : memref<128x128xf32, #tpu.memory_space<vmem>>)
      %dma_start3A_388 = arith.constant 1 : i32
      %dma_start3A_389 = arith.constant 3 : i32
      %dma_start3A_390 = arith.constant 0 : i32
      %dma_start3A_391 = arith.constant 0 : i32
      %dma_start3A_392 = tpu.memref_slice %arg11[%dma_start3A_388, %dma_start3A_390, %dma_start3A_391] : memref<2x128x128xf32, #tpu.memory_space<vmem>> -> memref<1x128x128xf32, #tpu.memory_space<vmem>>
      %dma_start3A_393 = tpu.memref_squeeze %dma_start3A_392 : memref<1x128x128xf32, #tpu.memory_space<vmem>> -> memref<128x128xf32, #tpu.memory_space<vmem>>
      %dma_start3A_394 = arith.constant 0 : i32
      %dma_start3A_395 = tpu.memref_slice %arg10[%dma_start3A_389, %dma_start3A_394] : memref<4x128xi32, #tpu.memory_space<vmem>> -> memref<1x128xi32, #tpu.memory_space<vmem>>
      %dma_start3A_396 = tpu.memref_squeeze %dma_start3A_395 : memref<1x128xi32, #tpu.memory_space<vmem>> -> memref<128xi32, #tpu.memory_space<vmem>>
      %dma_start3A_397 = arith.constant 0 : i32
      %dma_start3A_398 = arith.constant 0 : i32
      %dma_start3A_399 = tpu.memref_slice %arg13[%dma_start3A_397, %dma_start3A_398] : memref<10112x128xf32, #tpu.memory_space<vmem_shared>> -> memref<10112x128xf32, #tpu.memory_space<vmem_shared>>
      tpu.enqueue_indirect_dma source(%dma_start3A_393 : memref<128x128xf32, #tpu.memory_space<vmem>>) target(%dma_start3A_399 : memref<10112x128xf32, #tpu.memory_space<vmem_shared>>) offsets(%dma_start3A_396 : memref<128xi32, #tpu.memory_space<vmem>>) semaphore(%arg16 : memref<!tpu.dma_semaphore, #tpu.memory_space<semaphore_mem>>) {add = true}
      %get3A_400 = arith.constant 3 : i32
      %get3A_401 = arith.index_cast %get3A_400 : i32 to index
      %get3A_402 = arith.constant 0 : index
      %get3A_403 = tpu.vector_load %arg10[%get3A_401, %get3A_402] {strides = array<i32>} : memref<4x128xi32, #tpu.memory_space<vmem>>, vector<16xi32>,
      tpu.vector_store_idx %arg12[%get3A_403], %broadcast_in_dim3A_1 {add = true} : memref<10112xf32, #tpu.memory_space<vmem>>[vector<16xi32>], vector<16xf32>,
      %get3A_404 = arith.constant 3 : i32
      %get3A_405 = arith.index_cast %get3A_404 : i32 to index
      %get3A_406 = arith.constant 16 : index
      %get3A_407 = tpu.vector_load %arg10[%get3A_405, %get3A_406] {strides = array<i32>} : memref<4x128xi32, #tpu.memory_space<vmem>>, vector<16xi32>,
      tpu.vector_store_idx %arg12[%get3A_407], %broadcast_in_dim3A_1 {add = true} : memref<10112xf32, #tpu.memory_space<vmem>>[vector<16xi32>], vector<16xf32>,
      %get3A_408 = arith.constant 3 : i32
      %get3A_409 = arith.index_cast %get3A_408 : i32 to index
      %get3A_410 = arith.constant 32 : index
      %get3A_411 = tpu.vector_load %arg10[%get3A_409, %get3A_410] {strides = array<i32>} : memref<4x128xi32, #tpu.memory_space<vmem>>, vector<16xi32>,
      tpu.vector_store_idx %arg12[%get3A_411], %broadcast_in_dim3A_1 {add = true} : memref<10112xf32, #tpu.memory_space<vmem>>[vector<16xi32>], vector<16xf32>,
      %get3A_412 = arith.constant 3 : i32
      %get3A_413 = arith.index_cast %get3A_412 : i32 to index
      %get3A_414 = arith.constant 48 : index
      %get3A_415 = tpu.vector_load %arg10[%get3A_413, %get3A_414] {strides = array<i32>} : memref<4x128xi32, #tpu.memory_space<vmem>>, vector<16xi32>,
      tpu.vector_store_idx %arg12[%get3A_415], %broadcast_in_dim3A_1 {add = true} : memref<10112xf32, #tpu.memory_space<vmem>>[vector<16xi32>], vector<16xf32>,
      %get3A_416 = arith.constant 3 : i32
      %get3A_417 = arith.index_cast %get3A_416 : i32 to index
      %get3A_418 = arith.constant 64 : index
      %get3A_419 = tpu.vector_load %arg10[%get3A_417, %get3A_418] {strides = array<i32>} : memref<4x128xi32, #tpu.memory_space<vmem>>, vector<16xi32>,
      tpu.vector_store_idx %arg12[%get3A_419], %broadcast_in_dim3A_1 {add = true} : memref<10112xf32, #tpu.memory_space<vmem>>[vector<16xi32>], vector<16xf32>,
      %get3A_420 = arith.constant 3 : i32
      %get3A_421 = arith.index_cast %get3A_420 : i32 to index
      %get3A_422 = arith.constant 80 : index
      %get3A_423 = tpu.vector_load %arg10[%get3A_421, %get3A_422] {strides = array<i32>} : memref<4x128xi32, #tpu.memory_space<vmem>>, vector<16xi32>,
      tpu.vector_store_idx %arg12[%get3A_423], %broadcast_in_dim3A_1 {add = true} : memref<10112xf32, #tpu.memory_space<vmem>>[vector<16xi32>], vector<16xf32>,
      %get3A_424 = arith.constant 3 : i32
      %get3A_425 = arith.index_cast %get3A_424 : i32 to index
      %get3A_426 = arith.constant 96 : index
      %get3A_427 = tpu.vector_load %arg10[%get3A_425, %get3A_426] {strides = array<i32>} : memref<4x128xi32, #tpu.memory_space<vmem>>, vector<16xi32>,
      tpu.vector_store_idx %arg12[%get3A_427], %broadcast_in_dim3A_1 {add = true} : memref<10112xf32, #tpu.memory_space<vmem>>[vector<16xi32>], vector<16xf32>,
      %get3A_428 = arith.constant 3 : i32
      %get3A_429 = arith.index_cast %get3A_428 : i32 to index
      %get3A_430 = arith.constant 112 : index
      %get3A_431 = tpu.vector_load %arg10[%get3A_429, %get3A_430] {strides = array<i32>} : memref<4x128xi32, #tpu.memory_space<vmem>>, vector<16xi32>,
      tpu.vector_store_idx %arg12[%get3A_431], %broadcast_in_dim3A_1 {add = true} : memref<10112xf32, #tpu.memory_space<vmem>>[vector<16xi32>], vector<16xf32>,
      %ge3A_432 = arith.constant 1 : i32
      %ge3A_433 = arith.cmpi sge, %add3A_375, %ge3A_432 : i32
      %convert_element_type3A_434 = arith.extui %ge3A_433 : i1 to i32
      %cond3A_435 = arith.constant 0 : i32
      %cond3A_436 = arith.cmpi ne, %convert_element_type3A_434, %cond3A_435 : i32
      scf.if %cond3A_436 {
        %dma_wait3A_451 = arith.constant 0 : i32
        %dma_wait3A_452 = arith.constant 0 : i32
        %dma_wait3A_453 = arith.constant 0 : i32
        %dma_wait3A_454 = arith.constant 0 : i32
        %dma_wait3A_455 = tpu.memref_slice %arg11[%dma_wait3A_451, %dma_wait3A_453, %dma_wait3A_454] : memref<2x128x128xf32, #tpu.memory_space<vmem>> -> memref<1x128x128xf32, #tpu.memory_space<vmem>>
        %dma_wait3A_456 = tpu.memref_squeeze %dma_wait3A_455 : memref<1x128x128xf32, #tpu.memory_space<vmem>> -> memref<128x128xf32, #tpu.memory_space<vmem>>
        %dma_wait3A_457 = arith.constant 0 : i32
        %dma_wait3A_458 = tpu.memref_slice %arg10[%dma_wait3A_452, %dma_wait3A_457] : memref<4x128xi32, #tpu.memory_space<vmem>> -> memref<1x128xi32, #tpu.memory_space<vmem>>
        %dma_wait3A_459 = tpu.memref_squeeze %dma_wait3A_458 : memref<1x128xi32, #tpu.memory_space<vmem>> -> memref<128xi32, #tpu.memory_space<vmem>>
        %dma_wait3A_460 = arith.constant 0 : i32
        %dma_wait3A_461 = arith.constant 0 : i32
        %dma_wait3A_462 = tpu.memref_slice %arg13[%dma_wait3A_460, %dma_wait3A_461] : memref<10112x128xf32, #tpu.memory_space<vmem_shared>> -> memref<10112x128xf32, #tpu.memory_space<vmem_shared>>
        tpu.wait_indirect_dma semaphore(%arg16 : memref<!tpu.dma_semaphore, #tpu.memory_space<semaphore_mem>>) src(%dma_wait3A_456 : memref<128x128xf32, #tpu.memory_space<vmem>>) dst(%dma_wait3A_462 : memref<10112x128xf32, #tpu.memory_space<vmem_shared>>)
      } else {
      }
      %add3A_437 = arith.constant 1 : i32
      %add3A_438 = arith.addi %add3A_375, %add3A_437 : i32
      %lt3A_439 = arith.cmpi slt, %add3A_438, %select_n3A_4 : i32
      %convert_element_type3A_440 = arith.extui %lt3A_439 : i1 to i32
      %cond3A_441 = arith.constant 0 : i32
      %cond3A_442 = arith.cmpi ne, %convert_element_type3A_440, %cond3A_441 : i32
      scf.if %cond3A_442 {
        %dma_wait3A_451 = arith.constant 0 : i32
        %dma_wait3A_452 = arith.constant 0 : i32
        %dma_wait3A_453 = tpu.memref_slice %arg9[%dma_wait3A_451, %dma_wait3A_452] : memref<4x128xi32, #tpu.memory_space<vmem>> -> memref<1x128xi32, #tpu.memory_space<vmem>>
        %dma_wait3A_454 = tpu.memref_squeeze %dma_wait3A_453 : memref<1x128xi32, #tpu.memory_space<vmem>> -> memref<128xi32, #tpu.memory_space<vmem>>
        %dma_wait3A_455 = arith.constant 0 : i32
        %dma_wait3A_456 = tpu.memref_slice %arg3[%dma_wait3A_455] : memref<327680xi32, #tpu.memory_space<hbm>> -> memref<128xi32, #tpu.memory_space<hbm>>
        %dma_wait3A_457 = arith.constant 0 : i32
        %dma_wait3A_458 = tpu.memref_slice %arg9[%dma_wait3A_451, %dma_wait3A_457] : memref<4x128xi32, #tpu.memory_space<vmem>> -> memref<1x128xi32, #tpu.memory_space<vmem>>
        %dma_wait3A_459 = tpu.memref_squeeze %dma_wait3A_458 : memref<1x128xi32, #tpu.memory_space<vmem>> -> memref<128xi32, #tpu.memory_space<vmem>>
        %dma_wait3A_460 = arith.constant 0 : i32
        %dma_wait3A_461 = tpu.memref_slice %arg3[%dma_wait3A_460] : memref<327680xi32, #tpu.memory_space<hbm>> -> memref<128xi32, #tpu.memory_space<hbm>>
        tpu.wait_dma2 semaphore(%arg14 : memref<!tpu.dma_semaphore, #tpu.memory_space<semaphore_mem>>) src(%dma_wait3A_461 : memref<128xi32, #tpu.memory_space<hbm>>) dst(%dma_wait3A_459 : memref<128xi32, #tpu.memory_space<vmem>>)
        %dma_wait3A_462 = arith.constant 0 : i32
        %dma_wait3A_463 = arith.constant 0 : i32
        %dma_wait3A_464 = tpu.memref_slice %arg10[%dma_wait3A_462, %dma_wait3A_463] : memref<4x128xi32, #tpu.memory_space<vmem>> -> memref<1x128xi32, #tpu.memory_space<vmem>>
        %dma_wait3A_465 = tpu.memref_squeeze %dma_wait3A_464 : memref<1x128xi32, #tpu.memory_space<vmem>> -> memref<128xi32, #tpu.memory_space<vmem>>
        %dma_wait3A_466 = arith.constant 0 : i32
        %dma_wait3A_467 = tpu.memref_slice %arg4[%dma_wait3A_466] : memref<327680xi32, #tpu.memory_space<hbm>> -> memref<128xi32, #tpu.memory_space<hbm>>
        %dma_wait3A_468 = arith.constant 0 : i32
        %dma_wait3A_469 = tpu.memref_slice %arg10[%dma_wait3A_462, %dma_wait3A_468] : memref<4x128xi32, #tpu.memory_space<vmem>> -> memref<1x128xi32, #tpu.memory_space<vmem>>
        %dma_wait3A_470 = tpu.memref_squeeze %dma_wait3A_469 : memref<1x128xi32, #tpu.memory_space<vmem>> -> memref<128xi32, #tpu.memory_space<vmem>>
        %dma_wait3A_471 = arith.constant 0 : i32
        %dma_wait3A_472 = tpu.memref_slice %arg4[%dma_wait3A_471] : memref<327680xi32, #tpu.memory_space<hbm>> -> memref<128xi32, #tpu.memory_space<hbm>>
        tpu.wait_dma2 semaphore(%arg14 : memref<!tpu.dma_semaphore, #tpu.memory_space<semaphore_mem>>) src(%dma_wait3A_472 : memref<128xi32, #tpu.memory_space<hbm>>) dst(%dma_wait3A_470 : memref<128xi32, #tpu.memory_space<vmem>>)
        %dma_start3A_473 = arith.constant 0 : i32
        %dma_start3A_474 = arith.constant 0 : i32
        %dma_start3A_475 = arith.constant 0 : i32
        %dma_start3A_476 = arith.constant 0 : i32
        %dma_start3A_477 = tpu.memref_slice %arg11[%dma_start3A_474, %dma_start3A_475, %dma_start3A_476] : memref<2x128x128xf32, #tpu.memory_space<vmem>> -> memref<1x128x128xf32, #tpu.memory_space<vmem>>
        %dma_start3A_478 = tpu.memref_squeeze %dma_start3A_477 : memref<1x128x128xf32, #tpu.memory_space<vmem>> -> memref<128x128xf32, #tpu.memory_space<vmem>>
        %dma_start3A_479 = arith.constant 0 : i32
        %dma_start3A_480 = tpu.memref_slice %arg9[%dma_start3A_473, %dma_start3A_479] : memref<4x128xi32, #tpu.memory_space<vmem>> -> memref<1x128xi32, #tpu.memory_space<vmem>>
        %dma_start3A_481 = tpu.memref_squeeze %dma_start3A_480 : memref<1x128xi32, #tpu.memory_space<vmem>> -> memref<128xi32, #tpu.memory_space<vmem>>
        %dma_start3A_482 = arith.constant 0 : i32
        %dma_start3A_483 = arith.constant 0 : i32
        %dma_start3A_484 = tpu.memref_slice %arg2[%dma_start3A_482, %dma_start3A_483] : memref<10000x128xf32, #tpu.memory_space<hbm>> -> memref<10000x128xf32, #tpu.memory_space<hbm>>
        tpu.enqueue_indirect_dma source(%dma_start3A_484 : memref<10000x128xf32, #tpu.memory_space<hbm>>) target(%dma_start3A_478 : memref<128x128xf32, #tpu.memory_space<vmem>>) offsets(%dma_start3A_481 : memref<128xi32, #tpu.memory_space<vmem>>) semaphore(%arg15 : memref<!tpu.dma_semaphore, #tpu.memory_space<semaphore_mem>>)
      } else {
      }
      %add3A_443 = arith.constant 4 : i32
      %add3A_444 = arith.addi %add3A_375, %add3A_443 : i32
      %sub3A_445 = arith.constant 1 : i32
      %sub3A_446 = arith.subi %add3A_444, %sub3A_445 : i32
      %lt3A_447 = arith.cmpi slt, %sub3A_446, %select_n3A_4 : i32
      %convert_element_type3A_448 = arith.extui %lt3A_447 : i1 to i32
      %cond3A_449 = arith.constant 0 : i32
      %cond3A_450 = arith.cmpi ne, %convert_element_type3A_448, %cond3A_449 : i32
      scf.if %cond3A_450 {
        %add3A_451 = arith.constant 4 : i32
        %add3A_452 = arith.addi %add3A_375, %add3A_451 : i32
        %sub3A_453 = arith.constant 1 : i32
        %sub3A_454 = arith.subi %add3A_452, %sub3A_453 : i32
        %mul3A_455 = arith.constant 128 : i32
        %mul3A_456 = arith.muli %sub3A_454, %mul3A_455 : i32
        %add3A_457 = arith.addi %mul3A_15, %mul3A_456 : i32
        %dma_start3A_458 = arith.constant 2 : i32
        %dma_start3A_459 = arith.constant 0 : i32
        %dma_start3A_460 = tpu.memref_slice %arg9[%dma_start3A_458, %dma_start3A_459] : memref<4x128xi32, #tpu.memory_space<vmem>> -> memref<1x128xi32, #tpu.memory_space<vmem>>
        %dma_start3A_461 = tpu.memref_squeeze %dma_start3A_460 : memref<1x128xi32, #tpu.memory_space<vmem>> -> memref<128xi32, #tpu.memory_space<vmem>>
        %dma_start3A_462 = tpu.memref_slice %arg3[%add3A_457] : memref<327680xi32, #tpu.memory_space<hbm>> -> memref<128xi32, #tpu.memory_space<hbm>>
        %dma_start3A_463 = arith.constant 0 : i32
        %dma_start3A_464 = tpu.memref_slice %arg9[%dma_start3A_458, %dma_start3A_463] : memref<4x128xi32, #tpu.memory_space<vmem>> -> memref<1x128xi32, #tpu.memory_space<vmem>>
        %dma_start3A_465 = tpu.memref_squeeze %dma_start3A_464 : memref<1x128xi32, #tpu.memory_space<vmem>> -> memref<128xi32, #tpu.memory_space<vmem>>
        %dma_start3A_466 = tpu.memref_slice %arg3[%add3A_457] : memref<327680xi32, #tpu.memory_space<hbm>> -> memref<128xi32, #tpu.memory_space<hbm>>
        tpu.enqueue_dma source(%dma_start3A_466 : memref<128xi32, #tpu.memory_space<hbm>>) target(%dma_start3A_465 : memref<128xi32, #tpu.memory_space<vmem>>) target_semaphore(%arg14 : memref<!tpu.dma_semaphore, #tpu.memory_space<semaphore_mem>>)
        %dma_start3A_467 = arith.constant 2 : i32
        %dma_start3A_468 = arith.constant 0 : i32
        %dma_start3A_469 = tpu.memref_slice %arg10[%dma_start3A_467, %dma_start3A_468] : memref<4x128xi32, #tpu.memory_space<vmem>> -> memref<1x128xi32, #tpu.memory_space<vmem>>
        %dma_start3A_470 = tpu.memref_squeeze %dma_start3A_469 : memref<1x128xi32, #tpu.memory_space<vmem>> -> memref<128xi32, #tpu.memory_space<vmem>>
        %dma_start3A_471 = tpu.memref_slice %arg4[%add3A_457] : memref<327680xi32, #tpu.memory_space<hbm>> -> memref<128xi32, #tpu.memory_space<hbm>>
        %dma_start3A_472 = arith.constant 0 : i32
        %dma_start3A_473 = tpu.memref_slice %arg10[%dma_start3A_467, %dma_start3A_472] : memref<4x128xi32, #tpu.memory_space<vmem>> -> memref<1x128xi32, #tpu.memory_space<vmem>>
        %dma_start3A_474 = tpu.memref_squeeze %dma_start3A_473 : memref<1x128xi32, #tpu.memory_space<vmem>> -> memref<128xi32, #tpu.memory_space<vmem>>
        %dma_start3A_475 = tpu.memref_slice %arg4[%add3A_457] : memref<327680xi32, #tpu.memory_space<hbm>> -> memref<128xi32, #tpu.memory_space<hbm>>
        tpu.enqueue_dma source(%dma_start3A_475 : memref<128xi32, #tpu.memory_space<hbm>>) target(%dma_start3A_474 : memref<128xi32, #tpu.memory_space<vmem>>) target_semaphore(%arg14 : memref<!tpu.dma_semaphore, #tpu.memory_space<semaphore_mem>>)
      } else {
      }
    }
    %while3A_127 = arith.constant 1 : i32
    scf.for %while3A_145 = %while3A_125 to %while3A_121 step %while3A_127  : i32 {
      %mul3A_146 = arith.muli %while3A_145, %while3A : i32
      %add3A_147 = arith.addi %while3A_118, %mul3A_146 : i32
      %add3A_148 = arith.constant 0 : i32
      %add3A_149 = arith.addi %add3A_147, %add3A_148 : i32
      %dma_wait3A_150 = arith.constant 0 : i32
      %dma_wait3A_151 = arith.constant 0 : i32
      %dma_wait3A_152 = arith.constant 0 : i32
      %dma_wait3A_153 = arith.constant 0 : i32
      %dma_wait3A_154 = tpu.memref_slice %arg11[%dma_wait3A_151, %dma_wait3A_152, %dma_wait3A_153] : memref<2x128x128xf32, #tpu.memory_space<vmem>> -> memref<1x128x128xf32, #tpu.memory_space<vmem>>
      %dma_wait3A_155 = tpu.memref_squeeze %dma_wait3A_154 : memref<1x128x128xf32, #tpu.memory_space<vmem>> -> memref<128x128xf32, #tpu.memory_space<vmem>>
      %dma_wait3A_156 = arith.constant 0 : i32
      %dma_wait3A_157 = tpu.memref_slice %arg9[%dma_wait3A_150, %dma_wait3A_156] : memref<4x128xi32, #tpu.memory_space<vmem>> -> memref<1x128xi32, #tpu.memory_space<vmem>>
      %dma_wait3A_158 = tpu.memref_squeeze %dma_wait3A_157 : memref<1x128xi32, #tpu.memory_space<vmem>> -> memref<128xi32, #tpu.memory_space<vmem>>
      %dma_wait3A_159 = arith.constant 0 : i32
      %dma_wait3A_160 = arith.constant 0 : i32
      %dma_wait3A_161 = tpu.memref_slice %arg2[%dma_wait3A_159, %dma_wait3A_160] : memref<10000x128xf32, #tpu.memory_space<hbm>> -> memref<10000x128xf32, #tpu.memory_space<hbm>>
      tpu.wait_indirect_dma semaphore(%arg15 : memref<!tpu.dma_semaphore, #tpu.memory_space<semaphore_mem>>) src(%dma_wait3A_161 : memref<10000x128xf32, #tpu.memory_space<hbm>>) dst(%dma_wait3A_155 : memref<128x128xf32, #tpu.memory_space<vmem>>)
      %dma_start3A_162 = arith.constant 0 : i32
      %dma_start3A_163 = arith.constant 0 : i32
      %dma_start3A_164 = arith.constant 0 : i32
      %dma_start3A_165 = arith.constant 0 : i32
      %dma_start3A_166 = tpu.memref_slice %arg11[%dma_start3A_162, %dma_start3A_164, %dma_start3A_165] : memref<2x128x128xf32, #tpu.memory_space<vmem>> -> memref<1x128x128xf32, #tpu.memory_space<vmem>>
      %dma_start3A_167 = tpu.memref_squeeze %dma_start3A_166 : memref<1x128x128xf32, #tpu.memory_space<vmem>> -> memref<128x128xf32, #tpu.memory_space<vmem>>
      %dma_start3A_168 = arith.constant 0 : i32
      %dma_start3A_169 = tpu.memref_slice %arg10[%dma_start3A_163, %dma_start3A_168] : memref<4x128xi32, #tpu.memory_space<vmem>> -> memref<1x128xi32, #tpu.memory_space<vmem>>
      %dma_start3A_170 = tpu.memref_squeeze %dma_start3A_169 : memref<1x128xi32, #tpu.memory_space<vmem>> -> memref<128xi32, #tpu.memory_space<vmem>>
      %dma_start3A_171 = arith.constant 0 : i32
      %dma_start3A_172 = arith.constant 0 : i32
      %dma_start3A_173 = tpu.memref_slice %arg13[%dma_start3A_171, %dma_start3A_172] : memref<10112x128xf32, #tpu.memory_space<vmem_shared>> -> memref<10112x128xf32, #tpu.memory_space<vmem_shared>>
      tpu.enqueue_indirect_dma source(%dma_start3A_167 : memref<128x128xf32, #tpu.memory_space<vmem>>) target(%dma_start3A_173 : memref<10112x128xf32, #tpu.memory_space<vmem_shared>>) offsets(%dma_start3A_170 : memref<128xi32, #tpu.memory_space<vmem>>) semaphore(%arg16 : memref<!tpu.dma_semaphore, #tpu.memory_space<semaphore_mem>>) {add = true}
      %get3A = arith.constant 0 : i32
      %get3A_174 = arith.index_cast %get3A : i32 to index
      %get3A_175 = arith.constant 0 : index
      %get3A_176 = tpu.vector_load %arg10[%get3A_174, %get3A_175] {strides = array<i32>} : memref<4x128xi32, #tpu.memory_space<vmem>>, vector<16xi32>,
      tpu.vector_store_idx %arg12[%get3A_176], %broadcast_in_dim3A_1 {add = true} : memref<10112xf32, #tpu.memory_space<vmem>>[vector<16xi32>], vector<16xf32>,
      %get3A_177 = arith.constant 0 : i32
      %get3A_178 = arith.index_cast %get3A_177 : i32 to index
      %get3A_179 = arith.constant 16 : index
      %get3A_180 = tpu.vector_load %arg10[%get3A_178, %get3A_179] {strides = array<i32>} : memref<4x128xi32, #tpu.memory_space<vmem>>, vector<16xi32>,
      tpu.vector_store_idx %arg12[%get3A_180], %broadcast_in_dim3A_1 {add = true} : memref<10112xf32, #tpu.memory_space<vmem>>[vector<16xi32>], vector<16xf32>,
      %get3A_181 = arith.constant 0 : i32
      %get3A_182 = arith.index_cast %get3A_181 : i32 to index
      %get3A_183 = arith.constant 32 : index
      %get3A_184 = tpu.vector_load %arg10[%get3A_182, %get3A_183] {strides = array<i32>} : memref<4x128xi32, #tpu.memory_space<vmem>>, vector<16xi32>,
      tpu.vector_store_idx %arg12[%get3A_184], %broadcast_in_dim3A_1 {add = true} : memref<10112xf32, #tpu.memory_space<vmem>>[vector<16xi32>], vector<16xf32>,
      %get3A_185 = arith.constant 0 : i32
      %get3A_186 = arith.index_cast %get3A_185 : i32 to index
      %get3A_187 = arith.constant 48 : index
      %get3A_188 = tpu.vector_load %arg10[%get3A_186, %get3A_187] {strides = array<i32>} : memref<4x128xi32, #tpu.memory_space<vmem>>, vector<16xi32>,
      tpu.vector_store_idx %arg12[%get3A_188], %broadcast_in_dim3A_1 {add = true} : memref<10112xf32, #tpu.memory_space<vmem>>[vector<16xi32>], vector<16xf32>,
      %get3A_189 = arith.constant 0 : i32
      %get3A_190 = arith.index_cast %get3A_189 : i32 to index
      %get3A_191 = arith.constant 64 : index
      %get3A_192 = tpu.vector_load %arg10[%get3A_190, %get3A_191] {strides = array<i32>} : memref<4x128xi32, #tpu.memory_space<vmem>>, vector<16xi32>,
      tpu.vector_store_idx %arg12[%get3A_192], %broadcast_in_dim3A_1 {add = true} : memref<10112xf32, #tpu.memory_space<vmem>>[vector<16xi32>], vector<16xf32>,
      %get3A_193 = arith.constant 0 : i32
      %get3A_194 = arith.index_cast %get3A_193 : i32 to index
      %get3A_195 = arith.constant 80 : index
      %get3A_196 = tpu.vector_load %arg10[%get3A_194, %get3A_195] {strides = array<i32>} : memref<4x128xi32, #tpu.memory_space<vmem>>, vector<16xi32>,
      tpu.vector_store_idx %arg12[%get3A_196], %broadcast_in_dim3A_1 {add = true} : memref<10112xf32, #tpu.memory_space<vmem>>[vector<16xi32>], vector<16xf32>,
      %get3A_197 = arith.constant 0 : i32
      %get3A_198 = arith.index_cast %get3A_197 : i32 to index
      %get3A_199 = arith.constant 96 : index
      %get3A_200 = tpu.vector_load %arg10[%get3A_198, %get3A_199] {strides = array<i32>} : memref<4x128xi32, #tpu.memory_space<vmem>>, vector<16xi32>,
      tpu.vector_store_idx %arg12[%get3A_200], %broadcast_in_dim3A_1 {add = true} : memref<10112xf32, #tpu.memory_space<vmem>>[vector<16xi32>], vector<16xf32>,
      %get3A_201 = arith.constant 0 : i32
      %get3A_202 = arith.index_cast %get3A_201 : i32 to index
      %get3A_203 = arith.constant 112 : index
      %get3A_204 = tpu.vector_load %arg10[%get3A_202, %get3A_203] {strides = array<i32>} : memref<4x128xi32, #tpu.memory_space<vmem>>, vector<16xi32>,
      tpu.vector_store_idx %arg12[%get3A_204], %broadcast_in_dim3A_1 {add = true} : memref<10112xf32, #tpu.memory_space<vmem>>[vector<16xi32>], vector<16xf32>,
      %ge3A = arith.constant 1 : i32
      %ge3A_205 = arith.cmpi sge, %add3A_149, %ge3A : i32
      %convert_element_type3A = arith.extui %ge3A_205 : i1 to i32
      %cond3A = arith.constant 0 : i32
      %cond3A_206 = arith.cmpi ne, %convert_element_type3A, %cond3A : i32
      scf.if %cond3A_206 {
        %dma_wait3A_451 = arith.constant 1 : i32
        %dma_wait3A_452 = arith.constant 0 : i32
        %dma_wait3A_453 = arith.constant 0 : i32
        %dma_wait3A_454 = arith.constant 0 : i32
        %dma_wait3A_455 = tpu.memref_slice %arg11[%dma_wait3A_451, %dma_wait3A_453, %dma_wait3A_454] : memref<2x128x128xf32, #tpu.memory_space<vmem>> -> memref<1x128x128xf32, #tpu.memory_space<vmem>>
        %dma_wait3A_456 = tpu.memref_squeeze %dma_wait3A_455 : memref<1x128x128xf32, #tpu.memory_space<vmem>> -> memref<128x128xf32, #tpu.memory_space<vmem>>
        %dma_wait3A_457 = arith.constant 0 : i32
        %dma_wait3A_458 = tpu.memref_slice %arg10[%dma_wait3A_452, %dma_wait3A_457] : memref<4x128xi32, #tpu.memory_space<vmem>> -> memref<1x128xi32, #tpu.memory_space<vmem>>
        %dma_wait3A_459 = tpu.memref_squeeze %dma_wait3A_458 : memref<1x128xi32, #tpu.memory_space<vmem>> -> memref<128xi32, #tpu.memory_space<vmem>>
        %dma_wait3A_460 = arith.constant 0 : i32
        %dma_wait3A_461 = arith.constant 0 : i32
        %dma_wait3A_462 = tpu.memref_slice %arg13[%dma_wait3A_460, %dma_wait3A_461] : memref<10112x128xf32, #tpu.memory_space<vmem_shared>> -> memref<10112x128xf32, #tpu.memory_space<vmem_shared>>
        tpu.wait_indirect_dma semaphore(%arg16 : memref<!tpu.dma_semaphore, #tpu.memory_space<semaphore_mem>>) src(%dma_wait3A_456 : memref<128x128xf32, #tpu.memory_space<vmem>>) dst(%dma_wait3A_462 : memref<10112x128xf32, #tpu.memory_space<vmem_shared>>)
      } else {
      }
      %add3A_207 = arith.constant 1 : i32
      %add3A_208 = arith.addi %add3A_149, %add3A_207 : i32
      %lt3A = arith.cmpi slt, %add3A_208, %select_n3A_4 : i32
      %convert_element_type3A_209 = arith.extui %lt3A : i1 to i32
      %cond3A_210 = arith.constant 0 : i32
      %cond3A_211 = arith.cmpi ne, %convert_element_type3A_209, %cond3A_210 : i32
      scf.if %cond3A_211 {
        %dma_wait3A_451 = arith.constant 1 : i32
        %dma_wait3A_452 = arith.constant 0 : i32
        %dma_wait3A_453 = tpu.memref_slice %arg9[%dma_wait3A_451, %dma_wait3A_452] : memref<4x128xi32, #tpu.memory_space<vmem>> -> memref<1x128xi32, #tpu.memory_space<vmem>>
        %dma_wait3A_454 = tpu.memref_squeeze %dma_wait3A_453 : memref<1x128xi32, #tpu.memory_space<vmem>> -> memref<128xi32, #tpu.memory_space<vmem>>
        %dma_wait3A_455 = arith.constant 0 : i32
        %dma_wait3A_456 = tpu.memref_slice %arg3[%dma_wait3A_455] : memref<327680xi32, #tpu.memory_space<hbm>> -> memref<128xi32, #tpu.memory_space<hbm>>
        %dma_wait3A_457 = arith.constant 0 : i32
        %dma_wait3A_458 = tpu.memref_slice %arg9[%dma_wait3A_451, %dma_wait3A_457] : memref<4x128xi32, #tpu.memory_space<vmem>> -> memref<1x128xi32, #tpu.memory_space<vmem>>
        %dma_wait3A_459 = tpu.memref_squeeze %dma_wait3A_458 : memref<1x128xi32, #tpu.memory_space<vmem>> -> memref<128xi32, #tpu.memory_space<vmem>>
        %dma_wait3A_460 = arith.constant 0 : i32
        %dma_wait3A_461 = tpu.memref_slice %arg3[%dma_wait3A_460] : memref<327680xi32, #tpu.memory_space<hbm>> -> memref<128xi32, #tpu.memory_space<hbm>>
        tpu.wait_dma2 semaphore(%arg14 : memref<!tpu.dma_semaphore, #tpu.memory_space<semaphore_mem>>) src(%dma_wait3A_461 : memref<128xi32, #tpu.memory_space<hbm>>) dst(%dma_wait3A_459 : memref<128xi32, #tpu.memory_space<vmem>>)
        %dma_wait3A_462 = arith.constant 1 : i32
        %dma_wait3A_463 = arith.constant 0 : i32
        %dma_wait3A_464 = tpu.memref_slice %arg10[%dma_wait3A_462, %dma_wait3A_463] : memref<4x128xi32, #tpu.memory_space<vmem>> -> memref<1x128xi32, #tpu.memory_space<vmem>>
        %dma_wait3A_465 = tpu.memref_squeeze %dma_wait3A_464 : memref<1x128xi32, #tpu.memory_space<vmem>> -> memref<128xi32, #tpu.memory_space<vmem>>
        %dma_wait3A_466 = arith.constant 0 : i32
        %dma_wait3A_467 = tpu.memref_slice %arg4[%dma_wait3A_466] : memref<327680xi32, #tpu.memory_space<hbm>> -> memref<128xi32, #tpu.memory_space<hbm>>
        %dma_wait3A_468 = arith.constant 0 : i32
        %dma_wait3A_469 = tpu.memref_slice %arg10[%dma_wait3A_462, %dma_wait3A_468] : memref<4x128xi32, #tpu.memory_space<vmem>> -> memref<1x128xi32, #tpu.memory_space<vmem>>
        %dma_wait3A_470 = tpu.memref_squeeze %dma_wait3A_469 : memref<1x128xi32, #tpu.memory_space<vmem>> -> memref<128xi32, #tpu.memory_space<vmem>>
        %dma_wait3A_471 = arith.constant 0 : i32
        %dma_wait3A_472 = tpu.memref_slice %arg4[%dma_wait3A_471] : memref<327680xi32, #tpu.memory_space<hbm>> -> memref<128xi32, #tpu.memory_space<hbm>>
        tpu.wait_dma2 semaphore(%arg14 : memref<!tpu.dma_semaphore, #tpu.memory_space<semaphore_mem>>) src(%dma_wait3A_472 : memref<128xi32, #tpu.memory_space<hbm>>) dst(%dma_wait3A_470 : memref<128xi32, #tpu.memory_space<vmem>>)
        %dma_start3A_473 = arith.constant 1 : i32
        %dma_start3A_474 = arith.constant 1 : i32
        %dma_start3A_475 = arith.constant 0 : i32
        %dma_start3A_476 = arith.constant 0 : i32
        %dma_start3A_477 = tpu.memref_slice %arg11[%dma_start3A_474, %dma_start3A_475, %dma_start3A_476] : memref<2x128x128xf32, #tpu.memory_space<vmem>> -> memref<1x128x128xf32, #tpu.memory_space<vmem>>
        %dma_start3A_478 = tpu.memref_squeeze %dma_start3A_477 : memref<1x128x128xf32, #tpu.memory_space<vmem>> -> memref<128x128xf32, #tpu.memory_space<vmem>>
        %dma_start3A_479 = arith.constant 0 : i32
        %dma_start3A_480 = tpu.memref_slice %arg9[%dma_start3A_473, %dma_start3A_479] : memref<4x128xi32, #tpu.memory_space<vmem>> -> memref<1x128xi32, #tpu.memory_space<vmem>>
        %dma_start3A_481 = tpu.memref_squeeze %dma_start3A_480 : memref<1x128xi32, #tpu.memory_space<vmem>> -> memref<128xi32, #tpu.memory_space<vmem>>
        %dma_start3A_482 = arith.constant 0 : i32
        %dma_start3A_483 = arith.constant 0 : i32
        %dma_start3A_484 = tpu.memref_slice %arg2[%dma_start3A_482, %dma_start3A_483] : memref<10000x128xf32, #tpu.memory_space<hbm>> -> memref<10000x128xf32, #tpu.memory_space<hbm>>
        tpu.enqueue_indirect_dma source(%dma_start3A_484 : memref<10000x128xf32, #tpu.memory_space<hbm>>) target(%dma_start3A_478 : memref<128x128xf32, #tpu.memory_space<vmem>>) offsets(%dma_start3A_481 : memref<128xi32, #tpu.memory_space<vmem>>) semaphore(%arg15 : memref<!tpu.dma_semaphore, #tpu.memory_space<semaphore_mem>>)
      } else {
      }
      %add3A_212 = arith.constant 4 : i32
      %add3A_213 = arith.addi %add3A_149, %add3A_212 : i32
      %sub3A_214 = arith.constant 1 : i32
      %sub3A_215 = arith.subi %add3A_213, %sub3A_214 : i32
      %lt3A_216 = arith.cmpi slt, %sub3A_215, %select_n3A_4 : i32
      %convert_element_type3A_217 = arith.extui %lt3A_216 : i1 to i32
      %cond3A_218 = arith.constant 0 : i32
      %cond3A_219 = arith.cmpi ne, %convert_element_type3A_217, %cond3A_218 : i32
      scf.if %cond3A_219 {
        %add3A_451 = arith.constant 4 : i32
        %add3A_452 = arith.addi %add3A_149, %add3A_451 : i32
        %sub3A_453 = arith.constant 1 : i32
        %sub3A_454 = arith.subi %add3A_452, %sub3A_453 : i32
        %mul3A_455 = arith.constant 128 : i32
        %mul3A_456 = arith.muli %sub3A_454, %mul3A_455 : i32
        %add3A_457 = arith.addi %mul3A_15, %mul3A_456 : i32
        %dma_start3A_458 = arith.constant 3 : i32
        %dma_start3A_459 = arith.constant 0 : i32
        %dma_start3A_460 = tpu.memref_slice %arg9[%dma_start3A_458, %dma_start3A_459] : memref<4x128xi32, #tpu.memory_space<vmem>> -> memref<1x128xi32, #tpu.memory_space<vmem>>
        %dma_start3A_461 = tpu.memref_squeeze %dma_start3A_460 : memref<1x128xi32, #tpu.memory_space<vmem>> -> memref<128xi32, #tpu.memory_space<vmem>>
        %dma_start3A_462 = tpu.memref_slice %arg3[%add3A_457] : memref<327680xi32, #tpu.memory_space<hbm>> -> memref<128xi32, #tpu.memory_space<hbm>>
        %dma_start3A_463 = arith.constant 0 : i32
        %dma_start3A_464 = tpu.memref_slice %arg9[%dma_start3A_458, %dma_start3A_463] : memref<4x128xi32, #tpu.memory_space<vmem>> -> memref<1x128xi32, #tpu.memory_space<vmem>>
        %dma_start3A_465 = tpu.memref_squeeze %dma_start3A_464 : memref<1x128xi32, #tpu.memory_space<vmem>> -> memref<128xi32, #tpu.memory_space<vmem>>
        %dma_start3A_466 = tpu.memref_slice %arg3[%add3A_457] : memref<327680xi32, #tpu.memory_space<hbm>> -> memref<128xi32, #tpu.memory_space<hbm>>
        tpu.enqueue_dma source(%dma_start3A_466 : memref<128xi32, #tpu.memory_space<hbm>>) target(%dma_start3A_465 : memref<128xi32, #tpu.memory_space<vmem>>) target_semaphore(%arg14 : memref<!tpu.dma_semaphore, #tpu.memory_space<semaphore_mem>>)
        %dma_start3A_467 = arith.constant 3 : i32
        %dma_start3A_468 = arith.constant 0 : i32
        %dma_start3A_469 = tpu.memref_slice %arg10[%dma_start3A_467, %dma_start3A_468] : memref<4x128xi32, #tpu.memory_space<vmem>> -> memref<1x128xi32, #tpu.memory_space<vmem>>
        %dma_start3A_470 = tpu.memref_squeeze %dma_start3A_469 : memref<1x128xi32, #tpu.memory_space<vmem>> -> memref<128xi32, #tpu.memory_space<vmem>>
        %dma_start3A_471 = tpu.memref_slice %arg4[%add3A_457] : memref<327680xi32, #tpu.memory_space<hbm>> -> memref<128xi32, #tpu.memory_space<hbm>>
        %dma_start3A_472 = arith.constant 0 : i32
        %dma_start3A_473 = tpu.memref_slice %arg10[%dma_start3A_467, %dma_start3A_472] : memref<4x128xi32, #tpu.memory_space<vmem>> -> memref<1x128xi32, #tpu.memory_space<vmem>>
        %dma_start3A_474 = tpu.memref_squeeze %dma_start3A_473 : memref<1x128xi32, #tpu.memory_space<vmem>> -> memref<128xi32, #tpu.memory_space<vmem>>
        %dma_start3A_475 = tpu.memref_slice %arg4[%add3A_457] : memref<327680xi32, #tpu.memory_space<hbm>> -> memref<128xi32, #tpu.memory_space<hbm>>
        tpu.enqueue_dma source(%dma_start3A_475 : memref<128xi32, #tpu.memory_space<hbm>>) target(%dma_start3A_474 : memref<128xi32, #tpu.memory_space<vmem>>) target_semaphore(%arg14 : memref<!tpu.dma_semaphore, #tpu.memory_space<semaphore_mem>>)
      } else {
      }
      %add3A_220 = arith.constant 1 : i32
      %add3A_221 = arith.addi %add3A_147, %add3A_220 : i32
      %dma_wait3A_222 = arith.constant 0 : i32
      %dma_wait3A_223 = arith.constant 1 : i32
      %dma_wait3A_224 = arith.constant 0 : i32
      %dma_wait3A_225 = arith.constant 0 : i32
      %dma_wait3A_226 = tpu.memref_slice %arg11[%dma_wait3A_223, %dma_wait3A_224, %dma_wait3A_225] : memref<2x128x128xf32, #tpu.memory_space<vmem>> -> memref<1x128x128xf32, #tpu.memory_space<vmem>>
      %dma_wait3A_227 = tpu.memref_squeeze %dma_wait3A_226 : memref<1x128x128xf32, #tpu.memory_space<vmem>> -> memref<128x128xf32, #tpu.memory_space<vmem>>
      %dma_wait3A_228 = arith.constant 0 : i32
      %dma_wait3A_229 = tpu.memref_slice %arg9[%dma_wait3A_222, %dma_wait3A_228] : memref<4x128xi32, #tpu.memory_space<vmem>> -> memref<1x128xi32, #tpu.memory_space<vmem>>
      %dma_wait3A_230 = tpu.memref_squeeze %dma_wait3A_229 : memref<1x128xi32, #tpu.memory_space<vmem>> -> memref<128xi32, #tpu.memory_space<vmem>>
      %dma_wait3A_231 = arith.constant 0 : i32
      %dma_wait3A_232 = arith.constant 0 : i32
      %dma_wait3A_233 = tpu.memref_slice %arg2[%dma_wait3A_231, %dma_wait3A_232] : memref<10000x128xf32, #tpu.memory_space<hbm>> -> memref<10000x128xf32, #tpu.memory_space<hbm>>
      tpu.wait_indirect_dma semaphore(%arg15 : memref<!tpu.dma_semaphore, #tpu.memory_space<semaphore_mem>>) src(%dma_wait3A_233 : memref<10000x128xf32, #tpu.memory_space<hbm>>) dst(%dma_wait3A_227 : memref<128x128xf32, #tpu.memory_space<vmem>>)
      %dma_start3A_234 = arith.constant 1 : i32
      %dma_start3A_235 = arith.constant 1 : i32
      %dma_start3A_236 = arith.constant 0 : i32
      %dma_start3A_237 = arith.constant 0 : i32
      %dma_start3A_238 = tpu.memref_slice %arg11[%dma_start3A_234, %dma_start3A_236, %dma_start3A_237] : memref<2x128x128xf32, #tpu.memory_space<vmem>> -> memref<1x128x128xf32, #tpu.memory_space<vmem>>
      %dma_start3A_239 = tpu.memref_squeeze %dma_start3A_238 : memref<1x128x128xf32, #tpu.memory_space<vmem>> -> memref<128x128xf32, #tpu.memory_space<vmem>>
      %dma_start3A_240 = arith.constant 0 : i32
      %dma_start3A_241 = tpu.memref_slice %arg10[%dma_start3A_235, %dma_start3A_240] : memref<4x128xi32, #tpu.memory_space<vmem>> -> memref<1x128xi32, #tpu.memory_space<vmem>>
      %dma_start3A_242 = tpu.memref_squeeze %dma_start3A_241 : memref<1x128xi32, #tpu.memory_space<vmem>> -> memref<128xi32, #tpu.memory_space<vmem>>
      %dma_start3A_243 = arith.constant 0 : i32
      %dma_start3A_244 = arith.constant 0 : i32
      %dma_start3A_245 = tpu.memref_slice %arg13[%dma_start3A_243, %dma_start3A_244] : memref<10112x128xf32, #tpu.memory_space<vmem_shared>> -> memref<10112x128xf32, #tpu.memory_space<vmem_shared>>
      tpu.enqueue_indirect_dma source(%dma_start3A_239 : memref<128x128xf32, #tpu.memory_space<vmem>>) target(%dma_start3A_245 : memref<10112x128xf32, #tpu.memory_space<vmem_shared>>) offsets(%dma_start3A_242 : memref<128xi32, #tpu.memory_space<vmem>>) semaphore(%arg16 : memref<!tpu.dma_semaphore, #tpu.memory_space<semaphore_mem>>) {add = true}
      %get3A_246 = arith.constant 1 : i32
      %get3A_247 = arith.index_cast %get3A_246 : i32 to index
      %get3A_248 = arith.constant 0 : index
      %get3A_249 = tpu.vector_load %arg10[%get3A_247, %get3A_248] {strides = array<i32>} : memref<4x128xi32, #tpu.memory_space<vmem>>, vector<16xi32>,
      tpu.vector_store_idx %arg12[%get3A_249], %broadcast_in_dim3A_1 {add = true} : memref<10112xf32, #tpu.memory_space<vmem>>[vector<16xi32>], vector<16xf32>,
      %get3A_250 = arith.constant 1 : i32
      %get3A_251 = arith.index_cast %get3A_250 : i32 to index
      %get3A_252 = arith.constant 16 : index
      %get3A_253 = tpu.vector_load %arg10[%get3A_251, %get3A_252] {strides = array<i32>} : memref<4x128xi32, #tpu.memory_space<vmem>>, vector<16xi32>,
      tpu.vector_store_idx %arg12[%get3A_253], %broadcast_in_dim3A_1 {add = true} : memref<10112xf32, #tpu.memory_space<vmem>>[vector<16xi32>], vector<16xf32>,
      %get3A_254 = arith.constant 1 : i32
      %get3A_255 = arith.index_cast %get3A_254 : i32 to index
      %get3A_256 = arith.constant 32 : index
      %get3A_257 = tpu.vector_load %arg10[%get3A_255, %get3A_256] {strides = array<i32>} : memref<4x128xi32, #tpu.memory_space<vmem>>, vector<16xi32>,
      tpu.vector_store_idx %arg12[%get3A_257], %broadcast_in_dim3A_1 {add = true} : memref<10112xf32, #tpu.memory_space<vmem>>[vector<16xi32>], vector<16xf32>,
      %get3A_258 = arith.constant 1 : i32
      %get3A_259 = arith.index_cast %get3A_258 : i32 to index
      %get3A_260 = arith.constant 48 : index
      %get3A_261 = tpu.vector_load %arg10[%get3A_259, %get3A_260] {strides = array<i32>} : memref<4x128xi32, #tpu.memory_space<vmem>>, vector<16xi32>,
      tpu.vector_store_idx %arg12[%get3A_261], %broadcast_in_dim3A_1 {add = true} : memref<10112xf32, #tpu.memory_space<vmem>>[vector<16xi32>], vector<16xf32>,
      %get3A_262 = arith.constant 1 : i32
      %get3A_263 = arith.index_cast %get3A_262 : i32 to index
      %get3A_264 = arith.constant 64 : index
      %get3A_265 = tpu.vector_load %arg10[%get3A_263, %get3A_264] {strides = array<i32>} : memref<4x128xi32, #tpu.memory_space<vmem>>, vector<16xi32>,
      tpu.vector_store_idx %arg12[%get3A_265], %broadcast_in_dim3A_1 {add = true} : memref<10112xf32, #tpu.memory_space<vmem>>[vector<16xi32>], vector<16xf32>,
      %get3A_266 = arith.constant 1 : i32
      %get3A_267 = arith.index_cast %get3A_266 : i32 to index
      %get3A_268 = arith.constant 80 : index
      %get3A_269 = tpu.vector_load %arg10[%get3A_267, %get3A_268] {strides = array<i32>} : memref<4x128xi32, #tpu.memory_space<vmem>>, vector<16xi32>,
      tpu.vector_store_idx %arg12[%get3A_269], %broadcast_in_dim3A_1 {add = true} : memref<10112xf32, #tpu.memory_space<vmem>>[vector<16xi32>], vector<16xf32>,
      %get3A_270 = arith.constant 1 : i32
      %get3A_271 = arith.index_cast %get3A_270 : i32 to index
      %get3A_272 = arith.constant 96 : index
      %get3A_273 = tpu.vector_load %arg10[%get3A_271, %get3A_272] {strides = array<i32>} : memref<4x128xi32, #tpu.memory_space<vmem>>, vector<16xi32>,
      tpu.vector_store_idx %arg12[%get3A_273], %broadcast_in_dim3A_1 {add = true} : memref<10112xf32, #tpu.memory_space<vmem>>[vector<16xi32>], vector<16xf32>,
      %get3A_274 = arith.constant 1 : i32
      %get3A_275 = arith.index_cast %get3A_274 : i32 to index
      %get3A_276 = arith.constant 112 : index
      %get3A_277 = tpu.vector_load %arg10[%get3A_275, %get3A_276] {strides = array<i32>} : memref<4x128xi32, #tpu.memory_space<vmem>>, vector<16xi32>,
      tpu.vector_store_idx %arg12[%get3A_277], %broadcast_in_dim3A_1 {add = true} : memref<10112xf32, #tpu.memory_space<vmem>>[vector<16xi32>], vector<16xf32>,
      %ge3A_278 = arith.constant 1 : i32
      %ge3A_279 = arith.cmpi sge, %add3A_221, %ge3A_278 : i32
      %convert_element_type3A_280 = arith.extui %ge3A_279 : i1 to i32
      %cond3A_281 = arith.constant 0 : i32
      %cond3A_282 = arith.cmpi ne, %convert_element_type3A_280, %cond3A_281 : i32
      scf.if %cond3A_282 {
        %dma_wait3A_451 = arith.constant 0 : i32
        %dma_wait3A_452 = arith.constant 0 : i32
        %dma_wait3A_453 = arith.constant 0 : i32
        %dma_wait3A_454 = arith.constant 0 : i32
        %dma_wait3A_455 = tpu.memref_slice %arg11[%dma_wait3A_451, %dma_wait3A_453, %dma_wait3A_454] : memref<2x128x128xf32, #tpu.memory_space<vmem>> -> memref<1x128x128xf32, #tpu.memory_space<vmem>>
        %dma_wait3A_456 = tpu.memref_squeeze %dma_wait3A_455 : memref<1x128x128xf32, #tpu.memory_space<vmem>> -> memref<128x128xf32, #tpu.memory_space<vmem>>
        %dma_wait3A_457 = arith.constant 0 : i32
        %dma_wait3A_458 = tpu.memref_slice %arg10[%dma_wait3A_452, %dma_wait3A_457] : memref<4x128xi32, #tpu.memory_space<vmem>> -> memref<1x128xi32, #tpu.memory_space<vmem>>
        %dma_wait3A_459 = tpu.memref_squeeze %dma_wait3A_458 : memref<1x128xi32, #tpu.memory_space<vmem>> -> memref<128xi32, #tpu.memory_space<vmem>>
        %dma_wait3A_460 = arith.constant 0 : i32
        %dma_wait3A_461 = arith.constant 0 : i32
        %dma_wait3A_462 = tpu.memref_slice %arg13[%dma_wait3A_460, %dma_wait3A_461] : memref<10112x128xf32, #tpu.memory_space<vmem_shared>> -> memref<10112x128xf32, #tpu.memory_space<vmem_shared>>
        tpu.wait_indirect_dma semaphore(%arg16 : memref<!tpu.dma_semaphore, #tpu.memory_space<semaphore_mem>>) src(%dma_wait3A_456 : memref<128x128xf32, #tpu.memory_space<vmem>>) dst(%dma_wait3A_462 : memref<10112x128xf32, #tpu.memory_space<vmem_shared>>)
      } else {
      }
      %add3A_283 = arith.constant 1 : i32
      %add3A_284 = arith.addi %add3A_221, %add3A_283 : i32
      %lt3A_285 = arith.cmpi slt, %add3A_284, %select_n3A_4 : i32
      %convert_element_type3A_286 = arith.extui %lt3A_285 : i1 to i32
      %cond3A_287 = arith.constant 0 : i32
      %cond3A_288 = arith.cmpi ne, %convert_element_type3A_286, %cond3A_287 : i32
      scf.if %cond3A_288 {
        %dma_wait3A_451 = arith.constant 2 : i32
        %dma_wait3A_452 = arith.constant 0 : i32
        %dma_wait3A_453 = tpu.memref_slice %arg9[%dma_wait3A_451, %dma_wait3A_452] : memref<4x128xi32, #tpu.memory_space<vmem>> -> memref<1x128xi32, #tpu.memory_space<vmem>>
        %dma_wait3A_454 = tpu.memref_squeeze %dma_wait3A_453 : memref<1x128xi32, #tpu.memory_space<vmem>> -> memref<128xi32, #tpu.memory_space<vmem>>
        %dma_wait3A_455 = arith.constant 0 : i32
        %dma_wait3A_456 = tpu.memref_slice %arg3[%dma_wait3A_455] : memref<327680xi32, #tpu.memory_space<hbm>> -> memref<128xi32, #tpu.memory_space<hbm>>
        %dma_wait3A_457 = arith.constant 0 : i32
        %dma_wait3A_458 = tpu.memref_slice %arg9[%dma_wait3A_451, %dma_wait3A_457] : memref<4x128xi32, #tpu.memory_space<vmem>> -> memref<1x128xi32, #tpu.memory_space<vmem>>
        %dma_wait3A_459 = tpu.memref_squeeze %dma_wait3A_458 : memref<1x128xi32, #tpu.memory_space<vmem>> -> memref<128xi32, #tpu.memory_space<vmem>>
        %dma_wait3A_460 = arith.constant 0 : i32
        %dma_wait3A_461 = tpu.memref_slice %arg3[%dma_wait3A_460] : memref<327680xi32, #tpu.memory_space<hbm>> -> memref<128xi32, #tpu.memory_space<hbm>>
        tpu.wait_dma2 semaphore(%arg14 : memref<!tpu.dma_semaphore, #tpu.memory_space<semaphore_mem>>) src(%dma_wait3A_461 : memref<128xi32, #tpu.memory_space<hbm>>) dst(%dma_wait3A_459 : memref<128xi32, #tpu.memory_space<vmem>>)
        %dma_wait3A_462 = arith.constant 2 : i32
        %dma_wait3A_463 = arith.constant 0 : i32
        %dma_wait3A_464 = tpu.memref_slice %arg10[%dma_wait3A_462, %dma_wait3A_463] : memref<4x128xi32, #tpu.memory_space<vmem>> -> memref<1x128xi32, #tpu.memory_space<vmem>>
        %dma_wait3A_465 = tpu.memref_squeeze %dma_wait3A_464 : memref<1x128xi32, #tpu.memory_space<vmem>> -> memref<128xi32, #tpu.memory_space<vmem>>
        %dma_wait3A_466 = arith.constant 0 : i32
        %dma_wait3A_467 = tpu.memref_slice %arg4[%dma_wait3A_466] : memref<327680xi32, #tpu.memory_space<hbm>> -> memref<128xi32, #tpu.memory_space<hbm>>
        %dma_wait3A_468 = arith.constant 0 : i32
        %dma_wait3A_469 = tpu.memref_slice %arg10[%dma_wait3A_462, %dma_wait3A_468] : memref<4x128xi32, #tpu.memory_space<vmem>> -> memref<1x128xi32, #tpu.memory_space<vmem>>
        %dma_wait3A_470 = tpu.memref_squeeze %dma_wait3A_469 : memref<1x128xi32, #tpu.memory_space<vmem>> -> memref<128xi32, #tpu.memory_space<vmem>>
        %dma_wait3A_471 = arith.constant 0 : i32
        %dma_wait3A_472 = tpu.memref_slice %arg4[%dma_wait3A_471] : memref<327680xi32, #tpu.memory_space<hbm>> -> memref<128xi32, #tpu.memory_space<hbm>>
        tpu.wait_dma2 semaphore(%arg14 : memref<!tpu.dma_semaphore, #tpu.memory_space<semaphore_mem>>) src(%dma_wait3A_472 : memref<128xi32, #tpu.memory_space<hbm>>) dst(%dma_wait3A_470 : memref<128xi32, #tpu.memory_space<vmem>>)
        %dma_start3A_473 = arith.constant 2 : i32
        %dma_start3A_474 = arith.constant 0 : i32
        %dma_start3A_475 = arith.constant 0 : i32
        %dma_start3A_476 = arith.constant 0 : i32
        %dma_start3A_477 = tpu.memref_slice %arg11[%dma_start3A_474, %dma_start3A_475, %dma_start3A_476] : memref<2x128x128xf32, #tpu.memory_space<vmem>> -> memref<1x128x128xf32, #tpu.memory_space<vmem>>
        %dma_start3A_478 = tpu.memref_squeeze %dma_start3A_477 : memref<1x128x128xf32, #tpu.memory_space<vmem>> -> memref<128x128xf32, #tpu.memory_space<vmem>>
        %dma_start3A_479 = arith.constant 0 : i32
        %dma_start3A_480 = tpu.memref_slice %arg9[%dma_start3A_473, %dma_start3A_479] : memref<4x128xi32, #tpu.memory_space<vmem>> -> memref<1x128xi32, #tpu.memory_space<vmem>>
        %dma_start3A_481 = tpu.memref_squeeze %dma_start3A_480 : memref<1x128xi32, #tpu.memory_space<vmem>> -> memref<128xi32, #tpu.memory_space<vmem>>
        %dma_start3A_482 = arith.constant 0 : i32
        %dma_start3A_483 = arith.constant 0 : i32
        %dma_start3A_484 = tpu.memref_slice %arg2[%dma_start3A_482, %dma_start3A_483] : memref<10000x128xf32, #tpu.memory_space<hbm>> -> memref<10000x128xf32, #tpu.memory_space<hbm>>
        tpu.enqueue_indirect_dma source(%dma_start3A_484 : memref<10000x128xf32, #tpu.memory_space<hbm>>) target(%dma_start3A_478 : memref<128x128xf32, #tpu.memory_space<vmem>>) offsets(%dma_start3A_481 : memref<128xi32, #tpu.memory_space<vmem>>) semaphore(%arg15 : memref<!tpu.dma_semaphore, #tpu.memory_space<semaphore_mem>>)
      } else {
      }
      %add3A_289 = arith.constant 4 : i32
      %add3A_290 = arith.addi %add3A_221, %add3A_289 : i32
      %sub3A_291 = arith.constant 1 : i32
      %sub3A_292 = arith.subi %add3A_290, %sub3A_291 : i32
      %lt3A_293 = arith.cmpi slt, %sub3A_292, %select_n3A_4 : i32
      %convert_element_type3A_294 = arith.extui %lt3A_293 : i1 to i32
      %cond3A_295 = arith.constant 0 : i32
      %cond3A_296 = arith.cmpi ne, %convert_element_type3A_294, %cond3A_295 : i32
      scf.if %cond3A_296 {
        %add3A_451 = arith.constant 4 : i32
        %add3A_452 = arith.addi %add3A_221, %add3A_451 : i32
        %sub3A_453 = arith.constant 1 : i32
        %sub3A_454 = arith.subi %add3A_452, %sub3A_453 : i32
        %mul3A_455 = arith.constant 128 : i32
        %mul3A_456 = arith.muli %sub3A_454, %mul3A_455 : i32
        %add3A_457 = arith.addi %mul3A_15, %mul3A_456 : i32
        %dma_start3A_458 = arith.constant 0 : i32
        %dma_start3A_459 = arith.constant 0 : i32
        %dma_start3A_460 = tpu.memref_slice %arg9[%dma_start3A_458, %dma_start3A_459] : memref<4x128xi32, #tpu.memory_space<vmem>> -> memref<1x128xi32, #tpu.memory_space<vmem>>
        %dma_start3A_461 = tpu.memref_squeeze %dma_start3A_460 : memref<1x128xi32, #tpu.memory_space<vmem>> -> memref<128xi32, #tpu.memory_space<vmem>>
        %dma_start3A_462 = tpu.memref_slice %arg3[%add3A_457] : memref<327680xi32, #tpu.memory_space<hbm>> -> memref<128xi32, #tpu.memory_space<hbm>>
        %dma_start3A_463 = arith.constant 0 : i32
        %dma_start3A_464 = tpu.memref_slice %arg9[%dma_start3A_458, %dma_start3A_463] : memref<4x128xi32, #tpu.memory_space<vmem>> -> memref<1x128xi32, #tpu.memory_space<vmem>>
        %dma_start3A_465 = tpu.memref_squeeze %dma_start3A_464 : memref<1x128xi32, #tpu.memory_space<vmem>> -> memref<128xi32, #tpu.memory_space<vmem>>
        %dma_start3A_466 = tpu.memref_slice %arg3[%add3A_457] : memref<327680xi32, #tpu.memory_space<hbm>> -> memref<128xi32, #tpu.memory_space<hbm>>
        tpu.enqueue_dma source(%dma_start3A_466 : memref<128xi32, #tpu.memory_space<hbm>>) target(%dma_start3A_465 : memref<128xi32, #tpu.memory_space<vmem>>) target_semaphore(%arg14 : memref<!tpu.dma_semaphore, #tpu.memory_space<semaphore_mem>>)
        %dma_start3A_467 = arith.constant 0 : i32
        %dma_start3A_468 = arith.constant 0 : i32
        %dma_start3A_469 = tpu.memref_slice %arg10[%dma_start3A_467, %dma_start3A_468] : memref<4x128xi32, #tpu.memory_space<vmem>> -> memref<1x128xi32, #tpu.memory_space<vmem>>
        %dma_start3A_470 = tpu.memref_squeeze %dma_start3A_469 : memref<1x128xi32, #tpu.memory_space<vmem>> -> memref<128xi32, #tpu.memory_space<vmem>>
        %dma_start3A_471 = tpu.memref_slice %arg4[%add3A_457] : memref<327680xi32, #tpu.memory_space<hbm>> -> memref<128xi32, #tpu.memory_space<hbm>>
        %dma_start3A_472 = arith.constant 0 : i32
        %dma_start3A_473 = tpu.memref_slice %arg10[%dma_start3A_467, %dma_start3A_472] : memref<4x128xi32, #tpu.memory_space<vmem>> -> memref<1x128xi32, #tpu.memory_space<vmem>>
        %dma_start3A_474 = tpu.memref_squeeze %dma_start3A_473 : memref<1x128xi32, #tpu.memory_space<vmem>> -> memref<128xi32, #tpu.memory_space<vmem>>
        %dma_start3A_475 = tpu.memref_slice %arg4[%add3A_457] : memref<327680xi32, #tpu.memory_space<hbm>> -> memref<128xi32, #tpu.memory_space<hbm>>
        tpu.enqueue_dma source(%dma_start3A_475 : memref<128xi32, #tpu.memory_space<hbm>>) target(%dma_start3A_474 : memref<128xi32, #tpu.memory_space<vmem>>) target_semaphore(%arg14 : memref<!tpu.dma_semaphore, #tpu.memory_space<semaphore_mem>>)
      } else {
      }
      %add3A_297 = arith.constant 2 : i32
      %add3A_298 = arith.addi %add3A_147, %add3A_297 : i32
      %dma_wait3A_299 = arith.constant 0 : i32
      %dma_wait3A_300 = arith.constant 0 : i32
      %dma_wait3A_301 = arith.constant 0 : i32
      %dma_wait3A_302 = arith.constant 0 : i32
      %dma_wait3A_303 = tpu.memref_slice %arg11[%dma_wait3A_300, %dma_wait3A_301, %dma_wait3A_302] : memref<2x128x128xf32, #tpu.memory_space<vmem>> -> memref<1x128x128xf32, #tpu.memory_space<vmem>>
      %dma_wait3A_304 = tpu.memref_squeeze %dma_wait3A_303 : memref<1x128x128xf32, #tpu.memory_space<vmem>> -> memref<128x128xf32, #tpu.memory_space<vmem>>
      %dma_wait3A_305 = arith.constant 0 : i32
      %dma_wait3A_306 = tpu.memref_slice %arg9[%dma_wait3A_299, %dma_wait3A_305] : memref<4x128xi32, #tpu.memory_space<vmem>> -> memref<1x128xi32, #tpu.memory_space<vmem>>
      %dma_wait3A_307 = tpu.memref_squeeze %dma_wait3A_306 : memref<1x128xi32, #tpu.memory_space<vmem>> -> memref<128xi32, #tpu.memory_space<vmem>>
      %dma_wait3A_308 = arith.constant 0 : i32
      %dma_wait3A_309 = arith.constant 0 : i32
      %dma_wait3A_310 = tpu.memref_slice %arg2[%dma_wait3A_308, %dma_wait3A_309] : memref<10000x128xf32, #tpu.memory_space<hbm>> -> memref<10000x128xf32, #tpu.memory_space<hbm>>
      tpu.wait_indirect_dma semaphore(%arg15 : memref<!tpu.dma_semaphore, #tpu.memory_space<semaphore_mem>>) src(%dma_wait3A_310 : memref<10000x128xf32, #tpu.memory_space<hbm>>) dst(%dma_wait3A_304 : memref<128x128xf32, #tpu.memory_space<vmem>>)
      %dma_start3A_311 = arith.constant 0 : i32
      %dma_start3A_312 = arith.constant 2 : i32
      %dma_start3A_313 = arith.constant 0 : i32
      %dma_start3A_314 = arith.constant 0 : i32
      %dma_start3A_315 = tpu.memref_slice %arg11[%dma_start3A_311, %dma_start3A_313, %dma_start3A_314] : memref<2x128x128xf32, #tpu.memory_space<vmem>> -> memref<1x128x128xf32, #tpu.memory_space<vmem>>
      %dma_start3A_316 = tpu.memref_squeeze %dma_start3A_315 : memref<1x128x128xf32, #tpu.memory_space<vmem>> -> memref<128x128xf32, #tpu.memory_space<vmem>>
      %dma_start3A_317 = arith.constant 0 : i32
      %dma_start3A_318 = tpu.memref_slice %arg10[%dma_start3A_312, %dma_start3A_317] : memref<4x128xi32, #tpu.memory_space<vmem>> -> memref<1x128xi32, #tpu.memory_space<vmem>>
      %dma_start3A_319 = tpu.memref_squeeze %dma_start3A_318 : memref<1x128xi32, #tpu.memory_space<vmem>> -> memref<128xi32, #tpu.memory_space<vmem>>
      %dma_start3A_320 = arith.constant 0 : i32
      %dma_start3A_321 = arith.constant 0 : i32
      %dma_start3A_322 = tpu.memref_slice %arg13[%dma_start3A_320, %dma_start3A_321] : memref<10112x128xf32, #tpu.memory_space<vmem_shared>> -> memref<10112x128xf32, #tpu.memory_space<vmem_shared>>
      tpu.enqueue_indirect_dma source(%dma_start3A_316 : memref<128x128xf32, #tpu.memory_space<vmem>>) target(%dma_start3A_322 : memref<10112x128xf32, #tpu.memory_space<vmem_shared>>) offsets(%dma_start3A_319 : memref<128xi32, #tpu.memory_space<vmem>>) semaphore(%arg16 : memref<!tpu.dma_semaphore, #tpu.memory_space<semaphore_mem>>) {add = true}
      %get3A_323 = arith.constant 2 : i32
      %get3A_324 = arith.index_cast %get3A_323 : i32 to index
      %get3A_325 = arith.constant 0 : index
      %get3A_326 = tpu.vector_load %arg10[%get3A_324, %get3A_325] {strides = array<i32>} : memref<4x128xi32, #tpu.memory_space<vmem>>, vector<16xi32>,
      tpu.vector_store_idx %arg12[%get3A_326], %broadcast_in_dim3A_1 {add = true} : memref<10112xf32, #tpu.memory_space<vmem>>[vector<16xi32>], vector<16xf32>,
      %get3A_327 = arith.constant 2 : i32
      %get3A_328 = arith.index_cast %get3A_327 : i32 to index
      %get3A_329 = arith.constant 16 : index
      %get3A_330 = tpu.vector_load %arg10[%get3A_328, %get3A_329] {strides = array<i32>} : memref<4x128xi32, #tpu.memory_space<vmem>>, vector<16xi32>,
      tpu.vector_store_idx %arg12[%get3A_330], %broadcast_in_dim3A_1 {add = true} : memref<10112xf32, #tpu.memory_space<vmem>>[vector<16xi32>], vector<16xf32>,
      %get3A_331 = arith.constant 2 : i32
      %get3A_332 = arith.index_cast %get3A_331 : i32 to index
      %get3A_333 = arith.constant 32 : index
      %get3A_334 = tpu.vector_load %arg10[%get3A_332, %get3A_333] {strides = array<i32>} : memref<4x128xi32, #tpu.memory_space<vmem>>, vector<16xi32>,
      tpu.vector_store_idx %arg12[%get3A_334], %broadcast_in_dim3A_1 {add = true} : memref<10112xf32, #tpu.memory_space<vmem>>[vector<16xi32>], vector<16xf32>,
      %get3A_335 = arith.constant 2 : i32
      %get3A_336 = arith.index_cast %get3A_335 : i32 to index
      %get3A_337 = arith.constant 48 : index
      %get3A_338 = tpu.vector_load %arg10[%get3A_336, %get3A_337] {strides = array<i32>} : memref<4x128xi32, #tpu.memory_space<vmem>>, vector<16xi32>,
      tpu.vector_store_idx %arg12[%get3A_338], %broadcast_in_dim3A_1 {add = true} : memref<10112xf32, #tpu.memory_space<vmem>>[vector<16xi32>], vector<16xf32>,
      %get3A_339 = arith.constant 2 : i32
      %get3A_340 = arith.index_cast %get3A_339 : i32 to index
      %get3A_341 = arith.constant 64 : index
      %get3A_342 = tpu.vector_load %arg10[%get3A_340, %get3A_341] {strides = array<i32>} : memref<4x128xi32, #tpu.memory_space<vmem>>, vector<16xi32>,
      tpu.vector_store_idx %arg12[%get3A_342], %broadcast_in_dim3A_1 {add = true} : memref<10112xf32, #tpu.memory_space<vmem>>[vector<16xi32>], vector<16xf32>,
      %get3A_343 = arith.constant 2 : i32
      %get3A_344 = arith.index_cast %get3A_343 : i32 to index
      %get3A_345 = arith.constant 80 : index
      %get3A_346 = tpu.vector_load %arg10[%get3A_344, %get3A_345] {strides = array<i32>} : memref<4x128xi32, #tpu.memory_space<vmem>>, vector<16xi32>,
      tpu.vector_store_idx %arg12[%get3A_346], %broadcast_in_dim3A_1 {add = true} : memref<10112xf32, #tpu.memory_space<vmem>>[vector<16xi32>], vector<16xf32>,
      %get3A_347 = arith.constant 2 : i32
      %get3A_348 = arith.index_cast %get3A_347 : i32 to index
      %get3A_349 = arith.constant 96 : index
      %get3A_350 = tpu.vector_load %arg10[%get3A_348, %get3A_349] {strides = array<i32>} : memref<4x128xi32, #tpu.memory_space<vmem>>, vector<16xi32>,
      tpu.vector_store_idx %arg12[%get3A_350], %broadcast_in_dim3A_1 {add = true} : memref<10112xf32, #tpu.memory_space<vmem>>[vector<16xi32>], vector<16xf32>,
      %get3A_351 = arith.constant 2 : i32
      %get3A_352 = arith.index_cast %get3A_351 : i32 to index
      %get3A_353 = arith.constant 112 : index
      %get3A_354 = tpu.vector_load %arg10[%get3A_352, %get3A_353] {strides = array<i32>} : memref<4x128xi32, #tpu.memory_space<vmem>>, vector<16xi32>,
      tpu.vector_store_idx %arg12[%get3A_354], %broadcast_in_dim3A_1 {add = true} : memref<10112xf32, #tpu.memory_space<vmem>>[vector<16xi32>], vector<16xf32>,
      %ge3A_355 = arith.constant 1 : i32
      %ge3A_356 = arith.cmpi sge, %add3A_298, %ge3A_355 : i32
      %convert_element_type3A_357 = arith.extui %ge3A_356 : i1 to i32
      %cond3A_358 = arith.constant 0 : i32
      %cond3A_359 = arith.cmpi ne, %convert_element_type3A_357, %cond3A_358 : i32
      scf.if %cond3A_359 {
        %dma_wait3A_451 = arith.constant 1 : i32
        %dma_wait3A_452 = arith.constant 0 : i32
        %dma_wait3A_453 = arith.constant 0 : i32
        %dma_wait3A_454 = arith.constant 0 : i32
        %dma_wait3A_455 = tpu.memref_slice %arg11[%dma_wait3A_451, %dma_wait3A_453, %dma_wait3A_454] : memref<2x128x128xf32, #tpu.memory_space<vmem>> -> memref<1x128x128xf32, #tpu.memory_space<vmem>>
        %dma_wait3A_456 = tpu.memref_squeeze %dma_wait3A_455 : memref<1x128x128xf32, #tpu.memory_space<vmem>> -> memref<128x128xf32, #tpu.memory_space<vmem>>
        %dma_wait3A_457 = arith.constant 0 : i32
        %dma_wait3A_458 = tpu.memref_slice %arg10[%dma_wait3A_452, %dma_wait3A_457] : memref<4x128xi32, #tpu.memory_space<vmem>> -> memref<1x128xi32, #tpu.memory_space<vmem>>
        %dma_wait3A_459 = tpu.memref_squeeze %dma_wait3A_458 : memref<1x128xi32, #tpu.memory_space<vmem>> -> memref<128xi32, #tpu.memory_space<vmem>>
        %dma_wait3A_460 = arith.constant 0 : i32
        %dma_wait3A_461 = arith.constant 0 : i32
        %dma_wait3A_462 = tpu.memref_slice %arg13[%dma_wait3A_460, %dma_wait3A_461] : memref<10112x128xf32, #tpu.memory_space<vmem_shared>> -> memref<10112x128xf32, #tpu.memory_space<vmem_shared>>
        tpu.wait_indirect_dma semaphore(%arg16 : memref<!tpu.dma_semaphore, #tpu.memory_space<semaphore_mem>>) src(%dma_wait3A_456 : memref<128x128xf32, #tpu.memory_space<vmem>>) dst(%dma_wait3A_462 : memref<10112x128xf32, #tpu.memory_space<vmem_shared>>)
      } else {
      }
      %add3A_360 = arith.constant 1 : i32
      %add3A_361 = arith.addi %add3A_298, %add3A_360 : i32
      %lt3A_362 = arith.cmpi slt, %add3A_361, %select_n3A_4 : i32
      %convert_element_type3A_363 = arith.extui %lt3A_362 : i1 to i32
      %cond3A_364 = arith.constant 0 : i32
      %cond3A_365 = arith.cmpi ne, %convert_element_type3A_363, %cond3A_364 : i32
      scf.if %cond3A_365 {
        %dma_wait3A_451 = arith.constant 3 : i32
        %dma_wait3A_452 = arith.constant 0 : i32
        %dma_wait3A_453 = tpu.memref_slice %arg9[%dma_wait3A_451, %dma_wait3A_452] : memref<4x128xi32, #tpu.memory_space<vmem>> -> memref<1x128xi32, #tpu.memory_space<vmem>>
        %dma_wait3A_454 = tpu.memref_squeeze %dma_wait3A_453 : memref<1x128xi32, #tpu.memory_space<vmem>> -> memref<128xi32, #tpu.memory_space<vmem>>
        %dma_wait3A_455 = arith.constant 0 : i32
        %dma_wait3A_456 = tpu.memref_slice %arg3[%dma_wait3A_455] : memref<327680xi32, #tpu.memory_space<hbm>> -> memref<128xi32, #tpu.memory_space<hbm>>
        %dma_wait3A_457 = arith.constant 0 : i32
        %dma_wait3A_458 = tpu.memref_slice %arg9[%dma_wait3A_451, %dma_wait3A_457] : memref<4x128xi32, #tpu.memory_space<vmem>> -> memref<1x128xi32, #tpu.memory_space<vmem>>
        %dma_wait3A_459 = tpu.memref_squeeze %dma_wait3A_458 : memref<1x128xi32, #tpu.memory_space<vmem>> -> memref<128xi32, #tpu.memory_space<vmem>>
        %dma_wait3A_460 = arith.constant 0 : i32
        %dma_wait3A_461 = tpu.memref_slice %arg3[%dma_wait3A_460] : memref<327680xi32, #tpu.memory_space<hbm>> -> memref<128xi32, #tpu.memory_space<hbm>>
        tpu.wait_dma2 semaphore(%arg14 : memref<!tpu.dma_semaphore, #tpu.memory_space<semaphore_mem>>) src(%dma_wait3A_461 : memref<128xi32, #tpu.memory_space<hbm>>) dst(%dma_wait3A_459 : memref<128xi32, #tpu.memory_space<vmem>>)
        %dma_wait3A_462 = arith.constant 3 : i32
        %dma_wait3A_463 = arith.constant 0 : i32
        %dma_wait3A_464 = tpu.memref_slice %arg10[%dma_wait3A_462, %dma_wait3A_463] : memref<4x128xi32, #tpu.memory_space<vmem>> -> memref<1x128xi32, #tpu.memory_space<vmem>>
        %dma_wait3A_465 = tpu.memref_squeeze %dma_wait3A_464 : memref<1x128xi32, #tpu.memory_space<vmem>> -> memref<128xi32, #tpu.memory_space<vmem>>
        %dma_wait3A_466 = arith.constant 0 : i32
        %dma_wait3A_467 = tpu.memref_slice %arg4[%dma_wait3A_466] : memref<327680xi32, #tpu.memory_space<hbm>> -> memref<128xi32, #tpu.memory_space<hbm>>
        %dma_wait3A_468 = arith.constant 0 : i32
        %dma_wait3A_469 = tpu.memref_slice %arg10[%dma_wait3A_462, %dma_wait3A_468] : memref<4x128xi32, #tpu.memory_space<vmem>> -> memref<1x128xi32, #tpu.memory_space<vmem>>
        %dma_wait3A_470 = tpu.memref_squeeze %dma_wait3A_469 : memref<1x128xi32, #tpu.memory_space<vmem>> -> memref<128xi32, #tpu.memory_space<vmem>>
        %dma_wait3A_471 = arith.constant 0 : i32
        %dma_wait3A_472 = tpu.memref_slice %arg4[%dma_wait3A_471] : memref<327680xi32, #tpu.memory_space<hbm>> -> memref<128xi32, #tpu.memory_space<hbm>>
        tpu.wait_dma2 semaphore(%arg14 : memref<!tpu.dma_semaphore, #tpu.memory_space<semaphore_mem>>) src(%dma_wait3A_472 : memref<128xi32, #tpu.memory_space<hbm>>) dst(%dma_wait3A_470 : memref<128xi32, #tpu.memory_space<vmem>>)
        %dma_start3A_473 = arith.constant 3 : i32
        %dma_start3A_474 = arith.constant 1 : i32
        %dma_start3A_475 = arith.constant 0 : i32
        %dma_start3A_476 = arith.constant 0 : i32
        %dma_start3A_477 = tpu.memref_slice %arg11[%dma_start3A_474, %dma_start3A_475, %dma_start3A_476] : memref<2x128x128xf32, #tpu.memory_space<vmem>> -> memref<1x128x128xf32, #tpu.memory_space<vmem>>
        %dma_start3A_478 = tpu.memref_squeeze %dma_start3A_477 : memref<1x128x128xf32, #tpu.memory_space<vmem>> -> memref<128x128xf32, #tpu.memory_space<vmem>>
        %dma_start3A_479 = arith.constant 0 : i32
        %dma_start3A_480 = tpu.memref_slice %arg9[%dma_start3A_473, %dma_start3A_479] : memref<4x128xi32, #tpu.memory_space<vmem>> -> memref<1x128xi32, #tpu.memory_space<vmem>>
        %dma_start3A_481 = tpu.memref_squeeze %dma_start3A_480 : memref<1x128xi32, #tpu.memory_space<vmem>> -> memref<128xi32, #tpu.memory_space<vmem>>
        %dma_start3A_482 = arith.constant 0 : i32
        %dma_start3A_483 = arith.constant 0 : i32
        %dma_start3A_484 = tpu.memref_slice %arg2[%dma_start3A_482, %dma_start3A_483] : memref<10000x128xf32, #tpu.memory_space<hbm>> -> memref<10000x128xf32, #tpu.memory_space<hbm>>
        tpu.enqueue_indirect_dma source(%dma_start3A_484 : memref<10000x128xf32, #tpu.memory_space<hbm>>) target(%dma_start3A_478 : memref<128x128xf32, #tpu.memory_space<vmem>>) offsets(%dma_start3A_481 : memref<128xi32, #tpu.memory_space<vmem>>) semaphore(%arg15 : memref<!tpu.dma_semaphore, #tpu.memory_space<semaphore_mem>>)
      } else {
      }
      %add3A_366 = arith.constant 4 : i32
      %add3A_367 = arith.addi %add3A_298, %add3A_366 : i32
      %sub3A_368 = arith.constant 1 : i32
      %sub3A_369 = arith.subi %add3A_367, %sub3A_368 : i32
      %lt3A_370 = arith.cmpi slt, %sub3A_369, %select_n3A_4 : i32
      %convert_element_type3A_371 = arith.extui %lt3A_370 : i1 to i32
      %cond3A_372 = arith.constant 0 : i32
      %cond3A_373 = arith.cmpi ne, %convert_element_type3A_371, %cond3A_372 : i32
      scf.if %cond3A_373 {
        %add3A_451 = arith.constant 4 : i32
        %add3A_452 = arith.addi %add3A_298, %add3A_451 : i32
        %sub3A_453 = arith.constant 1 : i32
        %sub3A_454 = arith.subi %add3A_452, %sub3A_453 : i32
        %mul3A_455 = arith.constant 128 : i32
        %mul3A_456 = arith.muli %sub3A_454, %mul3A_455 : i32
        %add3A_457 = arith.addi %mul3A_15, %mul3A_456 : i32
        %dma_start3A_458 = arith.constant 1 : i32
        %dma_start3A_459 = arith.constant 0 : i32
        %dma_start3A_460 = tpu.memref_slice %arg9[%dma_start3A_458, %dma_start3A_459] : memref<4x128xi32, #tpu.memory_space<vmem>> -> memref<1x128xi32, #tpu.memory_space<vmem>>
        %dma_start3A_461 = tpu.memref_squeeze %dma_start3A_460 : memref<1x128xi32, #tpu.memory_space<vmem>> -> memref<128xi32, #tpu.memory_space<vmem>>
        %dma_start3A_462 = tpu.memref_slice %arg3[%add3A_457] : memref<327680xi32, #tpu.memory_space<hbm>> -> memref<128xi32, #tpu.memory_space<hbm>>
        %dma_start3A_463 = arith.constant 0 : i32
        %dma_start3A_464 = tpu.memref_slice %arg9[%dma_start3A_458, %dma_start3A_463] : memref<4x128xi32, #tpu.memory_space<vmem>> -> memref<1x128xi32, #tpu.memory_space<vmem>>
        %dma_start3A_465 = tpu.memref_squeeze %dma_start3A_464 : memref<1x128xi32, #tpu.memory_space<vmem>> -> memref<128xi32, #tpu.memory_space<vmem>>
        %dma_start3A_466 = tpu.memref_slice %arg3[%add3A_457] : memref<327680xi32, #tpu.memory_space<hbm>> -> memref<128xi32, #tpu.memory_space<hbm>>
        tpu.enqueue_dma source(%dma_start3A_466 : memref<128xi32, #tpu.memory_space<hbm>>) target(%dma_start3A_465 : memref<128xi32, #tpu.memory_space<vmem>>) target_semaphore(%arg14 : memref<!tpu.dma_semaphore, #tpu.memory_space<semaphore_mem>>)
        %dma_start3A_467 = arith.constant 1 : i32
        %dma_start3A_468 = arith.constant 0 : i32
        %dma_start3A_469 = tpu.memref_slice %arg10[%dma_start3A_467, %dma_start3A_468] : memref<4x128xi32, #tpu.memory_space<vmem>> -> memref<1x128xi32, #tpu.memory_space<vmem>>
        %dma_start3A_470 = tpu.memref_squeeze %dma_start3A_469 : memref<1x128xi32, #tpu.memory_space<vmem>> -> memref<128xi32, #tpu.memory_space<vmem>>
        %dma_start3A_471 = tpu.memref_slice %arg4[%add3A_457] : memref<327680xi32, #tpu.memory_space<hbm>> -> memref<128xi32, #tpu.memory_space<hbm>>
        %dma_start3A_472 = arith.constant 0 : i32
        %dma_start3A_473 = tpu.memref_slice %arg10[%dma_start3A_467, %dma_start3A_472] : memref<4x128xi32, #tpu.memory_space<vmem>> -> memref<1x128xi32, #tpu.memory_space<vmem>>
        %dma_start3A_474 = tpu.memref_squeeze %dma_start3A_473 : memref<1x128xi32, #tpu.memory_space<vmem>> -> memref<128xi32, #tpu.memory_space<vmem>>
        %dma_start3A_475 = tpu.memref_slice %arg4[%add3A_457] : memref<327680xi32, #tpu.memory_space<hbm>> -> memref<128xi32, #tpu.memory_space<hbm>>
        tpu.enqueue_dma source(%dma_start3A_475 : memref<128xi32, #tpu.memory_space<hbm>>) target(%dma_start3A_474 : memref<128xi32, #tpu.memory_space<vmem>>) target_semaphore(%arg14 : memref<!tpu.dma_semaphore, #tpu.memory_space<semaphore_mem>>)
      } else {
      }
      %add3A_374 = arith.constant 3 : i32
      %add3A_375 = arith.addi %add3A_147, %add3A_374 : i32
      %dma_wait3A_376 = arith.constant 0 : i32
      %dma_wait3A_377 = arith.constant 1 : i32
      %dma_wait3A_378 = arith.constant 0 : i32
      %dma_wait3A_379 = arith.constant 0 : i32
      %dma_wait3A_380 = tpu.memref_slice %arg11[%dma_wait3A_377, %dma_wait3A_378, %dma_wait3A_379] : memref<2x128x128xf32, #tpu.memory_space<vmem>> -> memref<1x128x128xf32, #tpu.memory_space<vmem>>
      %dma_wait3A_381 = tpu.memref_squeeze %dma_wait3A_380 : memref<1x128x128xf32, #tpu.memory_space<vmem>> -> memref<128x128xf32, #tpu.memory_space<vmem>>
      %dma_wait3A_382 = arith.constant 0 : i32
      %dma_wait3A_383 = tpu.memref_slice %arg9[%dma_wait3A_376, %dma_wait3A_382] : memref<4x128xi32, #tpu.memory_space<vmem>> -> memref<1x128xi32, #tpu.memory_space<vmem>>
      %dma_wait3A_384 = tpu.memref_squeeze %dma_wait3A_383 : memref<1x128xi32, #tpu.memory_space<vmem>> -> memref<128xi32, #tpu.memory_space<vmem>>
      %dma_wait3A_385 = arith.constant 0 : i32
      %dma_wait3A_386 = arith.constant 0 : i32
      %dma_wait3A_387 = tpu.memref_slice %arg2[%dma_wait3A_385, %dma_wait3A_386] : memref<10000x128xf32, #tpu.memory_space<hbm>> -> memref<10000x128xf32, #tpu.memory_space<hbm>>
      tpu.wait_indirect_dma semaphore(%arg15 : memref<!tpu.dma_semaphore, #tpu.memory_space<semaphore_mem>>) src(%dma_wait3A_387 : memref<10000x128xf32, #tpu.memory_space<hbm>>) dst(%dma_wait3A_381 : memref<128x128xf32, #tpu.memory_space<vmem>>)
      %dma_start3A_388 = arith.constant 1 : i32
      %dma_start3A_389 = arith.constant 3 : i32
      %dma_start3A_390 = arith.constant 0 : i32
      %dma_start3A_391 = arith.constant 0 : i32
      %dma_start3A_392 = tpu.memref_slice %arg11[%dma_start3A_388, %dma_start3A_390, %dma_start3A_391] : memref<2x128x128xf32, #tpu.memory_space<vmem>> -> memref<1x128x128xf32, #tpu.memory_space<vmem>>
      %dma_start3A_393 = tpu.memref_squeeze %dma_start3A_392 : memref<1x128x128xf32, #tpu.memory_space<vmem>> -> memref<128x128xf32, #tpu.memory_space<vmem>>
      %dma_start3A_394 = arith.constant 0 : i32
      %dma_start3A_395 = tpu.memref_slice %arg10[%dma_start3A_389, %dma_start3A_394] : memref<4x128xi32, #tpu.memory_space<vmem>> -> memref<1x128xi32, #tpu.memory_space<vmem>>
      %dma_start3A_396 = tpu.memref_squeeze %dma_start3A_395 : memref<1x128xi32, #tpu.memory_space<vmem>> -> memref<128xi32, #tpu.memory_space<vmem>>
      %dma_start3A_397 = arith.constant 0 : i32
      %dma_start3A_398 = arith.constant 0 : i32
      %dma_start3A_399 = tpu.memref_slice %arg13[%dma_start3A_397, %dma_start3A_398] : memref<10112x128xf32, #tpu.memory_space<vmem_shared>> -> memref<10112x128xf32, #tpu.memory_space<vmem_shared>>
      tpu.enqueue_indirect_dma source(%dma_start3A_393 : memref<128x128xf32, #tpu.memory_space<vmem>>) target(%dma_start3A_399 : memref<10112x128xf32, #tpu.memory_space<vmem_shared>>) offsets(%dma_start3A_396 : memref<128xi32, #tpu.memory_space<vmem>>) semaphore(%arg16 : memref<!tpu.dma_semaphore, #tpu.memory_space<semaphore_mem>>) {add = true}
      %get3A_400 = arith.constant 3 : i32
      %get3A_401 = arith.index_cast %get3A_400 : i32 to index
      %get3A_402 = arith.constant 0 : index
      %get3A_403 = tpu.vector_load %arg10[%get3A_401, %get3A_402] {strides = array<i32>} : memref<4x128xi32, #tpu.memory_space<vmem>>, vector<16xi32>,
      tpu.vector_store_idx %arg12[%get3A_403], %broadcast_in_dim3A_1 {add = true} : memref<10112xf32, #tpu.memory_space<vmem>>[vector<16xi32>], vector<16xf32>,
      %get3A_404 = arith.constant 3 : i32
      %get3A_405 = arith.index_cast %get3A_404 : i32 to index
      %get3A_406 = arith.constant 16 : index
      %get3A_407 = tpu.vector_load %arg10[%get3A_405, %get3A_406] {strides = array<i32>} : memref<4x128xi32, #tpu.memory_space<vmem>>, vector<16xi32>,
      tpu.vector_store_idx %arg12[%get3A_407], %broadcast_in_dim3A_1 {add = true} : memref<10112xf32, #tpu.memory_space<vmem>>[vector<16xi32>], vector<16xf32>,
      %get3A_408 = arith.constant 3 : i32
      %get3A_409 = arith.index_cast %get3A_408 : i32 to index
      %get3A_410 = arith.constant 32 : index
      %get3A_411 = tpu.vector_load %arg10[%get3A_409, %get3A_410] {strides = array<i32>} : memref<4x128xi32, #tpu.memory_space<vmem>>, vector<16xi32>,
      tpu.vector_store_idx %arg12[%get3A_411], %broadcast_in_dim3A_1 {add = true} : memref<10112xf32, #tpu.memory_space<vmem>>[vector<16xi32>], vector<16xf32>,
      %get3A_412 = arith.constant 3 : i32
      %get3A_413 = arith.index_cast %get3A_412 : i32 to index
      %get3A_414 = arith.constant 48 : index
      %get3A_415 = tpu.vector_load %arg10[%get3A_413, %get3A_414] {strides = array<i32>} : memref<4x128xi32, #tpu.memory_space<vmem>>, vector<16xi32>,
      tpu.vector_store_idx %arg12[%get3A_415], %broadcast_in_dim3A_1 {add = true} : memref<10112xf32, #tpu.memory_space<vmem>>[vector<16xi32>], vector<16xf32>,
      %get3A_416 = arith.constant 3 : i32
      %get3A_417 = arith.index_cast %get3A_416 : i32 to index
      %get3A_418 = arith.constant 64 : index
      %get3A_419 = tpu.vector_load %arg10[%get3A_417, %get3A_418] {strides = array<i32>} : memref<4x128xi32, #tpu.memory_space<vmem>>, vector<16xi32>,
      tpu.vector_store_idx %arg12[%get3A_419], %broadcast_in_dim3A_1 {add = true} : memref<10112xf32, #tpu.memory_space<vmem>>[vector<16xi32>], vector<16xf32>,
      %get3A_420 = arith.constant 3 : i32
      %get3A_421 = arith.index_cast %get3A_420 : i32 to index
      %get3A_422 = arith.constant 80 : index
      %get3A_423 = tpu.vector_load %arg10[%get3A_421, %get3A_422] {strides = array<i32>} : memref<4x128xi32, #tpu.memory_space<vmem>>, vector<16xi32>,
      tpu.vector_store_idx %arg12[%get3A_423], %broadcast_in_dim3A_1 {add = true} : memref<10112xf32, #tpu.memory_space<vmem>>[vector<16xi32>], vector<16xf32>,
      %get3A_424 = arith.constant 3 : i32
      %get3A_425 = arith.index_cast %get3A_424 : i32 to index
      %get3A_426 = arith.constant 96 : index
      %get3A_427 = tpu.vector_load %arg10[%get3A_425, %get3A_426] {strides = array<i32>} : memref<4x128xi32, #tpu.memory_space<vmem>>, vector<16xi32>,
      tpu.vector_store_idx %arg12[%get3A_427], %broadcast_in_dim3A_1 {add = true} : memref<10112xf32, #tpu.memory_space<vmem>>[vector<16xi32>], vector<16xf32>,
      %get3A_428 = arith.constant 3 : i32
      %get3A_429 = arith.index_cast %get3A_428 : i32 to index
      %get3A_430 = arith.constant 112 : index
      %get3A_431 = tpu.vector_load %arg10[%get3A_429, %get3A_430] {strides = array<i32>} : memref<4x128xi32, #tpu.memory_space<vmem>>, vector<16xi32>,
      tpu.vector_store_idx %arg12[%get3A_431], %broadcast_in_dim3A_1 {add = true} : memref<10112xf32, #tpu.memory_space<vmem>>[vector<16xi32>], vector<16xf32>,
      %ge3A_432 = arith.constant 1 : i32
      %ge3A_433 = arith.cmpi sge, %add3A_375, %ge3A_432 : i32
      %convert_element_type3A_434 = arith.extui %ge3A_433 : i1 to i32
      %cond3A_435 = arith.constant 0 : i32
      %cond3A_436 = arith.cmpi ne, %convert_element_type3A_434, %cond3A_435 : i32
      scf.if %cond3A_436 {
        %dma_wait3A_451 = arith.constant 0 : i32
        %dma_wait3A_452 = arith.constant 0 : i32
        %dma_wait3A_453 = arith.constant 0 : i32
        %dma_wait3A_454 = arith.constant 0 : i32
        %dma_wait3A_455 = tpu.memref_slice %arg11[%dma_wait3A_451, %dma_wait3A_453, %dma_wait3A_454] : memref<2x128x128xf32, #tpu.memory_space<vmem>> -> memref<1x128x128xf32, #tpu.memory_space<vmem>>
        %dma_wait3A_456 = tpu.memref_squeeze %dma_wait3A_455 : memref<1x128x128xf32, #tpu.memory_space<vmem>> -> memref<128x128xf32, #tpu.memory_space<vmem>>
        %dma_wait3A_457 = arith.constant 0 : i32
        %dma_wait3A_458 = tpu.memref_slice %arg10[%dma_wait3A_452, %dma_wait3A_457] : memref<4x128xi32, #tpu.memory_space<vmem>> -> memref<1x128xi32, #tpu.memory_space<vmem>>
        %dma_wait3A_459 = tpu.memref_squeeze %dma_wait3A_458 : memref<1x128xi32, #tpu.memory_space<vmem>> -> memref<128xi32, #tpu.memory_space<vmem>>
        %dma_wait3A_460 = arith.constant 0 : i32
        %dma_wait3A_461 = arith.constant 0 : i32
        %dma_wait3A_462 = tpu.memref_slice %arg13[%dma_wait3A_460, %dma_wait3A_461] : memref<10112x128xf32, #tpu.memory_space<vmem_shared>> -> memref<10112x128xf32, #tpu.memory_space<vmem_shared>>
        tpu.wait_indirect_dma semaphore(%arg16 : memref<!tpu.dma_semaphore, #tpu.memory_space<semaphore_mem>>) src(%dma_wait3A_456 : memref<128x128xf32, #tpu.memory_space<vmem>>) dst(%dma_wait3A_462 : memref<10112x128xf32, #tpu.memory_space<vmem_shared>>)
      } else {
      }
      %add3A_437 = arith.constant 1 : i32
      %add3A_438 = arith.addi %add3A_375, %add3A_437 : i32
      %lt3A_439 = arith.cmpi slt, %add3A_438, %select_n3A_4 : i32
      %convert_element_type3A_440 = arith.extui %lt3A_439 : i1 to i32
      %cond3A_441 = arith.constant 0 : i32
      %cond3A_442 = arith.cmpi ne, %convert_element_type3A_440, %cond3A_441 : i32
      scf.if %cond3A_442 {
        %dma_wait3A_451 = arith.constant 0 : i32
        %dma_wait3A_452 = arith.constant 0 : i32
        %dma_wait3A_453 = tpu.memref_slice %arg9[%dma_wait3A_451, %dma_wait3A_452] : memref<4x128xi32, #tpu.memory_space<vmem>> -> memref<1x128xi32, #tpu.memory_space<vmem>>
        %dma_wait3A_454 = tpu.memref_squeeze %dma_wait3A_453 : memref<1x128xi32, #tpu.memory_space<vmem>> -> memref<128xi32, #tpu.memory_space<vmem>>
        %dma_wait3A_455 = arith.constant 0 : i32
        %dma_wait3A_456 = tpu.memref_slice %arg3[%dma_wait3A_455] : memref<327680xi32, #tpu.memory_space<hbm>> -> memref<128xi32, #tpu.memory_space<hbm>>
        %dma_wait3A_457 = arith.constant 0 : i32
        %dma_wait3A_458 = tpu.memref_slice %arg9[%dma_wait3A_451, %dma_wait3A_457] : memref<4x128xi32, #tpu.memory_space<vmem>> -> memref<1x128xi32, #tpu.memory_space<vmem>>
        %dma_wait3A_459 = tpu.memref_squeeze %dma_wait3A_458 : memref<1x128xi32, #tpu.memory_space<vmem>> -> memref<128xi32, #tpu.memory_space<vmem>>
        %dma_wait3A_460 = arith.constant 0 : i32
        %dma_wait3A_461 = tpu.memref_slice %arg3[%dma_wait3A_460] : memref<327680xi32, #tpu.memory_space<hbm>> -> memref<128xi32, #tpu.memory_space<hbm>>
        tpu.wait_dma2 semaphore(%arg14 : memref<!tpu.dma_semaphore, #tpu.memory_space<semaphore_mem>>) src(%dma_wait3A_461 : memref<128xi32, #tpu.memory_space<hbm>>) dst(%dma_wait3A_459 : memref<128xi32, #tpu.memory_space<vmem>>)
        %dma_wait3A_462 = arith.constant 0 : i32
        %dma_wait3A_463 = arith.constant 0 : i32
        %dma_wait3A_464 = tpu.memref_slice %arg10[%dma_wait3A_462, %dma_wait3A_463] : memref<4x128xi32, #tpu.memory_space<vmem>> -> memref<1x128xi32, #tpu.memory_space<vmem>>
        %dma_wait3A_465 = tpu.memref_squeeze %dma_wait3A_464 : memref<1x128xi32, #tpu.memory_space<vmem>> -> memref<128xi32, #tpu.memory_space<vmem>>
        %dma_wait3A_466 = arith.constant 0 : i32
        %dma_wait3A_467 = tpu.memref_slice %arg4[%dma_wait3A_466] : memref<327680xi32, #tpu.memory_space<hbm>> -> memref<128xi32, #tpu.memory_space<hbm>>
        %dma_wait3A_468 = arith.constant 0 : i32
        %dma_wait3A_469 = tpu.memref_slice %arg10[%dma_wait3A_462, %dma_wait3A_468] : memref<4x128xi32, #tpu.memory_space<vmem>> -> memref<1x128xi32, #tpu.memory_space<vmem>>
        %dma_wait3A_470 = tpu.memref_squeeze %dma_wait3A_469 : memref<1x128xi32, #tpu.memory_space<vmem>> -> memref<128xi32, #tpu.memory_space<vmem>>
        %dma_wait3A_471 = arith.constant 0 : i32
        %dma_wait3A_472 = tpu.memref_slice %arg4[%dma_wait3A_471] : memref<327680xi32, #tpu.memory_space<hbm>> -> memref<128xi32, #tpu.memory_space<hbm>>
        tpu.wait_dma2 semaphore(%arg14 : memref<!tpu.dma_semaphore, #tpu.memory_space<semaphore_mem>>) src(%dma_wait3A_472 : memref<128xi32, #tpu.memory_space<hbm>>) dst(%dma_wait3A_470 : memref<128xi32, #tpu.memory_space<vmem>>)
        %dma_start3A_473 = arith.constant 0 : i32
        %dma_start3A_474 = arith.constant 0 : i32
        %dma_start3A_475 = arith.constant 0 : i32
        %dma_start3A_476 = arith.constant 0 : i32
        %dma_start3A_477 = tpu.memref_slice %arg11[%dma_start3A_474, %dma_start3A_475, %dma_start3A_476] : memref<2x128x128xf32, #tpu.memory_space<vmem>> -> memref<1x128x128xf32, #tpu.memory_space<vmem>>
        %dma_start3A_478 = tpu.memref_squeeze %dma_start3A_477 : memref<1x128x128xf32, #tpu.memory_space<vmem>> -> memref<128x128xf32, #tpu.memory_space<vmem>>
        %dma_start3A_479 = arith.constant 0 : i32
        %dma_start3A_480 = tpu.memref_slice %arg9[%dma_start3A_473, %dma_start3A_479] : memref<4x128xi32, #tpu.memory_space<vmem>> -> memref<1x128xi32, #tpu.memory_space<vmem>>
        %dma_start3A_481 = tpu.memref_squeeze %dma_start3A_480 : memref<1x128xi32, #tpu.memory_space<vmem>> -> memref<128xi32, #tpu.memory_space<vmem>>
        %dma_start3A_482 = arith.constant 0 : i32
        %dma_start3A_483 = arith.constant 0 : i32
        %dma_start3A_484 = tpu.memref_slice %arg2[%dma_start3A_482, %dma_start3A_483] : memref<10000x128xf32, #tpu.memory_space<hbm>> -> memref<10000x128xf32, #tpu.memory_space<hbm>>
        tpu.enqueue_indirect_dma source(%dma_start3A_484 : memref<10000x128xf32, #tpu.memory_space<hbm>>) target(%dma_start3A_478 : memref<128x128xf32, #tpu.memory_space<vmem>>) offsets(%dma_start3A_481 : memref<128xi32, #tpu.memory_space<vmem>>) semaphore(%arg15 : memref<!tpu.dma_semaphore, #tpu.memory_space<semaphore_mem>>)
      } else {
      }
      %add3A_443 = arith.constant 4 : i32
      %add3A_444 = arith.addi %add3A_375, %add3A_443 : i32
      %sub3A_445 = arith.constant 1 : i32
      %sub3A_446 = arith.subi %add3A_444, %sub3A_445 : i32
      %lt3A_447 = arith.cmpi slt, %sub3A_446, %select_n3A_4 : i32
      %convert_element_type3A_448 = arith.extui %lt3A_447 : i1 to i32
      %cond3A_449 = arith.constant 0 : i32
      %cond3A_450 = arith.cmpi ne, %convert_element_type3A_448, %cond3A_449 : i32
      scf.if %cond3A_450 {
        %add3A_451 = arith.constant 4 : i32
        %add3A_452 = arith.addi %add3A_375, %add3A_451 : i32
        %sub3A_453 = arith.constant 1 : i32
        %sub3A_454 = arith.subi %add3A_452, %sub3A_453 : i32
        %mul3A_455 = arith.constant 128 : i32
        %mul3A_456 = arith.muli %sub3A_454, %mul3A_455 : i32
        %add3A_457 = arith.addi %mul3A_15, %mul3A_456 : i32
        %dma_start3A_458 = arith.constant 2 : i32
        %dma_start3A_459 = arith.constant 0 : i32
        %dma_start3A_460 = tpu.memref_slice %arg9[%dma_start3A_458, %dma_start3A_459] : memref<4x128xi32, #tpu.memory_space<vmem>> -> memref<1x128xi32, #tpu.memory_space<vmem>>
        %dma_start3A_461 = tpu.memref_squeeze %dma_start3A_460 : memref<1x128xi32, #tpu.memory_space<vmem>> -> memref<128xi32, #tpu.memory_space<vmem>>
        %dma_start3A_462 = tpu.memref_slice %arg3[%add3A_457] : memref<327680xi32, #tpu.memory_space<hbm>> -> memref<128xi32, #tpu.memory_space<hbm>>
        %dma_start3A_463 = arith.constant 0 : i32
        %dma_start3A_464 = tpu.memref_slice %arg9[%dma_start3A_458, %dma_start3A_463] : memref<4x128xi32, #tpu.memory_space<vmem>> -> memref<1x128xi32, #tpu.memory_space<vmem>>
        %dma_start3A_465 = tpu.memref_squeeze %dma_start3A_464 : memref<1x128xi32, #tpu.memory_space<vmem>> -> memref<128xi32, #tpu.memory_space<vmem>>
        %dma_start3A_466 = tpu.memref_slice %arg3[%add3A_457] : memref<327680xi32, #tpu.memory_space<hbm>> -> memref<128xi32, #tpu.memory_space<hbm>>
        tpu.enqueue_dma source(%dma_start3A_466 : memref<128xi32, #tpu.memory_space<hbm>>) target(%dma_start3A_465 : memref<128xi32, #tpu.memory_space<vmem>>) target_semaphore(%arg14 : memref<!tpu.dma_semaphore, #tpu.memory_space<semaphore_mem>>)
        %dma_start3A_467 = arith.constant 2 : i32
        %dma_start3A_468 = arith.constant 0 : i32
        %dma_start3A_469 = tpu.memref_slice %arg10[%dma_start3A_467, %dma_start3A_468] : memref<4x128xi32, #tpu.memory_space<vmem>> -> memref<1x128xi32, #tpu.memory_space<vmem>>
        %dma_start3A_470 = tpu.memref_squeeze %dma_start3A_469 : memref<1x128xi32, #tpu.memory_space<vmem>> -> memref<128xi32, #tpu.memory_space<vmem>>
        %dma_start3A_471 = tpu.memref_slice %arg4[%add3A_457] : memref<327680xi32, #tpu.memory_space<hbm>> -> memref<128xi32, #tpu.memory_space<hbm>>
        %dma_start3A_472 = arith.constant 0 : i32
        %dma_start3A_473 = tpu.memref_slice %arg10[%dma_start3A_467, %dma_start3A_472] : memref<4x128xi32, #tpu.memory_space<vmem>> -> memref<1x128xi32, #tpu.memory_space<vmem>>
        %dma_start3A_474 = tpu.memref_squeeze %dma_start3A_473 : memref<1x128xi32, #tpu.memory_space<vmem>> -> memref<128xi32, #tpu.memory_space<vmem>>
        %dma_start3A_475 = tpu.memref_slice %arg4[%add3A_457] : memref<327680xi32, #tpu.memory_space<hbm>> -> memref<128xi32, #tpu.memory_space<hbm>>
        tpu.enqueue_dma source(%dma_start3A_475 : memref<128xi32, #tpu.memory_space<hbm>>) target(%dma_start3A_474 : memref<128xi32, #tpu.memory_space<vmem>>) target_semaphore(%arg14 : memref<!tpu.dma_semaphore, #tpu.memory_space<semaphore_mem>>)
      } else {
      }
    }
    %dma_wait3A_128 = arith.constant 1 : i32
    %dma_wait3A_129 = arith.constant 0 : i32
    %dma_wait3A_130 = arith.constant 0 : i32
    %dma_wait3A_131 = arith.constant 0 : i32
    %dma_wait3A_132 = tpu.memref_slice %arg11[%dma_wait3A_128, %dma_wait3A_130, %dma_wait3A_131] : memref<2x128x128xf32, #tpu.memory_space<vmem>> -> memref<1x128x128xf32, #tpu.memory_space<vmem>>
    %dma_wait3A_133 = tpu.memref_squeeze %dma_wait3A_132 : memref<1x128x128xf32, #tpu.memory_space<vmem>> -> memref<128x128xf32, #tpu.memory_space<vmem>>
    %dma_wait3A_134 = arith.constant 0 : i32
    %dma_wait3A_135 = tpu.memref_slice %arg10[%dma_wait3A_129, %dma_wait3A_134] : memref<4x128xi32, #tpu.memory_space<vmem>> -> memref<1x128xi32, #tpu.memory_space<vmem>>
    %dma_wait3A_136 = tpu.memref_squeeze %dma_wait3A_135 : memref<1x128xi32, #tpu.memory_space<vmem>> -> memref<128xi32, #tpu.memory_space<vmem>>
    %dma_wait3A_137 = arith.constant 0 : i32
    %dma_wait3A_138 = arith.constant 0 : i32
    %dma_wait3A_139 = tpu.memref_slice %arg13[%dma_wait3A_137, %dma_wait3A_138] : memref<10112x128xf32, #tpu.memory_space<vmem_shared>> -> memref<10112x128xf32, #tpu.memory_space<vmem_shared>>
    tpu.wait_indirect_dma semaphore(%arg16 : memref<!tpu.dma_semaphore, #tpu.memory_space<semaphore_mem>>) src(%dma_wait3A_133 : memref<128x128xf32, #tpu.memory_space<vmem>>) dst(%dma_wait3A_139 : memref<10112x128xf32, #tpu.memory_space<vmem_shared>>)
    %barrier3A_140 = arith.constant 0 : index
    tpu.barrier barrier_id(%barrier3A_140)
    %mul3A_141 = arith.constant 632 : i32
    %mul3A_142 = arith.muli %arg1, %mul3A_141 : i32
    %mul3A_143 = arith.constant 632 : i32
    %mul3A_144 = arith.muli %arg1, %mul3A_143 : i32
    "tpu.region"() ({
      %run_scoped3A_145 = tpu.sem_alloc : memref<!tpu.dma_semaphore, #tpu.memory_space<semaphore_mem>>
      %dma_start3A_146 = arith.constant 0 : i32
      %dma_start3A_147 = tpu.memref_slice %arg7[%arg0, %mul3A_144, %dma_start3A_146] : memref<2x10112x128xf32, #tpu.memory_space<hbm>> -> memref<1x632x128xf32, #tpu.memory_space<hbm>>
      %dma_start3A_148 = tpu.memref_squeeze %dma_start3A_147 : memref<1x632x128xf32, #tpu.memory_space<hbm>> -> memref<632x128xf32, #tpu.memory_space<hbm>>
      %dma_start3A_149 = arith.constant 0 : i32
      %dma_start3A_150 = tpu.memref_slice %arg13[%mul3A_142, %dma_start3A_149] : memref<10112x128xf32, #tpu.memory_space<vmem_shared>> -> memref<632x128xf32, #tpu.memory_space<vmem_shared>>
      tpu.enqueue_dma source(%dma_start3A_150 : memref<632x128xf32, #tpu.memory_space<vmem_shared>>) target(%dma_start3A_148 : memref<632x128xf32, #tpu.memory_space<hbm>>) target_semaphore(%run_scoped3A_145 : memref<!tpu.dma_semaphore, #tpu.memory_space<semaphore_mem>>)
      %dma_wait3A_151 = arith.constant 0 : i32
      %dma_wait3A_152 = tpu.memref_slice %arg7[%arg0, %mul3A_144, %dma_wait3A_151] : memref<2x10112x128xf32, #tpu.memory_space<hbm>> -> memref<1x632x128xf32, #tpu.memory_space<hbm>>
      %dma_wait3A_153 = tpu.memref_squeeze %dma_wait3A_152 : memref<1x632x128xf32, #tpu.memory_space<hbm>> -> memref<632x128xf32, #tpu.memory_space<hbm>>
      %dma_wait3A_154 = arith.constant 0 : i32
      %dma_wait3A_155 = tpu.memref_slice %arg13[%mul3A_142, %dma_wait3A_154] : memref<10112x128xf32, #tpu.memory_space<vmem_shared>> -> memref<632x128xf32, #tpu.memory_space<vmem_shared>>
      tpu.wait_dma2 semaphore(%run_scoped3A_145 : memref<!tpu.dma_semaphore, #tpu.memory_space<semaphore_mem>>) src(%dma_wait3A_155 : memref<632x128xf32, #tpu.memory_space<vmem_shared>>) dst(%dma_wait3A_153 : memref<632x128xf32, #tpu.memory_space<hbm>>)
      tpu.yield
    }) : () -> ()
    %run_scoped3A = arith.constant 0 : i32
    "tpu.region"() ({
      %run_scoped3A_145 = tpu.sem_alloc : memref<!tpu.dma_semaphore, #tpu.memory_space<semaphore_mem>>
      %dma_start3A_146 = arith.constant 0 : i32
      %dma_start3A_147 = tpu.memref_slice %arg8[%add3A, %run_scoped3A, %dma_start3A_146] : memref<32x1x10112xf32, #tpu.memory_space<hbm>> -> memref<1x1x10112xf32, #tpu.memory_space<hbm>>
      %dma_start3A_148 = tpu.memref_squeeze %dma_start3A_147 : memref<1x1x10112xf32, #tpu.memory_space<hbm>> -> memref<10112xf32, #tpu.memory_space<hbm>>
      %dma_start3A_149 = arith.constant 0 : i32
      %dma_start3A_150 = tpu.memref_slice %arg8[%add3A, %run_scoped3A, %dma_start3A_149] : memref<32x1x10112xf32, #tpu.memory_space<hbm>> -> memref<1x1x10112xf32, #tpu.memory_space<hbm>>
      %dma_start3A_151 = tpu.memref_squeeze %dma_start3A_150 : memref<1x1x10112xf32, #tpu.memory_space<hbm>> -> memref<10112xf32, #tpu.memory_space<hbm>>
      tpu.enqueue_dma source(%arg12 : memref<10112xf32, #tpu.memory_space<vmem>>) target(%dma_start3A_151 : memref<10112xf32, #tpu.memory_space<hbm>>) target_semaphore(%run_scoped3A_145 : memref<!tpu.dma_semaphore, #tpu.memory_space<semaphore_mem>>)
      %dma_wait3A_152 = arith.constant 0 : i32
      %dma_wait3A_153 = tpu.memref_slice %arg8[%add3A, %run_scoped3A, %dma_wait3A_152] : memref<32x1x10112xf32, #tpu.memory_space<hbm>> -> memref<1x1x10112xf32, #tpu.memory_space<hbm>>
      %dma_wait3A_154 = tpu.memref_squeeze %dma_wait3A_153 : memref<1x1x10112xf32, #tpu.memory_space<hbm>> -> memref<10112xf32, #tpu.memory_space<hbm>>
      %dma_wait3A_155 = arith.constant 0 : i32
      %dma_wait3A_156 = tpu.memref_slice %arg8[%add3A, %run_scoped3A, %dma_wait3A_155] : memref<32x1x10112xf32, #tpu.memory_space<hbm>> -> memref<1x1x10112xf32, #tpu.memory_space<hbm>>
      %dma_wait3A_157 = tpu.memref_squeeze %dma_wait3A_156 : memref<1x1x10112xf32, #tpu.memory_space<hbm>> -> memref<10112xf32, #tpu.memory_space<hbm>>
      tpu.wait_dma2 semaphore(%run_scoped3A_145 : memref<!tpu.dma_semaphore, #tpu.memory_space<semaphore_mem>>) src(%arg12 : memref<10112xf32, #tpu.memory_space<vmem>>) dst(%dma_wait3A_157 : memref<10112xf32, #tpu.memory_space<hbm>>)
      tpu.yield
    }) : () -> ()
    return
  }
}

#map = affine_map<(d0, d1) -> (0, 0)>
#map1 = affine_map<(d0, d1) -> (0)>
#map2 = affine_map<(d0, d1) -> (0, 0, 0)>
module attributes {stable_mosaic.version = 14 : i64} {
  func.func @body(%arg0: i32, %arg1: i32, %arg2: memref<10000x128xf32, #tpu.memory_space<hbm>>, %arg3: memref<327680xi32, #tpu.memory_space<hbm>>, %arg4: memref<327680xi32, #tpu.memory_space<hbm>>, %arg5: memref<10112x128xf32, #tpu.memory_space<hbm>>, %arg6: memref<2x10112x128xf32, #tpu.memory_space<hbm>>, %arg7: memref<4x128xi32, #tpu.memory_space<vmem>>, %arg8: memref<4x128xi32, #tpu.memory_space<vmem>>, %arg9: memref<2x128x128xf32, #tpu.memory_space<vmem>>, %arg10: memref<10112x128xf32, #tpu.memory_space<vmem_shared>>, %arg11: memref<!tpu.dma_semaphore, #tpu.memory_space<semaphore_mem>>, %arg12: memref<!tpu.dma_semaphore, #tpu.memory_space<semaphore_mem>>, %arg13: memref<!tpu.dma_semaphore, #tpu.memory_space<semaphore_mem>>) attributes {dimension_semantics = [#tpu.dimension_semantics<core_parallel>, #tpu.dimension_semantics<subcore_parallel>], iteration_bounds = array<i64: 2, 16>, scalar_prefetch = 0 : i64, scratch_operands = 7 : i64, tpu.core_type = #tpu.core_type<sc_vector_subcore>, window_params = [{transform_indices = #map}, {transform_indices = #map1}, {transform_indices = #map1}, {transform_indices = #map}, {transform_indices = #map2}]} {
    %mul3A = arith.constant 16 : i32
    %mul3A_0 = arith.muli %arg0, %mul3A : i32
    %add3A = arith.addi %mul3A_0, %arg1 : i32
    %broadcast_in_dim3A = arith.constant 1.000000e+00 : f32
    %broadcast_in_dim3A_1 = vector.broadcast %broadcast_in_dim3A : f32 to vector<16xf32>
    %eq3A = arith.constant 0 : i32
    %eq3A_2 = arith.cmpi eq, %arg0, %eq3A : i32
    %select_n3A = arith.constant 80 : i32
    %select_n3A_3 = arith.constant 80 : i32
    %select_n3A_4 = arith.select %eq3A_2, %select_n3A_3, %select_n3A : i32
    %eq3A_5 = arith.constant 0 : i32
    %eq3A_6 = arith.cmpi eq, %arg0, %eq3A_5 : i32
    %mul3A_7 = arith.constant 80 : i32
    %mul3A_8 = arith.muli %arg1, %mul3A_7 : i32
    %mul3A_9 = arith.constant 80 : i32
    %mul3A_10 = arith.muli %arg1, %mul3A_9 : i32
    %add3A_11 = arith.constant 1280 : i32
    %add3A_12 = arith.addi %add3A_11, %mul3A_10 : i32
    %select_n3A_13 = arith.select %eq3A_6, %mul3A_8, %add3A_12 : i32
    %mul3A_14 = arith.constant 128 : i32
    %mul3A_15 = arith.muli %select_n3A_13, %mul3A_14 : i32
    %mul3A_16 = arith.constant 632 : i32
    %mul3A_17 = arith.muli %arg1, %mul3A_16 : i32
    %mul3A_18 = arith.constant 632 : i32
    %mul3A_19 = arith.muli %arg1, %mul3A_18 : i32
    "tpu.region"() ({
      %run_scoped3A = tpu.sem_alloc : memref<!tpu.dma_semaphore, #tpu.memory_space<semaphore_mem>>
      %dma_start3A_145 = arith.constant 0 : i32
      %dma_start3A_146 = tpu.memref_slice %arg10[%mul3A_19, %dma_start3A_145] : memref<10112x128xf32, #tpu.memory_space<vmem_shared>> -> memref<632x128xf32, #tpu.memory_space<vmem_shared>>
      %dma_start3A_147 = arith.constant 0 : i32
      %dma_start3A_148 = tpu.memref_slice %arg5[%mul3A_17, %dma_start3A_147] : memref<10112x128xf32, #tpu.memory_space<hbm>> -> memref<632x128xf32, #tpu.memory_space<hbm>>
      tpu.enqueue_dma source(%dma_start3A_148 : memref<632x128xf32, #tpu.memory_space<hbm>>) target(%dma_start3A_146 : memref<632x128xf32, #tpu.memory_space<vmem_shared>>) target_semaphore(%run_scoped3A : memref<!tpu.dma_semaphore, #tpu.memory_space<semaphore_mem>>)
      %dma_wait3A_149 = arith.constant 0 : i32
      %dma_wait3A_150 = tpu.memref_slice %arg10[%mul3A_19, %dma_wait3A_149] : memref<10112x128xf32, #tpu.memory_space<vmem_shared>> -> memref<632x128xf32, #tpu.memory_space<vmem_shared>>
      %dma_wait3A_151 = arith.constant 0 : i32
      %dma_wait3A_152 = tpu.memref_slice %arg5[%mul3A_17, %dma_wait3A_151] : memref<10112x128xf32, #tpu.memory_space<hbm>> -> memref<632x128xf32, #tpu.memory_space<hbm>>
      tpu.wait_dma2 semaphore(%run_scoped3A : memref<!tpu.dma_semaphore, #tpu.memory_space<semaphore_mem>>) src(%dma_wait3A_152 : memref<632x128xf32, #tpu.memory_space<hbm>>) dst(%dma_wait3A_150 : memref<632x128xf32, #tpu.memory_space<vmem_shared>>)
      tpu.yield
    }) : () -> ()
    %barrier3A = arith.constant 0 : index
    tpu.barrier barrier_id(%barrier3A)
    %add3A_20 = arith.constant 0 : i32
    %add3A_21 = arith.addi %mul3A_15, %add3A_20 : i32
    %dma_start3A = arith.constant 0 : i32
    %dma_start3A_22 = arith.constant 0 : i32
    %dma_start3A_23 = tpu.memref_slice %arg7[%dma_start3A, %dma_start3A_22] : memref<4x128xi32, #tpu.memory_space<vmem>> -> memref<1x128xi32, #tpu.memory_space<vmem>>
    %dma_start3A_24 = tpu.memref_squeeze %dma_start3A_23 : memref<1x128xi32, #tpu.memory_space<vmem>> -> memref<128xi32, #tpu.memory_space<vmem>>
    %dma_start3A_25 = tpu.memref_slice %arg3[%add3A_21] : memref<327680xi32, #tpu.memory_space<hbm>> -> memref<128xi32, #tpu.memory_space<hbm>>
    %dma_start3A_26 = arith.constant 0 : i32
    %dma_start3A_27 = tpu.memref_slice %arg7[%dma_start3A, %dma_start3A_26] : memref<4x128xi32, #tpu.memory_space<vmem>> -> memref<1x128xi32, #tpu.memory_space<vmem>>
    %dma_start3A_28 = tpu.memref_squeeze %dma_start3A_27 : memref<1x128xi32, #tpu.memory_space<vmem>> -> memref<128xi32, #tpu.memory_space<vmem>>
    %dma_start3A_29 = tpu.memref_slice %arg3[%add3A_21] : memref<327680xi32, #tpu.memory_space<hbm>> -> memref<128xi32, #tpu.memory_space<hbm>>
    tpu.enqueue_dma source(%dma_start3A_29 : memref<128xi32, #tpu.memory_space<hbm>>) target(%dma_start3A_28 : memref<128xi32, #tpu.memory_space<vmem>>) target_semaphore(%arg11 : memref<!tpu.dma_semaphore, #tpu.memory_space<semaphore_mem>>)
    %dma_start3A_30 = arith.constant 0 : i32
    %dma_start3A_31 = arith.constant 0 : i32
    %dma_start3A_32 = tpu.memref_slice %arg8[%dma_start3A_30, %dma_start3A_31] : memref<4x128xi32, #tpu.memory_space<vmem>> -> memref<1x128xi32, #tpu.memory_space<vmem>>
    %dma_start3A_33 = tpu.memref_squeeze %dma_start3A_32 : memref<1x128xi32, #tpu.memory_space<vmem>> -> memref<128xi32, #tpu.memory_space<vmem>>
    %dma_start3A_34 = tpu.memref_slice %arg4[%add3A_21] : memref<327680xi32, #tpu.memory_space<hbm>> -> memref<128xi32, #tpu.memory_space<hbm>>
    %dma_start3A_35 = arith.constant 0 : i32
    %dma_start3A_36 = tpu.memref_slice %arg8[%dma_start3A_30, %dma_start3A_35] : memref<4x128xi32, #tpu.memory_space<vmem>> -> memref<1x128xi32, #tpu.memory_space<vmem>>
    %dma_start3A_37 = tpu.memref_squeeze %dma_start3A_36 : memref<1x128xi32, #tpu.memory_space<vmem>> -> memref<128xi32, #tpu.memory_space<vmem>>
    %dma_start3A_38 = tpu.memref_slice %arg4[%add3A_21] : memref<327680xi32, #tpu.memory_space<hbm>> -> memref<128xi32, #tpu.memory_space<hbm>>
    tpu.enqueue_dma source(%dma_start3A_38 : memref<128xi32, #tpu.memory_space<hbm>>) target(%dma_start3A_37 : memref<128xi32, #tpu.memory_space<vmem>>) target_semaphore(%arg11 : memref<!tpu.dma_semaphore, #tpu.memory_space<semaphore_mem>>)
    %add3A_39 = arith.constant 128 : i32
    %add3A_40 = arith.addi %mul3A_15, %add3A_39 : i32
    %dma_start3A_41 = arith.constant 1 : i32
    %dma_start3A_42 = arith.constant 0 : i32
    %dma_start3A_43 = tpu.memref_slice %arg7[%dma_start3A_41, %dma_start3A_42] : memref<4x128xi32, #tpu.memory_space<vmem>> -> memref<1x128xi32, #tpu.memory_space<vmem>>
    %dma_start3A_44 = tpu.memref_squeeze %dma_start3A_43 : memref<1x128xi32, #tpu.memory_space<vmem>> -> memref<128xi32, #tpu.memory_space<vmem>>
    %dma_start3A_45 = tpu.memref_slice %arg3[%add3A_40] : memref<327680xi32, #tpu.memory_space<hbm>> -> memref<128xi32, #tpu.memory_space<hbm>>
    %dma_start3A_46 = arith.constant 0 : i32
    %dma_start3A_47 = tpu.memref_slice %arg7[%dma_start3A_41, %dma_start3A_46] : memref<4x128xi32, #tpu.memory_space<vmem>> -> memref<1x128xi32, #tpu.memory_space<vmem>>
    %dma_start3A_48 = tpu.memref_squeeze %dma_start3A_47 : memref<1x128xi32, #tpu.memory_space<vmem>> -> memref<128xi32, #tpu.memory_space<vmem>>
    %dma_start3A_49 = tpu.memref_slice %arg3[%add3A_40] : memref<327680xi32, #tpu.memory_space<hbm>> -> memref<128xi32, #tpu.memory_space<hbm>>
    tpu.enqueue_dma source(%dma_start3A_49 : memref<128xi32, #tpu.memory_space<hbm>>) target(%dma_start3A_48 : memref<128xi32, #tpu.memory_space<vmem>>) target_semaphore(%arg11 : memref<!tpu.dma_semaphore, #tpu.memory_space<semaphore_mem>>)
    %dma_start3A_50 = arith.constant 1 : i32
    %dma_start3A_51 = arith.constant 0 : i32
    %dma_start3A_52 = tpu.memref_slice %arg8[%dma_start3A_50, %dma_start3A_51] : memref<4x128xi32, #tpu.memory_space<vmem>> -> memref<1x128xi32, #tpu.memory_space<vmem>>
    %dma_start3A_53 = tpu.memref_squeeze %dma_start3A_52 : memref<1x128xi32, #tpu.memory_space<vmem>> -> memref<128xi32, #tpu.memory_space<vmem>>
    %dma_start3A_54 = tpu.memref_slice %arg4[%add3A_40] : memref<327680xi32, #tpu.memory_space<hbm>> -> memref<128xi32, #tpu.memory_space<hbm>>
    %dma_start3A_55 = arith.constant 0 : i32
    %dma_start3A_56 = tpu.memref_slice %arg8[%dma_start3A_50, %dma_start3A_55] : memref<4x128xi32, #tpu.memory_space<vmem>> -> memref<1x128xi32, #tpu.memory_space<vmem>>
    %dma_start3A_57 = tpu.memref_squeeze %dma_start3A_56 : memref<1x128xi32, #tpu.memory_space<vmem>> -> memref<128xi32, #tpu.memory_space<vmem>>
    %dma_start3A_58 = tpu.memref_slice %arg4[%add3A_40] : memref<327680xi32, #tpu.memory_space<hbm>> -> memref<128xi32, #tpu.memory_space<hbm>>
    tpu.enqueue_dma source(%dma_start3A_58 : memref<128xi32, #tpu.memory_space<hbm>>) target(%dma_start3A_57 : memref<128xi32, #tpu.memory_space<vmem>>) target_semaphore(%arg11 : memref<!tpu.dma_semaphore, #tpu.memory_space<semaphore_mem>>)
    %add3A_59 = arith.constant 256 : i32
    %add3A_60 = arith.addi %mul3A_15, %add3A_59 : i32
    %dma_start3A_61 = arith.constant 2 : i32
    %dma_start3A_62 = arith.constant 0 : i32
    %dma_start3A_63 = tpu.memref_slice %arg7[%dma_start3A_61, %dma_start3A_62] : memref<4x128xi32, #tpu.memory_space<vmem>> -> memref<1x128xi32, #tpu.memory_space<vmem>>
    %dma_start3A_64 = tpu.memref_squeeze %dma_start3A_63 : memref<1x128xi32, #tpu.memory_space<vmem>> -> memref<128xi32, #tpu.memory_space<vmem>>
    %dma_start3A_65 = tpu.memref_slice %arg3[%add3A_60] : memref<327680xi32, #tpu.memory_space<hbm>> -> memref<128xi32, #tpu.memory_space<hbm>>
    %dma_start3A_66 = arith.constant 0 : i32
    %dma_start3A_67 = tpu.memref_slice %arg7[%dma_start3A_61, %dma_start3A_66] : memref<4x128xi32, #tpu.memory_space<vmem>> -> memref<1x128xi32, #tpu.memory_space<vmem>>
    %dma_start3A_68 = tpu.memref_squeeze %dma_start3A_67 : memref<1x128xi32, #tpu.memory_space<vmem>> -> memref<128xi32, #tpu.memory_space<vmem>>
    %dma_start3A_69 = tpu.memref_slice %arg3[%add3A_60] : memref<327680xi32, #tpu.memory_space<hbm>> -> memref<128xi32, #tpu.memory_space<hbm>>
    tpu.enqueue_dma source(%dma_start3A_69 : memref<128xi32, #tpu.memory_space<hbm>>) target(%dma_start3A_68 : memref<128xi32, #tpu.memory_space<vmem>>) target_semaphore(%arg11 : memref<!tpu.dma_semaphore, #tpu.memory_space<semaphore_mem>>)
    %dma_start3A_70 = arith.constant 2 : i32
    %dma_start3A_71 = arith.constant 0 : i32
    %dma_start3A_72 = tpu.memref_slice %arg8[%dma_start3A_70, %dma_start3A_71] : memref<4x128xi32, #tpu.memory_space<vmem>> -> memref<1x128xi32, #tpu.memory_space<vmem>>
    %dma_start3A_73 = tpu.memref_squeeze %dma_start3A_72 : memref<1x128xi32, #tpu.memory_space<vmem>> -> memref<128xi32, #tpu.memory_space<vmem>>
    %dma_start3A_74 = tpu.memref_slice %arg4[%add3A_60] : memref<327680xi32, #tpu.memory_space<hbm>> -> memref<128xi32, #tpu.memory_space<hbm>>
    %dma_start3A_75 = arith.constant 0 : i32
    %dma_start3A_76 = tpu.memref_slice %arg8[%dma_start3A_70, %dma_start3A_75] : memref<4x128xi32, #tpu.memory_space<vmem>> -> memref<1x128xi32, #tpu.memory_space<vmem>>
    %dma_start3A_77 = tpu.memref_squeeze %dma_start3A_76 : memref<1x128xi32, #tpu.memory_space<vmem>> -> memref<128xi32, #tpu.memory_space<vmem>>
    %dma_start3A_78 = tpu.memref_slice %arg4[%add3A_60] : memref<327680xi32, #tpu.memory_space<hbm>> -> memref<128xi32, #tpu.memory_space<hbm>>
    tpu.enqueue_dma source(%dma_start3A_78 : memref<128xi32, #tpu.memory_space<hbm>>) target(%dma_start3A_77 : memref<128xi32, #tpu.memory_space<vmem>>) target_semaphore(%arg11 : memref<!tpu.dma_semaphore, #tpu.memory_space<semaphore_mem>>)
    %dma_wait3A = arith.constant 0 : i32
    %dma_wait3A_79 = arith.constant 0 : i32
    %dma_wait3A_80 = tpu.memref_slice %arg7[%dma_wait3A, %dma_wait3A_79] : memref<4x128xi32, #tpu.memory_space<vmem>> -> memref<1x128xi32, #tpu.memory_space<vmem>>
    %dma_wait3A_81 = tpu.memref_squeeze %dma_wait3A_80 : memref<1x128xi32, #tpu.memory_space<vmem>> -> memref<128xi32, #tpu.memory_space<vmem>>
    %dma_wait3A_82 = arith.constant 0 : i32
    %dma_wait3A_83 = tpu.memref_slice %arg3[%dma_wait3A_82] : memref<327680xi32, #tpu.memory_space<hbm>> -> memref<128xi32, #tpu.memory_space<hbm>>
    %dma_wait3A_84 = arith.constant 0 : i32
    %dma_wait3A_85 = tpu.memref_slice %arg7[%dma_wait3A, %dma_wait3A_84] : memref<4x128xi32, #tpu.memory_space<vmem>> -> memref<1x128xi32, #tpu.memory_space<vmem>>
    %dma_wait3A_86 = tpu.memref_squeeze %dma_wait3A_85 : memref<1x128xi32, #tpu.memory_space<vmem>> -> memref<128xi32, #tpu.memory_space<vmem>>
    %dma_wait3A_87 = arith.constant 0 : i32
    %dma_wait3A_88 = tpu.memref_slice %arg3[%dma_wait3A_87] : memref<327680xi32, #tpu.memory_space<hbm>> -> memref<128xi32, #tpu.memory_space<hbm>>
    tpu.wait_dma2 semaphore(%arg11 : memref<!tpu.dma_semaphore, #tpu.memory_space<semaphore_mem>>) src(%dma_wait3A_88 : memref<128xi32, #tpu.memory_space<hbm>>) dst(%dma_wait3A_86 : memref<128xi32, #tpu.memory_space<vmem>>)
    %dma_wait3A_89 = arith.constant 0 : i32
    %dma_wait3A_90 = arith.constant 0 : i32
    %dma_wait3A_91 = tpu.memref_slice %arg8[%dma_wait3A_89, %dma_wait3A_90] : memref<4x128xi32, #tpu.memory_space<vmem>> -> memref<1x128xi32, #tpu.memory_space<vmem>>
    %dma_wait3A_92 = tpu.memref_squeeze %dma_wait3A_91 : memref<1x128xi32, #tpu.memory_space<vmem>> -> memref<128xi32, #tpu.memory_space<vmem>>
    %dma_wait3A_93 = arith.constant 0 : i32
    %dma_wait3A_94 = tpu.memref_slice %arg4[%dma_wait3A_93] : memref<327680xi32, #tpu.memory_space<hbm>> -> memref<128xi32, #tpu.memory_space<hbm>>
    %dma_wait3A_95 = arith.constant 0 : i32
    %dma_wait3A_96 = tpu.memref_slice %arg8[%dma_wait3A_89, %dma_wait3A_95] : memref<4x128xi32, #tpu.memory_space<vmem>> -> memref<1x128xi32, #tpu.memory_space<vmem>>
    %dma_wait3A_97 = tpu.memref_squeeze %dma_wait3A_96 : memref<1x128xi32, #tpu.memory_space<vmem>> -> memref<128xi32, #tpu.memory_space<vmem>>
    %dma_wait3A_98 = arith.constant 0 : i32
    %dma_wait3A_99 = tpu.memref_slice %arg4[%dma_wait3A_98] : memref<327680xi32, #tpu.memory_space<hbm>> -> memref<128xi32, #tpu.memory_space<hbm>>
    tpu.wait_dma2 semaphore(%arg11 : memref<!tpu.dma_semaphore, #tpu.memory_space<semaphore_mem>>) src(%dma_wait3A_99 : memref<128xi32, #tpu.memory_space<hbm>>) dst(%dma_wait3A_97 : memref<128xi32, #tpu.memory_space<vmem>>)
    %dma_start3A_100 = arith.constant 0 : i32
    %dma_start3A_101 = arith.constant 0 : i32
    %dma_start3A_102 = arith.constant 0 : i32
    %dma_start3A_103 = arith.constant 0 : i32
    %dma_start3A_104 = tpu.memref_slice %arg9[%dma_start3A_101, %dma_start3A_102, %dma_start3A_103] : memref<2x128x128xf32, #tpu.memory_space<vmem>> -> memref<1x128x128xf32, #tpu.memory_space<vmem>>
    %dma_start3A_105 = tpu.memref_squeeze %dma_start3A_104 : memref<1x128x128xf32, #tpu.memory_space<vmem>> -> memref<128x128xf32, #tpu.memory_space<vmem>>
    %dma_start3A_106 = arith.constant 0 : i32
    %dma_start3A_107 = tpu.memref_slice %arg7[%dma_start3A_100, %dma_start3A_106] : memref<4x128xi32, #tpu.memory_space<vmem>> -> memref<1x128xi32, #tpu.memory_space<vmem>>
    %dma_start3A_108 = tpu.memref_squeeze %dma_start3A_107 : memref<1x128xi32, #tpu.memory_space<vmem>> -> memref<128xi32, #tpu.memory_space<vmem>>
    %dma_start3A_109 = arith.constant 0 : i32
    %dma_start3A_110 = arith.constant 0 : i32
    %dma_start3A_111 = tpu.memref_slice %arg2[%dma_start3A_109, %dma_start3A_110] : memref<10000x128xf32, #tpu.memory_space<hbm>> -> memref<10000x128xf32, #tpu.memory_space<hbm>>
    tpu.enqueue_indirect_dma source(%dma_start3A_111 : memref<10000x128xf32, #tpu.memory_space<hbm>>) target(%dma_start3A_105 : memref<128x128xf32, #tpu.memory_space<vmem>>) offsets(%dma_start3A_108 : memref<128xi32, #tpu.memory_space<vmem>>) semaphore(%arg12 : memref<!tpu.dma_semaphore, #tpu.memory_space<semaphore_mem>>)
    %sub3A = arith.constant 0 : i32
    %sub3A_112 = arith.subi %select_n3A_4, %sub3A : i32
    %sub3A_113 = arith.constant 4 : i32
    %sub3A_114 = arith.constant 1 : i32
    %sub3A_115 = arith.subi %sub3A_113, %sub3A_114 : i32
    %add3A_116 = arith.addi %sub3A_112, %sub3A_115 : i32
    %div3A = arith.constant 4 : i32
    %div3A_117 = arith.divsi %add3A_116, %div3A : i32
    %while3A = arith.constant 4 : i32
    %while3A_118 = arith.constant 0 : i32
    %while3A_119 = arith.constant 0 : i32
    %while3A_120 = arith.subi %div3A_117, %while3A_119 : i32
    %while3A_121 = arith.addi %while3A_119, %while3A_120 : i32
    %while3A_122 = arith.constant 1 : i32
    %while3A_123 = arith.divsi %while3A_120, %while3A_122 : i32
    %while3A_124 = arith.muli %while3A_123, %while3A_122 : i32
    %while3A_125 = arith.addi %while3A_119, %while3A_124 : i32
    %while3A_126 = arith.constant 1 : i32
    scf.for %while3A_145 = %while3A_119 to %while3A_125 step %while3A_126  : i32 {
      %mul3A_146 = arith.muli %while3A_145, %while3A : i32
      %add3A_147 = arith.addi %while3A_118, %mul3A_146 : i32
      %add3A_148 = arith.constant 0 : i32
      %add3A_149 = arith.addi %add3A_147, %add3A_148 : i32
      %dma_wait3A_150 = arith.constant 0 : i32
      %dma_wait3A_151 = arith.constant 0 : i32
      %dma_wait3A_152 = arith.constant 0 : i32
      %dma_wait3A_153 = arith.constant 0 : i32
      %dma_wait3A_154 = tpu.memref_slice %arg9[%dma_wait3A_151, %dma_wait3A_152, %dma_wait3A_153] : memref<2x128x128xf32, #tpu.memory_space<vmem>> -> memref<1x128x128xf32, #tpu.memory_space<vmem>>
      %dma_wait3A_155 = tpu.memref_squeeze %dma_wait3A_154 : memref<1x128x128xf32, #tpu.memory_space<vmem>> -> memref<128x128xf32, #tpu.memory_space<vmem>>
      %dma_wait3A_156 = arith.constant 0 : i32
      %dma_wait3A_157 = tpu.memref_slice %arg7[%dma_wait3A_150, %dma_wait3A_156] : memref<4x128xi32, #tpu.memory_space<vmem>> -> memref<1x128xi32, #tpu.memory_space<vmem>>
      %dma_wait3A_158 = tpu.memref_squeeze %dma_wait3A_157 : memref<1x128xi32, #tpu.memory_space<vmem>> -> memref<128xi32, #tpu.memory_space<vmem>>
      %dma_wait3A_159 = arith.constant 0 : i32
      %dma_wait3A_160 = arith.constant 0 : i32
      %dma_wait3A_161 = tpu.memref_slice %arg2[%dma_wait3A_159, %dma_wait3A_160] : memref<10000x128xf32, #tpu.memory_space<hbm>> -> memref<10000x128xf32, #tpu.memory_space<hbm>>
      tpu.wait_indirect_dma semaphore(%arg12 : memref<!tpu.dma_semaphore, #tpu.memory_space<semaphore_mem>>) src(%dma_wait3A_161 : memref<10000x128xf32, #tpu.memory_space<hbm>>) dst(%dma_wait3A_155 : memref<128x128xf32, #tpu.memory_space<vmem>>)
      %dma_start3A_162 = arith.constant 0 : i32
      %dma_start3A_163 = arith.constant 0 : i32
      %dma_start3A_164 = arith.constant 0 : i32
      %dma_start3A_165 = arith.constant 0 : i32
      %dma_start3A_166 = tpu.memref_slice %arg9[%dma_start3A_162, %dma_start3A_164, %dma_start3A_165] : memref<2x128x128xf32, #tpu.memory_space<vmem>> -> memref<1x128x128xf32, #tpu.memory_space<vmem>>
      %dma_start3A_167 = tpu.memref_squeeze %dma_start3A_166 : memref<1x128x128xf32, #tpu.memory_space<vmem>> -> memref<128x128xf32, #tpu.memory_space<vmem>>
      %dma_start3A_168 = arith.constant 0 : i32
      %dma_start3A_169 = tpu.memref_slice %arg8[%dma_start3A_163, %dma_start3A_168] : memref<4x128xi32, #tpu.memory_space<vmem>> -> memref<1x128xi32, #tpu.memory_space<vmem>>
      %dma_start3A_170 = tpu.memref_squeeze %dma_start3A_169 : memref<1x128xi32, #tpu.memory_space<vmem>> -> memref<128xi32, #tpu.memory_space<vmem>>
      %dma_start3A_171 = arith.constant 0 : i32
      %dma_start3A_172 = arith.constant 0 : i32
      %dma_start3A_173 = tpu.memref_slice %arg10[%dma_start3A_171, %dma_start3A_172] : memref<10112x128xf32, #tpu.memory_space<vmem_shared>> -> memref<10112x128xf32, #tpu.memory_space<vmem_shared>>
      tpu.enqueue_indirect_dma source(%dma_start3A_167 : memref<128x128xf32, #tpu.memory_space<vmem>>) target(%dma_start3A_173 : memref<10112x128xf32, #tpu.memory_space<vmem_shared>>) offsets(%dma_start3A_170 : memref<128xi32, #tpu.memory_space<vmem>>) semaphore(%arg13 : memref<!tpu.dma_semaphore, #tpu.memory_space<semaphore_mem>>) {add = true}
      %ge3A = arith.constant 1 : i32
      %ge3A_174 = arith.cmpi sge, %add3A_149, %ge3A : i32
      %convert_element_type3A = arith.extui %ge3A_174 : i1 to i32
      %cond3A = arith.constant 0 : i32
      %cond3A_175 = arith.cmpi ne, %convert_element_type3A, %cond3A : i32
      scf.if %cond3A_175 {
        %dma_wait3A_324 = arith.constant 1 : i32
        %dma_wait3A_325 = arith.constant 0 : i32
        %dma_wait3A_326 = arith.constant 0 : i32
        %dma_wait3A_327 = arith.constant 0 : i32
        %dma_wait3A_328 = tpu.memref_slice %arg9[%dma_wait3A_324, %dma_wait3A_326, %dma_wait3A_327] : memref<2x128x128xf32, #tpu.memory_space<vmem>> -> memref<1x128x128xf32, #tpu.memory_space<vmem>>
        %dma_wait3A_329 = tpu.memref_squeeze %dma_wait3A_328 : memref<1x128x128xf32, #tpu.memory_space<vmem>> -> memref<128x128xf32, #tpu.memory_space<vmem>>
        %dma_wait3A_330 = arith.constant 0 : i32
        %dma_wait3A_331 = tpu.memref_slice %arg8[%dma_wait3A_325, %dma_wait3A_330] : memref<4x128xi32, #tpu.memory_space<vmem>> -> memref<1x128xi32, #tpu.memory_space<vmem>>
        %dma_wait3A_332 = tpu.memref_squeeze %dma_wait3A_331 : memref<1x128xi32, #tpu.memory_space<vmem>> -> memref<128xi32, #tpu.memory_space<vmem>>
        %dma_wait3A_333 = arith.constant 0 : i32
        %dma_wait3A_334 = arith.constant 0 : i32
        %dma_wait3A_335 = tpu.memref_slice %arg10[%dma_wait3A_333, %dma_wait3A_334] : memref<10112x128xf32, #tpu.memory_space<vmem_shared>> -> memref<10112x128xf32, #tpu.memory_space<vmem_shared>>
        tpu.wait_indirect_dma semaphore(%arg13 : memref<!tpu.dma_semaphore, #tpu.memory_space<semaphore_mem>>) src(%dma_wait3A_329 : memref<128x128xf32, #tpu.memory_space<vmem>>) dst(%dma_wait3A_335 : memref<10112x128xf32, #tpu.memory_space<vmem_shared>>)
      } else {
      }
      %add3A_176 = arith.constant 1 : i32
      %add3A_177 = arith.addi %add3A_149, %add3A_176 : i32
      %lt3A = arith.cmpi slt, %add3A_177, %select_n3A_4 : i32
      %convert_element_type3A_178 = arith.extui %lt3A : i1 to i32
      %cond3A_179 = arith.constant 0 : i32
      %cond3A_180 = arith.cmpi ne, %convert_element_type3A_178, %cond3A_179 : i32
      scf.if %cond3A_180 {
        %dma_wait3A_324 = arith.constant 1 : i32
        %dma_wait3A_325 = arith.constant 0 : i32
        %dma_wait3A_326 = tpu.memref_slice %arg7[%dma_wait3A_324, %dma_wait3A_325] : memref<4x128xi32, #tpu.memory_space<vmem>> -> memref<1x128xi32, #tpu.memory_space<vmem>>
        %dma_wait3A_327 = tpu.memref_squeeze %dma_wait3A_326 : memref<1x128xi32, #tpu.memory_space<vmem>> -> memref<128xi32, #tpu.memory_space<vmem>>
        %dma_wait3A_328 = arith.constant 0 : i32
        %dma_wait3A_329 = tpu.memref_slice %arg3[%dma_wait3A_328] : memref<327680xi32, #tpu.memory_space<hbm>> -> memref<128xi32, #tpu.memory_space<hbm>>
        %dma_wait3A_330 = arith.constant 0 : i32
        %dma_wait3A_331 = tpu.memref_slice %arg7[%dma_wait3A_324, %dma_wait3A_330] : memref<4x128xi32, #tpu.memory_space<vmem>> -> memref<1x128xi32, #tpu.memory_space<vmem>>
        %dma_wait3A_332 = tpu.memref_squeeze %dma_wait3A_331 : memref<1x128xi32, #tpu.memory_space<vmem>> -> memref<128xi32, #tpu.memory_space<vmem>>
        %dma_wait3A_333 = arith.constant 0 : i32
        %dma_wait3A_334 = tpu.memref_slice %arg3[%dma_wait3A_333] : memref<327680xi32, #tpu.memory_space<hbm>> -> memref<128xi32, #tpu.memory_space<hbm>>
        tpu.wait_dma2 semaphore(%arg11 : memref<!tpu.dma_semaphore, #tpu.memory_space<semaphore_mem>>) src(%dma_wait3A_334 : memref<128xi32, #tpu.memory_space<hbm>>) dst(%dma_wait3A_332 : memref<128xi32, #tpu.memory_space<vmem>>)
        %dma_wait3A_335 = arith.constant 1 : i32
        %dma_wait3A_336 = arith.constant 0 : i32
        %dma_wait3A_337 = tpu.memref_slice %arg8[%dma_wait3A_335, %dma_wait3A_336] : memref<4x128xi32, #tpu.memory_space<vmem>> -> memref<1x128xi32, #tpu.memory_space<vmem>>
        %dma_wait3A_338 = tpu.memref_squeeze %dma_wait3A_337 : memref<1x128xi32, #tpu.memory_space<vmem>> -> memref<128xi32, #tpu.memory_space<vmem>>
        %dma_wait3A_339 = arith.constant 0 : i32
        %dma_wait3A_340 = tpu.memref_slice %arg4[%dma_wait3A_339] : memref<327680xi32, #tpu.memory_space<hbm>> -> memref<128xi32, #tpu.memory_space<hbm>>
        %dma_wait3A_341 = arith.constant 0 : i32
        %dma_wait3A_342 = tpu.memref_slice %arg8[%dma_wait3A_335, %dma_wait3A_341] : memref<4x128xi32, #tpu.memory_space<vmem>> -> memref<1x128xi32, #tpu.memory_space<vmem>>
        %dma_wait3A_343 = tpu.memref_squeeze %dma_wait3A_342 : memref<1x128xi32, #tpu.memory_space<vmem>> -> memref<128xi32, #tpu.memory_space<vmem>>
        %dma_wait3A_344 = arith.constant 0 : i32
        %dma_wait3A_345 = tpu.memref_slice %arg4[%dma_wait3A_344] : memref<327680xi32, #tpu.memory_space<hbm>> -> memref<128xi32, #tpu.memory_space<hbm>>
        tpu.wait_dma2 semaphore(%arg11 : memref<!tpu.dma_semaphore, #tpu.memory_space<semaphore_mem>>) src(%dma_wait3A_345 : memref<128xi32, #tpu.memory_space<hbm>>) dst(%dma_wait3A_343 : memref<128xi32, #tpu.memory_space<vmem>>)
        %dma_start3A_346 = arith.constant 1 : i32
        %dma_start3A_347 = arith.constant 1 : i32
        %dma_start3A_348 = arith.constant 0 : i32
        %dma_start3A_349 = arith.constant 0 : i32
        %dma_start3A_350 = tpu.memref_slice %arg9[%dma_start3A_347, %dma_start3A_348, %dma_start3A_349] : memref<2x128x128xf32, #tpu.memory_space<vmem>> -> memref<1x128x128xf32, #tpu.memory_space<vmem>>
        %dma_start3A_351 = tpu.memref_squeeze %dma_start3A_350 : memref<1x128x128xf32, #tpu.memory_space<vmem>> -> memref<128x128xf32, #tpu.memory_space<vmem>>
        %dma_start3A_352 = arith.constant 0 : i32
        %dma_start3A_353 = tpu.memref_slice %arg7[%dma_start3A_346, %dma_start3A_352] : memref<4x128xi32, #tpu.memory_space<vmem>> -> memref<1x128xi32, #tpu.memory_space<vmem>>
        %dma_start3A_354 = tpu.memref_squeeze %dma_start3A_353 : memref<1x128xi32, #tpu.memory_space<vmem>> -> memref<128xi32, #tpu.memory_space<vmem>>
        %dma_start3A_355 = arith.constant 0 : i32
        %dma_start3A_356 = arith.constant 0 : i32
        %dma_start3A_357 = tpu.memref_slice %arg2[%dma_start3A_355, %dma_start3A_356] : memref<10000x128xf32, #tpu.memory_space<hbm>> -> memref<10000x128xf32, #tpu.memory_space<hbm>>
        tpu.enqueue_indirect_dma source(%dma_start3A_357 : memref<10000x128xf32, #tpu.memory_space<hbm>>) target(%dma_start3A_351 : memref<128x128xf32, #tpu.memory_space<vmem>>) offsets(%dma_start3A_354 : memref<128xi32, #tpu.memory_space<vmem>>) semaphore(%arg12 : memref<!tpu.dma_semaphore, #tpu.memory_space<semaphore_mem>>)
      } else {
      }
      %add3A_181 = arith.constant 4 : i32
      %add3A_182 = arith.addi %add3A_149, %add3A_181 : i32
      %sub3A_183 = arith.constant 1 : i32
      %sub3A_184 = arith.subi %add3A_182, %sub3A_183 : i32
      %lt3A_185 = arith.cmpi slt, %sub3A_184, %select_n3A_4 : i32
      %convert_element_type3A_186 = arith.extui %lt3A_185 : i1 to i32
      %cond3A_187 = arith.constant 0 : i32
      %cond3A_188 = arith.cmpi ne, %convert_element_type3A_186, %cond3A_187 : i32
      scf.if %cond3A_188 {
        %add3A_324 = arith.constant 4 : i32
        %add3A_325 = arith.addi %add3A_149, %add3A_324 : i32
        %sub3A_326 = arith.constant 1 : i32
        %sub3A_327 = arith.subi %add3A_325, %sub3A_326 : i32
        %mul3A_328 = arith.constant 128 : i32
        %mul3A_329 = arith.muli %sub3A_327, %mul3A_328 : i32
        %add3A_330 = arith.addi %mul3A_15, %mul3A_329 : i32
        %dma_start3A_331 = arith.constant 3 : i32
        %dma_start3A_332 = arith.constant 0 : i32
        %dma_start3A_333 = tpu.memref_slice %arg7[%dma_start3A_331, %dma_start3A_332] : memref<4x128xi32, #tpu.memory_space<vmem>> -> memref<1x128xi32, #tpu.memory_space<vmem>>
        %dma_start3A_334 = tpu.memref_squeeze %dma_start3A_333 : memref<1x128xi32, #tpu.memory_space<vmem>> -> memref<128xi32, #tpu.memory_space<vmem>>
        %dma_start3A_335 = tpu.memref_slice %arg3[%add3A_330] : memref<327680xi32, #tpu.memory_space<hbm>> -> memref<128xi32, #tpu.memory_space<hbm>>
        %dma_start3A_336 = arith.constant 0 : i32
        %dma_start3A_337 = tpu.memref_slice %arg7[%dma_start3A_331, %dma_start3A_336] : memref<4x128xi32, #tpu.memory_space<vmem>> -> memref<1x128xi32, #tpu.memory_space<vmem>>
        %dma_start3A_338 = tpu.memref_squeeze %dma_start3A_337 : memref<1x128xi32, #tpu.memory_space<vmem>> -> memref<128xi32, #tpu.memory_space<vmem>>
        %dma_start3A_339 = tpu.memref_slice %arg3[%add3A_330] : memref<327680xi32, #tpu.memory_space<hbm>> -> memref<128xi32, #tpu.memory_space<hbm>>
        tpu.enqueue_dma source(%dma_start3A_339 : memref<128xi32, #tpu.memory_space<hbm>>) target(%dma_start3A_338 : memref<128xi32, #tpu.memory_space<vmem>>) target_semaphore(%arg11 : memref<!tpu.dma_semaphore, #tpu.memory_space<semaphore_mem>>)
        %dma_start3A_340 = arith.constant 3 : i32
        %dma_start3A_341 = arith.constant 0 : i32
        %dma_start3A_342 = tpu.memref_slice %arg8[%dma_start3A_340, %dma_start3A_341] : memref<4x128xi32, #tpu.memory_space<vmem>> -> memref<1x128xi32, #tpu.memory_space<vmem>>
        %dma_start3A_343 = tpu.memref_squeeze %dma_start3A_342 : memref<1x128xi32, #tpu.memory_space<vmem>> -> memref<128xi32, #tpu.memory_space<vmem>>
        %dma_start3A_344 = tpu.memref_slice %arg4[%add3A_330] : memref<327680xi32, #tpu.memory_space<hbm>> -> memref<128xi32, #tpu.memory_space<hbm>>
        %dma_start3A_345 = arith.constant 0 : i32
        %dma_start3A_346 = tpu.memref_slice %arg8[%dma_start3A_340, %dma_start3A_345] : memref<4x128xi32, #tpu.memory_space<vmem>> -> memref<1x128xi32, #tpu.memory_space<vmem>>
        %dma_start3A_347 = tpu.memref_squeeze %dma_start3A_346 : memref<1x128xi32, #tpu.memory_space<vmem>> -> memref<128xi32, #tpu.memory_space<vmem>>
        %dma_start3A_348 = tpu.memref_slice %arg4[%add3A_330] : memref<327680xi32, #tpu.memory_space<hbm>> -> memref<128xi32, #tpu.memory_space<hbm>>
        tpu.enqueue_dma source(%dma_start3A_348 : memref<128xi32, #tpu.memory_space<hbm>>) target(%dma_start3A_347 : memref<128xi32, #tpu.memory_space<vmem>>) target_semaphore(%arg11 : memref<!tpu.dma_semaphore, #tpu.memory_space<semaphore_mem>>)
      } else {
      }
      %add3A_189 = arith.constant 1 : i32
      %add3A_190 = arith.addi %add3A_147, %add3A_189 : i32
      %dma_wait3A_191 = arith.constant 0 : i32
      %dma_wait3A_192 = arith.constant 1 : i32
      %dma_wait3A_193 = arith.constant 0 : i32
      %dma_wait3A_194 = arith.constant 0 : i32
      %dma_wait3A_195 = tpu.memref_slice %arg9[%dma_wait3A_192, %dma_wait3A_193, %dma_wait3A_194] : memref<2x128x128xf32, #tpu.memory_space<vmem>> -> memref<1x128x128xf32, #tpu.memory_space<vmem>>
      %dma_wait3A_196 = tpu.memref_squeeze %dma_wait3A_195 : memref<1x128x128xf32, #tpu.memory_space<vmem>> -> memref<128x128xf32, #tpu.memory_space<vmem>>
      %dma_wait3A_197 = arith.constant 0 : i32
      %dma_wait3A_198 = tpu.memref_slice %arg7[%dma_wait3A_191, %dma_wait3A_197] : memref<4x128xi32, #tpu.memory_space<vmem>> -> memref<1x128xi32, #tpu.memory_space<vmem>>
      %dma_wait3A_199 = tpu.memref_squeeze %dma_wait3A_198 : memref<1x128xi32, #tpu.memory_space<vmem>> -> memref<128xi32, #tpu.memory_space<vmem>>
      %dma_wait3A_200 = arith.constant 0 : i32
      %dma_wait3A_201 = arith.constant 0 : i32
      %dma_wait3A_202 = tpu.memref_slice %arg2[%dma_wait3A_200, %dma_wait3A_201] : memref<10000x128xf32, #tpu.memory_space<hbm>> -> memref<10000x128xf32, #tpu.memory_space<hbm>>
      tpu.wait_indirect_dma semaphore(%arg12 : memref<!tpu.dma_semaphore, #tpu.memory_space<semaphore_mem>>) src(%dma_wait3A_202 : memref<10000x128xf32, #tpu.memory_space<hbm>>) dst(%dma_wait3A_196 : memref<128x128xf32, #tpu.memory_space<vmem>>)
      %dma_start3A_203 = arith.constant 1 : i32
      %dma_start3A_204 = arith.constant 1 : i32
      %dma_start3A_205 = arith.constant 0 : i32
      %dma_start3A_206 = arith.constant 0 : i32
      %dma_start3A_207 = tpu.memref_slice %arg9[%dma_start3A_203, %dma_start3A_205, %dma_start3A_206] : memref<2x128x128xf32, #tpu.memory_space<vmem>> -> memref<1x128x128xf32, #tpu.memory_space<vmem>>
      %dma_start3A_208 = tpu.memref_squeeze %dma_start3A_207 : memref<1x128x128xf32, #tpu.memory_space<vmem>> -> memref<128x128xf32, #tpu.memory_space<vmem>>
      %dma_start3A_209 = arith.constant 0 : i32
      %dma_start3A_210 = tpu.memref_slice %arg8[%dma_start3A_204, %dma_start3A_209] : memref<4x128xi32, #tpu.memory_space<vmem>> -> memref<1x128xi32, #tpu.memory_space<vmem>>
      %dma_start3A_211 = tpu.memref_squeeze %dma_start3A_210 : memref<1x128xi32, #tpu.memory_space<vmem>> -> memref<128xi32, #tpu.memory_space<vmem>>
      %dma_start3A_212 = arith.constant 0 : i32
      %dma_start3A_213 = arith.constant 0 : i32
      %dma_start3A_214 = tpu.memref_slice %arg10[%dma_start3A_212, %dma_start3A_213] : memref<10112x128xf32, #tpu.memory_space<vmem_shared>> -> memref<10112x128xf32, #tpu.memory_space<vmem_shared>>
      tpu.enqueue_indirect_dma source(%dma_start3A_208 : memref<128x128xf32, #tpu.memory_space<vmem>>) target(%dma_start3A_214 : memref<10112x128xf32, #tpu.memory_space<vmem_shared>>) offsets(%dma_start3A_211 : memref<128xi32, #tpu.memory_space<vmem>>) semaphore(%arg13 : memref<!tpu.dma_semaphore, #tpu.memory_space<semaphore_mem>>) {add = true}
      %ge3A_215 = arith.constant 1 : i32
      %ge3A_216 = arith.cmpi sge, %add3A_190, %ge3A_215 : i32
      %convert_element_type3A_217 = arith.extui %ge3A_216 : i1 to i32
      %cond3A_218 = arith.constant 0 : i32
      %cond3A_219 = arith.cmpi ne, %convert_element_type3A_217, %cond3A_218 : i32
      scf.if %cond3A_219 {
        %dma_wait3A_324 = arith.constant 0 : i32
        %dma_wait3A_325 = arith.constant 0 : i32
        %dma_wait3A_326 = arith.constant 0 : i32
        %dma_wait3A_327 = arith.constant 0 : i32
        %dma_wait3A_328 = tpu.memref_slice %arg9[%dma_wait3A_324, %dma_wait3A_326, %dma_wait3A_327] : memref<2x128x128xf32, #tpu.memory_space<vmem>> -> memref<1x128x128xf32, #tpu.memory_space<vmem>>
        %dma_wait3A_329 = tpu.memref_squeeze %dma_wait3A_328 : memref<1x128x128xf32, #tpu.memory_space<vmem>> -> memref<128x128xf32, #tpu.memory_space<vmem>>
        %dma_wait3A_330 = arith.constant 0 : i32
        %dma_wait3A_331 = tpu.memref_slice %arg8[%dma_wait3A_325, %dma_wait3A_330] : memref<4x128xi32, #tpu.memory_space<vmem>> -> memref<1x128xi32, #tpu.memory_space<vmem>>
        %dma_wait3A_332 = tpu.memref_squeeze %dma_wait3A_331 : memref<1x128xi32, #tpu.memory_space<vmem>> -> memref<128xi32, #tpu.memory_space<vmem>>
        %dma_wait3A_333 = arith.constant 0 : i32
        %dma_wait3A_334 = arith.constant 0 : i32
        %dma_wait3A_335 = tpu.memref_slice %arg10[%dma_wait3A_333, %dma_wait3A_334] : memref<10112x128xf32, #tpu.memory_space<vmem_shared>> -> memref<10112x128xf32, #tpu.memory_space<vmem_shared>>
        tpu.wait_indirect_dma semaphore(%arg13 : memref<!tpu.dma_semaphore, #tpu.memory_space<semaphore_mem>>) src(%dma_wait3A_329 : memref<128x128xf32, #tpu.memory_space<vmem>>) dst(%dma_wait3A_335 : memref<10112x128xf32, #tpu.memory_space<vmem_shared>>)
      } else {
      }
      %add3A_220 = arith.constant 1 : i32
      %add3A_221 = arith.addi %add3A_190, %add3A_220 : i32
      %lt3A_222 = arith.cmpi slt, %add3A_221, %select_n3A_4 : i32
      %convert_element_type3A_223 = arith.extui %lt3A_222 : i1 to i32
      %cond3A_224 = arith.constant 0 : i32
      %cond3A_225 = arith.cmpi ne, %convert_element_type3A_223, %cond3A_224 : i32
      scf.if %cond3A_225 {
        %dma_wait3A_324 = arith.constant 2 : i32
        %dma_wait3A_325 = arith.constant 0 : i32
        %dma_wait3A_326 = tpu.memref_slice %arg7[%dma_wait3A_324, %dma_wait3A_325] : memref<4x128xi32, #tpu.memory_space<vmem>> -> memref<1x128xi32, #tpu.memory_space<vmem>>
        %dma_wait3A_327 = tpu.memref_squeeze %dma_wait3A_326 : memref<1x128xi32, #tpu.memory_space<vmem>> -> memref<128xi32, #tpu.memory_space<vmem>>
        %dma_wait3A_328 = arith.constant 0 : i32
        %dma_wait3A_329 = tpu.memref_slice %arg3[%dma_wait3A_328] : memref<327680xi32, #tpu.memory_space<hbm>> -> memref<128xi32, #tpu.memory_space<hbm>>
        %dma_wait3A_330 = arith.constant 0 : i32
        %dma_wait3A_331 = tpu.memref_slice %arg7[%dma_wait3A_324, %dma_wait3A_330] : memref<4x128xi32, #tpu.memory_space<vmem>> -> memref<1x128xi32, #tpu.memory_space<vmem>>
        %dma_wait3A_332 = tpu.memref_squeeze %dma_wait3A_331 : memref<1x128xi32, #tpu.memory_space<vmem>> -> memref<128xi32, #tpu.memory_space<vmem>>
        %dma_wait3A_333 = arith.constant 0 : i32
        %dma_wait3A_334 = tpu.memref_slice %arg3[%dma_wait3A_333] : memref<327680xi32, #tpu.memory_space<hbm>> -> memref<128xi32, #tpu.memory_space<hbm>>
        tpu.wait_dma2 semaphore(%arg11 : memref<!tpu.dma_semaphore, #tpu.memory_space<semaphore_mem>>) src(%dma_wait3A_334 : memref<128xi32, #tpu.memory_space<hbm>>) dst(%dma_wait3A_332 : memref<128xi32, #tpu.memory_space<vmem>>)
        %dma_wait3A_335 = arith.constant 2 : i32
        %dma_wait3A_336 = arith.constant 0 : i32
        %dma_wait3A_337 = tpu.memref_slice %arg8[%dma_wait3A_335, %dma_wait3A_336] : memref<4x128xi32, #tpu.memory_space<vmem>> -> memref<1x128xi32, #tpu.memory_space<vmem>>
        %dma_wait3A_338 = tpu.memref_squeeze %dma_wait3A_337 : memref<1x128xi32, #tpu.memory_space<vmem>> -> memref<128xi32, #tpu.memory_space<vmem>>
        %dma_wait3A_339 = arith.constant 0 : i32
        %dma_wait3A_340 = tpu.memref_slice %arg4[%dma_wait3A_339] : memref<327680xi32, #tpu.memory_space<hbm>> -> memref<128xi32, #tpu.memory_space<hbm>>
        %dma_wait3A_341 = arith.constant 0 : i32
        %dma_wait3A_342 = tpu.memref_slice %arg8[%dma_wait3A_335, %dma_wait3A_341] : memref<4x128xi32, #tpu.memory_space<vmem>> -> memref<1x128xi32, #tpu.memory_space<vmem>>
        %dma_wait3A_343 = tpu.memref_squeeze %dma_wait3A_342 : memref<1x128xi32, #tpu.memory_space<vmem>> -> memref<128xi32, #tpu.memory_space<vmem>>
        %dma_wait3A_344 = arith.constant 0 : i32
        %dma_wait3A_345 = tpu.memref_slice %arg4[%dma_wait3A_344] : memref<327680xi32, #tpu.memory_space<hbm>> -> memref<128xi32, #tpu.memory_space<hbm>>
        tpu.wait_dma2 semaphore(%arg11 : memref<!tpu.dma_semaphore, #tpu.memory_space<semaphore_mem>>) src(%dma_wait3A_345 : memref<128xi32, #tpu.memory_space<hbm>>) dst(%dma_wait3A_343 : memref<128xi32, #tpu.memory_space<vmem>>)
        %dma_start3A_346 = arith.constant 2 : i32
        %dma_start3A_347 = arith.constant 0 : i32
        %dma_start3A_348 = arith.constant 0 : i32
        %dma_start3A_349 = arith.constant 0 : i32
        %dma_start3A_350 = tpu.memref_slice %arg9[%dma_start3A_347, %dma_start3A_348, %dma_start3A_349] : memref<2x128x128xf32, #tpu.memory_space<vmem>> -> memref<1x128x128xf32, #tpu.memory_space<vmem>>
        %dma_start3A_351 = tpu.memref_squeeze %dma_start3A_350 : memref<1x128x128xf32, #tpu.memory_space<vmem>> -> memref<128x128xf32, #tpu.memory_space<vmem>>
        %dma_start3A_352 = arith.constant 0 : i32
        %dma_start3A_353 = tpu.memref_slice %arg7[%dma_start3A_346, %dma_start3A_352] : memref<4x128xi32, #tpu.memory_space<vmem>> -> memref<1x128xi32, #tpu.memory_space<vmem>>
        %dma_start3A_354 = tpu.memref_squeeze %dma_start3A_353 : memref<1x128xi32, #tpu.memory_space<vmem>> -> memref<128xi32, #tpu.memory_space<vmem>>
        %dma_start3A_355 = arith.constant 0 : i32
        %dma_start3A_356 = arith.constant 0 : i32
        %dma_start3A_357 = tpu.memref_slice %arg2[%dma_start3A_355, %dma_start3A_356] : memref<10000x128xf32, #tpu.memory_space<hbm>> -> memref<10000x128xf32, #tpu.memory_space<hbm>>
        tpu.enqueue_indirect_dma source(%dma_start3A_357 : memref<10000x128xf32, #tpu.memory_space<hbm>>) target(%dma_start3A_351 : memref<128x128xf32, #tpu.memory_space<vmem>>) offsets(%dma_start3A_354 : memref<128xi32, #tpu.memory_space<vmem>>) semaphore(%arg12 : memref<!tpu.dma_semaphore, #tpu.memory_space<semaphore_mem>>)
      } else {
      }
      %add3A_226 = arith.constant 4 : i32
      %add3A_227 = arith.addi %add3A_190, %add3A_226 : i32
      %sub3A_228 = arith.constant 1 : i32
      %sub3A_229 = arith.subi %add3A_227, %sub3A_228 : i32
      %lt3A_230 = arith.cmpi slt, %sub3A_229, %select_n3A_4 : i32
      %convert_element_type3A_231 = arith.extui %lt3A_230 : i1 to i32
      %cond3A_232 = arith.constant 0 : i32
      %cond3A_233 = arith.cmpi ne, %convert_element_type3A_231, %cond3A_232 : i32
      scf.if %cond3A_233 {
        %add3A_324 = arith.constant 4 : i32
        %add3A_325 = arith.addi %add3A_190, %add3A_324 : i32
        %sub3A_326 = arith.constant 1 : i32
        %sub3A_327 = arith.subi %add3A_325, %sub3A_326 : i32
        %mul3A_328 = arith.constant 128 : i32
        %mul3A_329 = arith.muli %sub3A_327, %mul3A_328 : i32
        %add3A_330 = arith.addi %mul3A_15, %mul3A_329 : i32
        %dma_start3A_331 = arith.constant 0 : i32
        %dma_start3A_332 = arith.constant 0 : i32
        %dma_start3A_333 = tpu.memref_slice %arg7[%dma_start3A_331, %dma_start3A_332] : memref<4x128xi32, #tpu.memory_space<vmem>> -> memref<1x128xi32, #tpu.memory_space<vmem>>
        %dma_start3A_334 = tpu.memref_squeeze %dma_start3A_333 : memref<1x128xi32, #tpu.memory_space<vmem>> -> memref<128xi32, #tpu.memory_space<vmem>>
        %dma_start3A_335 = tpu.memref_slice %arg3[%add3A_330] : memref<327680xi32, #tpu.memory_space<hbm>> -> memref<128xi32, #tpu.memory_space<hbm>>
        %dma_start3A_336 = arith.constant 0 : i32
        %dma_start3A_337 = tpu.memref_slice %arg7[%dma_start3A_331, %dma_start3A_336] : memref<4x128xi32, #tpu.memory_space<vmem>> -> memref<1x128xi32, #tpu.memory_space<vmem>>
        %dma_start3A_338 = tpu.memref_squeeze %dma_start3A_337 : memref<1x128xi32, #tpu.memory_space<vmem>> -> memref<128xi32, #tpu.memory_space<vmem>>
        %dma_start3A_339 = tpu.memref_slice %arg3[%add3A_330] : memref<327680xi32, #tpu.memory_space<hbm>> -> memref<128xi32, #tpu.memory_space<hbm>>
        tpu.enqueue_dma source(%dma_start3A_339 : memref<128xi32, #tpu.memory_space<hbm>>) target(%dma_start3A_338 : memref<128xi32, #tpu.memory_space<vmem>>) target_semaphore(%arg11 : memref<!tpu.dma_semaphore, #tpu.memory_space<semaphore_mem>>)
        %dma_start3A_340 = arith.constant 0 : i32
        %dma_start3A_341 = arith.constant 0 : i32
        %dma_start3A_342 = tpu.memref_slice %arg8[%dma_start3A_340, %dma_start3A_341] : memref<4x128xi32, #tpu.memory_space<vmem>> -> memref<1x128xi32, #tpu.memory_space<vmem>>
        %dma_start3A_343 = tpu.memref_squeeze %dma_start3A_342 : memref<1x128xi32, #tpu.memory_space<vmem>> -> memref<128xi32, #tpu.memory_space<vmem>>
        %dma_start3A_344 = tpu.memref_slice %arg4[%add3A_330] : memref<327680xi32, #tpu.memory_space<hbm>> -> memref<128xi32, #tpu.memory_space<hbm>>
        %dma_start3A_345 = arith.constant 0 : i32
        %dma_start3A_346 = tpu.memref_slice %arg8[%dma_start3A_340, %dma_start3A_345] : memref<4x128xi32, #tpu.memory_space<vmem>> -> memref<1x128xi32, #tpu.memory_space<vmem>>
        %dma_start3A_347 = tpu.memref_squeeze %dma_start3A_346 : memref<1x128xi32, #tpu.memory_space<vmem>> -> memref<128xi32, #tpu.memory_space<vmem>>
        %dma_start3A_348 = tpu.memref_slice %arg4[%add3A_330] : memref<327680xi32, #tpu.memory_space<hbm>> -> memref<128xi32, #tpu.memory_space<hbm>>
        tpu.enqueue_dma source(%dma_start3A_348 : memref<128xi32, #tpu.memory_space<hbm>>) target(%dma_start3A_347 : memref<128xi32, #tpu.memory_space<vmem>>) target_semaphore(%arg11 : memref<!tpu.dma_semaphore, #tpu.memory_space<semaphore_mem>>)
      } else {
      }
      %add3A_234 = arith.constant 2 : i32
      %add3A_235 = arith.addi %add3A_147, %add3A_234 : i32
      %dma_wait3A_236 = arith.constant 0 : i32
      %dma_wait3A_237 = arith.constant 0 : i32
      %dma_wait3A_238 = arith.constant 0 : i32
      %dma_wait3A_239 = arith.constant 0 : i32
      %dma_wait3A_240 = tpu.memref_slice %arg9[%dma_wait3A_237, %dma_wait3A_238, %dma_wait3A_239] : memref<2x128x128xf32, #tpu.memory_space<vmem>> -> memref<1x128x128xf32, #tpu.memory_space<vmem>>
      %dma_wait3A_241 = tpu.memref_squeeze %dma_wait3A_240 : memref<1x128x128xf32, #tpu.memory_space<vmem>> -> memref<128x128xf32, #tpu.memory_space<vmem>>
      %dma_wait3A_242 = arith.constant 0 : i32
      %dma_wait3A_243 = tpu.memref_slice %arg7[%dma_wait3A_236, %dma_wait3A_242] : memref<4x128xi32, #tpu.memory_space<vmem>> -> memref<1x128xi32, #tpu.memory_space<vmem>>
      %dma_wait3A_244 = tpu.memref_squeeze %dma_wait3A_243 : memref<1x128xi32, #tpu.memory_space<vmem>> -> memref<128xi32, #tpu.memory_space<vmem>>
      %dma_wait3A_245 = arith.constant 0 : i32
      %dma_wait3A_246 = arith.constant 0 : i32
      %dma_wait3A_247 = tpu.memref_slice %arg2[%dma_wait3A_245, %dma_wait3A_246] : memref<10000x128xf32, #tpu.memory_space<hbm>> -> memref<10000x128xf32, #tpu.memory_space<hbm>>
      tpu.wait_indirect_dma semaphore(%arg12 : memref<!tpu.dma_semaphore, #tpu.memory_space<semaphore_mem>>) src(%dma_wait3A_247 : memref<10000x128xf32, #tpu.memory_space<hbm>>) dst(%dma_wait3A_241 : memref<128x128xf32, #tpu.memory_space<vmem>>)
      %dma_start3A_248 = arith.constant 0 : i32
      %dma_start3A_249 = arith.constant 2 : i32
      %dma_start3A_250 = arith.constant 0 : i32
      %dma_start3A_251 = arith.constant 0 : i32
      %dma_start3A_252 = tpu.memref_slice %arg9[%dma_start3A_248, %dma_start3A_250, %dma_start3A_251] : memref<2x128x128xf32, #tpu.memory_space<vmem>> -> memref<1x128x128xf32, #tpu.memory_space<vmem>>
      %dma_start3A_253 = tpu.memref_squeeze %dma_start3A_252 : memref<1x128x128xf32, #tpu.memory_space<vmem>> -> memref<128x128xf32, #tpu.memory_space<vmem>>
      %dma_start3A_254 = arith.constant 0 : i32
      %dma_start3A_255 = tpu.memref_slice %arg8[%dma_start3A_249, %dma_start3A_254] : memref<4x128xi32, #tpu.memory_space<vmem>> -> memref<1x128xi32, #tpu.memory_space<vmem>>
      %dma_start3A_256 = tpu.memref_squeeze %dma_start3A_255 : memref<1x128xi32, #tpu.memory_space<vmem>> -> memref<128xi32, #tpu.memory_space<vmem>>
      %dma_start3A_257 = arith.constant 0 : i32
      %dma_start3A_258 = arith.constant 0 : i32
      %dma_start3A_259 = tpu.memref_slice %arg10[%dma_start3A_257, %dma_start3A_258] : memref<10112x128xf32, #tpu.memory_space<vmem_shared>> -> memref<10112x128xf32, #tpu.memory_space<vmem_shared>>
      tpu.enqueue_indirect_dma source(%dma_start3A_253 : memref<128x128xf32, #tpu.memory_space<vmem>>) target(%dma_start3A_259 : memref<10112x128xf32, #tpu.memory_space<vmem_shared>>) offsets(%dma_start3A_256 : memref<128xi32, #tpu.memory_space<vmem>>) semaphore(%arg13 : memref<!tpu.dma_semaphore, #tpu.memory_space<semaphore_mem>>) {add = true}
      %ge3A_260 = arith.constant 1 : i32
      %ge3A_261 = arith.cmpi sge, %add3A_235, %ge3A_260 : i32
      %convert_element_type3A_262 = arith.extui %ge3A_261 : i1 to i32
      %cond3A_263 = arith.constant 0 : i32
      %cond3A_264 = arith.cmpi ne, %convert_element_type3A_262, %cond3A_263 : i32
      scf.if %cond3A_264 {
        %dma_wait3A_324 = arith.constant 1 : i32
        %dma_wait3A_325 = arith.constant 0 : i32
        %dma_wait3A_326 = arith.constant 0 : i32
        %dma_wait3A_327 = arith.constant 0 : i32
        %dma_wait3A_328 = tpu.memref_slice %arg9[%dma_wait3A_324, %dma_wait3A_326, %dma_wait3A_327] : memref<2x128x128xf32, #tpu.memory_space<vmem>> -> memref<1x128x128xf32, #tpu.memory_space<vmem>>
        %dma_wait3A_329 = tpu.memref_squeeze %dma_wait3A_328 : memref<1x128x128xf32, #tpu.memory_space<vmem>> -> memref<128x128xf32, #tpu.memory_space<vmem>>
        %dma_wait3A_330 = arith.constant 0 : i32
        %dma_wait3A_331 = tpu.memref_slice %arg8[%dma_wait3A_325, %dma_wait3A_330] : memref<4x128xi32, #tpu.memory_space<vmem>> -> memref<1x128xi32, #tpu.memory_space<vmem>>
        %dma_wait3A_332 = tpu.memref_squeeze %dma_wait3A_331 : memref<1x128xi32, #tpu.memory_space<vmem>> -> memref<128xi32, #tpu.memory_space<vmem>>
        %dma_wait3A_333 = arith.constant 0 : i32
        %dma_wait3A_334 = arith.constant 0 : i32
        %dma_wait3A_335 = tpu.memref_slice %arg10[%dma_wait3A_333, %dma_wait3A_334] : memref<10112x128xf32, #tpu.memory_space<vmem_shared>> -> memref<10112x128xf32, #tpu.memory_space<vmem_shared>>
        tpu.wait_indirect_dma semaphore(%arg13 : memref<!tpu.dma_semaphore, #tpu.memory_space<semaphore_mem>>) src(%dma_wait3A_329 : memref<128x128xf32, #tpu.memory_space<vmem>>) dst(%dma_wait3A_335 : memref<10112x128xf32, #tpu.memory_space<vmem_shared>>)
      } else {
      }
      %add3A_265 = arith.constant 1 : i32
      %add3A_266 = arith.addi %add3A_235, %add3A_265 : i32
      %lt3A_267 = arith.cmpi slt, %add3A_266, %select_n3A_4 : i32
      %convert_element_type3A_268 = arith.extui %lt3A_267 : i1 to i32
      %cond3A_269 = arith.constant 0 : i32
      %cond3A_270 = arith.cmpi ne, %convert_element_type3A_268, %cond3A_269 : i32
      scf.if %cond3A_270 {
        %dma_wait3A_324 = arith.constant 3 : i32
        %dma_wait3A_325 = arith.constant 0 : i32
        %dma_wait3A_326 = tpu.memref_slice %arg7[%dma_wait3A_324, %dma_wait3A_325] : memref<4x128xi32, #tpu.memory_space<vmem>> -> memref<1x128xi32, #tpu.memory_space<vmem>>
        %dma_wait3A_327 = tpu.memref_squeeze %dma_wait3A_326 : memref<1x128xi32, #tpu.memory_space<vmem>> -> memref<128xi32, #tpu.memory_space<vmem>>
        %dma_wait3A_328 = arith.constant 0 : i32
        %dma_wait3A_329 = tpu.memref_slice %arg3[%dma_wait3A_328] : memref<327680xi32, #tpu.memory_space<hbm>> -> memref<128xi32, #tpu.memory_space<hbm>>
        %dma_wait3A_330 = arith.constant 0 : i32
        %dma_wait3A_331 = tpu.memref_slice %arg7[%dma_wait3A_324, %dma_wait3A_330] : memref<4x128xi32, #tpu.memory_space<vmem>> -> memref<1x128xi32, #tpu.memory_space<vmem>>
        %dma_wait3A_332 = tpu.memref_squeeze %dma_wait3A_331 : memref<1x128xi32, #tpu.memory_space<vmem>> -> memref<128xi32, #tpu.memory_space<vmem>>
        %dma_wait3A_333 = arith.constant 0 : i32
        %dma_wait3A_334 = tpu.memref_slice %arg3[%dma_wait3A_333] : memref<327680xi32, #tpu.memory_space<hbm>> -> memref<128xi32, #tpu.memory_space<hbm>>
        tpu.wait_dma2 semaphore(%arg11 : memref<!tpu.dma_semaphore, #tpu.memory_space<semaphore_mem>>) src(%dma_wait3A_334 : memref<128xi32, #tpu.memory_space<hbm>>) dst(%dma_wait3A_332 : memref<128xi32, #tpu.memory_space<vmem>>)
        %dma_wait3A_335 = arith.constant 3 : i32
        %dma_wait3A_336 = arith.constant 0 : i32
        %dma_wait3A_337 = tpu.memref_slice %arg8[%dma_wait3A_335, %dma_wait3A_336] : memref<4x128xi32, #tpu.memory_space<vmem>> -> memref<1x128xi32, #tpu.memory_space<vmem>>
        %dma_wait3A_338 = tpu.memref_squeeze %dma_wait3A_337 : memref<1x128xi32, #tpu.memory_space<vmem>> -> memref<128xi32, #tpu.memory_space<vmem>>
        %dma_wait3A_339 = arith.constant 0 : i32
        %dma_wait3A_340 = tpu.memref_slice %arg4[%dma_wait3A_339] : memref<327680xi32, #tpu.memory_space<hbm>> -> memref<128xi32, #tpu.memory_space<hbm>>
        %dma_wait3A_341 = arith.constant 0 : i32
        %dma_wait3A_342 = tpu.memref_slice %arg8[%dma_wait3A_335, %dma_wait3A_341] : memref<4x128xi32, #tpu.memory_space<vmem>> -> memref<1x128xi32, #tpu.memory_space<vmem>>
        %dma_wait3A_343 = tpu.memref_squeeze %dma_wait3A_342 : memref<1x128xi32, #tpu.memory_space<vmem>> -> memref<128xi32, #tpu.memory_space<vmem>>
        %dma_wait3A_344 = arith.constant 0 : i32
        %dma_wait3A_345 = tpu.memref_slice %arg4[%dma_wait3A_344] : memref<327680xi32, #tpu.memory_space<hbm>> -> memref<128xi32, #tpu.memory_space<hbm>>
        tpu.wait_dma2 semaphore(%arg11 : memref<!tpu.dma_semaphore, #tpu.memory_space<semaphore_mem>>) src(%dma_wait3A_345 : memref<128xi32, #tpu.memory_space<hbm>>) dst(%dma_wait3A_343 : memref<128xi32, #tpu.memory_space<vmem>>)
        %dma_start3A_346 = arith.constant 3 : i32
        %dma_start3A_347 = arith.constant 1 : i32
        %dma_start3A_348 = arith.constant 0 : i32
        %dma_start3A_349 = arith.constant 0 : i32
        %dma_start3A_350 = tpu.memref_slice %arg9[%dma_start3A_347, %dma_start3A_348, %dma_start3A_349] : memref<2x128x128xf32, #tpu.memory_space<vmem>> -> memref<1x128x128xf32, #tpu.memory_space<vmem>>
        %dma_start3A_351 = tpu.memref_squeeze %dma_start3A_350 : memref<1x128x128xf32, #tpu.memory_space<vmem>> -> memref<128x128xf32, #tpu.memory_space<vmem>>
        %dma_start3A_352 = arith.constant 0 : i32
        %dma_start3A_353 = tpu.memref_slice %arg7[%dma_start3A_346, %dma_start3A_352] : memref<4x128xi32, #tpu.memory_space<vmem>> -> memref<1x128xi32, #tpu.memory_space<vmem>>
        %dma_start3A_354 = tpu.memref_squeeze %dma_start3A_353 : memref<1x128xi32, #tpu.memory_space<vmem>> -> memref<128xi32, #tpu.memory_space<vmem>>
        %dma_start3A_355 = arith.constant 0 : i32
        %dma_start3A_356 = arith.constant 0 : i32
        %dma_start3A_357 = tpu.memref_slice %arg2[%dma_start3A_355, %dma_start3A_356] : memref<10000x128xf32, #tpu.memory_space<hbm>> -> memref<10000x128xf32, #tpu.memory_space<hbm>>
        tpu.enqueue_indirect_dma source(%dma_start3A_357 : memref<10000x128xf32, #tpu.memory_space<hbm>>) target(%dma_start3A_351 : memref<128x128xf32, #tpu.memory_space<vmem>>) offsets(%dma_start3A_354 : memref<128xi32, #tpu.memory_space<vmem>>) semaphore(%arg12 : memref<!tpu.dma_semaphore, #tpu.memory_space<semaphore_mem>>)
      } else {
      }
      %add3A_271 = arith.constant 4 : i32
      %add3A_272 = arith.addi %add3A_235, %add3A_271 : i32
      %sub3A_273 = arith.constant 1 : i32
      %sub3A_274 = arith.subi %add3A_272, %sub3A_273 : i32
      %lt3A_275 = arith.cmpi slt, %sub3A_274, %select_n3A_4 : i32
      %convert_element_type3A_276 = arith.extui %lt3A_275 : i1 to i32
      %cond3A_277 = arith.constant 0 : i32
      %cond3A_278 = arith.cmpi ne, %convert_element_type3A_276, %cond3A_277 : i32
      scf.if %cond3A_278 {
        %add3A_324 = arith.constant 4 : i32
        %add3A_325 = arith.addi %add3A_235, %add3A_324 : i32
        %sub3A_326 = arith.constant 1 : i32
        %sub3A_327 = arith.subi %add3A_325, %sub3A_326 : i32
        %mul3A_328 = arith.constant 128 : i32
        %mul3A_329 = arith.muli %sub3A_327, %mul3A_328 : i32
        %add3A_330 = arith.addi %mul3A_15, %mul3A_329 : i32
        %dma_start3A_331 = arith.constant 1 : i32
        %dma_start3A_332 = arith.constant 0 : i32
        %dma_start3A_333 = tpu.memref_slice %arg7[%dma_start3A_331, %dma_start3A_332] : memref<4x128xi32, #tpu.memory_space<vmem>> -> memref<1x128xi32, #tpu.memory_space<vmem>>
        %dma_start3A_334 = tpu.memref_squeeze %dma_start3A_333 : memref<1x128xi32, #tpu.memory_space<vmem>> -> memref<128xi32, #tpu.memory_space<vmem>>
        %dma_start3A_335 = tpu.memref_slice %arg3[%add3A_330] : memref<327680xi32, #tpu.memory_space<hbm>> -> memref<128xi32, #tpu.memory_space<hbm>>
        %dma_start3A_336 = arith.constant 0 : i32
        %dma_start3A_337 = tpu.memref_slice %arg7[%dma_start3A_331, %dma_start3A_336] : memref<4x128xi32, #tpu.memory_space<vmem>> -> memref<1x128xi32, #tpu.memory_space<vmem>>
        %dma_start3A_338 = tpu.memref_squeeze %dma_start3A_337 : memref<1x128xi32, #tpu.memory_space<vmem>> -> memref<128xi32, #tpu.memory_space<vmem>>
        %dma_start3A_339 = tpu.memref_slice %arg3[%add3A_330] : memref<327680xi32, #tpu.memory_space<hbm>> -> memref<128xi32, #tpu.memory_space<hbm>>
        tpu.enqueue_dma source(%dma_start3A_339 : memref<128xi32, #tpu.memory_space<hbm>>) target(%dma_start3A_338 : memref<128xi32, #tpu.memory_space<vmem>>) target_semaphore(%arg11 : memref<!tpu.dma_semaphore, #tpu.memory_space<semaphore_mem>>)
        %dma_start3A_340 = arith.constant 1 : i32
        %dma_start3A_341 = arith.constant 0 : i32
        %dma_start3A_342 = tpu.memref_slice %arg8[%dma_start3A_340, %dma_start3A_341] : memref<4x128xi32, #tpu.memory_space<vmem>> -> memref<1x128xi32, #tpu.memory_space<vmem>>
        %dma_start3A_343 = tpu.memref_squeeze %dma_start3A_342 : memref<1x128xi32, #tpu.memory_space<vmem>> -> memref<128xi32, #tpu.memory_space<vmem>>
        %dma_start3A_344 = tpu.memref_slice %arg4[%add3A_330] : memref<327680xi32, #tpu.memory_space<hbm>> -> memref<128xi32, #tpu.memory_space<hbm>>
        %dma_start3A_345 = arith.constant 0 : i32
        %dma_start3A_346 = tpu.memref_slice %arg8[%dma_start3A_340, %dma_start3A_345] : memref<4x128xi32, #tpu.memory_space<vmem>> -> memref<1x128xi32, #tpu.memory_space<vmem>>
        %dma_start3A_347 = tpu.memref_squeeze %dma_start3A_346 : memref<1x128xi32, #tpu.memory_space<vmem>> -> memref<128xi32, #tpu.memory_space<vmem>>
        %dma_start3A_348 = tpu.memref_slice %arg4[%add3A_330] : memref<327680xi32, #tpu.memory_space<hbm>> -> memref<128xi32, #tpu.memory_space<hbm>>
        tpu.enqueue_dma source(%dma_start3A_348 : memref<128xi32, #tpu.memory_space<hbm>>) target(%dma_start3A_347 : memref<128xi32, #tpu.memory_space<vmem>>) target_semaphore(%arg11 : memref<!tpu.dma_semaphore, #tpu.memory_space<semaphore_mem>>)
      } else {
      }
      %add3A_279 = arith.constant 3 : i32
      %add3A_280 = arith.addi %add3A_147, %add3A_279 : i32
      %dma_wait3A_281 = arith.constant 0 : i32
      %dma_wait3A_282 = arith.constant 1 : i32
      %dma_wait3A_283 = arith.constant 0 : i32
      %dma_wait3A_284 = arith.constant 0 : i32
      %dma_wait3A_285 = tpu.memref_slice %arg9[%dma_wait3A_282, %dma_wait3A_283, %dma_wait3A_284] : memref<2x128x128xf32, #tpu.memory_space<vmem>> -> memref<1x128x128xf32, #tpu.memory_space<vmem>>
      %dma_wait3A_286 = tpu.memref_squeeze %dma_wait3A_285 : memref<1x128x128xf32, #tpu.memory_space<vmem>> -> memref<128x128xf32, #tpu.memory_space<vmem>>
      %dma_wait3A_287 = arith.constant 0 : i32
      %dma_wait3A_288 = tpu.memref_slice %arg7[%dma_wait3A_281, %dma_wait3A_287] : memref<4x128xi32, #tpu.memory_space<vmem>> -> memref<1x128xi32, #tpu.memory_space<vmem>>
      %dma_wait3A_289 = tpu.memref_squeeze %dma_wait3A_288 : memref<1x128xi32, #tpu.memory_space<vmem>> -> memref<128xi32, #tpu.memory_space<vmem>>
      %dma_wait3A_290 = arith.constant 0 : i32
      %dma_wait3A_291 = arith.constant 0 : i32
      %dma_wait3A_292 = tpu.memref_slice %arg2[%dma_wait3A_290, %dma_wait3A_291] : memref<10000x128xf32, #tpu.memory_space<hbm>> -> memref<10000x128xf32, #tpu.memory_space<hbm>>
      tpu.wait_indirect_dma semaphore(%arg12 : memref<!tpu.dma_semaphore, #tpu.memory_space<semaphore_mem>>) src(%dma_wait3A_292 : memref<10000x128xf32, #tpu.memory_space<hbm>>) dst(%dma_wait3A_286 : memref<128x128xf32, #tpu.memory_space<vmem>>)
      %dma_start3A_293 = arith.constant 1 : i32
      %dma_start3A_294 = arith.constant 3 : i32
      %dma_start3A_295 = arith.constant 0 : i32
      %dma_start3A_296 = arith.constant 0 : i32
      %dma_start3A_297 = tpu.memref_slice %arg9[%dma_start3A_293, %dma_start3A_295, %dma_start3A_296] : memref<2x128x128xf32, #tpu.memory_space<vmem>> -> memref<1x128x128xf32, #tpu.memory_space<vmem>>
      %dma_start3A_298 = tpu.memref_squeeze %dma_start3A_297 : memref<1x128x128xf32, #tpu.memory_space<vmem>> -> memref<128x128xf32, #tpu.memory_space<vmem>>
      %dma_start3A_299 = arith.constant 0 : i32
      %dma_start3A_300 = tpu.memref_slice %arg8[%dma_start3A_294, %dma_start3A_299] : memref<4x128xi32, #tpu.memory_space<vmem>> -> memref<1x128xi32, #tpu.memory_space<vmem>>
      %dma_start3A_301 = tpu.memref_squeeze %dma_start3A_300 : memref<1x128xi32, #tpu.memory_space<vmem>> -> memref<128xi32, #tpu.memory_space<vmem>>
      %dma_start3A_302 = arith.constant 0 : i32
      %dma_start3A_303 = arith.constant 0 : i32
      %dma_start3A_304 = tpu.memref_slice %arg10[%dma_start3A_302, %dma_start3A_303] : memref<10112x128xf32, #tpu.memory_space<vmem_shared>> -> memref<10112x128xf32, #tpu.memory_space<vmem_shared>>
      tpu.enqueue_indirect_dma source(%dma_start3A_298 : memref<128x128xf32, #tpu.memory_space<vmem>>) target(%dma_start3A_304 : memref<10112x128xf32, #tpu.memory_space<vmem_shared>>) offsets(%dma_start3A_301 : memref<128xi32, #tpu.memory_space<vmem>>) semaphore(%arg13 : memref<!tpu.dma_semaphore, #tpu.memory_space<semaphore_mem>>) {add = true}
      %ge3A_305 = arith.constant 1 : i32
      %ge3A_306 = arith.cmpi sge, %add3A_280, %ge3A_305 : i32
      %convert_element_type3A_307 = arith.extui %ge3A_306 : i1 to i32
      %cond3A_308 = arith.constant 0 : i32
      %cond3A_309 = arith.cmpi ne, %convert_element_type3A_307, %cond3A_308 : i32
      scf.if %cond3A_309 {
        %dma_wait3A_324 = arith.constant 0 : i32
        %dma_wait3A_325 = arith.constant 0 : i32
        %dma_wait3A_326 = arith.constant 0 : i32
        %dma_wait3A_327 = arith.constant 0 : i32
        %dma_wait3A_328 = tpu.memref_slice %arg9[%dma_wait3A_324, %dma_wait3A_326, %dma_wait3A_327] : memref<2x128x128xf32, #tpu.memory_space<vmem>> -> memref<1x128x128xf32, #tpu.memory_space<vmem>>
        %dma_wait3A_329 = tpu.memref_squeeze %dma_wait3A_328 : memref<1x128x128xf32, #tpu.memory_space<vmem>> -> memref<128x128xf32, #tpu.memory_space<vmem>>
        %dma_wait3A_330 = arith.constant 0 : i32
        %dma_wait3A_331 = tpu.memref_slice %arg8[%dma_wait3A_325, %dma_wait3A_330] : memref<4x128xi32, #tpu.memory_space<vmem>> -> memref<1x128xi32, #tpu.memory_space<vmem>>
        %dma_wait3A_332 = tpu.memref_squeeze %dma_wait3A_331 : memref<1x128xi32, #tpu.memory_space<vmem>> -> memref<128xi32, #tpu.memory_space<vmem>>
        %dma_wait3A_333 = arith.constant 0 : i32
        %dma_wait3A_334 = arith.constant 0 : i32
        %dma_wait3A_335 = tpu.memref_slice %arg10[%dma_wait3A_333, %dma_wait3A_334] : memref<10112x128xf32, #tpu.memory_space<vmem_shared>> -> memref<10112x128xf32, #tpu.memory_space<vmem_shared>>
        tpu.wait_indirect_dma semaphore(%arg13 : memref<!tpu.dma_semaphore, #tpu.memory_space<semaphore_mem>>) src(%dma_wait3A_329 : memref<128x128xf32, #tpu.memory_space<vmem>>) dst(%dma_wait3A_335 : memref<10112x128xf32, #tpu.memory_space<vmem_shared>>)
      } else {
      }
      %add3A_310 = arith.constant 1 : i32
      %add3A_311 = arith.addi %add3A_280, %add3A_310 : i32
      %lt3A_312 = arith.cmpi slt, %add3A_311, %select_n3A_4 : i32
      %convert_element_type3A_313 = arith.extui %lt3A_312 : i1 to i32
      %cond3A_314 = arith.constant 0 : i32
      %cond3A_315 = arith.cmpi ne, %convert_element_type3A_313, %cond3A_314 : i32
      scf.if %cond3A_315 {
        %dma_wait3A_324 = arith.constant 0 : i32
        %dma_wait3A_325 = arith.constant 0 : i32
        %dma_wait3A_326 = tpu.memref_slice %arg7[%dma_wait3A_324, %dma_wait3A_325] : memref<4x128xi32, #tpu.memory_space<vmem>> -> memref<1x128xi32, #tpu.memory_space<vmem>>
        %dma_wait3A_327 = tpu.memref_squeeze %dma_wait3A_326 : memref<1x128xi32, #tpu.memory_space<vmem>> -> memref<128xi32, #tpu.memory_space<vmem>>
        %dma_wait3A_328 = arith.constant 0 : i32
        %dma_wait3A_329 = tpu.memref_slice %arg3[%dma_wait3A_328] : memref<327680xi32, #tpu.memory_space<hbm>> -> memref<128xi32, #tpu.memory_space<hbm>>
        %dma_wait3A_330 = arith.constant 0 : i32
        %dma_wait3A_331 = tpu.memref_slice %arg7[%dma_wait3A_324, %dma_wait3A_330] : memref<4x128xi32, #tpu.memory_space<vmem>> -> memref<1x128xi32, #tpu.memory_space<vmem>>
        %dma_wait3A_332 = tpu.memref_squeeze %dma_wait3A_331 : memref<1x128xi32, #tpu.memory_space<vmem>> -> memref<128xi32, #tpu.memory_space<vmem>>
        %dma_wait3A_333 = arith.constant 0 : i32
        %dma_wait3A_334 = tpu.memref_slice %arg3[%dma_wait3A_333] : memref<327680xi32, #tpu.memory_space<hbm>> -> memref<128xi32, #tpu.memory_space<hbm>>
        tpu.wait_dma2 semaphore(%arg11 : memref<!tpu.dma_semaphore, #tpu.memory_space<semaphore_mem>>) src(%dma_wait3A_334 : memref<128xi32, #tpu.memory_space<hbm>>) dst(%dma_wait3A_332 : memref<128xi32, #tpu.memory_space<vmem>>)
        %dma_wait3A_335 = arith.constant 0 : i32
        %dma_wait3A_336 = arith.constant 0 : i32
        %dma_wait3A_337 = tpu.memref_slice %arg8[%dma_wait3A_335, %dma_wait3A_336] : memref<4x128xi32, #tpu.memory_space<vmem>> -> memref<1x128xi32, #tpu.memory_space<vmem>>
        %dma_wait3A_338 = tpu.memref_squeeze %dma_wait3A_337 : memref<1x128xi32, #tpu.memory_space<vmem>> -> memref<128xi32, #tpu.memory_space<vmem>>
        %dma_wait3A_339 = arith.constant 0 : i32
        %dma_wait3A_340 = tpu.memref_slice %arg4[%dma_wait3A_339] : memref<327680xi32, #tpu.memory_space<hbm>> -> memref<128xi32, #tpu.memory_space<hbm>>
        %dma_wait3A_341 = arith.constant 0 : i32
        %dma_wait3A_342 = tpu.memref_slice %arg8[%dma_wait3A_335, %dma_wait3A_341] : memref<4x128xi32, #tpu.memory_space<vmem>> -> memref<1x128xi32, #tpu.memory_space<vmem>>
        %dma_wait3A_343 = tpu.memref_squeeze %dma_wait3A_342 : memref<1x128xi32, #tpu.memory_space<vmem>> -> memref<128xi32, #tpu.memory_space<vmem>>
        %dma_wait3A_344 = arith.constant 0 : i32
        %dma_wait3A_345 = tpu.memref_slice %arg4[%dma_wait3A_344] : memref<327680xi32, #tpu.memory_space<hbm>> -> memref<128xi32, #tpu.memory_space<hbm>>
        tpu.wait_dma2 semaphore(%arg11 : memref<!tpu.dma_semaphore, #tpu.memory_space<semaphore_mem>>) src(%dma_wait3A_345 : memref<128xi32, #tpu.memory_space<hbm>>) dst(%dma_wait3A_343 : memref<128xi32, #tpu.memory_space<vmem>>)
        %dma_start3A_346 = arith.constant 0 : i32
        %dma_start3A_347 = arith.constant 0 : i32
        %dma_start3A_348 = arith.constant 0 : i32
        %dma_start3A_349 = arith.constant 0 : i32
        %dma_start3A_350 = tpu.memref_slice %arg9[%dma_start3A_347, %dma_start3A_348, %dma_start3A_349] : memref<2x128x128xf32, #tpu.memory_space<vmem>> -> memref<1x128x128xf32, #tpu.memory_space<vmem>>
        %dma_start3A_351 = tpu.memref_squeeze %dma_start3A_350 : memref<1x128x128xf32, #tpu.memory_space<vmem>> -> memref<128x128xf32, #tpu.memory_space<vmem>>
        %dma_start3A_352 = arith.constant 0 : i32
        %dma_start3A_353 = tpu.memref_slice %arg7[%dma_start3A_346, %dma_start3A_352] : memref<4x128xi32, #tpu.memory_space<vmem>> -> memref<1x128xi32, #tpu.memory_space<vmem>>
        %dma_start3A_354 = tpu.memref_squeeze %dma_start3A_353 : memref<1x128xi32, #tpu.memory_space<vmem>> -> memref<128xi32, #tpu.memory_space<vmem>>
        %dma_start3A_355 = arith.constant 0 : i32
        %dma_start3A_356 = arith.constant 0 : i32
        %dma_start3A_357 = tpu.memref_slice %arg2[%dma_start3A_355, %dma_start3A_356] : memref<10000x128xf32, #tpu.memory_space<hbm>> -> memref<10000x128xf32, #tpu.memory_space<hbm>>
        tpu.enqueue_indirect_dma source(%dma_start3A_357 : memref<10000x128xf32, #tpu.memory_space<hbm>>) target(%dma_start3A_351 : memref<128x128xf32, #tpu.memory_space<vmem>>) offsets(%dma_start3A_354 : memref<128xi32, #tpu.memory_space<vmem>>) semaphore(%arg12 : memref<!tpu.dma_semaphore, #tpu.memory_space<semaphore_mem>>)
      } else {
      }
      %add3A_316 = arith.constant 4 : i32
      %add3A_317 = arith.addi %add3A_280, %add3A_316 : i32
      %sub3A_318 = arith.constant 1 : i32
      %sub3A_319 = arith.subi %add3A_317, %sub3A_318 : i32
      %lt3A_320 = arith.cmpi slt, %sub3A_319, %select_n3A_4 : i32
      %convert_element_type3A_321 = arith.extui %lt3A_320 : i1 to i32
      %cond3A_322 = arith.constant 0 : i32
      %cond3A_323 = arith.cmpi ne, %convert_element_type3A_321, %cond3A_322 : i32
      scf.if %cond3A_323 {
        %add3A_324 = arith.constant 4 : i32
        %add3A_325 = arith.addi %add3A_280, %add3A_324 : i32
        %sub3A_326 = arith.constant 1 : i32
        %sub3A_327 = arith.subi %add3A_325, %sub3A_326 : i32
        %mul3A_328 = arith.constant 128 : i32
        %mul3A_329 = arith.muli %sub3A_327, %mul3A_328 : i32
        %add3A_330 = arith.addi %mul3A_15, %mul3A_329 : i32
        %dma_start3A_331 = arith.constant 2 : i32
        %dma_start3A_332 = arith.constant 0 : i32
        %dma_start3A_333 = tpu.memref_slice %arg7[%dma_start3A_331, %dma_start3A_332] : memref<4x128xi32, #tpu.memory_space<vmem>> -> memref<1x128xi32, #tpu.memory_space<vmem>>
        %dma_start3A_334 = tpu.memref_squeeze %dma_start3A_333 : memref<1x128xi32, #tpu.memory_space<vmem>> -> memref<128xi32, #tpu.memory_space<vmem>>
        %dma_start3A_335 = tpu.memref_slice %arg3[%add3A_330] : memref<327680xi32, #tpu.memory_space<hbm>> -> memref<128xi32, #tpu.memory_space<hbm>>
        %dma_start3A_336 = arith.constant 0 : i32
        %dma_start3A_337 = tpu.memref_slice %arg7[%dma_start3A_331, %dma_start3A_336] : memref<4x128xi32, #tpu.memory_space<vmem>> -> memref<1x128xi32, #tpu.memory_space<vmem>>
        %dma_start3A_338 = tpu.memref_squeeze %dma_start3A_337 : memref<1x128xi32, #tpu.memory_space<vmem>> -> memref<128xi32, #tpu.memory_space<vmem>>
        %dma_start3A_339 = tpu.memref_slice %arg3[%add3A_330] : memref<327680xi32, #tpu.memory_space<hbm>> -> memref<128xi32, #tpu.memory_space<hbm>>
        tpu.enqueue_dma source(%dma_start3A_339 : memref<128xi32, #tpu.memory_space<hbm>>) target(%dma_start3A_338 : memref<128xi32, #tpu.memory_space<vmem>>) target_semaphore(%arg11 : memref<!tpu.dma_semaphore, #tpu.memory_space<semaphore_mem>>)
        %dma_start3A_340 = arith.constant 2 : i32
        %dma_start3A_341 = arith.constant 0 : i32
        %dma_start3A_342 = tpu.memref_slice %arg8[%dma_start3A_340, %dma_start3A_341] : memref<4x128xi32, #tpu.memory_space<vmem>> -> memref<1x128xi32, #tpu.memory_space<vmem>>
        %dma_start3A_343 = tpu.memref_squeeze %dma_start3A_342 : memref<1x128xi32, #tpu.memory_space<vmem>> -> memref<128xi32, #tpu.memory_space<vmem>>
        %dma_start3A_344 = tpu.memref_slice %arg4[%add3A_330] : memref<327680xi32, #tpu.memory_space<hbm>> -> memref<128xi32, #tpu.memory_space<hbm>>
        %dma_start3A_345 = arith.constant 0 : i32
        %dma_start3A_346 = tpu.memref_slice %arg8[%dma_start3A_340, %dma_start3A_345] : memref<4x128xi32, #tpu.memory_space<vmem>> -> memref<1x128xi32, #tpu.memory_space<vmem>>
        %dma_start3A_347 = tpu.memref_squeeze %dma_start3A_346 : memref<1x128xi32, #tpu.memory_space<vmem>> -> memref<128xi32, #tpu.memory_space<vmem>>
        %dma_start3A_348 = tpu.memref_slice %arg4[%add3A_330] : memref<327680xi32, #tpu.memory_space<hbm>> -> memref<128xi32, #tpu.memory_space<hbm>>
        tpu.enqueue_dma source(%dma_start3A_348 : memref<128xi32, #tpu.memory_space<hbm>>) target(%dma_start3A_347 : memref<128xi32, #tpu.memory_space<vmem>>) target_semaphore(%arg11 : memref<!tpu.dma_semaphore, #tpu.memory_space<semaphore_mem>>)
      } else {
      }
    }
    %while3A_127 = arith.constant 1 : i32
    scf.for %while3A_145 = %while3A_125 to %while3A_121 step %while3A_127  : i32 {
      %mul3A_146 = arith.muli %while3A_145, %while3A : i32
      %add3A_147 = arith.addi %while3A_118, %mul3A_146 : i32
      %add3A_148 = arith.constant 0 : i32
      %add3A_149 = arith.addi %add3A_147, %add3A_148 : i32
      %dma_wait3A_150 = arith.constant 0 : i32
      %dma_wait3A_151 = arith.constant 0 : i32
      %dma_wait3A_152 = arith.constant 0 : i32
      %dma_wait3A_153 = arith.constant 0 : i32
      %dma_wait3A_154 = tpu.memref_slice %arg9[%dma_wait3A_151, %dma_wait3A_152, %dma_wait3A_153] : memref<2x128x128xf32, #tpu.memory_space<vmem>> -> memref<1x128x128xf32, #tpu.memory_space<vmem>>
      %dma_wait3A_155 = tpu.memref_squeeze %dma_wait3A_154 : memref<1x128x128xf32, #tpu.memory_space<vmem>> -> memref<128x128xf32, #tpu.memory_space<vmem>>
      %dma_wait3A_156 = arith.constant 0 : i32
      %dma_wait3A_157 = tpu.memref_slice %arg7[%dma_wait3A_150, %dma_wait3A_156] : memref<4x128xi32, #tpu.memory_space<vmem>> -> memref<1x128xi32, #tpu.memory_space<vmem>>
      %dma_wait3A_158 = tpu.memref_squeeze %dma_wait3A_157 : memref<1x128xi32, #tpu.memory_space<vmem>> -> memref<128xi32, #tpu.memory_space<vmem>>
      %dma_wait3A_159 = arith.constant 0 : i32
      %dma_wait3A_160 = arith.constant 0 : i32
      %dma_wait3A_161 = tpu.memref_slice %arg2[%dma_wait3A_159, %dma_wait3A_160] : memref<10000x128xf32, #tpu.memory_space<hbm>> -> memref<10000x128xf32, #tpu.memory_space<hbm>>
      tpu.wait_indirect_dma semaphore(%arg12 : memref<!tpu.dma_semaphore, #tpu.memory_space<semaphore_mem>>) src(%dma_wait3A_161 : memref<10000x128xf32, #tpu.memory_space<hbm>>) dst(%dma_wait3A_155 : memref<128x128xf32, #tpu.memory_space<vmem>>)
      %dma_start3A_162 = arith.constant 0 : i32
      %dma_start3A_163 = arith.constant 0 : i32
      %dma_start3A_164 = arith.constant 0 : i32
      %dma_start3A_165 = arith.constant 0 : i32
      %dma_start3A_166 = tpu.memref_slice %arg9[%dma_start3A_162, %dma_start3A_164, %dma_start3A_165] : memref<2x128x128xf32, #tpu.memory_space<vmem>> -> memref<1x128x128xf32, #tpu.memory_space<vmem>>
      %dma_start3A_167 = tpu.memref_squeeze %dma_start3A_166 : memref<1x128x128xf32, #tpu.memory_space<vmem>> -> memref<128x128xf32, #tpu.memory_space<vmem>>
      %dma_start3A_168 = arith.constant 0 : i32
      %dma_start3A_169 = tpu.memref_slice %arg8[%dma_start3A_163, %dma_start3A_168] : memref<4x128xi32, #tpu.memory_space<vmem>> -> memref<1x128xi32, #tpu.memory_space<vmem>>
      %dma_start3A_170 = tpu.memref_squeeze %dma_start3A_169 : memref<1x128xi32, #tpu.memory_space<vmem>> -> memref<128xi32, #tpu.memory_space<vmem>>
      %dma_start3A_171 = arith.constant 0 : i32
      %dma_start3A_172 = arith.constant 0 : i32
      %dma_start3A_173 = tpu.memref_slice %arg10[%dma_start3A_171, %dma_start3A_172] : memref<10112x128xf32, #tpu.memory_space<vmem_shared>> -> memref<10112x128xf32, #tpu.memory_space<vmem_shared>>
      tpu.enqueue_indirect_dma source(%dma_start3A_167 : memref<128x128xf32, #tpu.memory_space<vmem>>) target(%dma_start3A_173 : memref<10112x128xf32, #tpu.memory_space<vmem_shared>>) offsets(%dma_start3A_170 : memref<128xi32, #tpu.memory_space<vmem>>) semaphore(%arg13 : memref<!tpu.dma_semaphore, #tpu.memory_space<semaphore_mem>>) {add = true}
      %ge3A = arith.constant 1 : i32
      %ge3A_174 = arith.cmpi sge, %add3A_149, %ge3A : i32
      %convert_element_type3A = arith.extui %ge3A_174 : i1 to i32
      %cond3A = arith.constant 0 : i32
      %cond3A_175 = arith.cmpi ne, %convert_element_type3A, %cond3A : i32
      scf.if %cond3A_175 {
        %dma_wait3A_324 = arith.constant 1 : i32
        %dma_wait3A_325 = arith.constant 0 : i32
        %dma_wait3A_326 = arith.constant 0 : i32
        %dma_wait3A_327 = arith.constant 0 : i32
        %dma_wait3A_328 = tpu.memref_slice %arg9[%dma_wait3A_324, %dma_wait3A_326, %dma_wait3A_327] : memref<2x128x128xf32, #tpu.memory_space<vmem>> -> memref<1x128x128xf32, #tpu.memory_space<vmem>>
        %dma_wait3A_329 = tpu.memref_squeeze %dma_wait3A_328 : memref<1x128x128xf32, #tpu.memory_space<vmem>> -> memref<128x128xf32, #tpu.memory_space<vmem>>
        %dma_wait3A_330 = arith.constant 0 : i32
        %dma_wait3A_331 = tpu.memref_slice %arg8[%dma_wait3A_325, %dma_wait3A_330] : memref<4x128xi32, #tpu.memory_space<vmem>> -> memref<1x128xi32, #tpu.memory_space<vmem>>
        %dma_wait3A_332 = tpu.memref_squeeze %dma_wait3A_331 : memref<1x128xi32, #tpu.memory_space<vmem>> -> memref<128xi32, #tpu.memory_space<vmem>>
        %dma_wait3A_333 = arith.constant 0 : i32
        %dma_wait3A_334 = arith.constant 0 : i32
        %dma_wait3A_335 = tpu.memref_slice %arg10[%dma_wait3A_333, %dma_wait3A_334] : memref<10112x128xf32, #tpu.memory_space<vmem_shared>> -> memref<10112x128xf32, #tpu.memory_space<vmem_shared>>
        tpu.wait_indirect_dma semaphore(%arg13 : memref<!tpu.dma_semaphore, #tpu.memory_space<semaphore_mem>>) src(%dma_wait3A_329 : memref<128x128xf32, #tpu.memory_space<vmem>>) dst(%dma_wait3A_335 : memref<10112x128xf32, #tpu.memory_space<vmem_shared>>)
      } else {
      }
      %add3A_176 = arith.constant 1 : i32
      %add3A_177 = arith.addi %add3A_149, %add3A_176 : i32
      %lt3A = arith.cmpi slt, %add3A_177, %select_n3A_4 : i32
      %convert_element_type3A_178 = arith.extui %lt3A : i1 to i32
      %cond3A_179 = arith.constant 0 : i32
      %cond3A_180 = arith.cmpi ne, %convert_element_type3A_178, %cond3A_179 : i32
      scf.if %cond3A_180 {
        %dma_wait3A_324 = arith.constant 1 : i32
        %dma_wait3A_325 = arith.constant 0 : i32
        %dma_wait3A_326 = tpu.memref_slice %arg7[%dma_wait3A_324, %dma_wait3A_325] : memref<4x128xi32, #tpu.memory_space<vmem>> -> memref<1x128xi32, #tpu.memory_space<vmem>>
        %dma_wait3A_327 = tpu.memref_squeeze %dma_wait3A_326 : memref<1x128xi32, #tpu.memory_space<vmem>> -> memref<128xi32, #tpu.memory_space<vmem>>
        %dma_wait3A_328 = arith.constant 0 : i32
        %dma_wait3A_329 = tpu.memref_slice %arg3[%dma_wait3A_328] : memref<327680xi32, #tpu.memory_space<hbm>> -> memref<128xi32, #tpu.memory_space<hbm>>
        %dma_wait3A_330 = arith.constant 0 : i32
        %dma_wait3A_331 = tpu.memref_slice %arg7[%dma_wait3A_324, %dma_wait3A_330] : memref<4x128xi32, #tpu.memory_space<vmem>> -> memref<1x128xi32, #tpu.memory_space<vmem>>
        %dma_wait3A_332 = tpu.memref_squeeze %dma_wait3A_331 : memref<1x128xi32, #tpu.memory_space<vmem>> -> memref<128xi32, #tpu.memory_space<vmem>>
        %dma_wait3A_333 = arith.constant 0 : i32
        %dma_wait3A_334 = tpu.memref_slice %arg3[%dma_wait3A_333] : memref<327680xi32, #tpu.memory_space<hbm>> -> memref<128xi32, #tpu.memory_space<hbm>>
        tpu.wait_dma2 semaphore(%arg11 : memref<!tpu.dma_semaphore, #tpu.memory_space<semaphore_mem>>) src(%dma_wait3A_334 : memref<128xi32, #tpu.memory_space<hbm>>) dst(%dma_wait3A_332 : memref<128xi32, #tpu.memory_space<vmem>>)
        %dma_wait3A_335 = arith.constant 1 : i32
        %dma_wait3A_336 = arith.constant 0 : i32
        %dma_wait3A_337 = tpu.memref_slice %arg8[%dma_wait3A_335, %dma_wait3A_336] : memref<4x128xi32, #tpu.memory_space<vmem>> -> memref<1x128xi32, #tpu.memory_space<vmem>>
        %dma_wait3A_338 = tpu.memref_squeeze %dma_wait3A_337 : memref<1x128xi32, #tpu.memory_space<vmem>> -> memref<128xi32, #tpu.memory_space<vmem>>
        %dma_wait3A_339 = arith.constant 0 : i32
        %dma_wait3A_340 = tpu.memref_slice %arg4[%dma_wait3A_339] : memref<327680xi32, #tpu.memory_space<hbm>> -> memref<128xi32, #tpu.memory_space<hbm>>
        %dma_wait3A_341 = arith.constant 0 : i32
        %dma_wait3A_342 = tpu.memref_slice %arg8[%dma_wait3A_335, %dma_wait3A_341] : memref<4x128xi32, #tpu.memory_space<vmem>> -> memref<1x128xi32, #tpu.memory_space<vmem>>
        %dma_wait3A_343 = tpu.memref_squeeze %dma_wait3A_342 : memref<1x128xi32, #tpu.memory_space<vmem>> -> memref<128xi32, #tpu.memory_space<vmem>>
        %dma_wait3A_344 = arith.constant 0 : i32
        %dma_wait3A_345 = tpu.memref_slice %arg4[%dma_wait3A_344] : memref<327680xi32, #tpu.memory_space<hbm>> -> memref<128xi32, #tpu.memory_space<hbm>>
        tpu.wait_dma2 semaphore(%arg11 : memref<!tpu.dma_semaphore, #tpu.memory_space<semaphore_mem>>) src(%dma_wait3A_345 : memref<128xi32, #tpu.memory_space<hbm>>) dst(%dma_wait3A_343 : memref<128xi32, #tpu.memory_space<vmem>>)
        %dma_start3A_346 = arith.constant 1 : i32
        %dma_start3A_347 = arith.constant 1 : i32
        %dma_start3A_348 = arith.constant 0 : i32
        %dma_start3A_349 = arith.constant 0 : i32
        %dma_start3A_350 = tpu.memref_slice %arg9[%dma_start3A_347, %dma_start3A_348, %dma_start3A_349] : memref<2x128x128xf32, #tpu.memory_space<vmem>> -> memref<1x128x128xf32, #tpu.memory_space<vmem>>
        %dma_start3A_351 = tpu.memref_squeeze %dma_start3A_350 : memref<1x128x128xf32, #tpu.memory_space<vmem>> -> memref<128x128xf32, #tpu.memory_space<vmem>>
        %dma_start3A_352 = arith.constant 0 : i32
        %dma_start3A_353 = tpu.memref_slice %arg7[%dma_start3A_346, %dma_start3A_352] : memref<4x128xi32, #tpu.memory_space<vmem>> -> memref<1x128xi32, #tpu.memory_space<vmem>>
        %dma_start3A_354 = tpu.memref_squeeze %dma_start3A_353 : memref<1x128xi32, #tpu.memory_space<vmem>> -> memref<128xi32, #tpu.memory_space<vmem>>
        %dma_start3A_355 = arith.constant 0 : i32
        %dma_start3A_356 = arith.constant 0 : i32
        %dma_start3A_357 = tpu.memref_slice %arg2[%dma_start3A_355, %dma_start3A_356] : memref<10000x128xf32, #tpu.memory_space<hbm>> -> memref<10000x128xf32, #tpu.memory_space<hbm>>
        tpu.enqueue_indirect_dma source(%dma_start3A_357 : memref<10000x128xf32, #tpu.memory_space<hbm>>) target(%dma_start3A_351 : memref<128x128xf32, #tpu.memory_space<vmem>>) offsets(%dma_start3A_354 : memref<128xi32, #tpu.memory_space<vmem>>) semaphore(%arg12 : memref<!tpu.dma_semaphore, #tpu.memory_space<semaphore_mem>>)
      } else {
      }
      %add3A_181 = arith.constant 4 : i32
      %add3A_182 = arith.addi %add3A_149, %add3A_181 : i32
      %sub3A_183 = arith.constant 1 : i32
      %sub3A_184 = arith.subi %add3A_182, %sub3A_183 : i32
      %lt3A_185 = arith.cmpi slt, %sub3A_184, %select_n3A_4 : i32
      %convert_element_type3A_186 = arith.extui %lt3A_185 : i1 to i32
      %cond3A_187 = arith.constant 0 : i32
      %cond3A_188 = arith.cmpi ne, %convert_element_type3A_186, %cond3A_187 : i32
      scf.if %cond3A_188 {
        %add3A_324 = arith.constant 4 : i32
        %add3A_325 = arith.addi %add3A_149, %add3A_324 : i32
        %sub3A_326 = arith.constant 1 : i32
        %sub3A_327 = arith.subi %add3A_325, %sub3A_326 : i32
        %mul3A_328 = arith.constant 128 : i32
        %mul3A_329 = arith.muli %sub3A_327, %mul3A_328 : i32
        %add3A_330 = arith.addi %mul3A_15, %mul3A_329 : i32
        %dma_start3A_331 = arith.constant 3 : i32
        %dma_start3A_332 = arith.constant 0 : i32
        %dma_start3A_333 = tpu.memref_slice %arg7[%dma_start3A_331, %dma_start3A_332] : memref<4x128xi32, #tpu.memory_space<vmem>> -> memref<1x128xi32, #tpu.memory_space<vmem>>
        %dma_start3A_334 = tpu.memref_squeeze %dma_start3A_333 : memref<1x128xi32, #tpu.memory_space<vmem>> -> memref<128xi32, #tpu.memory_space<vmem>>
        %dma_start3A_335 = tpu.memref_slice %arg3[%add3A_330] : memref<327680xi32, #tpu.memory_space<hbm>> -> memref<128xi32, #tpu.memory_space<hbm>>
        %dma_start3A_336 = arith.constant 0 : i32
        %dma_start3A_337 = tpu.memref_slice %arg7[%dma_start3A_331, %dma_start3A_336] : memref<4x128xi32, #tpu.memory_space<vmem>> -> memref<1x128xi32, #tpu.memory_space<vmem>>
        %dma_start3A_338 = tpu.memref_squeeze %dma_start3A_337 : memref<1x128xi32, #tpu.memory_space<vmem>> -> memref<128xi32, #tpu.memory_space<vmem>>
        %dma_start3A_339 = tpu.memref_slice %arg3[%add3A_330] : memref<327680xi32, #tpu.memory_space<hbm>> -> memref<128xi32, #tpu.memory_space<hbm>>
        tpu.enqueue_dma source(%dma_start3A_339 : memref<128xi32, #tpu.memory_space<hbm>>) target(%dma_start3A_338 : memref<128xi32, #tpu.memory_space<vmem>>) target_semaphore(%arg11 : memref<!tpu.dma_semaphore, #tpu.memory_space<semaphore_mem>>)
        %dma_start3A_340 = arith.constant 3 : i32
        %dma_start3A_341 = arith.constant 0 : i32
        %dma_start3A_342 = tpu.memref_slice %arg8[%dma_start3A_340, %dma_start3A_341] : memref<4x128xi32, #tpu.memory_space<vmem>> -> memref<1x128xi32, #tpu.memory_space<vmem>>
        %dma_start3A_343 = tpu.memref_squeeze %dma_start3A_342 : memref<1x128xi32, #tpu.memory_space<vmem>> -> memref<128xi32, #tpu.memory_space<vmem>>
        %dma_start3A_344 = tpu.memref_slice %arg4[%add3A_330] : memref<327680xi32, #tpu.memory_space<hbm>> -> memref<128xi32, #tpu.memory_space<hbm>>
        %dma_start3A_345 = arith.constant 0 : i32
        %dma_start3A_346 = tpu.memref_slice %arg8[%dma_start3A_340, %dma_start3A_345] : memref<4x128xi32, #tpu.memory_space<vmem>> -> memref<1x128xi32, #tpu.memory_space<vmem>>
        %dma_start3A_347 = tpu.memref_squeeze %dma_start3A_346 : memref<1x128xi32, #tpu.memory_space<vmem>> -> memref<128xi32, #tpu.memory_space<vmem>>
        %dma_start3A_348 = tpu.memref_slice %arg4[%add3A_330] : memref<327680xi32, #tpu.memory_space<hbm>> -> memref<128xi32, #tpu.memory_space<hbm>>
        tpu.enqueue_dma source(%dma_start3A_348 : memref<128xi32, #tpu.memory_space<hbm>>) target(%dma_start3A_347 : memref<128xi32, #tpu.memory_space<vmem>>) target_semaphore(%arg11 : memref<!tpu.dma_semaphore, #tpu.memory_space<semaphore_mem>>)
      } else {
      }
      %add3A_189 = arith.constant 1 : i32
      %add3A_190 = arith.addi %add3A_147, %add3A_189 : i32
      %dma_wait3A_191 = arith.constant 0 : i32
      %dma_wait3A_192 = arith.constant 1 : i32
      %dma_wait3A_193 = arith.constant 0 : i32
      %dma_wait3A_194 = arith.constant 0 : i32
      %dma_wait3A_195 = tpu.memref_slice %arg9[%dma_wait3A_192, %dma_wait3A_193, %dma_wait3A_194] : memref<2x128x128xf32, #tpu.memory_space<vmem>> -> memref<1x128x128xf32, #tpu.memory_space<vmem>>
      %dma_wait3A_196 = tpu.memref_squeeze %dma_wait3A_195 : memref<1x128x128xf32, #tpu.memory_space<vmem>> -> memref<128x128xf32, #tpu.memory_space<vmem>>
      %dma_wait3A_197 = arith.constant 0 : i32
      %dma_wait3A_198 = tpu.memref_slice %arg7[%dma_wait3A_191, %dma_wait3A_197] : memref<4x128xi32, #tpu.memory_space<vmem>> -> memref<1x128xi32, #tpu.memory_space<vmem>>
      %dma_wait3A_199 = tpu.memref_squeeze %dma_wait3A_198 : memref<1x128xi32, #tpu.memory_space<vmem>> -> memref<128xi32, #tpu.memory_space<vmem>>
      %dma_wait3A_200 = arith.constant 0 : i32
      %dma_wait3A_201 = arith.constant 0 : i32
      %dma_wait3A_202 = tpu.memref_slice %arg2[%dma_wait3A_200, %dma_wait3A_201] : memref<10000x128xf32, #tpu.memory_space<hbm>> -> memref<10000x128xf32, #tpu.memory_space<hbm>>
      tpu.wait_indirect_dma semaphore(%arg12 : memref<!tpu.dma_semaphore, #tpu.memory_space<semaphore_mem>>) src(%dma_wait3A_202 : memref<10000x128xf32, #tpu.memory_space<hbm>>) dst(%dma_wait3A_196 : memref<128x128xf32, #tpu.memory_space<vmem>>)
      %dma_start3A_203 = arith.constant 1 : i32
      %dma_start3A_204 = arith.constant 1 : i32
      %dma_start3A_205 = arith.constant 0 : i32
      %dma_start3A_206 = arith.constant 0 : i32
      %dma_start3A_207 = tpu.memref_slice %arg9[%dma_start3A_203, %dma_start3A_205, %dma_start3A_206] : memref<2x128x128xf32, #tpu.memory_space<vmem>> -> memref<1x128x128xf32, #tpu.memory_space<vmem>>
      %dma_start3A_208 = tpu.memref_squeeze %dma_start3A_207 : memref<1x128x128xf32, #tpu.memory_space<vmem>> -> memref<128x128xf32, #tpu.memory_space<vmem>>
      %dma_start3A_209 = arith.constant 0 : i32
      %dma_start3A_210 = tpu.memref_slice %arg8[%dma_start3A_204, %dma_start3A_209] : memref<4x128xi32, #tpu.memory_space<vmem>> -> memref<1x128xi32, #tpu.memory_space<vmem>>
      %dma_start3A_211 = tpu.memref_squeeze %dma_start3A_210 : memref<1x128xi32, #tpu.memory_space<vmem>> -> memref<128xi32, #tpu.memory_space<vmem>>
      %dma_start3A_212 = arith.constant 0 : i32
      %dma_start3A_213 = arith.constant 0 : i32
      %dma_start3A_214 = tpu.memref_slice %arg10[%dma_start3A_212, %dma_start3A_213] : memref<10112x128xf32, #tpu.memory_space<vmem_shared>> -> memref<10112x128xf32, #tpu.memory_space<vmem_shared>>
      tpu.enqueue_indirect_dma source(%dma_start3A_208 : memref<128x128xf32, #tpu.memory_space<vmem>>) target(%dma_start3A_214 : memref<10112x128xf32, #tpu.memory_space<vmem_shared>>) offsets(%dma_start3A_211 : memref<128xi32, #tpu.memory_space<vmem>>) semaphore(%arg13 : memref<!tpu.dma_semaphore, #tpu.memory_space<semaphore_mem>>) {add = true}
      %ge3A_215 = arith.constant 1 : i32
      %ge3A_216 = arith.cmpi sge, %add3A_190, %ge3A_215 : i32
      %convert_element_type3A_217 = arith.extui %ge3A_216 : i1 to i32
      %cond3A_218 = arith.constant 0 : i32
      %cond3A_219 = arith.cmpi ne, %convert_element_type3A_217, %cond3A_218 : i32
      scf.if %cond3A_219 {
        %dma_wait3A_324 = arith.constant 0 : i32
        %dma_wait3A_325 = arith.constant 0 : i32
        %dma_wait3A_326 = arith.constant 0 : i32
        %dma_wait3A_327 = arith.constant 0 : i32
        %dma_wait3A_328 = tpu.memref_slice %arg9[%dma_wait3A_324, %dma_wait3A_326, %dma_wait3A_327] : memref<2x128x128xf32, #tpu.memory_space<vmem>> -> memref<1x128x128xf32, #tpu.memory_space<vmem>>
        %dma_wait3A_329 = tpu.memref_squeeze %dma_wait3A_328 : memref<1x128x128xf32, #tpu.memory_space<vmem>> -> memref<128x128xf32, #tpu.memory_space<vmem>>
        %dma_wait3A_330 = arith.constant 0 : i32
        %dma_wait3A_331 = tpu.memref_slice %arg8[%dma_wait3A_325, %dma_wait3A_330] : memref<4x128xi32, #tpu.memory_space<vmem>> -> memref<1x128xi32, #tpu.memory_space<vmem>>
        %dma_wait3A_332 = tpu.memref_squeeze %dma_wait3A_331 : memref<1x128xi32, #tpu.memory_space<vmem>> -> memref<128xi32, #tpu.memory_space<vmem>>
        %dma_wait3A_333 = arith.constant 0 : i32
        %dma_wait3A_334 = arith.constant 0 : i32
        %dma_wait3A_335 = tpu.memref_slice %arg10[%dma_wait3A_333, %dma_wait3A_334] : memref<10112x128xf32, #tpu.memory_space<vmem_shared>> -> memref<10112x128xf32, #tpu.memory_space<vmem_shared>>
        tpu.wait_indirect_dma semaphore(%arg13 : memref<!tpu.dma_semaphore, #tpu.memory_space<semaphore_mem>>) src(%dma_wait3A_329 : memref<128x128xf32, #tpu.memory_space<vmem>>) dst(%dma_wait3A_335 : memref<10112x128xf32, #tpu.memory_space<vmem_shared>>)
      } else {
      }
      %add3A_220 = arith.constant 1 : i32
      %add3A_221 = arith.addi %add3A_190, %add3A_220 : i32
      %lt3A_222 = arith.cmpi slt, %add3A_221, %select_n3A_4 : i32
      %convert_element_type3A_223 = arith.extui %lt3A_222 : i1 to i32
      %cond3A_224 = arith.constant 0 : i32
      %cond3A_225 = arith.cmpi ne, %convert_element_type3A_223, %cond3A_224 : i32
      scf.if %cond3A_225 {
        %dma_wait3A_324 = arith.constant 2 : i32
        %dma_wait3A_325 = arith.constant 0 : i32
        %dma_wait3A_326 = tpu.memref_slice %arg7[%dma_wait3A_324, %dma_wait3A_325] : memref<4x128xi32, #tpu.memory_space<vmem>> -> memref<1x128xi32, #tpu.memory_space<vmem>>
        %dma_wait3A_327 = tpu.memref_squeeze %dma_wait3A_326 : memref<1x128xi32, #tpu.memory_space<vmem>> -> memref<128xi32, #tpu.memory_space<vmem>>
        %dma_wait3A_328 = arith.constant 0 : i32
        %dma_wait3A_329 = tpu.memref_slice %arg3[%dma_wait3A_328] : memref<327680xi32, #tpu.memory_space<hbm>> -> memref<128xi32, #tpu.memory_space<hbm>>
        %dma_wait3A_330 = arith.constant 0 : i32
        %dma_wait3A_331 = tpu.memref_slice %arg7[%dma_wait3A_324, %dma_wait3A_330] : memref<4x128xi32, #tpu.memory_space<vmem>> -> memref<1x128xi32, #tpu.memory_space<vmem>>
        %dma_wait3A_332 = tpu.memref_squeeze %dma_wait3A_331 : memref<1x128xi32, #tpu.memory_space<vmem>> -> memref<128xi32, #tpu.memory_space<vmem>>
        %dma_wait3A_333 = arith.constant 0 : i32
        %dma_wait3A_334 = tpu.memref_slice %arg3[%dma_wait3A_333] : memref<327680xi32, #tpu.memory_space<hbm>> -> memref<128xi32, #tpu.memory_space<hbm>>
        tpu.wait_dma2 semaphore(%arg11 : memref<!tpu.dma_semaphore, #tpu.memory_space<semaphore_mem>>) src(%dma_wait3A_334 : memref<128xi32, #tpu.memory_space<hbm>>) dst(%dma_wait3A_332 : memref<128xi32, #tpu.memory_space<vmem>>)
        %dma_wait3A_335 = arith.constant 2 : i32
        %dma_wait3A_336 = arith.constant 0 : i32
        %dma_wait3A_337 = tpu.memref_slice %arg8[%dma_wait3A_335, %dma_wait3A_336] : memref<4x128xi32, #tpu.memory_space<vmem>> -> memref<1x128xi32, #tpu.memory_space<vmem>>
        %dma_wait3A_338 = tpu.memref_squeeze %dma_wait3A_337 : memref<1x128xi32, #tpu.memory_space<vmem>> -> memref<128xi32, #tpu.memory_space<vmem>>
        %dma_wait3A_339 = arith.constant 0 : i32
        %dma_wait3A_340 = tpu.memref_slice %arg4[%dma_wait3A_339] : memref<327680xi32, #tpu.memory_space<hbm>> -> memref<128xi32, #tpu.memory_space<hbm>>
        %dma_wait3A_341 = arith.constant 0 : i32
        %dma_wait3A_342 = tpu.memref_slice %arg8[%dma_wait3A_335, %dma_wait3A_341] : memref<4x128xi32, #tpu.memory_space<vmem>> -> memref<1x128xi32, #tpu.memory_space<vmem>>
        %dma_wait3A_343 = tpu.memref_squeeze %dma_wait3A_342 : memref<1x128xi32, #tpu.memory_space<vmem>> -> memref<128xi32, #tpu.memory_space<vmem>>
        %dma_wait3A_344 = arith.constant 0 : i32
        %dma_wait3A_345 = tpu.memref_slice %arg4[%dma_wait3A_344] : memref<327680xi32, #tpu.memory_space<hbm>> -> memref<128xi32, #tpu.memory_space<hbm>>
        tpu.wait_dma2 semaphore(%arg11 : memref<!tpu.dma_semaphore, #tpu.memory_space<semaphore_mem>>) src(%dma_wait3A_345 : memref<128xi32, #tpu.memory_space<hbm>>) dst(%dma_wait3A_343 : memref<128xi32, #tpu.memory_space<vmem>>)
        %dma_start3A_346 = arith.constant 2 : i32
        %dma_start3A_347 = arith.constant 0 : i32
        %dma_start3A_348 = arith.constant 0 : i32
        %dma_start3A_349 = arith.constant 0 : i32
        %dma_start3A_350 = tpu.memref_slice %arg9[%dma_start3A_347, %dma_start3A_348, %dma_start3A_349] : memref<2x128x128xf32, #tpu.memory_space<vmem>> -> memref<1x128x128xf32, #tpu.memory_space<vmem>>
        %dma_start3A_351 = tpu.memref_squeeze %dma_start3A_350 : memref<1x128x128xf32, #tpu.memory_space<vmem>> -> memref<128x128xf32, #tpu.memory_space<vmem>>
        %dma_start3A_352 = arith.constant 0 : i32
        %dma_start3A_353 = tpu.memref_slice %arg7[%dma_start3A_346, %dma_start3A_352] : memref<4x128xi32, #tpu.memory_space<vmem>> -> memref<1x128xi32, #tpu.memory_space<vmem>>
        %dma_start3A_354 = tpu.memref_squeeze %dma_start3A_353 : memref<1x128xi32, #tpu.memory_space<vmem>> -> memref<128xi32, #tpu.memory_space<vmem>>
        %dma_start3A_355 = arith.constant 0 : i32
        %dma_start3A_356 = arith.constant 0 : i32
        %dma_start3A_357 = tpu.memref_slice %arg2[%dma_start3A_355, %dma_start3A_356] : memref<10000x128xf32, #tpu.memory_space<hbm>> -> memref<10000x128xf32, #tpu.memory_space<hbm>>
        tpu.enqueue_indirect_dma source(%dma_start3A_357 : memref<10000x128xf32, #tpu.memory_space<hbm>>) target(%dma_start3A_351 : memref<128x128xf32, #tpu.memory_space<vmem>>) offsets(%dma_start3A_354 : memref<128xi32, #tpu.memory_space<vmem>>) semaphore(%arg12 : memref<!tpu.dma_semaphore, #tpu.memory_space<semaphore_mem>>)
      } else {
      }
      %add3A_226 = arith.constant 4 : i32
      %add3A_227 = arith.addi %add3A_190, %add3A_226 : i32
      %sub3A_228 = arith.constant 1 : i32
      %sub3A_229 = arith.subi %add3A_227, %sub3A_228 : i32
      %lt3A_230 = arith.cmpi slt, %sub3A_229, %select_n3A_4 : i32
      %convert_element_type3A_231 = arith.extui %lt3A_230 : i1 to i32
      %cond3A_232 = arith.constant 0 : i32
      %cond3A_233 = arith.cmpi ne, %convert_element_type3A_231, %cond3A_232 : i32
      scf.if %cond3A_233 {
        %add3A_324 = arith.constant 4 : i32
        %add3A_325 = arith.addi %add3A_190, %add3A_324 : i32
        %sub3A_326 = arith.constant 1 : i32
        %sub3A_327 = arith.subi %add3A_325, %sub3A_326 : i32
        %mul3A_328 = arith.constant 128 : i32
        %mul3A_329 = arith.muli %sub3A_327, %mul3A_328 : i32
        %add3A_330 = arith.addi %mul3A_15, %mul3A_329 : i32
        %dma_start3A_331 = arith.constant 0 : i32
        %dma_start3A_332 = arith.constant 0 : i32
        %dma_start3A_333 = tpu.memref_slice %arg7[%dma_start3A_331, %dma_start3A_332] : memref<4x128xi32, #tpu.memory_space<vmem>> -> memref<1x128xi32, #tpu.memory_space<vmem>>
        %dma_start3A_334 = tpu.memref_squeeze %dma_start3A_333 : memref<1x128xi32, #tpu.memory_space<vmem>> -> memref<128xi32, #tpu.memory_space<vmem>>
        %dma_start3A_335 = tpu.memref_slice %arg3[%add3A_330] : memref<327680xi32, #tpu.memory_space<hbm>> -> memref<128xi32, #tpu.memory_space<hbm>>
        %dma_start3A_336 = arith.constant 0 : i32
        %dma_start3A_337 = tpu.memref_slice %arg7[%dma_start3A_331, %dma_start3A_336] : memref<4x128xi32, #tpu.memory_space<vmem>> -> memref<1x128xi32, #tpu.memory_space<vmem>>
        %dma_start3A_338 = tpu.memref_squeeze %dma_start3A_337 : memref<1x128xi32, #tpu.memory_space<vmem>> -> memref<128xi32, #tpu.memory_space<vmem>>
        %dma_start3A_339 = tpu.memref_slice %arg3[%add3A_330] : memref<327680xi32, #tpu.memory_space<hbm>> -> memref<128xi32, #tpu.memory_space<hbm>>
        tpu.enqueue_dma source(%dma_start3A_339 : memref<128xi32, #tpu.memory_space<hbm>>) target(%dma_start3A_338 : memref<128xi32, #tpu.memory_space<vmem>>) target_semaphore(%arg11 : memref<!tpu.dma_semaphore, #tpu.memory_space<semaphore_mem>>)
        %dma_start3A_340 = arith.constant 0 : i32
        %dma_start3A_341 = arith.constant 0 : i32
        %dma_start3A_342 = tpu.memref_slice %arg8[%dma_start3A_340, %dma_start3A_341] : memref<4x128xi32, #tpu.memory_space<vmem>> -> memref<1x128xi32, #tpu.memory_space<vmem>>
        %dma_start3A_343 = tpu.memref_squeeze %dma_start3A_342 : memref<1x128xi32, #tpu.memory_space<vmem>> -> memref<128xi32, #tpu.memory_space<vmem>>
        %dma_start3A_344 = tpu.memref_slice %arg4[%add3A_330] : memref<327680xi32, #tpu.memory_space<hbm>> -> memref<128xi32, #tpu.memory_space<hbm>>
        %dma_start3A_345 = arith.constant 0 : i32
        %dma_start3A_346 = tpu.memref_slice %arg8[%dma_start3A_340, %dma_start3A_345] : memref<4x128xi32, #tpu.memory_space<vmem>> -> memref<1x128xi32, #tpu.memory_space<vmem>>
        %dma_start3A_347 = tpu.memref_squeeze %dma_start3A_346 : memref<1x128xi32, #tpu.memory_space<vmem>> -> memref<128xi32, #tpu.memory_space<vmem>>
        %dma_start3A_348 = tpu.memref_slice %arg4[%add3A_330] : memref<327680xi32, #tpu.memory_space<hbm>> -> memref<128xi32, #tpu.memory_space<hbm>>
        tpu.enqueue_dma source(%dma_start3A_348 : memref<128xi32, #tpu.memory_space<hbm>>) target(%dma_start3A_347 : memref<128xi32, #tpu.memory_space<vmem>>) target_semaphore(%arg11 : memref<!tpu.dma_semaphore, #tpu.memory_space<semaphore_mem>>)
      } else {
      }
      %add3A_234 = arith.constant 2 : i32
      %add3A_235 = arith.addi %add3A_147, %add3A_234 : i32
      %dma_wait3A_236 = arith.constant 0 : i32
      %dma_wait3A_237 = arith.constant 0 : i32
      %dma_wait3A_238 = arith.constant 0 : i32
      %dma_wait3A_239 = arith.constant 0 : i32
      %dma_wait3A_240 = tpu.memref_slice %arg9[%dma_wait3A_237, %dma_wait3A_238, %dma_wait3A_239] : memref<2x128x128xf32, #tpu.memory_space<vmem>> -> memref<1x128x128xf32, #tpu.memory_space<vmem>>
      %dma_wait3A_241 = tpu.memref_squeeze %dma_wait3A_240 : memref<1x128x128xf32, #tpu.memory_space<vmem>> -> memref<128x128xf32, #tpu.memory_space<vmem>>
      %dma_wait3A_242 = arith.constant 0 : i32
      %dma_wait3A_243 = tpu.memref_slice %arg7[%dma_wait3A_236, %dma_wait3A_242] : memref<4x128xi32, #tpu.memory_space<vmem>> -> memref<1x128xi32, #tpu.memory_space<vmem>>
      %dma_wait3A_244 = tpu.memref_squeeze %dma_wait3A_243 : memref<1x128xi32, #tpu.memory_space<vmem>> -> memref<128xi32, #tpu.memory_space<vmem>>
      %dma_wait3A_245 = arith.constant 0 : i32
      %dma_wait3A_246 = arith.constant 0 : i32
      %dma_wait3A_247 = tpu.memref_slice %arg2[%dma_wait3A_245, %dma_wait3A_246] : memref<10000x128xf32, #tpu.memory_space<hbm>> -> memref<10000x128xf32, #tpu.memory_space<hbm>>
      tpu.wait_indirect_dma semaphore(%arg12 : memref<!tpu.dma_semaphore, #tpu.memory_space<semaphore_mem>>) src(%dma_wait3A_247 : memref<10000x128xf32, #tpu.memory_space<hbm>>) dst(%dma_wait3A_241 : memref<128x128xf32, #tpu.memory_space<vmem>>)
      %dma_start3A_248 = arith.constant 0 : i32
      %dma_start3A_249 = arith.constant 2 : i32
      %dma_start3A_250 = arith.constant 0 : i32
      %dma_start3A_251 = arith.constant 0 : i32
      %dma_start3A_252 = tpu.memref_slice %arg9[%dma_start3A_248, %dma_start3A_250, %dma_start3A_251] : memref<2x128x128xf32, #tpu.memory_space<vmem>> -> memref<1x128x128xf32, #tpu.memory_space<vmem>>
      %dma_start3A_253 = tpu.memref_squeeze %dma_start3A_252 : memref<1x128x128xf32, #tpu.memory_space<vmem>> -> memref<128x128xf32, #tpu.memory_space<vmem>>
      %dma_start3A_254 = arith.constant 0 : i32
      %dma_start3A_255 = tpu.memref_slice %arg8[%dma_start3A_249, %dma_start3A_254] : memref<4x128xi32, #tpu.memory_space<vmem>> -> memref<1x128xi32, #tpu.memory_space<vmem>>
      %dma_start3A_256 = tpu.memref_squeeze %dma_start3A_255 : memref<1x128xi32, #tpu.memory_space<vmem>> -> memref<128xi32, #tpu.memory_space<vmem>>
      %dma_start3A_257 = arith.constant 0 : i32
      %dma_start3A_258 = arith.constant 0 : i32
      %dma_start3A_259 = tpu.memref_slice %arg10[%dma_start3A_257, %dma_start3A_258] : memref<10112x128xf32, #tpu.memory_space<vmem_shared>> -> memref<10112x128xf32, #tpu.memory_space<vmem_shared>>
      tpu.enqueue_indirect_dma source(%dma_start3A_253 : memref<128x128xf32, #tpu.memory_space<vmem>>) target(%dma_start3A_259 : memref<10112x128xf32, #tpu.memory_space<vmem_shared>>) offsets(%dma_start3A_256 : memref<128xi32, #tpu.memory_space<vmem>>) semaphore(%arg13 : memref<!tpu.dma_semaphore, #tpu.memory_space<semaphore_mem>>) {add = true}
      %ge3A_260 = arith.constant 1 : i32
      %ge3A_261 = arith.cmpi sge, %add3A_235, %ge3A_260 : i32
      %convert_element_type3A_262 = arith.extui %ge3A_261 : i1 to i32
      %cond3A_263 = arith.constant 0 : i32
      %cond3A_264 = arith.cmpi ne, %convert_element_type3A_262, %cond3A_263 : i32
      scf.if %cond3A_264 {
        %dma_wait3A_324 = arith.constant 1 : i32
        %dma_wait3A_325 = arith.constant 0 : i32
        %dma_wait3A_326 = arith.constant 0 : i32
        %dma_wait3A_327 = arith.constant 0 : i32
        %dma_wait3A_328 = tpu.memref_slice %arg9[%dma_wait3A_324, %dma_wait3A_326, %dma_wait3A_327] : memref<2x128x128xf32, #tpu.memory_space<vmem>> -> memref<1x128x128xf32, #tpu.memory_space<vmem>>
        %dma_wait3A_329 = tpu.memref_squeeze %dma_wait3A_328 : memref<1x128x128xf32, #tpu.memory_space<vmem>> -> memref<128x128xf32, #tpu.memory_space<vmem>>
        %dma_wait3A_330 = arith.constant 0 : i32
        %dma_wait3A_331 = tpu.memref_slice %arg8[%dma_wait3A_325, %dma_wait3A_330] : memref<4x128xi32, #tpu.memory_space<vmem>> -> memref<1x128xi32, #tpu.memory_space<vmem>>
        %dma_wait3A_332 = tpu.memref_squeeze %dma_wait3A_331 : memref<1x128xi32, #tpu.memory_space<vmem>> -> memref<128xi32, #tpu.memory_space<vmem>>
        %dma_wait3A_333 = arith.constant 0 : i32
        %dma_wait3A_334 = arith.constant 0 : i32
        %dma_wait3A_335 = tpu.memref_slice %arg10[%dma_wait3A_333, %dma_wait3A_334] : memref<10112x128xf32, #tpu.memory_space<vmem_shared>> -> memref<10112x128xf32, #tpu.memory_space<vmem_shared>>
        tpu.wait_indirect_dma semaphore(%arg13 : memref<!tpu.dma_semaphore, #tpu.memory_space<semaphore_mem>>) src(%dma_wait3A_329 : memref<128x128xf32, #tpu.memory_space<vmem>>) dst(%dma_wait3A_335 : memref<10112x128xf32, #tpu.memory_space<vmem_shared>>)
      } else {
      }
      %add3A_265 = arith.constant 1 : i32
      %add3A_266 = arith.addi %add3A_235, %add3A_265 : i32
      %lt3A_267 = arith.cmpi slt, %add3A_266, %select_n3A_4 : i32
      %convert_element_type3A_268 = arith.extui %lt3A_267 : i1 to i32
      %cond3A_269 = arith.constant 0 : i32
      %cond3A_270 = arith.cmpi ne, %convert_element_type3A_268, %cond3A_269 : i32
      scf.if %cond3A_270 {
        %dma_wait3A_324 = arith.constant 3 : i32
        %dma_wait3A_325 = arith.constant 0 : i32
        %dma_wait3A_326 = tpu.memref_slice %arg7[%dma_wait3A_324, %dma_wait3A_325] : memref<4x128xi32, #tpu.memory_space<vmem>> -> memref<1x128xi32, #tpu.memory_space<vmem>>
        %dma_wait3A_327 = tpu.memref_squeeze %dma_wait3A_326 : memref<1x128xi32, #tpu.memory_space<vmem>> -> memref<128xi32, #tpu.memory_space<vmem>>
        %dma_wait3A_328 = arith.constant 0 : i32
        %dma_wait3A_329 = tpu.memref_slice %arg3[%dma_wait3A_328] : memref<327680xi32, #tpu.memory_space<hbm>> -> memref<128xi32, #tpu.memory_space<hbm>>
        %dma_wait3A_330 = arith.constant 0 : i32
        %dma_wait3A_331 = tpu.memref_slice %arg7[%dma_wait3A_324, %dma_wait3A_330] : memref<4x128xi32, #tpu.memory_space<vmem>> -> memref<1x128xi32, #tpu.memory_space<vmem>>
        %dma_wait3A_332 = tpu.memref_squeeze %dma_wait3A_331 : memref<1x128xi32, #tpu.memory_space<vmem>> -> memref<128xi32, #tpu.memory_space<vmem>>
        %dma_wait3A_333 = arith.constant 0 : i32
        %dma_wait3A_334 = tpu.memref_slice %arg3[%dma_wait3A_333] : memref<327680xi32, #tpu.memory_space<hbm>> -> memref<128xi32, #tpu.memory_space<hbm>>
        tpu.wait_dma2 semaphore(%arg11 : memref<!tpu.dma_semaphore, #tpu.memory_space<semaphore_mem>>) src(%dma_wait3A_334 : memref<128xi32, #tpu.memory_space<hbm>>) dst(%dma_wait3A_332 : memref<128xi32, #tpu.memory_space<vmem>>)
        %dma_wait3A_335 = arith.constant 3 : i32
        %dma_wait3A_336 = arith.constant 0 : i32
        %dma_wait3A_337 = tpu.memref_slice %arg8[%dma_wait3A_335, %dma_wait3A_336] : memref<4x128xi32, #tpu.memory_space<vmem>> -> memref<1x128xi32, #tpu.memory_space<vmem>>
        %dma_wait3A_338 = tpu.memref_squeeze %dma_wait3A_337 : memref<1x128xi32, #tpu.memory_space<vmem>> -> memref<128xi32, #tpu.memory_space<vmem>>
        %dma_wait3A_339 = arith.constant 0 : i32
        %dma_wait3A_340 = tpu.memref_slice %arg4[%dma_wait3A_339] : memref<327680xi32, #tpu.memory_space<hbm>> -> memref<128xi32, #tpu.memory_space<hbm>>
        %dma_wait3A_341 = arith.constant 0 : i32
        %dma_wait3A_342 = tpu.memref_slice %arg8[%dma_wait3A_335, %dma_wait3A_341] : memref<4x128xi32, #tpu.memory_space<vmem>> -> memref<1x128xi32, #tpu.memory_space<vmem>>
        %dma_wait3A_343 = tpu.memref_squeeze %dma_wait3A_342 : memref<1x128xi32, #tpu.memory_space<vmem>> -> memref<128xi32, #tpu.memory_space<vmem>>
        %dma_wait3A_344 = arith.constant 0 : i32
        %dma_wait3A_345 = tpu.memref_slice %arg4[%dma_wait3A_344] : memref<327680xi32, #tpu.memory_space<hbm>> -> memref<128xi32, #tpu.memory_space<hbm>>
        tpu.wait_dma2 semaphore(%arg11 : memref<!tpu.dma_semaphore, #tpu.memory_space<semaphore_mem>>) src(%dma_wait3A_345 : memref<128xi32, #tpu.memory_space<hbm>>) dst(%dma_wait3A_343 : memref<128xi32, #tpu.memory_space<vmem>>)
        %dma_start3A_346 = arith.constant 3 : i32
        %dma_start3A_347 = arith.constant 1 : i32
        %dma_start3A_348 = arith.constant 0 : i32
        %dma_start3A_349 = arith.constant 0 : i32
        %dma_start3A_350 = tpu.memref_slice %arg9[%dma_start3A_347, %dma_start3A_348, %dma_start3A_349] : memref<2x128x128xf32, #tpu.memory_space<vmem>> -> memref<1x128x128xf32, #tpu.memory_space<vmem>>
        %dma_start3A_351 = tpu.memref_squeeze %dma_start3A_350 : memref<1x128x128xf32, #tpu.memory_space<vmem>> -> memref<128x128xf32, #tpu.memory_space<vmem>>
        %dma_start3A_352 = arith.constant 0 : i32
        %dma_start3A_353 = tpu.memref_slice %arg7[%dma_start3A_346, %dma_start3A_352] : memref<4x128xi32, #tpu.memory_space<vmem>> -> memref<1x128xi32, #tpu.memory_space<vmem>>
        %dma_start3A_354 = tpu.memref_squeeze %dma_start3A_353 : memref<1x128xi32, #tpu.memory_space<vmem>> -> memref<128xi32, #tpu.memory_space<vmem>>
        %dma_start3A_355 = arith.constant 0 : i32
        %dma_start3A_356 = arith.constant 0 : i32
        %dma_start3A_357 = tpu.memref_slice %arg2[%dma_start3A_355, %dma_start3A_356] : memref<10000x128xf32, #tpu.memory_space<hbm>> -> memref<10000x128xf32, #tpu.memory_space<hbm>>
        tpu.enqueue_indirect_dma source(%dma_start3A_357 : memref<10000x128xf32, #tpu.memory_space<hbm>>) target(%dma_start3A_351 : memref<128x128xf32, #tpu.memory_space<vmem>>) offsets(%dma_start3A_354 : memref<128xi32, #tpu.memory_space<vmem>>) semaphore(%arg12 : memref<!tpu.dma_semaphore, #tpu.memory_space<semaphore_mem>>)
      } else {
      }
      %add3A_271 = arith.constant 4 : i32
      %add3A_272 = arith.addi %add3A_235, %add3A_271 : i32
      %sub3A_273 = arith.constant 1 : i32
      %sub3A_274 = arith.subi %add3A_272, %sub3A_273 : i32
      %lt3A_275 = arith.cmpi slt, %sub3A_274, %select_n3A_4 : i32
      %convert_element_type3A_276 = arith.extui %lt3A_275 : i1 to i32
      %cond3A_277 = arith.constant 0 : i32
      %cond3A_278 = arith.cmpi ne, %convert_element_type3A_276, %cond3A_277 : i32
      scf.if %cond3A_278 {
        %add3A_324 = arith.constant 4 : i32
        %add3A_325 = arith.addi %add3A_235, %add3A_324 : i32
        %sub3A_326 = arith.constant 1 : i32
        %sub3A_327 = arith.subi %add3A_325, %sub3A_326 : i32
        %mul3A_328 = arith.constant 128 : i32
        %mul3A_329 = arith.muli %sub3A_327, %mul3A_328 : i32
        %add3A_330 = arith.addi %mul3A_15, %mul3A_329 : i32
        %dma_start3A_331 = arith.constant 1 : i32
        %dma_start3A_332 = arith.constant 0 : i32
        %dma_start3A_333 = tpu.memref_slice %arg7[%dma_start3A_331, %dma_start3A_332] : memref<4x128xi32, #tpu.memory_space<vmem>> -> memref<1x128xi32, #tpu.memory_space<vmem>>
        %dma_start3A_334 = tpu.memref_squeeze %dma_start3A_333 : memref<1x128xi32, #tpu.memory_space<vmem>> -> memref<128xi32, #tpu.memory_space<vmem>>
        %dma_start3A_335 = tpu.memref_slice %arg3[%add3A_330] : memref<327680xi32, #tpu.memory_space<hbm>> -> memref<128xi32, #tpu.memory_space<hbm>>
        %dma_start3A_336 = arith.constant 0 : i32
        %dma_start3A_337 = tpu.memref_slice %arg7[%dma_start3A_331, %dma_start3A_336] : memref<4x128xi32, #tpu.memory_space<vmem>> -> memref<1x128xi32, #tpu.memory_space<vmem>>
        %dma_start3A_338 = tpu.memref_squeeze %dma_start3A_337 : memref<1x128xi32, #tpu.memory_space<vmem>> -> memref<128xi32, #tpu.memory_space<vmem>>
        %dma_start3A_339 = tpu.memref_slice %arg3[%add3A_330] : memref<327680xi32, #tpu.memory_space<hbm>> -> memref<128xi32, #tpu.memory_space<hbm>>
        tpu.enqueue_dma source(%dma_start3A_339 : memref<128xi32, #tpu.memory_space<hbm>>) target(%dma_start3A_338 : memref<128xi32, #tpu.memory_space<vmem>>) target_semaphore(%arg11 : memref<!tpu.dma_semaphore, #tpu.memory_space<semaphore_mem>>)
        %dma_start3A_340 = arith.constant 1 : i32
        %dma_start3A_341 = arith.constant 0 : i32
        %dma_start3A_342 = tpu.memref_slice %arg8[%dma_start3A_340, %dma_start3A_341] : memref<4x128xi32, #tpu.memory_space<vmem>> -> memref<1x128xi32, #tpu.memory_space<vmem>>
        %dma_start3A_343 = tpu.memref_squeeze %dma_start3A_342 : memref<1x128xi32, #tpu.memory_space<vmem>> -> memref<128xi32, #tpu.memory_space<vmem>>
        %dma_start3A_344 = tpu.memref_slice %arg4[%add3A_330] : memref<327680xi32, #tpu.memory_space<hbm>> -> memref<128xi32, #tpu.memory_space<hbm>>
        %dma_start3A_345 = arith.constant 0 : i32
        %dma_start3A_346 = tpu.memref_slice %arg8[%dma_start3A_340, %dma_start3A_345] : memref<4x128xi32, #tpu.memory_space<vmem>> -> memref<1x128xi32, #tpu.memory_space<vmem>>
        %dma_start3A_347 = tpu.memref_squeeze %dma_start3A_346 : memref<1x128xi32, #tpu.memory_space<vmem>> -> memref<128xi32, #tpu.memory_space<vmem>>
        %dma_start3A_348 = tpu.memref_slice %arg4[%add3A_330] : memref<327680xi32, #tpu.memory_space<hbm>> -> memref<128xi32, #tpu.memory_space<hbm>>
        tpu.enqueue_dma source(%dma_start3A_348 : memref<128xi32, #tpu.memory_space<hbm>>) target(%dma_start3A_347 : memref<128xi32, #tpu.memory_space<vmem>>) target_semaphore(%arg11 : memref<!tpu.dma_semaphore, #tpu.memory_space<semaphore_mem>>)
      } else {
      }
      %add3A_279 = arith.constant 3 : i32
      %add3A_280 = arith.addi %add3A_147, %add3A_279 : i32
      %dma_wait3A_281 = arith.constant 0 : i32
      %dma_wait3A_282 = arith.constant 1 : i32
      %dma_wait3A_283 = arith.constant 0 : i32
      %dma_wait3A_284 = arith.constant 0 : i32
      %dma_wait3A_285 = tpu.memref_slice %arg9[%dma_wait3A_282, %dma_wait3A_283, %dma_wait3A_284] : memref<2x128x128xf32, #tpu.memory_space<vmem>> -> memref<1x128x128xf32, #tpu.memory_space<vmem>>
      %dma_wait3A_286 = tpu.memref_squeeze %dma_wait3A_285 : memref<1x128x128xf32, #tpu.memory_space<vmem>> -> memref<128x128xf32, #tpu.memory_space<vmem>>
      %dma_wait3A_287 = arith.constant 0 : i32
      %dma_wait3A_288 = tpu.memref_slice %arg7[%dma_wait3A_281, %dma_wait3A_287] : memref<4x128xi32, #tpu.memory_space<vmem>> -> memref<1x128xi32, #tpu.memory_space<vmem>>
      %dma_wait3A_289 = tpu.memref_squeeze %dma_wait3A_288 : memref<1x128xi32, #tpu.memory_space<vmem>> -> memref<128xi32, #tpu.memory_space<vmem>>
      %dma_wait3A_290 = arith.constant 0 : i32
      %dma_wait3A_291 = arith.constant 0 : i32
      %dma_wait3A_292 = tpu.memref_slice %arg2[%dma_wait3A_290, %dma_wait3A_291] : memref<10000x128xf32, #tpu.memory_space<hbm>> -> memref<10000x128xf32, #tpu.memory_space<hbm>>
      tpu.wait_indirect_dma semaphore(%arg12 : memref<!tpu.dma_semaphore, #tpu.memory_space<semaphore_mem>>) src(%dma_wait3A_292 : memref<10000x128xf32, #tpu.memory_space<hbm>>) dst(%dma_wait3A_286 : memref<128x128xf32, #tpu.memory_space<vmem>>)
      %dma_start3A_293 = arith.constant 1 : i32
      %dma_start3A_294 = arith.constant 3 : i32
      %dma_start3A_295 = arith.constant 0 : i32
      %dma_start3A_296 = arith.constant 0 : i32
      %dma_start3A_297 = tpu.memref_slice %arg9[%dma_start3A_293, %dma_start3A_295, %dma_start3A_296] : memref<2x128x128xf32, #tpu.memory_space<vmem>> -> memref<1x128x128xf32, #tpu.memory_space<vmem>>
      %dma_start3A_298 = tpu.memref_squeeze %dma_start3A_297 : memref<1x128x128xf32, #tpu.memory_space<vmem>> -> memref<128x128xf32, #tpu.memory_space<vmem>>
      %dma_start3A_299 = arith.constant 0 : i32
      %dma_start3A_300 = tpu.memref_slice %arg8[%dma_start3A_294, %dma_start3A_299] : memref<4x128xi32, #tpu.memory_space<vmem>> -> memref<1x128xi32, #tpu.memory_space<vmem>>
      %dma_start3A_301 = tpu.memref_squeeze %dma_start3A_300 : memref<1x128xi32, #tpu.memory_space<vmem>> -> memref<128xi32, #tpu.memory_space<vmem>>
      %dma_start3A_302 = arith.constant 0 : i32
      %dma_start3A_303 = arith.constant 0 : i32
      %dma_start3A_304 = tpu.memref_slice %arg10[%dma_start3A_302, %dma_start3A_303] : memref<10112x128xf32, #tpu.memory_space<vmem_shared>> -> memref<10112x128xf32, #tpu.memory_space<vmem_shared>>
      tpu.enqueue_indirect_dma source(%dma_start3A_298 : memref<128x128xf32, #tpu.memory_space<vmem>>) target(%dma_start3A_304 : memref<10112x128xf32, #tpu.memory_space<vmem_shared>>) offsets(%dma_start3A_301 : memref<128xi32, #tpu.memory_space<vmem>>) semaphore(%arg13 : memref<!tpu.dma_semaphore, #tpu.memory_space<semaphore_mem>>) {add = true}
      %ge3A_305 = arith.constant 1 : i32
      %ge3A_306 = arith.cmpi sge, %add3A_280, %ge3A_305 : i32
      %convert_element_type3A_307 = arith.extui %ge3A_306 : i1 to i32
      %cond3A_308 = arith.constant 0 : i32
      %cond3A_309 = arith.cmpi ne, %convert_element_type3A_307, %cond3A_308 : i32
      scf.if %cond3A_309 {
        %dma_wait3A_324 = arith.constant 0 : i32
        %dma_wait3A_325 = arith.constant 0 : i32
        %dma_wait3A_326 = arith.constant 0 : i32
        %dma_wait3A_327 = arith.constant 0 : i32
        %dma_wait3A_328 = tpu.memref_slice %arg9[%dma_wait3A_324, %dma_wait3A_326, %dma_wait3A_327] : memref<2x128x128xf32, #tpu.memory_space<vmem>> -> memref<1x128x128xf32, #tpu.memory_space<vmem>>
        %dma_wait3A_329 = tpu.memref_squeeze %dma_wait3A_328 : memref<1x128x128xf32, #tpu.memory_space<vmem>> -> memref<128x128xf32, #tpu.memory_space<vmem>>
        %dma_wait3A_330 = arith.constant 0 : i32
        %dma_wait3A_331 = tpu.memref_slice %arg8[%dma_wait3A_325, %dma_wait3A_330] : memref<4x128xi32, #tpu.memory_space<vmem>> -> memref<1x128xi32, #tpu.memory_space<vmem>>
        %dma_wait3A_332 = tpu.memref_squeeze %dma_wait3A_331 : memref<1x128xi32, #tpu.memory_space<vmem>> -> memref<128xi32, #tpu.memory_space<vmem>>
        %dma_wait3A_333 = arith.constant 0 : i32
        %dma_wait3A_334 = arith.constant 0 : i32
        %dma_wait3A_335 = tpu.memref_slice %arg10[%dma_wait3A_333, %dma_wait3A_334] : memref<10112x128xf32, #tpu.memory_space<vmem_shared>> -> memref<10112x128xf32, #tpu.memory_space<vmem_shared>>
        tpu.wait_indirect_dma semaphore(%arg13 : memref<!tpu.dma_semaphore, #tpu.memory_space<semaphore_mem>>) src(%dma_wait3A_329 : memref<128x128xf32, #tpu.memory_space<vmem>>) dst(%dma_wait3A_335 : memref<10112x128xf32, #tpu.memory_space<vmem_shared>>)
      } else {
      }
      %add3A_310 = arith.constant 1 : i32
      %add3A_311 = arith.addi %add3A_280, %add3A_310 : i32
      %lt3A_312 = arith.cmpi slt, %add3A_311, %select_n3A_4 : i32
      %convert_element_type3A_313 = arith.extui %lt3A_312 : i1 to i32
      %cond3A_314 = arith.constant 0 : i32
      %cond3A_315 = arith.cmpi ne, %convert_element_type3A_313, %cond3A_314 : i32
      scf.if %cond3A_315 {
        %dma_wait3A_324 = arith.constant 0 : i32
        %dma_wait3A_325 = arith.constant 0 : i32
        %dma_wait3A_326 = tpu.memref_slice %arg7[%dma_wait3A_324, %dma_wait3A_325] : memref<4x128xi32, #tpu.memory_space<vmem>> -> memref<1x128xi32, #tpu.memory_space<vmem>>
        %dma_wait3A_327 = tpu.memref_squeeze %dma_wait3A_326 : memref<1x128xi32, #tpu.memory_space<vmem>> -> memref<128xi32, #tpu.memory_space<vmem>>
        %dma_wait3A_328 = arith.constant 0 : i32
        %dma_wait3A_329 = tpu.memref_slice %arg3[%dma_wait3A_328] : memref<327680xi32, #tpu.memory_space<hbm>> -> memref<128xi32, #tpu.memory_space<hbm>>
        %dma_wait3A_330 = arith.constant 0 : i32
        %dma_wait3A_331 = tpu.memref_slice %arg7[%dma_wait3A_324, %dma_wait3A_330] : memref<4x128xi32, #tpu.memory_space<vmem>> -> memref<1x128xi32, #tpu.memory_space<vmem>>
        %dma_wait3A_332 = tpu.memref_squeeze %dma_wait3A_331 : memref<1x128xi32, #tpu.memory_space<vmem>> -> memref<128xi32, #tpu.memory_space<vmem>>
        %dma_wait3A_333 = arith.constant 0 : i32
        %dma_wait3A_334 = tpu.memref_slice %arg3[%dma_wait3A_333] : memref<327680xi32, #tpu.memory_space<hbm>> -> memref<128xi32, #tpu.memory_space<hbm>>
        tpu.wait_dma2 semaphore(%arg11 : memref<!tpu.dma_semaphore, #tpu.memory_space<semaphore_mem>>) src(%dma_wait3A_334 : memref<128xi32, #tpu.memory_space<hbm>>) dst(%dma_wait3A_332 : memref<128xi32, #tpu.memory_space<vmem>>)
        %dma_wait3A_335 = arith.constant 0 : i32
        %dma_wait3A_336 = arith.constant 0 : i32
        %dma_wait3A_337 = tpu.memref_slice %arg8[%dma_wait3A_335, %dma_wait3A_336] : memref<4x128xi32, #tpu.memory_space<vmem>> -> memref<1x128xi32, #tpu.memory_space<vmem>>
        %dma_wait3A_338 = tpu.memref_squeeze %dma_wait3A_337 : memref<1x128xi32, #tpu.memory_space<vmem>> -> memref<128xi32, #tpu.memory_space<vmem>>
        %dma_wait3A_339 = arith.constant 0 : i32
        %dma_wait3A_340 = tpu.memref_slice %arg4[%dma_wait3A_339] : memref<327680xi32, #tpu.memory_space<hbm>> -> memref<128xi32, #tpu.memory_space<hbm>>
        %dma_wait3A_341 = arith.constant 0 : i32
        %dma_wait3A_342 = tpu.memref_slice %arg8[%dma_wait3A_335, %dma_wait3A_341] : memref<4x128xi32, #tpu.memory_space<vmem>> -> memref<1x128xi32, #tpu.memory_space<vmem>>
        %dma_wait3A_343 = tpu.memref_squeeze %dma_wait3A_342 : memref<1x128xi32, #tpu.memory_space<vmem>> -> memref<128xi32, #tpu.memory_space<vmem>>
        %dma_wait3A_344 = arith.constant 0 : i32
        %dma_wait3A_345 = tpu.memref_slice %arg4[%dma_wait3A_344] : memref<327680xi32, #tpu.memory_space<hbm>> -> memref<128xi32, #tpu.memory_space<hbm>>
        tpu.wait_dma2 semaphore(%arg11 : memref<!tpu.dma_semaphore, #tpu.memory_space<semaphore_mem>>) src(%dma_wait3A_345 : memref<128xi32, #tpu.memory_space<hbm>>) dst(%dma_wait3A_343 : memref<128xi32, #tpu.memory_space<vmem>>)
        %dma_start3A_346 = arith.constant 0 : i32
        %dma_start3A_347 = arith.constant 0 : i32
        %dma_start3A_348 = arith.constant 0 : i32
        %dma_start3A_349 = arith.constant 0 : i32
        %dma_start3A_350 = tpu.memref_slice %arg9[%dma_start3A_347, %dma_start3A_348, %dma_start3A_349] : memref<2x128x128xf32, #tpu.memory_space<vmem>> -> memref<1x128x128xf32, #tpu.memory_space<vmem>>
        %dma_start3A_351 = tpu.memref_squeeze %dma_start3A_350 : memref<1x128x128xf32, #tpu.memory_space<vmem>> -> memref<128x128xf32, #tpu.memory_space<vmem>>
        %dma_start3A_352 = arith.constant 0 : i32
        %dma_start3A_353 = tpu.memref_slice %arg7[%dma_start3A_346, %dma_start3A_352] : memref<4x128xi32, #tpu.memory_space<vmem>> -> memref<1x128xi32, #tpu.memory_space<vmem>>
        %dma_start3A_354 = tpu.memref_squeeze %dma_start3A_353 : memref<1x128xi32, #tpu.memory_space<vmem>> -> memref<128xi32, #tpu.memory_space<vmem>>
        %dma_start3A_355 = arith.constant 0 : i32
        %dma_start3A_356 = arith.constant 0 : i32
        %dma_start3A_357 = tpu.memref_slice %arg2[%dma_start3A_355, %dma_start3A_356] : memref<10000x128xf32, #tpu.memory_space<hbm>> -> memref<10000x128xf32, #tpu.memory_space<hbm>>
        tpu.enqueue_indirect_dma source(%dma_start3A_357 : memref<10000x128xf32, #tpu.memory_space<hbm>>) target(%dma_start3A_351 : memref<128x128xf32, #tpu.memory_space<vmem>>) offsets(%dma_start3A_354 : memref<128xi32, #tpu.memory_space<vmem>>) semaphore(%arg12 : memref<!tpu.dma_semaphore, #tpu.memory_space<semaphore_mem>>)
      } else {
      }
      %add3A_316 = arith.constant 4 : i32
      %add3A_317 = arith.addi %add3A_280, %add3A_316 : i32
      %sub3A_318 = arith.constant 1 : i32
      %sub3A_319 = arith.subi %add3A_317, %sub3A_318 : i32
      %lt3A_320 = arith.cmpi slt, %sub3A_319, %select_n3A_4 : i32
      %convert_element_type3A_321 = arith.extui %lt3A_320 : i1 to i32
      %cond3A_322 = arith.constant 0 : i32
      %cond3A_323 = arith.cmpi ne, %convert_element_type3A_321, %cond3A_322 : i32
      scf.if %cond3A_323 {
        %add3A_324 = arith.constant 4 : i32
        %add3A_325 = arith.addi %add3A_280, %add3A_324 : i32
        %sub3A_326 = arith.constant 1 : i32
        %sub3A_327 = arith.subi %add3A_325, %sub3A_326 : i32
        %mul3A_328 = arith.constant 128 : i32
        %mul3A_329 = arith.muli %sub3A_327, %mul3A_328 : i32
        %add3A_330 = arith.addi %mul3A_15, %mul3A_329 : i32
        %dma_start3A_331 = arith.constant 2 : i32
        %dma_start3A_332 = arith.constant 0 : i32
        %dma_start3A_333 = tpu.memref_slice %arg7[%dma_start3A_331, %dma_start3A_332] : memref<4x128xi32, #tpu.memory_space<vmem>> -> memref<1x128xi32, #tpu.memory_space<vmem>>
        %dma_start3A_334 = tpu.memref_squeeze %dma_start3A_333 : memref<1x128xi32, #tpu.memory_space<vmem>> -> memref<128xi32, #tpu.memory_space<vmem>>
        %dma_start3A_335 = tpu.memref_slice %arg3[%add3A_330] : memref<327680xi32, #tpu.memory_space<hbm>> -> memref<128xi32, #tpu.memory_space<hbm>>
        %dma_start3A_336 = arith.constant 0 : i32
        %dma_start3A_337 = tpu.memref_slice %arg7[%dma_start3A_331, %dma_start3A_336] : memref<4x128xi32, #tpu.memory_space<vmem>> -> memref<1x128xi32, #tpu.memory_space<vmem>>
        %dma_start3A_338 = tpu.memref_squeeze %dma_start3A_337 : memref<1x128xi32, #tpu.memory_space<vmem>> -> memref<128xi32, #tpu.memory_space<vmem>>
        %dma_start3A_339 = tpu.memref_slice %arg3[%add3A_330] : memref<327680xi32, #tpu.memory_space<hbm>> -> memref<128xi32, #tpu.memory_space<hbm>>
        tpu.enqueue_dma source(%dma_start3A_339 : memref<128xi32, #tpu.memory_space<hbm>>) target(%dma_start3A_338 : memref<128xi32, #tpu.memory_space<vmem>>) target_semaphore(%arg11 : memref<!tpu.dma_semaphore, #tpu.memory_space<semaphore_mem>>)
        %dma_start3A_340 = arith.constant 2 : i32
        %dma_start3A_341 = arith.constant 0 : i32
        %dma_start3A_342 = tpu.memref_slice %arg8[%dma_start3A_340, %dma_start3A_341] : memref<4x128xi32, #tpu.memory_space<vmem>> -> memref<1x128xi32, #tpu.memory_space<vmem>>
        %dma_start3A_343 = tpu.memref_squeeze %dma_start3A_342 : memref<1x128xi32, #tpu.memory_space<vmem>> -> memref<128xi32, #tpu.memory_space<vmem>>
        %dma_start3A_344 = tpu.memref_slice %arg4[%add3A_330] : memref<327680xi32, #tpu.memory_space<hbm>> -> memref<128xi32, #tpu.memory_space<hbm>>
        %dma_start3A_345 = arith.constant 0 : i32
        %dma_start3A_346 = tpu.memref_slice %arg8[%dma_start3A_340, %dma_start3A_345] : memref<4x128xi32, #tpu.memory_space<vmem>> -> memref<1x128xi32, #tpu.memory_space<vmem>>
        %dma_start3A_347 = tpu.memref_squeeze %dma_start3A_346 : memref<1x128xi32, #tpu.memory_space<vmem>> -> memref<128xi32, #tpu.memory_space<vmem>>
        %dma_start3A_348 = tpu.memref_slice %arg4[%add3A_330] : memref<327680xi32, #tpu.memory_space<hbm>> -> memref<128xi32, #tpu.memory_space<hbm>>
        tpu.enqueue_dma source(%dma_start3A_348 : memref<128xi32, #tpu.memory_space<hbm>>) target(%dma_start3A_347 : memref<128xi32, #tpu.memory_space<vmem>>) target_semaphore(%arg11 : memref<!tpu.dma_semaphore, #tpu.memory_space<semaphore_mem>>)
      } else {
      }
    }
    %dma_wait3A_128 = arith.constant 1 : i32
    %dma_wait3A_129 = arith.constant 0 : i32
    %dma_wait3A_130 = arith.constant 0 : i32
    %dma_wait3A_131 = arith.constant 0 : i32
    %dma_wait3A_132 = tpu.memref_slice %arg9[%dma_wait3A_128, %dma_wait3A_130, %dma_wait3A_131] : memref<2x128x128xf32, #tpu.memory_space<vmem>> -> memref<1x128x128xf32, #tpu.memory_space<vmem>>
    %dma_wait3A_133 = tpu.memref_squeeze %dma_wait3A_132 : memref<1x128x128xf32, #tpu.memory_space<vmem>> -> memref<128x128xf32, #tpu.memory_space<vmem>>
    %dma_wait3A_134 = arith.constant 0 : i32
    %dma_wait3A_135 = tpu.memref_slice %arg8[%dma_wait3A_129, %dma_wait3A_134] : memref<4x128xi32, #tpu.memory_space<vmem>> -> memref<1x128xi32, #tpu.memory_space<vmem>>
    %dma_wait3A_136 = tpu.memref_squeeze %dma_wait3A_135 : memref<1x128xi32, #tpu.memory_space<vmem>> -> memref<128xi32, #tpu.memory_space<vmem>>
    %dma_wait3A_137 = arith.constant 0 : i32
    %dma_wait3A_138 = arith.constant 0 : i32
    %dma_wait3A_139 = tpu.memref_slice %arg10[%dma_wait3A_137, %dma_wait3A_138] : memref<10112x128xf32, #tpu.memory_space<vmem_shared>> -> memref<10112x128xf32, #tpu.memory_space<vmem_shared>>
    tpu.wait_indirect_dma semaphore(%arg13 : memref<!tpu.dma_semaphore, #tpu.memory_space<semaphore_mem>>) src(%dma_wait3A_133 : memref<128x128xf32, #tpu.memory_space<vmem>>) dst(%dma_wait3A_139 : memref<10112x128xf32, #tpu.memory_space<vmem_shared>>)
    %barrier3A_140 = arith.constant 0 : index
    tpu.barrier barrier_id(%barrier3A_140)
    %mul3A_141 = arith.constant 632 : i32
    %mul3A_142 = arith.muli %arg1, %mul3A_141 : i32
    %mul3A_143 = arith.constant 632 : i32
    %mul3A_144 = arith.muli %arg1, %mul3A_143 : i32
    "tpu.region"() ({
      %run_scoped3A = tpu.sem_alloc : memref<!tpu.dma_semaphore, #tpu.memory_space<semaphore_mem>>
      %dma_start3A_145 = arith.constant 0 : i32
      %dma_start3A_146 = tpu.memref_slice %arg6[%arg0, %mul3A_144, %dma_start3A_145] : memref<2x10112x128xf32, #tpu.memory_space<hbm>> -> memref<1x632x128xf32, #tpu.memory_space<hbm>>
      %dma_start3A_147 = tpu.memref_squeeze %dma_start3A_146 : memref<1x632x128xf32, #tpu.memory_space<hbm>> -> memref<632x128xf32, #tpu.memory_space<hbm>>
      %dma_start3A_148 = arith.constant 0 : i32
      %dma_start3A_149 = tpu.memref_slice %arg10[%mul3A_142, %dma_start3A_148] : memref<10112x128xf32, #tpu.memory_space<vmem_shared>> -> memref<632x128xf32, #tpu.memory_space<vmem_shared>>
      tpu.enqueue_dma source(%dma_start3A_149 : memref<632x128xf32, #tpu.memory_space<vmem_shared>>) target(%dma_start3A_147 : memref<632x128xf32, #tpu.memory_space<hbm>>) target_semaphore(%run_scoped3A : memref<!tpu.dma_semaphore, #tpu.memory_space<semaphore_mem>>)
      %dma_wait3A_150 = arith.constant 0 : i32
      %dma_wait3A_151 = tpu.memref_slice %arg6[%arg0, %mul3A_144, %dma_wait3A_150] : memref<2x10112x128xf32, #tpu.memory_space<hbm>> -> memref<1x632x128xf32, #tpu.memory_space<hbm>>
      %dma_wait3A_152 = tpu.memref_squeeze %dma_wait3A_151 : memref<1x632x128xf32, #tpu.memory_space<hbm>> -> memref<632x128xf32, #tpu.memory_space<hbm>>
      %dma_wait3A_153 = arith.constant 0 : i32
      %dma_wait3A_154 = tpu.memref_slice %arg10[%mul3A_142, %dma_wait3A_153] : memref<10112x128xf32, #tpu.memory_space<vmem_shared>> -> memref<632x128xf32, #tpu.memory_space<vmem_shared>>
      tpu.wait_dma2 semaphore(%run_scoped3A : memref<!tpu.dma_semaphore, #tpu.memory_space<semaphore_mem>>) src(%dma_wait3A_154 : memref<632x128xf32, #tpu.memory_space<vmem_shared>>) dst(%dma_wait3A_152 : memref<632x128xf32, #tpu.memory_space<hbm>>)
      tpu.yield
    }) : () -> ()
    return
  }
}

#map = affine_map<(d0, d1) -> (0, 0)>
#map1 = affine_map<(d0, d1) -> (0)>
#map2 = affine_map<(d0, d1) -> (0, 0, 0)>
module attributes {stable_mosaic.version = 14 : i64} {
  func.func @body(%arg0: i32, %arg1: i32, %arg2: memref<10000x128xf32, #tpu.memory_space<hbm>>, %arg3: memref<327680xi32, #tpu.memory_space<hbm>>, %arg4: memref<327680xi32, #tpu.memory_space<hbm>>, %arg5: memref<10112x128xf32, #tpu.memory_space<hbm>>, %arg6: memref<2x10112x128xf32, #tpu.memory_space<hbm>>, %arg7: memref<4x128xi32, #tpu.memory_space<vmem>>, %arg8: memref<4x128xi32, #tpu.memory_space<vmem>>, %arg9: memref<2x128x128xf32, #tpu.memory_space<vmem>>, %arg10: memref<10112x128xf32, #tpu.memory_space<vmem_shared>>, %arg11: memref<!tpu.dma_semaphore, #tpu.memory_space<semaphore_mem>>, %arg12: memref<!tpu.dma_semaphore, #tpu.memory_space<semaphore_mem>>, %arg13: memref<!tpu.dma_semaphore, #tpu.memory_space<semaphore_mem>>) attributes {dimension_semantics = [#tpu.dimension_semantics<core_parallel>, #tpu.dimension_semantics<subcore_parallel>], iteration_bounds = array<i64: 2, 16>, scalar_prefetch = 0 : i64, scratch_operands = 7 : i64, tpu.core_type = #tpu.core_type<sc_vector_subcore>, window_params = [{transform_indices = #map}, {transform_indices = #map1}, {transform_indices = #map1}, {transform_indices = #map}, {transform_indices = #map2}]} {
    %mul3A = arith.constant 16 : i32
    %mul3A_0 = arith.muli %arg0, %mul3A : i32
    %add3A = arith.addi %mul3A_0, %arg1 : i32
    %broadcast_in_dim3A = arith.constant 1.000000e+00 : f32
    %broadcast_in_dim3A_1 = vector.broadcast %broadcast_in_dim3A : f32 to vector<16xf32>
    %eq3A = arith.constant 0 : i32
    %eq3A_2 = arith.cmpi eq, %arg0, %eq3A : i32
    %select_n3A = arith.constant 80 : i32
    %select_n3A_3 = arith.constant 80 : i32
    %select_n3A_4 = arith.select %eq3A_2, %select_n3A_3, %select_n3A : i32
    %eq3A_5 = arith.constant 0 : i32
    %eq3A_6 = arith.cmpi eq, %arg0, %eq3A_5 : i32
    %mul3A_7 = arith.constant 80 : i32
    %mul3A_8 = arith.muli %arg1, %mul3A_7 : i32
    %mul3A_9 = arith.constant 80 : i32
    %mul3A_10 = arith.muli %arg1, %mul3A_9 : i32
    %add3A_11 = arith.constant 1280 : i32
    %add3A_12 = arith.addi %add3A_11, %mul3A_10 : i32
    %select_n3A_13 = arith.select %eq3A_6, %mul3A_8, %add3A_12 : i32
    %mul3A_14 = arith.constant 128 : i32
    %mul3A_15 = arith.muli %select_n3A_13, %mul3A_14 : i32
    %mul3A_16 = arith.constant 632 : i32
    %mul3A_17 = arith.muli %arg1, %mul3A_16 : i32
    %mul3A_18 = arith.constant 632 : i32
    %mul3A_19 = arith.muli %arg1, %mul3A_18 : i32
    "tpu.region"() ({
      %run_scoped3A = tpu.sem_alloc : memref<!tpu.dma_semaphore, #tpu.memory_space<semaphore_mem>>
      %dma_start3A_145 = arith.constant 0 : i32
      %dma_start3A_146 = tpu.memref_slice %arg10[%mul3A_19, %dma_start3A_145] : memref<10112x128xf32, #tpu.memory_space<vmem_shared>> -> memref<632x128xf32, #tpu.memory_space<vmem_shared>>
      %dma_start3A_147 = arith.constant 0 : i32
      %dma_start3A_148 = tpu.memref_slice %arg5[%mul3A_17, %dma_start3A_147] : memref<10112x128xf32, #tpu.memory_space<hbm>> -> memref<632x128xf32, #tpu.memory_space<hbm>>
      tpu.enqueue_dma source(%dma_start3A_148 : memref<632x128xf32, #tpu.memory_space<hbm>>) target(%dma_start3A_146 : memref<632x128xf32, #tpu.memory_space<vmem_shared>>) target_semaphore(%run_scoped3A : memref<!tpu.dma_semaphore, #tpu.memory_space<semaphore_mem>>)
      %dma_wait3A_149 = arith.constant 0 : i32
      %dma_wait3A_150 = tpu.memref_slice %arg10[%mul3A_19, %dma_wait3A_149] : memref<10112x128xf32, #tpu.memory_space<vmem_shared>> -> memref<632x128xf32, #tpu.memory_space<vmem_shared>>
      %dma_wait3A_151 = arith.constant 0 : i32
      %dma_wait3A_152 = tpu.memref_slice %arg5[%mul3A_17, %dma_wait3A_151] : memref<10112x128xf32, #tpu.memory_space<hbm>> -> memref<632x128xf32, #tpu.memory_space<hbm>>
      tpu.wait_dma2 semaphore(%run_scoped3A : memref<!tpu.dma_semaphore, #tpu.memory_space<semaphore_mem>>) src(%dma_wait3A_152 : memref<632x128xf32, #tpu.memory_space<hbm>>) dst(%dma_wait3A_150 : memref<632x128xf32, #tpu.memory_space<vmem_shared>>)
      tpu.yield
    }) : () -> ()
    %barrier3A = arith.constant 0 : index
    tpu.barrier barrier_id(%barrier3A)
    %add3A_20 = arith.constant 0 : i32
    %add3A_21 = arith.addi %mul3A_15, %add3A_20 : i32
    %dma_start3A = arith.constant 0 : i32
    %dma_start3A_22 = arith.constant 0 : i32
    %dma_start3A_23 = tpu.memref_slice %arg7[%dma_start3A, %dma_start3A_22] : memref<4x128xi32, #tpu.memory_space<vmem>> -> memref<1x128xi32, #tpu.memory_space<vmem>>
    %dma_start3A_24 = tpu.memref_squeeze %dma_start3A_23 : memref<1x128xi32, #tpu.memory_space<vmem>> -> memref<128xi32, #tpu.memory_space<vmem>>
    %dma_start3A_25 = tpu.memref_slice %arg3[%add3A_21] : memref<327680xi32, #tpu.memory_space<hbm>> -> memref<128xi32, #tpu.memory_space<hbm>>
    %dma_start3A_26 = arith.constant 0 : i32
    %dma_start3A_27 = tpu.memref_slice %arg7[%dma_start3A, %dma_start3A_26] : memref<4x128xi32, #tpu.memory_space<vmem>> -> memref<1x128xi32, #tpu.memory_space<vmem>>
    %dma_start3A_28 = tpu.memref_squeeze %dma_start3A_27 : memref<1x128xi32, #tpu.memory_space<vmem>> -> memref<128xi32, #tpu.memory_space<vmem>>
    %dma_start3A_29 = tpu.memref_slice %arg3[%add3A_21] : memref<327680xi32, #tpu.memory_space<hbm>> -> memref<128xi32, #tpu.memory_space<hbm>>
    tpu.enqueue_dma source(%dma_start3A_29 : memref<128xi32, #tpu.memory_space<hbm>>) target(%dma_start3A_28 : memref<128xi32, #tpu.memory_space<vmem>>) target_semaphore(%arg11 : memref<!tpu.dma_semaphore, #tpu.memory_space<semaphore_mem>>)
    %dma_start3A_30 = arith.constant 0 : i32
    %dma_start3A_31 = arith.constant 0 : i32
    %dma_start3A_32 = tpu.memref_slice %arg8[%dma_start3A_30, %dma_start3A_31] : memref<4x128xi32, #tpu.memory_space<vmem>> -> memref<1x128xi32, #tpu.memory_space<vmem>>
    %dma_start3A_33 = tpu.memref_squeeze %dma_start3A_32 : memref<1x128xi32, #tpu.memory_space<vmem>> -> memref<128xi32, #tpu.memory_space<vmem>>
    %dma_start3A_34 = tpu.memref_slice %arg4[%add3A_21] : memref<327680xi32, #tpu.memory_space<hbm>> -> memref<128xi32, #tpu.memory_space<hbm>>
    %dma_start3A_35 = arith.constant 0 : i32
    %dma_start3A_36 = tpu.memref_slice %arg8[%dma_start3A_30, %dma_start3A_35] : memref<4x128xi32, #tpu.memory_space<vmem>> -> memref<1x128xi32, #tpu.memory_space<vmem>>
    %dma_start3A_37 = tpu.memref_squeeze %dma_start3A_36 : memref<1x128xi32, #tpu.memory_space<vmem>> -> memref<128xi32, #tpu.memory_space<vmem>>
    %dma_start3A_38 = tpu.memref_slice %arg4[%add3A_21] : memref<327680xi32, #tpu.memory_space<hbm>> -> memref<128xi32, #tpu.memory_space<hbm>>
    tpu.enqueue_dma source(%dma_start3A_38 : memref<128xi32, #tpu.memory_space<hbm>>) target(%dma_start3A_37 : memref<128xi32, #tpu.memory_space<vmem>>) target_semaphore(%arg11 : memref<!tpu.dma_semaphore, #tpu.memory_space<semaphore_mem>>)
    %add3A_39 = arith.constant 128 : i32
    %add3A_40 = arith.addi %mul3A_15, %add3A_39 : i32
    %dma_start3A_41 = arith.constant 1 : i32
    %dma_start3A_42 = arith.constant 0 : i32
    %dma_start3A_43 = tpu.memref_slice %arg7[%dma_start3A_41, %dma_start3A_42] : memref<4x128xi32, #tpu.memory_space<vmem>> -> memref<1x128xi32, #tpu.memory_space<vmem>>
    %dma_start3A_44 = tpu.memref_squeeze %dma_start3A_43 : memref<1x128xi32, #tpu.memory_space<vmem>> -> memref<128xi32, #tpu.memory_space<vmem>>
    %dma_start3A_45 = tpu.memref_slice %arg3[%add3A_40] : memref<327680xi32, #tpu.memory_space<hbm>> -> memref<128xi32, #tpu.memory_space<hbm>>
    %dma_start3A_46 = arith.constant 0 : i32
    %dma_start3A_47 = tpu.memref_slice %arg7[%dma_start3A_41, %dma_start3A_46] : memref<4x128xi32, #tpu.memory_space<vmem>> -> memref<1x128xi32, #tpu.memory_space<vmem>>
    %dma_start3A_48 = tpu.memref_squeeze %dma_start3A_47 : memref<1x128xi32, #tpu.memory_space<vmem>> -> memref<128xi32, #tpu.memory_space<vmem>>
    %dma_start3A_49 = tpu.memref_slice %arg3[%add3A_40] : memref<327680xi32, #tpu.memory_space<hbm>> -> memref<128xi32, #tpu.memory_space<hbm>>
    tpu.enqueue_dma source(%dma_start3A_49 : memref<128xi32, #tpu.memory_space<hbm>>) target(%dma_start3A_48 : memref<128xi32, #tpu.memory_space<vmem>>) target_semaphore(%arg11 : memref<!tpu.dma_semaphore, #tpu.memory_space<semaphore_mem>>)
    %dma_start3A_50 = arith.constant 1 : i32
    %dma_start3A_51 = arith.constant 0 : i32
    %dma_start3A_52 = tpu.memref_slice %arg8[%dma_start3A_50, %dma_start3A_51] : memref<4x128xi32, #tpu.memory_space<vmem>> -> memref<1x128xi32, #tpu.memory_space<vmem>>
    %dma_start3A_53 = tpu.memref_squeeze %dma_start3A_52 : memref<1x128xi32, #tpu.memory_space<vmem>> -> memref<128xi32, #tpu.memory_space<vmem>>
    %dma_start3A_54 = tpu.memref_slice %arg4[%add3A_40] : memref<327680xi32, #tpu.memory_space<hbm>> -> memref<128xi32, #tpu.memory_space<hbm>>
    %dma_start3A_55 = arith.constant 0 : i32
    %dma_start3A_56 = tpu.memref_slice %arg8[%dma_start3A_50, %dma_start3A_55] : memref<4x128xi32, #tpu.memory_space<vmem>> -> memref<1x128xi32, #tpu.memory_space<vmem>>
    %dma_start3A_57 = tpu.memref_squeeze %dma_start3A_56 : memref<1x128xi32, #tpu.memory_space<vmem>> -> memref<128xi32, #tpu.memory_space<vmem>>
    %dma_start3A_58 = tpu.memref_slice %arg4[%add3A_40] : memref<327680xi32, #tpu.memory_space<hbm>> -> memref<128xi32, #tpu.memory_space<hbm>>
    tpu.enqueue_dma source(%dma_start3A_58 : memref<128xi32, #tpu.memory_space<hbm>>) target(%dma_start3A_57 : memref<128xi32, #tpu.memory_space<vmem>>) target_semaphore(%arg11 : memref<!tpu.dma_semaphore, #tpu.memory_space<semaphore_mem>>)
    %add3A_59 = arith.constant 256 : i32
    %add3A_60 = arith.addi %mul3A_15, %add3A_59 : i32
    %dma_start3A_61 = arith.constant 2 : i32
    %dma_start3A_62 = arith.constant 0 : i32
    %dma_start3A_63 = tpu.memref_slice %arg7[%dma_start3A_61, %dma_start3A_62] : memref<4x128xi32, #tpu.memory_space<vmem>> -> memref<1x128xi32, #tpu.memory_space<vmem>>
    %dma_start3A_64 = tpu.memref_squeeze %dma_start3A_63 : memref<1x128xi32, #tpu.memory_space<vmem>> -> memref<128xi32, #tpu.memory_space<vmem>>
    %dma_start3A_65 = tpu.memref_slice %arg3[%add3A_60] : memref<327680xi32, #tpu.memory_space<hbm>> -> memref<128xi32, #tpu.memory_space<hbm>>
    %dma_start3A_66 = arith.constant 0 : i32
    %dma_start3A_67 = tpu.memref_slice %arg7[%dma_start3A_61, %dma_start3A_66] : memref<4x128xi32, #tpu.memory_space<vmem>> -> memref<1x128xi32, #tpu.memory_space<vmem>>
    %dma_start3A_68 = tpu.memref_squeeze %dma_start3A_67 : memref<1x128xi32, #tpu.memory_space<vmem>> -> memref<128xi32, #tpu.memory_space<vmem>>
    %dma_start3A_69 = tpu.memref_slice %arg3[%add3A_60] : memref<327680xi32, #tpu.memory_space<hbm>> -> memref<128xi32, #tpu.memory_space<hbm>>
    tpu.enqueue_dma source(%dma_start3A_69 : memref<128xi32, #tpu.memory_space<hbm>>) target(%dma_start3A_68 : memref<128xi32, #tpu.memory_space<vmem>>) target_semaphore(%arg11 : memref<!tpu.dma_semaphore, #tpu.memory_space<semaphore_mem>>)
    %dma_start3A_70 = arith.constant 2 : i32
    %dma_start3A_71 = arith.constant 0 : i32
    %dma_start3A_72 = tpu.memref_slice %arg8[%dma_start3A_70, %dma_start3A_71] : memref<4x128xi32, #tpu.memory_space<vmem>> -> memref<1x128xi32, #tpu.memory_space<vmem>>
    %dma_start3A_73 = tpu.memref_squeeze %dma_start3A_72 : memref<1x128xi32, #tpu.memory_space<vmem>> -> memref<128xi32, #tpu.memory_space<vmem>>
    %dma_start3A_74 = tpu.memref_slice %arg4[%add3A_60] : memref<327680xi32, #tpu.memory_space<hbm>> -> memref<128xi32, #tpu.memory_space<hbm>>
    %dma_start3A_75 = arith.constant 0 : i32
    %dma_start3A_76 = tpu.memref_slice %arg8[%dma_start3A_70, %dma_start3A_75] : memref<4x128xi32, #tpu.memory_space<vmem>> -> memref<1x128xi32, #tpu.memory_space<vmem>>
    %dma_start3A_77 = tpu.memref_squeeze %dma_start3A_76 : memref<1x128xi32, #tpu.memory_space<vmem>> -> memref<128xi32, #tpu.memory_space<vmem>>
    %dma_start3A_78 = tpu.memref_slice %arg4[%add3A_60] : memref<327680xi32, #tpu.memory_space<hbm>> -> memref<128xi32, #tpu.memory_space<hbm>>
    tpu.enqueue_dma source(%dma_start3A_78 : memref<128xi32, #tpu.memory_space<hbm>>) target(%dma_start3A_77 : memref<128xi32, #tpu.memory_space<vmem>>) target_semaphore(%arg11 : memref<!tpu.dma_semaphore, #tpu.memory_space<semaphore_mem>>)
    %dma_wait3A = arith.constant 0 : i32
    %dma_wait3A_79 = arith.constant 0 : i32
    %dma_wait3A_80 = tpu.memref_slice %arg7[%dma_wait3A, %dma_wait3A_79] : memref<4x128xi32, #tpu.memory_space<vmem>> -> memref<1x128xi32, #tpu.memory_space<vmem>>
    %dma_wait3A_81 = tpu.memref_squeeze %dma_wait3A_80 : memref<1x128xi32, #tpu.memory_space<vmem>> -> memref<128xi32, #tpu.memory_space<vmem>>
    %dma_wait3A_82 = arith.constant 0 : i32
    %dma_wait3A_83 = tpu.memref_slice %arg3[%dma_wait3A_82] : memref<327680xi32, #tpu.memory_space<hbm>> -> memref<128xi32, #tpu.memory_space<hbm>>
    %dma_wait3A_84 = arith.constant 0 : i32
    %dma_wait3A_85 = tpu.memref_slice %arg7[%dma_wait3A, %dma_wait3A_84] : memref<4x128xi32, #tpu.memory_space<vmem>> -> memref<1x128xi32, #tpu.memory_space<vmem>>
    %dma_wait3A_86 = tpu.memref_squeeze %dma_wait3A_85 : memref<1x128xi32, #tpu.memory_space<vmem>> -> memref<128xi32, #tpu.memory_space<vmem>>
    %dma_wait3A_87 = arith.constant 0 : i32
    %dma_wait3A_88 = tpu.memref_slice %arg3[%dma_wait3A_87] : memref<327680xi32, #tpu.memory_space<hbm>> -> memref<128xi32, #tpu.memory_space<hbm>>
    tpu.wait_dma2 semaphore(%arg11 : memref<!tpu.dma_semaphore, #tpu.memory_space<semaphore_mem>>) src(%dma_wait3A_88 : memref<128xi32, #tpu.memory_space<hbm>>) dst(%dma_wait3A_86 : memref<128xi32, #tpu.memory_space<vmem>>)
    %dma_wait3A_89 = arith.constant 0 : i32
    %dma_wait3A_90 = arith.constant 0 : i32
    %dma_wait3A_91 = tpu.memref_slice %arg8[%dma_wait3A_89, %dma_wait3A_90] : memref<4x128xi32, #tpu.memory_space<vmem>> -> memref<1x128xi32, #tpu.memory_space<vmem>>
    %dma_wait3A_92 = tpu.memref_squeeze %dma_wait3A_91 : memref<1x128xi32, #tpu.memory_space<vmem>> -> memref<128xi32, #tpu.memory_space<vmem>>
    %dma_wait3A_93 = arith.constant 0 : i32
    %dma_wait3A_94 = tpu.memref_slice %arg4[%dma_wait3A_93] : memref<327680xi32, #tpu.memory_space<hbm>> -> memref<128xi32, #tpu.memory_space<hbm>>
    %dma_wait3A_95 = arith.constant 0 : i32
    %dma_wait3A_96 = tpu.memref_slice %arg8[%dma_wait3A_89, %dma_wait3A_95] : memref<4x128xi32, #tpu.memory_space<vmem>> -> memref<1x128xi32, #tpu.memory_space<vmem>>
    %dma_wait3A_97 = tpu.memref_squeeze %dma_wait3A_96 : memref<1x128xi32, #tpu.memory_space<vmem>> -> memref<128xi32, #tpu.memory_space<vmem>>
    %dma_wait3A_98 = arith.constant 0 : i32
    %dma_wait3A_99 = tpu.memref_slice %arg4[%dma_wait3A_98] : memref<327680xi32, #tpu.memory_space<hbm>> -> memref<128xi32, #tpu.memory_space<hbm>>
    tpu.wait_dma2 semaphore(%arg11 : memref<!tpu.dma_semaphore, #tpu.memory_space<semaphore_mem>>) src(%dma_wait3A_99 : memref<128xi32, #tpu.memory_space<hbm>>) dst(%dma_wait3A_97 : memref<128xi32, #tpu.memory_space<vmem>>)
    %dma_start3A_100 = arith.constant 0 : i32
    %dma_start3A_101 = arith.constant 0 : i32
    %dma_start3A_102 = arith.constant 0 : i32
    %dma_start3A_103 = arith.constant 0 : i32
    %dma_start3A_104 = tpu.memref_slice %arg9[%dma_start3A_101, %dma_start3A_102, %dma_start3A_103] : memref<2x128x128xf32, #tpu.memory_space<vmem>> -> memref<1x128x128xf32, #tpu.memory_space<vmem>>
    %dma_start3A_105 = tpu.memref_squeeze %dma_start3A_104 : memref<1x128x128xf32, #tpu.memory_space<vmem>> -> memref<128x128xf32, #tpu.memory_space<vmem>>
    %dma_start3A_106 = arith.constant 0 : i32
    %dma_start3A_107 = tpu.memref_slice %arg7[%dma_start3A_100, %dma_start3A_106] : memref<4x128xi32, #tpu.memory_space<vmem>> -> memref<1x128xi32, #tpu.memory_space<vmem>>
    %dma_start3A_108 = tpu.memref_squeeze %dma_start3A_107 : memref<1x128xi32, #tpu.memory_space<vmem>> -> memref<128xi32, #tpu.memory_space<vmem>>
    %dma_start3A_109 = arith.constant 0 : i32
    %dma_start3A_110 = arith.constant 0 : i32
    %dma_start3A_111 = tpu.memref_slice %arg2[%dma_start3A_109, %dma_start3A_110] : memref<10000x128xf32, #tpu.memory_space<hbm>> -> memref<10000x128xf32, #tpu.memory_space<hbm>>
    tpu.enqueue_indirect_dma source(%dma_start3A_111 : memref<10000x128xf32, #tpu.memory_space<hbm>>) target(%dma_start3A_105 : memref<128x128xf32, #tpu.memory_space<vmem>>) offsets(%dma_start3A_108 : memref<128xi32, #tpu.memory_space<vmem>>) semaphore(%arg12 : memref<!tpu.dma_semaphore, #tpu.memory_space<semaphore_mem>>)
    %sub3A = arith.constant 0 : i32
    %sub3A_112 = arith.subi %select_n3A_4, %sub3A : i32
    %sub3A_113 = arith.constant 4 : i32
    %sub3A_114 = arith.constant 1 : i32
    %sub3A_115 = arith.subi %sub3A_113, %sub3A_114 : i32
    %add3A_116 = arith.addi %sub3A_112, %sub3A_115 : i32
    %div3A = arith.constant 4 : i32
    %div3A_117 = arith.divsi %add3A_116, %div3A : i32
    %while3A = arith.constant 4 : i32
    %while3A_118 = arith.constant 0 : i32
    %while3A_119 = arith.constant 0 : i32
    %while3A_120 = arith.subi %div3A_117, %while3A_119 : i32
    %while3A_121 = arith.addi %while3A_119, %while3A_120 : i32
    %while3A_122 = arith.constant 1 : i32
    %while3A_123 = arith.divsi %while3A_120, %while3A_122 : i32
    %while3A_124 = arith.muli %while3A_123, %while3A_122 : i32
    %while3A_125 = arith.addi %while3A_119, %while3A_124 : i32
    %while3A_126 = arith.constant 1 : i32
    scf.for %while3A_145 = %while3A_119 to %while3A_125 step %while3A_126  : i32 {
      %mul3A_146 = arith.muli %while3A_145, %while3A : i32
      %add3A_147 = arith.addi %while3A_118, %mul3A_146 : i32
      %add3A_148 = arith.constant 0 : i32
      %add3A_149 = arith.addi %add3A_147, %add3A_148 : i32
      %dma_wait3A_150 = arith.constant 0 : i32
      %dma_wait3A_151 = arith.constant 0 : i32
      %dma_wait3A_152 = arith.constant 0 : i32
      %dma_wait3A_153 = arith.constant 0 : i32
      %dma_wait3A_154 = tpu.memref_slice %arg9[%dma_wait3A_151, %dma_wait3A_152, %dma_wait3A_153] : memref<2x128x128xf32, #tpu.memory_space<vmem>> -> memref<1x128x128xf32, #tpu.memory_space<vmem>>
      %dma_wait3A_155 = tpu.memref_squeeze %dma_wait3A_154 : memref<1x128x128xf32, #tpu.memory_space<vmem>> -> memref<128x128xf32, #tpu.memory_space<vmem>>
      %dma_wait3A_156 = arith.constant 0 : i32
      %dma_wait3A_157 = tpu.memref_slice %arg7[%dma_wait3A_150, %dma_wait3A_156] : memref<4x128xi32, #tpu.memory_space<vmem>> -> memref<1x128xi32, #tpu.memory_space<vmem>>
      %dma_wait3A_158 = tpu.memref_squeeze %dma_wait3A_157 : memref<1x128xi32, #tpu.memory_space<vmem>> -> memref<128xi32, #tpu.memory_space<vmem>>
      %dma_wait3A_159 = arith.constant 0 : i32
      %dma_wait3A_160 = arith.constant 0 : i32
      %dma_wait3A_161 = tpu.memref_slice %arg2[%dma_wait3A_159, %dma_wait3A_160] : memref<10000x128xf32, #tpu.memory_space<hbm>> -> memref<10000x128xf32, #tpu.memory_space<hbm>>
      tpu.wait_indirect_dma semaphore(%arg12 : memref<!tpu.dma_semaphore, #tpu.memory_space<semaphore_mem>>) src(%dma_wait3A_161 : memref<10000x128xf32, #tpu.memory_space<hbm>>) dst(%dma_wait3A_155 : memref<128x128xf32, #tpu.memory_space<vmem>>)
      %dma_start3A_162 = arith.constant 0 : i32
      %dma_start3A_163 = arith.constant 0 : i32
      %dma_start3A_164 = arith.constant 0 : i32
      %dma_start3A_165 = arith.constant 0 : i32
      %dma_start3A_166 = tpu.memref_slice %arg9[%dma_start3A_162, %dma_start3A_164, %dma_start3A_165] : memref<2x128x128xf32, #tpu.memory_space<vmem>> -> memref<1x128x128xf32, #tpu.memory_space<vmem>>
      %dma_start3A_167 = tpu.memref_squeeze %dma_start3A_166 : memref<1x128x128xf32, #tpu.memory_space<vmem>> -> memref<128x128xf32, #tpu.memory_space<vmem>>
      %dma_start3A_168 = arith.constant 0 : i32
      %dma_start3A_169 = tpu.memref_slice %arg8[%dma_start3A_163, %dma_start3A_168] : memref<4x128xi32, #tpu.memory_space<vmem>> -> memref<1x128xi32, #tpu.memory_space<vmem>>
      %dma_start3A_170 = tpu.memref_squeeze %dma_start3A_169 : memref<1x128xi32, #tpu.memory_space<vmem>> -> memref<128xi32, #tpu.memory_space<vmem>>
      %dma_start3A_171 = arith.constant 0 : i32
      %dma_start3A_172 = arith.constant 0 : i32
      %dma_start3A_173 = tpu.memref_slice %arg10[%dma_start3A_171, %dma_start3A_172] : memref<10112x128xf32, #tpu.memory_space<vmem_shared>> -> memref<10112x128xf32, #tpu.memory_space<vmem_shared>>
      tpu.enqueue_indirect_dma source(%dma_start3A_167 : memref<128x128xf32, #tpu.memory_space<vmem>>) target(%dma_start3A_173 : memref<10112x128xf32, #tpu.memory_space<vmem_shared>>) offsets(%dma_start3A_170 : memref<128xi32, #tpu.memory_space<vmem>>) semaphore(%arg13 : memref<!tpu.dma_semaphore, #tpu.memory_space<semaphore_mem>>) {add = true}
      %ge3A = arith.constant 1 : i32
      %ge3A_174 = arith.cmpi sge, %add3A_149, %ge3A : i32
      %convert_element_type3A = arith.extui %ge3A_174 : i1 to i32
      %cond3A = arith.constant 0 : i32
      %cond3A_175 = arith.cmpi ne, %convert_element_type3A, %cond3A : i32
      scf.if %cond3A_175 {
        %dma_wait3A_324 = arith.constant 1 : i32
        %dma_wait3A_325 = arith.constant 0 : i32
        %dma_wait3A_326 = arith.constant 0 : i32
        %dma_wait3A_327 = arith.constant 0 : i32
        %dma_wait3A_328 = tpu.memref_slice %arg9[%dma_wait3A_324, %dma_wait3A_326, %dma_wait3A_327] : memref<2x128x128xf32, #tpu.memory_space<vmem>> -> memref<1x128x128xf32, #tpu.memory_space<vmem>>
        %dma_wait3A_329 = tpu.memref_squeeze %dma_wait3A_328 : memref<1x128x128xf32, #tpu.memory_space<vmem>> -> memref<128x128xf32, #tpu.memory_space<vmem>>
        %dma_wait3A_330 = arith.constant 0 : i32
        %dma_wait3A_331 = tpu.memref_slice %arg8[%dma_wait3A_325, %dma_wait3A_330] : memref<4x128xi32, #tpu.memory_space<vmem>> -> memref<1x128xi32, #tpu.memory_space<vmem>>
        %dma_wait3A_332 = tpu.memref_squeeze %dma_wait3A_331 : memref<1x128xi32, #tpu.memory_space<vmem>> -> memref<128xi32, #tpu.memory_space<vmem>>
        %dma_wait3A_333 = arith.constant 0 : i32
        %dma_wait3A_334 = arith.constant 0 : i32
        %dma_wait3A_335 = tpu.memref_slice %arg10[%dma_wait3A_333, %dma_wait3A_334] : memref<10112x128xf32, #tpu.memory_space<vmem_shared>> -> memref<10112x128xf32, #tpu.memory_space<vmem_shared>>
        tpu.wait_indirect_dma semaphore(%arg13 : memref<!tpu.dma_semaphore, #tpu.memory_space<semaphore_mem>>) src(%dma_wait3A_329 : memref<128x128xf32, #tpu.memory_space<vmem>>) dst(%dma_wait3A_335 : memref<10112x128xf32, #tpu.memory_space<vmem_shared>>)
      } else {
      }
      %add3A_176 = arith.constant 1 : i32
      %add3A_177 = arith.addi %add3A_149, %add3A_176 : i32
      %lt3A = arith.cmpi slt, %add3A_177, %select_n3A_4 : i32
      %convert_element_type3A_178 = arith.extui %lt3A : i1 to i32
      %cond3A_179 = arith.constant 0 : i32
      %cond3A_180 = arith.cmpi ne, %convert_element_type3A_178, %cond3A_179 : i32
      scf.if %cond3A_180 {
        %dma_wait3A_324 = arith.constant 1 : i32
        %dma_wait3A_325 = arith.constant 0 : i32
        %dma_wait3A_326 = tpu.memref_slice %arg7[%dma_wait3A_324, %dma_wait3A_325] : memref<4x128xi32, #tpu.memory_space<vmem>> -> memref<1x128xi32, #tpu.memory_space<vmem>>
        %dma_wait3A_327 = tpu.memref_squeeze %dma_wait3A_326 : memref<1x128xi32, #tpu.memory_space<vmem>> -> memref<128xi32, #tpu.memory_space<vmem>>
        %dma_wait3A_328 = arith.constant 0 : i32
        %dma_wait3A_329 = tpu.memref_slice %arg3[%dma_wait3A_328] : memref<327680xi32, #tpu.memory_space<hbm>> -> memref<128xi32, #tpu.memory_space<hbm>>
        %dma_wait3A_330 = arith.constant 0 : i32
        %dma_wait3A_331 = tpu.memref_slice %arg7[%dma_wait3A_324, %dma_wait3A_330] : memref<4x128xi32, #tpu.memory_space<vmem>> -> memref<1x128xi32, #tpu.memory_space<vmem>>
        %dma_wait3A_332 = tpu.memref_squeeze %dma_wait3A_331 : memref<1x128xi32, #tpu.memory_space<vmem>> -> memref<128xi32, #tpu.memory_space<vmem>>
        %dma_wait3A_333 = arith.constant 0 : i32
        %dma_wait3A_334 = tpu.memref_slice %arg3[%dma_wait3A_333] : memref<327680xi32, #tpu.memory_space<hbm>> -> memref<128xi32, #tpu.memory_space<hbm>>
        tpu.wait_dma2 semaphore(%arg11 : memref<!tpu.dma_semaphore, #tpu.memory_space<semaphore_mem>>) src(%dma_wait3A_334 : memref<128xi32, #tpu.memory_space<hbm>>) dst(%dma_wait3A_332 : memref<128xi32, #tpu.memory_space<vmem>>)
        %dma_wait3A_335 = arith.constant 1 : i32
        %dma_wait3A_336 = arith.constant 0 : i32
        %dma_wait3A_337 = tpu.memref_slice %arg8[%dma_wait3A_335, %dma_wait3A_336] : memref<4x128xi32, #tpu.memory_space<vmem>> -> memref<1x128xi32, #tpu.memory_space<vmem>>
        %dma_wait3A_338 = tpu.memref_squeeze %dma_wait3A_337 : memref<1x128xi32, #tpu.memory_space<vmem>> -> memref<128xi32, #tpu.memory_space<vmem>>
        %dma_wait3A_339 = arith.constant 0 : i32
        %dma_wait3A_340 = tpu.memref_slice %arg4[%dma_wait3A_339] : memref<327680xi32, #tpu.memory_space<hbm>> -> memref<128xi32, #tpu.memory_space<hbm>>
        %dma_wait3A_341 = arith.constant 0 : i32
        %dma_wait3A_342 = tpu.memref_slice %arg8[%dma_wait3A_335, %dma_wait3A_341] : memref<4x128xi32, #tpu.memory_space<vmem>> -> memref<1x128xi32, #tpu.memory_space<vmem>>
        %dma_wait3A_343 = tpu.memref_squeeze %dma_wait3A_342 : memref<1x128xi32, #tpu.memory_space<vmem>> -> memref<128xi32, #tpu.memory_space<vmem>>
        %dma_wait3A_344 = arith.constant 0 : i32
        %dma_wait3A_345 = tpu.memref_slice %arg4[%dma_wait3A_344] : memref<327680xi32, #tpu.memory_space<hbm>> -> memref<128xi32, #tpu.memory_space<hbm>>
        tpu.wait_dma2 semaphore(%arg11 : memref<!tpu.dma_semaphore, #tpu.memory_space<semaphore_mem>>) src(%dma_wait3A_345 : memref<128xi32, #tpu.memory_space<hbm>>) dst(%dma_wait3A_343 : memref<128xi32, #tpu.memory_space<vmem>>)
        %dma_start3A_346 = arith.constant 1 : i32
        %dma_start3A_347 = arith.constant 1 : i32
        %dma_start3A_348 = arith.constant 0 : i32
        %dma_start3A_349 = arith.constant 0 : i32
        %dma_start3A_350 = tpu.memref_slice %arg9[%dma_start3A_347, %dma_start3A_348, %dma_start3A_349] : memref<2x128x128xf32, #tpu.memory_space<vmem>> -> memref<1x128x128xf32, #tpu.memory_space<vmem>>
        %dma_start3A_351 = tpu.memref_squeeze %dma_start3A_350 : memref<1x128x128xf32, #tpu.memory_space<vmem>> -> memref<128x128xf32, #tpu.memory_space<vmem>>
        %dma_start3A_352 = arith.constant 0 : i32
        %dma_start3A_353 = tpu.memref_slice %arg7[%dma_start3A_346, %dma_start3A_352] : memref<4x128xi32, #tpu.memory_space<vmem>> -> memref<1x128xi32, #tpu.memory_space<vmem>>
        %dma_start3A_354 = tpu.memref_squeeze %dma_start3A_353 : memref<1x128xi32, #tpu.memory_space<vmem>> -> memref<128xi32, #tpu.memory_space<vmem>>
        %dma_start3A_355 = arith.constant 0 : i32
        %dma_start3A_356 = arith.constant 0 : i32
        %dma_start3A_357 = tpu.memref_slice %arg2[%dma_start3A_355, %dma_start3A_356] : memref<10000x128xf32, #tpu.memory_space<hbm>> -> memref<10000x128xf32, #tpu.memory_space<hbm>>
        tpu.enqueue_indirect_dma source(%dma_start3A_357 : memref<10000x128xf32, #tpu.memory_space<hbm>>) target(%dma_start3A_351 : memref<128x128xf32, #tpu.memory_space<vmem>>) offsets(%dma_start3A_354 : memref<128xi32, #tpu.memory_space<vmem>>) semaphore(%arg12 : memref<!tpu.dma_semaphore, #tpu.memory_space<semaphore_mem>>)
      } else {
      }
      %add3A_181 = arith.constant 4 : i32
      %add3A_182 = arith.addi %add3A_149, %add3A_181 : i32
      %sub3A_183 = arith.constant 1 : i32
      %sub3A_184 = arith.subi %add3A_182, %sub3A_183 : i32
      %lt3A_185 = arith.cmpi slt, %sub3A_184, %select_n3A_4 : i32
      %convert_element_type3A_186 = arith.extui %lt3A_185 : i1 to i32
      %cond3A_187 = arith.constant 0 : i32
      %cond3A_188 = arith.cmpi ne, %convert_element_type3A_186, %cond3A_187 : i32
      scf.if %cond3A_188 {
        %add3A_324 = arith.constant 4 : i32
        %add3A_325 = arith.addi %add3A_149, %add3A_324 : i32
        %sub3A_326 = arith.constant 1 : i32
        %sub3A_327 = arith.subi %add3A_325, %sub3A_326 : i32
        %mul3A_328 = arith.constant 128 : i32
        %mul3A_329 = arith.muli %sub3A_327, %mul3A_328 : i32
        %add3A_330 = arith.addi %mul3A_15, %mul3A_329 : i32
        %dma_start3A_331 = arith.constant 3 : i32
        %dma_start3A_332 = arith.constant 0 : i32
        %dma_start3A_333 = tpu.memref_slice %arg7[%dma_start3A_331, %dma_start3A_332] : memref<4x128xi32, #tpu.memory_space<vmem>> -> memref<1x128xi32, #tpu.memory_space<vmem>>
        %dma_start3A_334 = tpu.memref_squeeze %dma_start3A_333 : memref<1x128xi32, #tpu.memory_space<vmem>> -> memref<128xi32, #tpu.memory_space<vmem>>
        %dma_start3A_335 = tpu.memref_slice %arg3[%add3A_330] : memref<327680xi32, #tpu.memory_space<hbm>> -> memref<128xi32, #tpu.memory_space<hbm>>
        %dma_start3A_336 = arith.constant 0 : i32
        %dma_start3A_337 = tpu.memref_slice %arg7[%dma_start3A_331, %dma_start3A_336] : memref<4x128xi32, #tpu.memory_space<vmem>> -> memref<1x128xi32, #tpu.memory_space<vmem>>
        %dma_start3A_338 = tpu.memref_squeeze %dma_start3A_337 : memref<1x128xi32, #tpu.memory_space<vmem>> -> memref<128xi32, #tpu.memory_space<vmem>>
        %dma_start3A_339 = tpu.memref_slice %arg3[%add3A_330] : memref<327680xi32, #tpu.memory_space<hbm>> -> memref<128xi32, #tpu.memory_space<hbm>>
        tpu.enqueue_dma source(%dma_start3A_339 : memref<128xi32, #tpu.memory_space<hbm>>) target(%dma_start3A_338 : memref<128xi32, #tpu.memory_space<vmem>>) target_semaphore(%arg11 : memref<!tpu.dma_semaphore, #tpu.memory_space<semaphore_mem>>)
        %dma_start3A_340 = arith.constant 3 : i32
        %dma_start3A_341 = arith.constant 0 : i32
        %dma_start3A_342 = tpu.memref_slice %arg8[%dma_start3A_340, %dma_start3A_341] : memref<4x128xi32, #tpu.memory_space<vmem>> -> memref<1x128xi32, #tpu.memory_space<vmem>>
        %dma_start3A_343 = tpu.memref_squeeze %dma_start3A_342 : memref<1x128xi32, #tpu.memory_space<vmem>> -> memref<128xi32, #tpu.memory_space<vmem>>
        %dma_start3A_344 = tpu.memref_slice %arg4[%add3A_330] : memref<327680xi32, #tpu.memory_space<hbm>> -> memref<128xi32, #tpu.memory_space<hbm>>
        %dma_start3A_345 = arith.constant 0 : i32
        %dma_start3A_346 = tpu.memref_slice %arg8[%dma_start3A_340, %dma_start3A_345] : memref<4x128xi32, #tpu.memory_space<vmem>> -> memref<1x128xi32, #tpu.memory_space<vmem>>
        %dma_start3A_347 = tpu.memref_squeeze %dma_start3A_346 : memref<1x128xi32, #tpu.memory_space<vmem>> -> memref<128xi32, #tpu.memory_space<vmem>>
        %dma_start3A_348 = tpu.memref_slice %arg4[%add3A_330] : memref<327680xi32, #tpu.memory_space<hbm>> -> memref<128xi32, #tpu.memory_space<hbm>>
        tpu.enqueue_dma source(%dma_start3A_348 : memref<128xi32, #tpu.memory_space<hbm>>) target(%dma_start3A_347 : memref<128xi32, #tpu.memory_space<vmem>>) target_semaphore(%arg11 : memref<!tpu.dma_semaphore, #tpu.memory_space<semaphore_mem>>)
      } else {
      }
      %add3A_189 = arith.constant 1 : i32
      %add3A_190 = arith.addi %add3A_147, %add3A_189 : i32
      %dma_wait3A_191 = arith.constant 0 : i32
      %dma_wait3A_192 = arith.constant 1 : i32
      %dma_wait3A_193 = arith.constant 0 : i32
      %dma_wait3A_194 = arith.constant 0 : i32
      %dma_wait3A_195 = tpu.memref_slice %arg9[%dma_wait3A_192, %dma_wait3A_193, %dma_wait3A_194] : memref<2x128x128xf32, #tpu.memory_space<vmem>> -> memref<1x128x128xf32, #tpu.memory_space<vmem>>
      %dma_wait3A_196 = tpu.memref_squeeze %dma_wait3A_195 : memref<1x128x128xf32, #tpu.memory_space<vmem>> -> memref<128x128xf32, #tpu.memory_space<vmem>>
      %dma_wait3A_197 = arith.constant 0 : i32
      %dma_wait3A_198 = tpu.memref_slice %arg7[%dma_wait3A_191, %dma_wait3A_197] : memref<4x128xi32, #tpu.memory_space<vmem>> -> memref<1x128xi32, #tpu.memory_space<vmem>>
      %dma_wait3A_199 = tpu.memref_squeeze %dma_wait3A_198 : memref<1x128xi32, #tpu.memory_space<vmem>> -> memref<128xi32, #tpu.memory_space<vmem>>
      %dma_wait3A_200 = arith.constant 0 : i32
      %dma_wait3A_201 = arith.constant 0 : i32
      %dma_wait3A_202 = tpu.memref_slice %arg2[%dma_wait3A_200, %dma_wait3A_201] : memref<10000x128xf32, #tpu.memory_space<hbm>> -> memref<10000x128xf32, #tpu.memory_space<hbm>>
      tpu.wait_indirect_dma semaphore(%arg12 : memref<!tpu.dma_semaphore, #tpu.memory_space<semaphore_mem>>) src(%dma_wait3A_202 : memref<10000x128xf32, #tpu.memory_space<hbm>>) dst(%dma_wait3A_196 : memref<128x128xf32, #tpu.memory_space<vmem>>)
      %dma_start3A_203 = arith.constant 1 : i32
      %dma_start3A_204 = arith.constant 1 : i32
      %dma_start3A_205 = arith.constant 0 : i32
      %dma_start3A_206 = arith.constant 0 : i32
      %dma_start3A_207 = tpu.memref_slice %arg9[%dma_start3A_203, %dma_start3A_205, %dma_start3A_206] : memref<2x128x128xf32, #tpu.memory_space<vmem>> -> memref<1x128x128xf32, #tpu.memory_space<vmem>>
      %dma_start3A_208 = tpu.memref_squeeze %dma_start3A_207 : memref<1x128x128xf32, #tpu.memory_space<vmem>> -> memref<128x128xf32, #tpu.memory_space<vmem>>
      %dma_start3A_209 = arith.constant 0 : i32
      %dma_start3A_210 = tpu.memref_slice %arg8[%dma_start3A_204, %dma_start3A_209] : memref<4x128xi32, #tpu.memory_space<vmem>> -> memref<1x128xi32, #tpu.memory_space<vmem>>
      %dma_start3A_211 = tpu.memref_squeeze %dma_start3A_210 : memref<1x128xi32, #tpu.memory_space<vmem>> -> memref<128xi32, #tpu.memory_space<vmem>>
      %dma_start3A_212 = arith.constant 0 : i32
      %dma_start3A_213 = arith.constant 0 : i32
      %dma_start3A_214 = tpu.memref_slice %arg10[%dma_start3A_212, %dma_start3A_213] : memref<10112x128xf32, #tpu.memory_space<vmem_shared>> -> memref<10112x128xf32, #tpu.memory_space<vmem_shared>>
      tpu.enqueue_indirect_dma source(%dma_start3A_208 : memref<128x128xf32, #tpu.memory_space<vmem>>) target(%dma_start3A_214 : memref<10112x128xf32, #tpu.memory_space<vmem_shared>>) offsets(%dma_start3A_211 : memref<128xi32, #tpu.memory_space<vmem>>) semaphore(%arg13 : memref<!tpu.dma_semaphore, #tpu.memory_space<semaphore_mem>>) {add = true}
      %ge3A_215 = arith.constant 1 : i32
      %ge3A_216 = arith.cmpi sge, %add3A_190, %ge3A_215 : i32
      %convert_element_type3A_217 = arith.extui %ge3A_216 : i1 to i32
      %cond3A_218 = arith.constant 0 : i32
      %cond3A_219 = arith.cmpi ne, %convert_element_type3A_217, %cond3A_218 : i32
      scf.if %cond3A_219 {
        %dma_wait3A_324 = arith.constant 0 : i32
        %dma_wait3A_325 = arith.constant 0 : i32
        %dma_wait3A_326 = arith.constant 0 : i32
        %dma_wait3A_327 = arith.constant 0 : i32
        %dma_wait3A_328 = tpu.memref_slice %arg9[%dma_wait3A_324, %dma_wait3A_326, %dma_wait3A_327] : memref<2x128x128xf32, #tpu.memory_space<vmem>> -> memref<1x128x128xf32, #tpu.memory_space<vmem>>
        %dma_wait3A_329 = tpu.memref_squeeze %dma_wait3A_328 : memref<1x128x128xf32, #tpu.memory_space<vmem>> -> memref<128x128xf32, #tpu.memory_space<vmem>>
        %dma_wait3A_330 = arith.constant 0 : i32
        %dma_wait3A_331 = tpu.memref_slice %arg8[%dma_wait3A_325, %dma_wait3A_330] : memref<4x128xi32, #tpu.memory_space<vmem>> -> memref<1x128xi32, #tpu.memory_space<vmem>>
        %dma_wait3A_332 = tpu.memref_squeeze %dma_wait3A_331 : memref<1x128xi32, #tpu.memory_space<vmem>> -> memref<128xi32, #tpu.memory_space<vmem>>
        %dma_wait3A_333 = arith.constant 0 : i32
        %dma_wait3A_334 = arith.constant 0 : i32
        %dma_wait3A_335 = tpu.memref_slice %arg10[%dma_wait3A_333, %dma_wait3A_334] : memref<10112x128xf32, #tpu.memory_space<vmem_shared>> -> memref<10112x128xf32, #tpu.memory_space<vmem_shared>>
        tpu.wait_indirect_dma semaphore(%arg13 : memref<!tpu.dma_semaphore, #tpu.memory_space<semaphore_mem>>) src(%dma_wait3A_329 : memref<128x128xf32, #tpu.memory_space<vmem>>) dst(%dma_wait3A_335 : memref<10112x128xf32, #tpu.memory_space<vmem_shared>>)
      } else {
      }
      %add3A_220 = arith.constant 1 : i32
      %add3A_221 = arith.addi %add3A_190, %add3A_220 : i32
      %lt3A_222 = arith.cmpi slt, %add3A_221, %select_n3A_4 : i32
      %convert_element_type3A_223 = arith.extui %lt3A_222 : i1 to i32
      %cond3A_224 = arith.constant 0 : i32
      %cond3A_225 = arith.cmpi ne, %convert_element_type3A_223, %cond3A_224 : i32
      scf.if %cond3A_225 {
        %dma_wait3A_324 = arith.constant 2 : i32
        %dma_wait3A_325 = arith.constant 0 : i32
        %dma_wait3A_326 = tpu.memref_slice %arg7[%dma_wait3A_324, %dma_wait3A_325] : memref<4x128xi32, #tpu.memory_space<vmem>> -> memref<1x128xi32, #tpu.memory_space<vmem>>
        %dma_wait3A_327 = tpu.memref_squeeze %dma_wait3A_326 : memref<1x128xi32, #tpu.memory_space<vmem>> -> memref<128xi32, #tpu.memory_space<vmem>>
        %dma_wait3A_328 = arith.constant 0 : i32
        %dma_wait3A_329 = tpu.memref_slice %arg3[%dma_wait3A_328] : memref<327680xi32, #tpu.memory_space<hbm>> -> memref<128xi32, #tpu.memory_space<hbm>>
        %dma_wait3A_330 = arith.constant 0 : i32
        %dma_wait3A_331 = tpu.memref_slice %arg7[%dma_wait3A_324, %dma_wait3A_330] : memref<4x128xi32, #tpu.memory_space<vmem>> -> memref<1x128xi32, #tpu.memory_space<vmem>>
        %dma_wait3A_332 = tpu.memref_squeeze %dma_wait3A_331 : memref<1x128xi32, #tpu.memory_space<vmem>> -> memref<128xi32, #tpu.memory_space<vmem>>
        %dma_wait3A_333 = arith.constant 0 : i32
        %dma_wait3A_334 = tpu.memref_slice %arg3[%dma_wait3A_333] : memref<327680xi32, #tpu.memory_space<hbm>> -> memref<128xi32, #tpu.memory_space<hbm>>
        tpu.wait_dma2 semaphore(%arg11 : memref<!tpu.dma_semaphore, #tpu.memory_space<semaphore_mem>>) src(%dma_wait3A_334 : memref<128xi32, #tpu.memory_space<hbm>>) dst(%dma_wait3A_332 : memref<128xi32, #tpu.memory_space<vmem>>)
        %dma_wait3A_335 = arith.constant 2 : i32
        %dma_wait3A_336 = arith.constant 0 : i32
        %dma_wait3A_337 = tpu.memref_slice %arg8[%dma_wait3A_335, %dma_wait3A_336] : memref<4x128xi32, #tpu.memory_space<vmem>> -> memref<1x128xi32, #tpu.memory_space<vmem>>
        %dma_wait3A_338 = tpu.memref_squeeze %dma_wait3A_337 : memref<1x128xi32, #tpu.memory_space<vmem>> -> memref<128xi32, #tpu.memory_space<vmem>>
        %dma_wait3A_339 = arith.constant 0 : i32
        %dma_wait3A_340 = tpu.memref_slice %arg4[%dma_wait3A_339] : memref<327680xi32, #tpu.memory_space<hbm>> -> memref<128xi32, #tpu.memory_space<hbm>>
        %dma_wait3A_341 = arith.constant 0 : i32
        %dma_wait3A_342 = tpu.memref_slice %arg8[%dma_wait3A_335, %dma_wait3A_341] : memref<4x128xi32, #tpu.memory_space<vmem>> -> memref<1x128xi32, #tpu.memory_space<vmem>>
        %dma_wait3A_343 = tpu.memref_squeeze %dma_wait3A_342 : memref<1x128xi32, #tpu.memory_space<vmem>> -> memref<128xi32, #tpu.memory_space<vmem>>
        %dma_wait3A_344 = arith.constant 0 : i32
        %dma_wait3A_345 = tpu.memref_slice %arg4[%dma_wait3A_344] : memref<327680xi32, #tpu.memory_space<hbm>> -> memref<128xi32, #tpu.memory_space<hbm>>
        tpu.wait_dma2 semaphore(%arg11 : memref<!tpu.dma_semaphore, #tpu.memory_space<semaphore_mem>>) src(%dma_wait3A_345 : memref<128xi32, #tpu.memory_space<hbm>>) dst(%dma_wait3A_343 : memref<128xi32, #tpu.memory_space<vmem>>)
        %dma_start3A_346 = arith.constant 2 : i32
        %dma_start3A_347 = arith.constant 0 : i32
        %dma_start3A_348 = arith.constant 0 : i32
        %dma_start3A_349 = arith.constant 0 : i32
        %dma_start3A_350 = tpu.memref_slice %arg9[%dma_start3A_347, %dma_start3A_348, %dma_start3A_349] : memref<2x128x128xf32, #tpu.memory_space<vmem>> -> memref<1x128x128xf32, #tpu.memory_space<vmem>>
        %dma_start3A_351 = tpu.memref_squeeze %dma_start3A_350 : memref<1x128x128xf32, #tpu.memory_space<vmem>> -> memref<128x128xf32, #tpu.memory_space<vmem>>
        %dma_start3A_352 = arith.constant 0 : i32
        %dma_start3A_353 = tpu.memref_slice %arg7[%dma_start3A_346, %dma_start3A_352] : memref<4x128xi32, #tpu.memory_space<vmem>> -> memref<1x128xi32, #tpu.memory_space<vmem>>
        %dma_start3A_354 = tpu.memref_squeeze %dma_start3A_353 : memref<1x128xi32, #tpu.memory_space<vmem>> -> memref<128xi32, #tpu.memory_space<vmem>>
        %dma_start3A_355 = arith.constant 0 : i32
        %dma_start3A_356 = arith.constant 0 : i32
        %dma_start3A_357 = tpu.memref_slice %arg2[%dma_start3A_355, %dma_start3A_356] : memref<10000x128xf32, #tpu.memory_space<hbm>> -> memref<10000x128xf32, #tpu.memory_space<hbm>>
        tpu.enqueue_indirect_dma source(%dma_start3A_357 : memref<10000x128xf32, #tpu.memory_space<hbm>>) target(%dma_start3A_351 : memref<128x128xf32, #tpu.memory_space<vmem>>) offsets(%dma_start3A_354 : memref<128xi32, #tpu.memory_space<vmem>>) semaphore(%arg12 : memref<!tpu.dma_semaphore, #tpu.memory_space<semaphore_mem>>)
      } else {
      }
      %add3A_226 = arith.constant 4 : i32
      %add3A_227 = arith.addi %add3A_190, %add3A_226 : i32
      %sub3A_228 = arith.constant 1 : i32
      %sub3A_229 = arith.subi %add3A_227, %sub3A_228 : i32
      %lt3A_230 = arith.cmpi slt, %sub3A_229, %select_n3A_4 : i32
      %convert_element_type3A_231 = arith.extui %lt3A_230 : i1 to i32
      %cond3A_232 = arith.constant 0 : i32
      %cond3A_233 = arith.cmpi ne, %convert_element_type3A_231, %cond3A_232 : i32
      scf.if %cond3A_233 {
        %add3A_324 = arith.constant 4 : i32
        %add3A_325 = arith.addi %add3A_190, %add3A_324 : i32
        %sub3A_326 = arith.constant 1 : i32
        %sub3A_327 = arith.subi %add3A_325, %sub3A_326 : i32
        %mul3A_328 = arith.constant 128 : i32
        %mul3A_329 = arith.muli %sub3A_327, %mul3A_328 : i32
        %add3A_330 = arith.addi %mul3A_15, %mul3A_329 : i32
        %dma_start3A_331 = arith.constant 0 : i32
        %dma_start3A_332 = arith.constant 0 : i32
        %dma_start3A_333 = tpu.memref_slice %arg7[%dma_start3A_331, %dma_start3A_332] : memref<4x128xi32, #tpu.memory_space<vmem>> -> memref<1x128xi32, #tpu.memory_space<vmem>>
        %dma_start3A_334 = tpu.memref_squeeze %dma_start3A_333 : memref<1x128xi32, #tpu.memory_space<vmem>> -> memref<128xi32, #tpu.memory_space<vmem>>
        %dma_start3A_335 = tpu.memref_slice %arg3[%add3A_330] : memref<327680xi32, #tpu.memory_space<hbm>> -> memref<128xi32, #tpu.memory_space<hbm>>
        %dma_start3A_336 = arith.constant 0 : i32
        %dma_start3A_337 = tpu.memref_slice %arg7[%dma_start3A_331, %dma_start3A_336] : memref<4x128xi32, #tpu.memory_space<vmem>> -> memref<1x128xi32, #tpu.memory_space<vmem>>
        %dma_start3A_338 = tpu.memref_squeeze %dma_start3A_337 : memref<1x128xi32, #tpu.memory_space<vmem>> -> memref<128xi32, #tpu.memory_space<vmem>>
        %dma_start3A_339 = tpu.memref_slice %arg3[%add3A_330] : memref<327680xi32, #tpu.memory_space<hbm>> -> memref<128xi32, #tpu.memory_space<hbm>>
        tpu.enqueue_dma source(%dma_start3A_339 : memref<128xi32, #tpu.memory_space<hbm>>) target(%dma_start3A_338 : memref<128xi32, #tpu.memory_space<vmem>>) target_semaphore(%arg11 : memref<!tpu.dma_semaphore, #tpu.memory_space<semaphore_mem>>)
        %dma_start3A_340 = arith.constant 0 : i32
        %dma_start3A_341 = arith.constant 0 : i32
        %dma_start3A_342 = tpu.memref_slice %arg8[%dma_start3A_340, %dma_start3A_341] : memref<4x128xi32, #tpu.memory_space<vmem>> -> memref<1x128xi32, #tpu.memory_space<vmem>>
        %dma_start3A_343 = tpu.memref_squeeze %dma_start3A_342 : memref<1x128xi32, #tpu.memory_space<vmem>> -> memref<128xi32, #tpu.memory_space<vmem>>
        %dma_start3A_344 = tpu.memref_slice %arg4[%add3A_330] : memref<327680xi32, #tpu.memory_space<hbm>> -> memref<128xi32, #tpu.memory_space<hbm>>
        %dma_start3A_345 = arith.constant 0 : i32
        %dma_start3A_346 = tpu.memref_slice %arg8[%dma_start3A_340, %dma_start3A_345] : memref<4x128xi32, #tpu.memory_space<vmem>> -> memref<1x128xi32, #tpu.memory_space<vmem>>
        %dma_start3A_347 = tpu.memref_squeeze %dma_start3A_346 : memref<1x128xi32, #tpu.memory_space<vmem>> -> memref<128xi32, #tpu.memory_space<vmem>>
        %dma_start3A_348 = tpu.memref_slice %arg4[%add3A_330] : memref<327680xi32, #tpu.memory_space<hbm>> -> memref<128xi32, #tpu.memory_space<hbm>>
        tpu.enqueue_dma source(%dma_start3A_348 : memref<128xi32, #tpu.memory_space<hbm>>) target(%dma_start3A_347 : memref<128xi32, #tpu.memory_space<vmem>>) target_semaphore(%arg11 : memref<!tpu.dma_semaphore, #tpu.memory_space<semaphore_mem>>)
      } else {
      }
      %add3A_234 = arith.constant 2 : i32
      %add3A_235 = arith.addi %add3A_147, %add3A_234 : i32
      %dma_wait3A_236 = arith.constant 0 : i32
      %dma_wait3A_237 = arith.constant 0 : i32
      %dma_wait3A_238 = arith.constant 0 : i32
      %dma_wait3A_239 = arith.constant 0 : i32
      %dma_wait3A_240 = tpu.memref_slice %arg9[%dma_wait3A_237, %dma_wait3A_238, %dma_wait3A_239] : memref<2x128x128xf32, #tpu.memory_space<vmem>> -> memref<1x128x128xf32, #tpu.memory_space<vmem>>
      %dma_wait3A_241 = tpu.memref_squeeze %dma_wait3A_240 : memref<1x128x128xf32, #tpu.memory_space<vmem>> -> memref<128x128xf32, #tpu.memory_space<vmem>>
      %dma_wait3A_242 = arith.constant 0 : i32
      %dma_wait3A_243 = tpu.memref_slice %arg7[%dma_wait3A_236, %dma_wait3A_242] : memref<4x128xi32, #tpu.memory_space<vmem>> -> memref<1x128xi32, #tpu.memory_space<vmem>>
      %dma_wait3A_244 = tpu.memref_squeeze %dma_wait3A_243 : memref<1x128xi32, #tpu.memory_space<vmem>> -> memref<128xi32, #tpu.memory_space<vmem>>
      %dma_wait3A_245 = arith.constant 0 : i32
      %dma_wait3A_246 = arith.constant 0 : i32
      %dma_wait3A_247 = tpu.memref_slice %arg2[%dma_wait3A_245, %dma_wait3A_246] : memref<10000x128xf32, #tpu.memory_space<hbm>> -> memref<10000x128xf32, #tpu.memory_space<hbm>>
      tpu.wait_indirect_dma semaphore(%arg12 : memref<!tpu.dma_semaphore, #tpu.memory_space<semaphore_mem>>) src(%dma_wait3A_247 : memref<10000x128xf32, #tpu.memory_space<hbm>>) dst(%dma_wait3A_241 : memref<128x128xf32, #tpu.memory_space<vmem>>)
      %dma_start3A_248 = arith.constant 0 : i32
      %dma_start3A_249 = arith.constant 2 : i32
      %dma_start3A_250 = arith.constant 0 : i32
      %dma_start3A_251 = arith.constant 0 : i32
      %dma_start3A_252 = tpu.memref_slice %arg9[%dma_start3A_248, %dma_start3A_250, %dma_start3A_251] : memref<2x128x128xf32, #tpu.memory_space<vmem>> -> memref<1x128x128xf32, #tpu.memory_space<vmem>>
      %dma_start3A_253 = tpu.memref_squeeze %dma_start3A_252 : memref<1x128x128xf32, #tpu.memory_space<vmem>> -> memref<128x128xf32, #tpu.memory_space<vmem>>
      %dma_start3A_254 = arith.constant 0 : i32
      %dma_start3A_255 = tpu.memref_slice %arg8[%dma_start3A_249, %dma_start3A_254] : memref<4x128xi32, #tpu.memory_space<vmem>> -> memref<1x128xi32, #tpu.memory_space<vmem>>
      %dma_start3A_256 = tpu.memref_squeeze %dma_start3A_255 : memref<1x128xi32, #tpu.memory_space<vmem>> -> memref<128xi32, #tpu.memory_space<vmem>>
      %dma_start3A_257 = arith.constant 0 : i32
      %dma_start3A_258 = arith.constant 0 : i32
      %dma_start3A_259 = tpu.memref_slice %arg10[%dma_start3A_257, %dma_start3A_258] : memref<10112x128xf32, #tpu.memory_space<vmem_shared>> -> memref<10112x128xf32, #tpu.memory_space<vmem_shared>>
      tpu.enqueue_indirect_dma source(%dma_start3A_253 : memref<128x128xf32, #tpu.memory_space<vmem>>) target(%dma_start3A_259 : memref<10112x128xf32, #tpu.memory_space<vmem_shared>>) offsets(%dma_start3A_256 : memref<128xi32, #tpu.memory_space<vmem>>) semaphore(%arg13 : memref<!tpu.dma_semaphore, #tpu.memory_space<semaphore_mem>>) {add = true}
      %ge3A_260 = arith.constant 1 : i32
      %ge3A_261 = arith.cmpi sge, %add3A_235, %ge3A_260 : i32
      %convert_element_type3A_262 = arith.extui %ge3A_261 : i1 to i32
      %cond3A_263 = arith.constant 0 : i32
      %cond3A_264 = arith.cmpi ne, %convert_element_type3A_262, %cond3A_263 : i32
      scf.if %cond3A_264 {
        %dma_wait3A_324 = arith.constant 1 : i32
        %dma_wait3A_325 = arith.constant 0 : i32
        %dma_wait3A_326 = arith.constant 0 : i32
        %dma_wait3A_327 = arith.constant 0 : i32
        %dma_wait3A_328 = tpu.memref_slice %arg9[%dma_wait3A_324, %dma_wait3A_326, %dma_wait3A_327] : memref<2x128x128xf32, #tpu.memory_space<vmem>> -> memref<1x128x128xf32, #tpu.memory_space<vmem>>
        %dma_wait3A_329 = tpu.memref_squeeze %dma_wait3A_328 : memref<1x128x128xf32, #tpu.memory_space<vmem>> -> memref<128x128xf32, #tpu.memory_space<vmem>>
        %dma_wait3A_330 = arith.constant 0 : i32
        %dma_wait3A_331 = tpu.memref_slice %arg8[%dma_wait3A_325, %dma_wait3A_330] : memref<4x128xi32, #tpu.memory_space<vmem>> -> memref<1x128xi32, #tpu.memory_space<vmem>>
        %dma_wait3A_332 = tpu.memref_squeeze %dma_wait3A_331 : memref<1x128xi32, #tpu.memory_space<vmem>> -> memref<128xi32, #tpu.memory_space<vmem>>
        %dma_wait3A_333 = arith.constant 0 : i32
        %dma_wait3A_334 = arith.constant 0 : i32
        %dma_wait3A_335 = tpu.memref_slice %arg10[%dma_wait3A_333, %dma_wait3A_334] : memref<10112x128xf32, #tpu.memory_space<vmem_shared>> -> memref<10112x128xf32, #tpu.memory_space<vmem_shared>>
        tpu.wait_indirect_dma semaphore(%arg13 : memref<!tpu.dma_semaphore, #tpu.memory_space<semaphore_mem>>) src(%dma_wait3A_329 : memref<128x128xf32, #tpu.memory_space<vmem>>) dst(%dma_wait3A_335 : memref<10112x128xf32, #tpu.memory_space<vmem_shared>>)
      } else {
      }
      %add3A_265 = arith.constant 1 : i32
      %add3A_266 = arith.addi %add3A_235, %add3A_265 : i32
      %lt3A_267 = arith.cmpi slt, %add3A_266, %select_n3A_4 : i32
      %convert_element_type3A_268 = arith.extui %lt3A_267 : i1 to i32
      %cond3A_269 = arith.constant 0 : i32
      %cond3A_270 = arith.cmpi ne, %convert_element_type3A_268, %cond3A_269 : i32
      scf.if %cond3A_270 {
        %dma_wait3A_324 = arith.constant 3 : i32
        %dma_wait3A_325 = arith.constant 0 : i32
        %dma_wait3A_326 = tpu.memref_slice %arg7[%dma_wait3A_324, %dma_wait3A_325] : memref<4x128xi32, #tpu.memory_space<vmem>> -> memref<1x128xi32, #tpu.memory_space<vmem>>
        %dma_wait3A_327 = tpu.memref_squeeze %dma_wait3A_326 : memref<1x128xi32, #tpu.memory_space<vmem>> -> memref<128xi32, #tpu.memory_space<vmem>>
        %dma_wait3A_328 = arith.constant 0 : i32
        %dma_wait3A_329 = tpu.memref_slice %arg3[%dma_wait3A_328] : memref<327680xi32, #tpu.memory_space<hbm>> -> memref<128xi32, #tpu.memory_space<hbm>>
        %dma_wait3A_330 = arith.constant 0 : i32
        %dma_wait3A_331 = tpu.memref_slice %arg7[%dma_wait3A_324, %dma_wait3A_330] : memref<4x128xi32, #tpu.memory_space<vmem>> -> memref<1x128xi32, #tpu.memory_space<vmem>>
        %dma_wait3A_332 = tpu.memref_squeeze %dma_wait3A_331 : memref<1x128xi32, #tpu.memory_space<vmem>> -> memref<128xi32, #tpu.memory_space<vmem>>
        %dma_wait3A_333 = arith.constant 0 : i32
        %dma_wait3A_334 = tpu.memref_slice %arg3[%dma_wait3A_333] : memref<327680xi32, #tpu.memory_space<hbm>> -> memref<128xi32, #tpu.memory_space<hbm>>
        tpu.wait_dma2 semaphore(%arg11 : memref<!tpu.dma_semaphore, #tpu.memory_space<semaphore_mem>>) src(%dma_wait3A_334 : memref<128xi32, #tpu.memory_space<hbm>>) dst(%dma_wait3A_332 : memref<128xi32, #tpu.memory_space<vmem>>)
        %dma_wait3A_335 = arith.constant 3 : i32
        %dma_wait3A_336 = arith.constant 0 : i32
        %dma_wait3A_337 = tpu.memref_slice %arg8[%dma_wait3A_335, %dma_wait3A_336] : memref<4x128xi32, #tpu.memory_space<vmem>> -> memref<1x128xi32, #tpu.memory_space<vmem>>
        %dma_wait3A_338 = tpu.memref_squeeze %dma_wait3A_337 : memref<1x128xi32, #tpu.memory_space<vmem>> -> memref<128xi32, #tpu.memory_space<vmem>>
        %dma_wait3A_339 = arith.constant 0 : i32
        %dma_wait3A_340 = tpu.memref_slice %arg4[%dma_wait3A_339] : memref<327680xi32, #tpu.memory_space<hbm>> -> memref<128xi32, #tpu.memory_space<hbm>>
        %dma_wait3A_341 = arith.constant 0 : i32
        %dma_wait3A_342 = tpu.memref_slice %arg8[%dma_wait3A_335, %dma_wait3A_341] : memref<4x128xi32, #tpu.memory_space<vmem>> -> memref<1x128xi32, #tpu.memory_space<vmem>>
        %dma_wait3A_343 = tpu.memref_squeeze %dma_wait3A_342 : memref<1x128xi32, #tpu.memory_space<vmem>> -> memref<128xi32, #tpu.memory_space<vmem>>
        %dma_wait3A_344 = arith.constant 0 : i32
        %dma_wait3A_345 = tpu.memref_slice %arg4[%dma_wait3A_344] : memref<327680xi32, #tpu.memory_space<hbm>> -> memref<128xi32, #tpu.memory_space<hbm>>
        tpu.wait_dma2 semaphore(%arg11 : memref<!tpu.dma_semaphore, #tpu.memory_space<semaphore_mem>>) src(%dma_wait3A_345 : memref<128xi32, #tpu.memory_space<hbm>>) dst(%dma_wait3A_343 : memref<128xi32, #tpu.memory_space<vmem>>)
        %dma_start3A_346 = arith.constant 3 : i32
        %dma_start3A_347 = arith.constant 1 : i32
        %dma_start3A_348 = arith.constant 0 : i32
        %dma_start3A_349 = arith.constant 0 : i32
        %dma_start3A_350 = tpu.memref_slice %arg9[%dma_start3A_347, %dma_start3A_348, %dma_start3A_349] : memref<2x128x128xf32, #tpu.memory_space<vmem>> -> memref<1x128x128xf32, #tpu.memory_space<vmem>>
        %dma_start3A_351 = tpu.memref_squeeze %dma_start3A_350 : memref<1x128x128xf32, #tpu.memory_space<vmem>> -> memref<128x128xf32, #tpu.memory_space<vmem>>
        %dma_start3A_352 = arith.constant 0 : i32
        %dma_start3A_353 = tpu.memref_slice %arg7[%dma_start3A_346, %dma_start3A_352] : memref<4x128xi32, #tpu.memory_space<vmem>> -> memref<1x128xi32, #tpu.memory_space<vmem>>
        %dma_start3A_354 = tpu.memref_squeeze %dma_start3A_353 : memref<1x128xi32, #tpu.memory_space<vmem>> -> memref<128xi32, #tpu.memory_space<vmem>>
        %dma_start3A_355 = arith.constant 0 : i32
        %dma_start3A_356 = arith.constant 0 : i32
        %dma_start3A_357 = tpu.memref_slice %arg2[%dma_start3A_355, %dma_start3A_356] : memref<10000x128xf32, #tpu.memory_space<hbm>> -> memref<10000x128xf32, #tpu.memory_space<hbm>>
        tpu.enqueue_indirect_dma source(%dma_start3A_357 : memref<10000x128xf32, #tpu.memory_space<hbm>>) target(%dma_start3A_351 : memref<128x128xf32, #tpu.memory_space<vmem>>) offsets(%dma_start3A_354 : memref<128xi32, #tpu.memory_space<vmem>>) semaphore(%arg12 : memref<!tpu.dma_semaphore, #tpu.memory_space<semaphore_mem>>)
      } else {
      }
      %add3A_271 = arith.constant 4 : i32
      %add3A_272 = arith.addi %add3A_235, %add3A_271 : i32
      %sub3A_273 = arith.constant 1 : i32
      %sub3A_274 = arith.subi %add3A_272, %sub3A_273 : i32
      %lt3A_275 = arith.cmpi slt, %sub3A_274, %select_n3A_4 : i32
      %convert_element_type3A_276 = arith.extui %lt3A_275 : i1 to i32
      %cond3A_277 = arith.constant 0 : i32
      %cond3A_278 = arith.cmpi ne, %convert_element_type3A_276, %cond3A_277 : i32
      scf.if %cond3A_278 {
        %add3A_324 = arith.constant 4 : i32
        %add3A_325 = arith.addi %add3A_235, %add3A_324 : i32
        %sub3A_326 = arith.constant 1 : i32
        %sub3A_327 = arith.subi %add3A_325, %sub3A_326 : i32
        %mul3A_328 = arith.constant 128 : i32
        %mul3A_329 = arith.muli %sub3A_327, %mul3A_328 : i32
        %add3A_330 = arith.addi %mul3A_15, %mul3A_329 : i32
        %dma_start3A_331 = arith.constant 1 : i32
        %dma_start3A_332 = arith.constant 0 : i32
        %dma_start3A_333 = tpu.memref_slice %arg7[%dma_start3A_331, %dma_start3A_332] : memref<4x128xi32, #tpu.memory_space<vmem>> -> memref<1x128xi32, #tpu.memory_space<vmem>>
        %dma_start3A_334 = tpu.memref_squeeze %dma_start3A_333 : memref<1x128xi32, #tpu.memory_space<vmem>> -> memref<128xi32, #tpu.memory_space<vmem>>
        %dma_start3A_335 = tpu.memref_slice %arg3[%add3A_330] : memref<327680xi32, #tpu.memory_space<hbm>> -> memref<128xi32, #tpu.memory_space<hbm>>
        %dma_start3A_336 = arith.constant 0 : i32
        %dma_start3A_337 = tpu.memref_slice %arg7[%dma_start3A_331, %dma_start3A_336] : memref<4x128xi32, #tpu.memory_space<vmem>> -> memref<1x128xi32, #tpu.memory_space<vmem>>
        %dma_start3A_338 = tpu.memref_squeeze %dma_start3A_337 : memref<1x128xi32, #tpu.memory_space<vmem>> -> memref<128xi32, #tpu.memory_space<vmem>>
        %dma_start3A_339 = tpu.memref_slice %arg3[%add3A_330] : memref<327680xi32, #tpu.memory_space<hbm>> -> memref<128xi32, #tpu.memory_space<hbm>>
        tpu.enqueue_dma source(%dma_start3A_339 : memref<128xi32, #tpu.memory_space<hbm>>) target(%dma_start3A_338 : memref<128xi32, #tpu.memory_space<vmem>>) target_semaphore(%arg11 : memref<!tpu.dma_semaphore, #tpu.memory_space<semaphore_mem>>)
        %dma_start3A_340 = arith.constant 1 : i32
        %dma_start3A_341 = arith.constant 0 : i32
        %dma_start3A_342 = tpu.memref_slice %arg8[%dma_start3A_340, %dma_start3A_341] : memref<4x128xi32, #tpu.memory_space<vmem>> -> memref<1x128xi32, #tpu.memory_space<vmem>>
        %dma_start3A_343 = tpu.memref_squeeze %dma_start3A_342 : memref<1x128xi32, #tpu.memory_space<vmem>> -> memref<128xi32, #tpu.memory_space<vmem>>
        %dma_start3A_344 = tpu.memref_slice %arg4[%add3A_330] : memref<327680xi32, #tpu.memory_space<hbm>> -> memref<128xi32, #tpu.memory_space<hbm>>
        %dma_start3A_345 = arith.constant 0 : i32
        %dma_start3A_346 = tpu.memref_slice %arg8[%dma_start3A_340, %dma_start3A_345] : memref<4x128xi32, #tpu.memory_space<vmem>> -> memref<1x128xi32, #tpu.memory_space<vmem>>
        %dma_start3A_347 = tpu.memref_squeeze %dma_start3A_346 : memref<1x128xi32, #tpu.memory_space<vmem>> -> memref<128xi32, #tpu.memory_space<vmem>>
        %dma_start3A_348 = tpu.memref_slice %arg4[%add3A_330] : memref<327680xi32, #tpu.memory_space<hbm>> -> memref<128xi32, #tpu.memory_space<hbm>>
        tpu.enqueue_dma source(%dma_start3A_348 : memref<128xi32, #tpu.memory_space<hbm>>) target(%dma_start3A_347 : memref<128xi32, #tpu.memory_space<vmem>>) target_semaphore(%arg11 : memref<!tpu.dma_semaphore, #tpu.memory_space<semaphore_mem>>)
      } else {
      }
      %add3A_279 = arith.constant 3 : i32
      %add3A_280 = arith.addi %add3A_147, %add3A_279 : i32
      %dma_wait3A_281 = arith.constant 0 : i32
      %dma_wait3A_282 = arith.constant 1 : i32
      %dma_wait3A_283 = arith.constant 0 : i32
      %dma_wait3A_284 = arith.constant 0 : i32
      %dma_wait3A_285 = tpu.memref_slice %arg9[%dma_wait3A_282, %dma_wait3A_283, %dma_wait3A_284] : memref<2x128x128xf32, #tpu.memory_space<vmem>> -> memref<1x128x128xf32, #tpu.memory_space<vmem>>
      %dma_wait3A_286 = tpu.memref_squeeze %dma_wait3A_285 : memref<1x128x128xf32, #tpu.memory_space<vmem>> -> memref<128x128xf32, #tpu.memory_space<vmem>>
      %dma_wait3A_287 = arith.constant 0 : i32
      %dma_wait3A_288 = tpu.memref_slice %arg7[%dma_wait3A_281, %dma_wait3A_287] : memref<4x128xi32, #tpu.memory_space<vmem>> -> memref<1x128xi32, #tpu.memory_space<vmem>>
      %dma_wait3A_289 = tpu.memref_squeeze %dma_wait3A_288 : memref<1x128xi32, #tpu.memory_space<vmem>> -> memref<128xi32, #tpu.memory_space<vmem>>
      %dma_wait3A_290 = arith.constant 0 : i32
      %dma_wait3A_291 = arith.constant 0 : i32
      %dma_wait3A_292 = tpu.memref_slice %arg2[%dma_wait3A_290, %dma_wait3A_291] : memref<10000x128xf32, #tpu.memory_space<hbm>> -> memref<10000x128xf32, #tpu.memory_space<hbm>>
      tpu.wait_indirect_dma semaphore(%arg12 : memref<!tpu.dma_semaphore, #tpu.memory_space<semaphore_mem>>) src(%dma_wait3A_292 : memref<10000x128xf32, #tpu.memory_space<hbm>>) dst(%dma_wait3A_286 : memref<128x128xf32, #tpu.memory_space<vmem>>)
      %dma_start3A_293 = arith.constant 1 : i32
      %dma_start3A_294 = arith.constant 3 : i32
      %dma_start3A_295 = arith.constant 0 : i32
      %dma_start3A_296 = arith.constant 0 : i32
      %dma_start3A_297 = tpu.memref_slice %arg9[%dma_start3A_293, %dma_start3A_295, %dma_start3A_296] : memref<2x128x128xf32, #tpu.memory_space<vmem>> -> memref<1x128x128xf32, #tpu.memory_space<vmem>>
      %dma_start3A_298 = tpu.memref_squeeze %dma_start3A_297 : memref<1x128x128xf32, #tpu.memory_space<vmem>> -> memref<128x128xf32, #tpu.memory_space<vmem>>
      %dma_start3A_299 = arith.constant 0 : i32
      %dma_start3A_300 = tpu.memref_slice %arg8[%dma_start3A_294, %dma_start3A_299] : memref<4x128xi32, #tpu.memory_space<vmem>> -> memref<1x128xi32, #tpu.memory_space<vmem>>
      %dma_start3A_301 = tpu.memref_squeeze %dma_start3A_300 : memref<1x128xi32, #tpu.memory_space<vmem>> -> memref<128xi32, #tpu.memory_space<vmem>>
      %dma_start3A_302 = arith.constant 0 : i32
      %dma_start3A_303 = arith.constant 0 : i32
      %dma_start3A_304 = tpu.memref_slice %arg10[%dma_start3A_302, %dma_start3A_303] : memref<10112x128xf32, #tpu.memory_space<vmem_shared>> -> memref<10112x128xf32, #tpu.memory_space<vmem_shared>>
      tpu.enqueue_indirect_dma source(%dma_start3A_298 : memref<128x128xf32, #tpu.memory_space<vmem>>) target(%dma_start3A_304 : memref<10112x128xf32, #tpu.memory_space<vmem_shared>>) offsets(%dma_start3A_301 : memref<128xi32, #tpu.memory_space<vmem>>) semaphore(%arg13 : memref<!tpu.dma_semaphore, #tpu.memory_space<semaphore_mem>>) {add = true}
      %ge3A_305 = arith.constant 1 : i32
      %ge3A_306 = arith.cmpi sge, %add3A_280, %ge3A_305 : i32
      %convert_element_type3A_307 = arith.extui %ge3A_306 : i1 to i32
      %cond3A_308 = arith.constant 0 : i32
      %cond3A_309 = arith.cmpi ne, %convert_element_type3A_307, %cond3A_308 : i32
      scf.if %cond3A_309 {
        %dma_wait3A_324 = arith.constant 0 : i32
        %dma_wait3A_325 = arith.constant 0 : i32
        %dma_wait3A_326 = arith.constant 0 : i32
        %dma_wait3A_327 = arith.constant 0 : i32
        %dma_wait3A_328 = tpu.memref_slice %arg9[%dma_wait3A_324, %dma_wait3A_326, %dma_wait3A_327] : memref<2x128x128xf32, #tpu.memory_space<vmem>> -> memref<1x128x128xf32, #tpu.memory_space<vmem>>
        %dma_wait3A_329 = tpu.memref_squeeze %dma_wait3A_328 : memref<1x128x128xf32, #tpu.memory_space<vmem>> -> memref<128x128xf32, #tpu.memory_space<vmem>>
        %dma_wait3A_330 = arith.constant 0 : i32
        %dma_wait3A_331 = tpu.memref_slice %arg8[%dma_wait3A_325, %dma_wait3A_330] : memref<4x128xi32, #tpu.memory_space<vmem>> -> memref<1x128xi32, #tpu.memory_space<vmem>>
        %dma_wait3A_332 = tpu.memref_squeeze %dma_wait3A_331 : memref<1x128xi32, #tpu.memory_space<vmem>> -> memref<128xi32, #tpu.memory_space<vmem>>
        %dma_wait3A_333 = arith.constant 0 : i32
        %dma_wait3A_334 = arith.constant 0 : i32
        %dma_wait3A_335 = tpu.memref_slice %arg10[%dma_wait3A_333, %dma_wait3A_334] : memref<10112x128xf32, #tpu.memory_space<vmem_shared>> -> memref<10112x128xf32, #tpu.memory_space<vmem_shared>>
        tpu.wait_indirect_dma semaphore(%arg13 : memref<!tpu.dma_semaphore, #tpu.memory_space<semaphore_mem>>) src(%dma_wait3A_329 : memref<128x128xf32, #tpu.memory_space<vmem>>) dst(%dma_wait3A_335 : memref<10112x128xf32, #tpu.memory_space<vmem_shared>>)
      } else {
      }
      %add3A_310 = arith.constant 1 : i32
      %add3A_311 = arith.addi %add3A_280, %add3A_310 : i32
      %lt3A_312 = arith.cmpi slt, %add3A_311, %select_n3A_4 : i32
      %convert_element_type3A_313 = arith.extui %lt3A_312 : i1 to i32
      %cond3A_314 = arith.constant 0 : i32
      %cond3A_315 = arith.cmpi ne, %convert_element_type3A_313, %cond3A_314 : i32
      scf.if %cond3A_315 {
        %dma_wait3A_324 = arith.constant 0 : i32
        %dma_wait3A_325 = arith.constant 0 : i32
        %dma_wait3A_326 = tpu.memref_slice %arg7[%dma_wait3A_324, %dma_wait3A_325] : memref<4x128xi32, #tpu.memory_space<vmem>> -> memref<1x128xi32, #tpu.memory_space<vmem>>
        %dma_wait3A_327 = tpu.memref_squeeze %dma_wait3A_326 : memref<1x128xi32, #tpu.memory_space<vmem>> -> memref<128xi32, #tpu.memory_space<vmem>>
        %dma_wait3A_328 = arith.constant 0 : i32
        %dma_wait3A_329 = tpu.memref_slice %arg3[%dma_wait3A_328] : memref<327680xi32, #tpu.memory_space<hbm>> -> memref<128xi32, #tpu.memory_space<hbm>>
        %dma_wait3A_330 = arith.constant 0 : i32
        %dma_wait3A_331 = tpu.memref_slice %arg7[%dma_wait3A_324, %dma_wait3A_330] : memref<4x128xi32, #tpu.memory_space<vmem>> -> memref<1x128xi32, #tpu.memory_space<vmem>>
        %dma_wait3A_332 = tpu.memref_squeeze %dma_wait3A_331 : memref<1x128xi32, #tpu.memory_space<vmem>> -> memref<128xi32, #tpu.memory_space<vmem>>
        %dma_wait3A_333 = arith.constant 0 : i32
        %dma_wait3A_334 = tpu.memref_slice %arg3[%dma_wait3A_333] : memref<327680xi32, #tpu.memory_space<hbm>> -> memref<128xi32, #tpu.memory_space<hbm>>
        tpu.wait_dma2 semaphore(%arg11 : memref<!tpu.dma_semaphore, #tpu.memory_space<semaphore_mem>>) src(%dma_wait3A_334 : memref<128xi32, #tpu.memory_space<hbm>>) dst(%dma_wait3A_332 : memref<128xi32, #tpu.memory_space<vmem>>)
        %dma_wait3A_335 = arith.constant 0 : i32
        %dma_wait3A_336 = arith.constant 0 : i32
        %dma_wait3A_337 = tpu.memref_slice %arg8[%dma_wait3A_335, %dma_wait3A_336] : memref<4x128xi32, #tpu.memory_space<vmem>> -> memref<1x128xi32, #tpu.memory_space<vmem>>
        %dma_wait3A_338 = tpu.memref_squeeze %dma_wait3A_337 : memref<1x128xi32, #tpu.memory_space<vmem>> -> memref<128xi32, #tpu.memory_space<vmem>>
        %dma_wait3A_339 = arith.constant 0 : i32
        %dma_wait3A_340 = tpu.memref_slice %arg4[%dma_wait3A_339] : memref<327680xi32, #tpu.memory_space<hbm>> -> memref<128xi32, #tpu.memory_space<hbm>>
        %dma_wait3A_341 = arith.constant 0 : i32
        %dma_wait3A_342 = tpu.memref_slice %arg8[%dma_wait3A_335, %dma_wait3A_341] : memref<4x128xi32, #tpu.memory_space<vmem>> -> memref<1x128xi32, #tpu.memory_space<vmem>>
        %dma_wait3A_343 = tpu.memref_squeeze %dma_wait3A_342 : memref<1x128xi32, #tpu.memory_space<vmem>> -> memref<128xi32, #tpu.memory_space<vmem>>
        %dma_wait3A_344 = arith.constant 0 : i32
        %dma_wait3A_345 = tpu.memref_slice %arg4[%dma_wait3A_344] : memref<327680xi32, #tpu.memory_space<hbm>> -> memref<128xi32, #tpu.memory_space<hbm>>
        tpu.wait_dma2 semaphore(%arg11 : memref<!tpu.dma_semaphore, #tpu.memory_space<semaphore_mem>>) src(%dma_wait3A_345 : memref<128xi32, #tpu.memory_space<hbm>>) dst(%dma_wait3A_343 : memref<128xi32, #tpu.memory_space<vmem>>)
        %dma_start3A_346 = arith.constant 0 : i32
        %dma_start3A_347 = arith.constant 0 : i32
        %dma_start3A_348 = arith.constant 0 : i32
        %dma_start3A_349 = arith.constant 0 : i32
        %dma_start3A_350 = tpu.memref_slice %arg9[%dma_start3A_347, %dma_start3A_348, %dma_start3A_349] : memref<2x128x128xf32, #tpu.memory_space<vmem>> -> memref<1x128x128xf32, #tpu.memory_space<vmem>>
        %dma_start3A_351 = tpu.memref_squeeze %dma_start3A_350 : memref<1x128x128xf32, #tpu.memory_space<vmem>> -> memref<128x128xf32, #tpu.memory_space<vmem>>
        %dma_start3A_352 = arith.constant 0 : i32
        %dma_start3A_353 = tpu.memref_slice %arg7[%dma_start3A_346, %dma_start3A_352] : memref<4x128xi32, #tpu.memory_space<vmem>> -> memref<1x128xi32, #tpu.memory_space<vmem>>
        %dma_start3A_354 = tpu.memref_squeeze %dma_start3A_353 : memref<1x128xi32, #tpu.memory_space<vmem>> -> memref<128xi32, #tpu.memory_space<vmem>>
        %dma_start3A_355 = arith.constant 0 : i32
        %dma_start3A_356 = arith.constant 0 : i32
        %dma_start3A_357 = tpu.memref_slice %arg2[%dma_start3A_355, %dma_start3A_356] : memref<10000x128xf32, #tpu.memory_space<hbm>> -> memref<10000x128xf32, #tpu.memory_space<hbm>>
        tpu.enqueue_indirect_dma source(%dma_start3A_357 : memref<10000x128xf32, #tpu.memory_space<hbm>>) target(%dma_start3A_351 : memref<128x128xf32, #tpu.memory_space<vmem>>) offsets(%dma_start3A_354 : memref<128xi32, #tpu.memory_space<vmem>>) semaphore(%arg12 : memref<!tpu.dma_semaphore, #tpu.memory_space<semaphore_mem>>)
      } else {
      }
      %add3A_316 = arith.constant 4 : i32
      %add3A_317 = arith.addi %add3A_280, %add3A_316 : i32
      %sub3A_318 = arith.constant 1 : i32
      %sub3A_319 = arith.subi %add3A_317, %sub3A_318 : i32
      %lt3A_320 = arith.cmpi slt, %sub3A_319, %select_n3A_4 : i32
      %convert_element_type3A_321 = arith.extui %lt3A_320 : i1 to i32
      %cond3A_322 = arith.constant 0 : i32
      %cond3A_323 = arith.cmpi ne, %convert_element_type3A_321, %cond3A_322 : i32
      scf.if %cond3A_323 {
        %add3A_324 = arith.constant 4 : i32
        %add3A_325 = arith.addi %add3A_280, %add3A_324 : i32
        %sub3A_326 = arith.constant 1 : i32
        %sub3A_327 = arith.subi %add3A_325, %sub3A_326 : i32
        %mul3A_328 = arith.constant 128 : i32
        %mul3A_329 = arith.muli %sub3A_327, %mul3A_328 : i32
        %add3A_330 = arith.addi %mul3A_15, %mul3A_329 : i32
        %dma_start3A_331 = arith.constant 2 : i32
        %dma_start3A_332 = arith.constant 0 : i32
        %dma_start3A_333 = tpu.memref_slice %arg7[%dma_start3A_331, %dma_start3A_332] : memref<4x128xi32, #tpu.memory_space<vmem>> -> memref<1x128xi32, #tpu.memory_space<vmem>>
        %dma_start3A_334 = tpu.memref_squeeze %dma_start3A_333 : memref<1x128xi32, #tpu.memory_space<vmem>> -> memref<128xi32, #tpu.memory_space<vmem>>
        %dma_start3A_335 = tpu.memref_slice %arg3[%add3A_330] : memref<327680xi32, #tpu.memory_space<hbm>> -> memref<128xi32, #tpu.memory_space<hbm>>
        %dma_start3A_336 = arith.constant 0 : i32
        %dma_start3A_337 = tpu.memref_slice %arg7[%dma_start3A_331, %dma_start3A_336] : memref<4x128xi32, #tpu.memory_space<vmem>> -> memref<1x128xi32, #tpu.memory_space<vmem>>
        %dma_start3A_338 = tpu.memref_squeeze %dma_start3A_337 : memref<1x128xi32, #tpu.memory_space<vmem>> -> memref<128xi32, #tpu.memory_space<vmem>>
        %dma_start3A_339 = tpu.memref_slice %arg3[%add3A_330] : memref<327680xi32, #tpu.memory_space<hbm>> -> memref<128xi32, #tpu.memory_space<hbm>>
        tpu.enqueue_dma source(%dma_start3A_339 : memref<128xi32, #tpu.memory_space<hbm>>) target(%dma_start3A_338 : memref<128xi32, #tpu.memory_space<vmem>>) target_semaphore(%arg11 : memref<!tpu.dma_semaphore, #tpu.memory_space<semaphore_mem>>)
        %dma_start3A_340 = arith.constant 2 : i32
        %dma_start3A_341 = arith.constant 0 : i32
        %dma_start3A_342 = tpu.memref_slice %arg8[%dma_start3A_340, %dma_start3A_341] : memref<4x128xi32, #tpu.memory_space<vmem>> -> memref<1x128xi32, #tpu.memory_space<vmem>>
        %dma_start3A_343 = tpu.memref_squeeze %dma_start3A_342 : memref<1x128xi32, #tpu.memory_space<vmem>> -> memref<128xi32, #tpu.memory_space<vmem>>
        %dma_start3A_344 = tpu.memref_slice %arg4[%add3A_330] : memref<327680xi32, #tpu.memory_space<hbm>> -> memref<128xi32, #tpu.memory_space<hbm>>
        %dma_start3A_345 = arith.constant 0 : i32
        %dma_start3A_346 = tpu.memref_slice %arg8[%dma_start3A_340, %dma_start3A_345] : memref<4x128xi32, #tpu.memory_space<vmem>> -> memref<1x128xi32, #tpu.memory_space<vmem>>
        %dma_start3A_347 = tpu.memref_squeeze %dma_start3A_346 : memref<1x128xi32, #tpu.memory_space<vmem>> -> memref<128xi32, #tpu.memory_space<vmem>>
        %dma_start3A_348 = tpu.memref_slice %arg4[%add3A_330] : memref<327680xi32, #tpu.memory_space<hbm>> -> memref<128xi32, #tpu.memory_space<hbm>>
        tpu.enqueue_dma source(%dma_start3A_348 : memref<128xi32, #tpu.memory_space<hbm>>) target(%dma_start3A_347 : memref<128xi32, #tpu.memory_space<vmem>>) target_semaphore(%arg11 : memref<!tpu.dma_semaphore, #tpu.memory_space<semaphore_mem>>)
      } else {
      }
    }
    %while3A_127 = arith.constant 1 : i32
    scf.for %while3A_145 = %while3A_125 to %while3A_121 step %while3A_127  : i32 {
      %mul3A_146 = arith.muli %while3A_145, %while3A : i32
      %add3A_147 = arith.addi %while3A_118, %mul3A_146 : i32
      %add3A_148 = arith.constant 0 : i32
      %add3A_149 = arith.addi %add3A_147, %add3A_148 : i32
      %dma_wait3A_150 = arith.constant 0 : i32
      %dma_wait3A_151 = arith.constant 0 : i32
      %dma_wait3A_152 = arith.constant 0 : i32
      %dma_wait3A_153 = arith.constant 0 : i32
      %dma_wait3A_154 = tpu.memref_slice %arg9[%dma_wait3A_151, %dma_wait3A_152, %dma_wait3A_153] : memref<2x128x128xf32, #tpu.memory_space<vmem>> -> memref<1x128x128xf32, #tpu.memory_space<vmem>>
      %dma_wait3A_155 = tpu.memref_squeeze %dma_wait3A_154 : memref<1x128x128xf32, #tpu.memory_space<vmem>> -> memref<128x128xf32, #tpu.memory_space<vmem>>
      %dma_wait3A_156 = arith.constant 0 : i32
      %dma_wait3A_157 = tpu.memref_slice %arg7[%dma_wait3A_150, %dma_wait3A_156] : memref<4x128xi32, #tpu.memory_space<vmem>> -> memref<1x128xi32, #tpu.memory_space<vmem>>
      %dma_wait3A_158 = tpu.memref_squeeze %dma_wait3A_157 : memref<1x128xi32, #tpu.memory_space<vmem>> -> memref<128xi32, #tpu.memory_space<vmem>>
      %dma_wait3A_159 = arith.constant 0 : i32
      %dma_wait3A_160 = arith.constant 0 : i32
      %dma_wait3A_161 = tpu.memref_slice %arg2[%dma_wait3A_159, %dma_wait3A_160] : memref<10000x128xf32, #tpu.memory_space<hbm>> -> memref<10000x128xf32, #tpu.memory_space<hbm>>
      tpu.wait_indirect_dma semaphore(%arg12 : memref<!tpu.dma_semaphore, #tpu.memory_space<semaphore_mem>>) src(%dma_wait3A_161 : memref<10000x128xf32, #tpu.memory_space<hbm>>) dst(%dma_wait3A_155 : memref<128x128xf32, #tpu.memory_space<vmem>>)
      %dma_start3A_162 = arith.constant 0 : i32
      %dma_start3A_163 = arith.constant 0 : i32
      %dma_start3A_164 = arith.constant 0 : i32
      %dma_start3A_165 = arith.constant 0 : i32
      %dma_start3A_166 = tpu.memref_slice %arg9[%dma_start3A_162, %dma_start3A_164, %dma_start3A_165] : memref<2x128x128xf32, #tpu.memory_space<vmem>> -> memref<1x128x128xf32, #tpu.memory_space<vmem>>
      %dma_start3A_167 = tpu.memref_squeeze %dma_start3A_166 : memref<1x128x128xf32, #tpu.memory_space<vmem>> -> memref<128x128xf32, #tpu.memory_space<vmem>>
      %dma_start3A_168 = arith.constant 0 : i32
      %dma_start3A_169 = tpu.memref_slice %arg8[%dma_start3A_163, %dma_start3A_168] : memref<4x128xi32, #tpu.memory_space<vmem>> -> memref<1x128xi32, #tpu.memory_space<vmem>>
      %dma_start3A_170 = tpu.memref_squeeze %dma_start3A_169 : memref<1x128xi32, #tpu.memory_space<vmem>> -> memref<128xi32, #tpu.memory_space<vmem>>
      %dma_start3A_171 = arith.constant 0 : i32
      %dma_start3A_172 = arith.constant 0 : i32
      %dma_start3A_173 = tpu.memref_slice %arg10[%dma_start3A_171, %dma_start3A_172] : memref<10112x128xf32, #tpu.memory_space<vmem_shared>> -> memref<10112x128xf32, #tpu.memory_space<vmem_shared>>
      tpu.enqueue_indirect_dma source(%dma_start3A_167 : memref<128x128xf32, #tpu.memory_space<vmem>>) target(%dma_start3A_173 : memref<10112x128xf32, #tpu.memory_space<vmem_shared>>) offsets(%dma_start3A_170 : memref<128xi32, #tpu.memory_space<vmem>>) semaphore(%arg13 : memref<!tpu.dma_semaphore, #tpu.memory_space<semaphore_mem>>) {add = true}
      %ge3A = arith.constant 1 : i32
      %ge3A_174 = arith.cmpi sge, %add3A_149, %ge3A : i32
      %convert_element_type3A = arith.extui %ge3A_174 : i1 to i32
      %cond3A = arith.constant 0 : i32
      %cond3A_175 = arith.cmpi ne, %convert_element_type3A, %cond3A : i32
      scf.if %cond3A_175 {
        %dma_wait3A_324 = arith.constant 1 : i32
        %dma_wait3A_325 = arith.constant 0 : i32
        %dma_wait3A_326 = arith.constant 0 : i32
        %dma_wait3A_327 = arith.constant 0 : i32
        %dma_wait3A_328 = tpu.memref_slice %arg9[%dma_wait3A_324, %dma_wait3A_326, %dma_wait3A_327] : memref<2x128x128xf32, #tpu.memory_space<vmem>> -> memref<1x128x128xf32, #tpu.memory_space<vmem>>
        %dma_wait3A_329 = tpu.memref_squeeze %dma_wait3A_328 : memref<1x128x128xf32, #tpu.memory_space<vmem>> -> memref<128x128xf32, #tpu.memory_space<vmem>>
        %dma_wait3A_330 = arith.constant 0 : i32
        %dma_wait3A_331 = tpu.memref_slice %arg8[%dma_wait3A_325, %dma_wait3A_330] : memref<4x128xi32, #tpu.memory_space<vmem>> -> memref<1x128xi32, #tpu.memory_space<vmem>>
        %dma_wait3A_332 = tpu.memref_squeeze %dma_wait3A_331 : memref<1x128xi32, #tpu.memory_space<vmem>> -> memref<128xi32, #tpu.memory_space<vmem>>
        %dma_wait3A_333 = arith.constant 0 : i32
        %dma_wait3A_334 = arith.constant 0 : i32
        %dma_wait3A_335 = tpu.memref_slice %arg10[%dma_wait3A_333, %dma_wait3A_334] : memref<10112x128xf32, #tpu.memory_space<vmem_shared>> -> memref<10112x128xf32, #tpu.memory_space<vmem_shared>>
        tpu.wait_indirect_dma semaphore(%arg13 : memref<!tpu.dma_semaphore, #tpu.memory_space<semaphore_mem>>) src(%dma_wait3A_329 : memref<128x128xf32, #tpu.memory_space<vmem>>) dst(%dma_wait3A_335 : memref<10112x128xf32, #tpu.memory_space<vmem_shared>>)
      } else {
      }
      %add3A_176 = arith.constant 1 : i32
      %add3A_177 = arith.addi %add3A_149, %add3A_176 : i32
      %lt3A = arith.cmpi slt, %add3A_177, %select_n3A_4 : i32
      %convert_element_type3A_178 = arith.extui %lt3A : i1 to i32
      %cond3A_179 = arith.constant 0 : i32
      %cond3A_180 = arith.cmpi ne, %convert_element_type3A_178, %cond3A_179 : i32
      scf.if %cond3A_180 {
        %dma_wait3A_324 = arith.constant 1 : i32
        %dma_wait3A_325 = arith.constant 0 : i32
        %dma_wait3A_326 = tpu.memref_slice %arg7[%dma_wait3A_324, %dma_wait3A_325] : memref<4x128xi32, #tpu.memory_space<vmem>> -> memref<1x128xi32, #tpu.memory_space<vmem>>
        %dma_wait3A_327 = tpu.memref_squeeze %dma_wait3A_326 : memref<1x128xi32, #tpu.memory_space<vmem>> -> memref<128xi32, #tpu.memory_space<vmem>>
        %dma_wait3A_328 = arith.constant 0 : i32
        %dma_wait3A_329 = tpu.memref_slice %arg3[%dma_wait3A_328] : memref<327680xi32, #tpu.memory_space<hbm>> -> memref<128xi32, #tpu.memory_space<hbm>>
        %dma_wait3A_330 = arith.constant 0 : i32
        %dma_wait3A_331 = tpu.memref_slice %arg7[%dma_wait3A_324, %dma_wait3A_330] : memref<4x128xi32, #tpu.memory_space<vmem>> -> memref<1x128xi32, #tpu.memory_space<vmem>>
        %dma_wait3A_332 = tpu.memref_squeeze %dma_wait3A_331 : memref<1x128xi32, #tpu.memory_space<vmem>> -> memref<128xi32, #tpu.memory_space<vmem>>
        %dma_wait3A_333 = arith.constant 0 : i32
        %dma_wait3A_334 = tpu.memref_slice %arg3[%dma_wait3A_333] : memref<327680xi32, #tpu.memory_space<hbm>> -> memref<128xi32, #tpu.memory_space<hbm>>
        tpu.wait_dma2 semaphore(%arg11 : memref<!tpu.dma_semaphore, #tpu.memory_space<semaphore_mem>>) src(%dma_wait3A_334 : memref<128xi32, #tpu.memory_space<hbm>>) dst(%dma_wait3A_332 : memref<128xi32, #tpu.memory_space<vmem>>)
        %dma_wait3A_335 = arith.constant 1 : i32
        %dma_wait3A_336 = arith.constant 0 : i32
        %dma_wait3A_337 = tpu.memref_slice %arg8[%dma_wait3A_335, %dma_wait3A_336] : memref<4x128xi32, #tpu.memory_space<vmem>> -> memref<1x128xi32, #tpu.memory_space<vmem>>
        %dma_wait3A_338 = tpu.memref_squeeze %dma_wait3A_337 : memref<1x128xi32, #tpu.memory_space<vmem>> -> memref<128xi32, #tpu.memory_space<vmem>>
        %dma_wait3A_339 = arith.constant 0 : i32
        %dma_wait3A_340 = tpu.memref_slice %arg4[%dma_wait3A_339] : memref<327680xi32, #tpu.memory_space<hbm>> -> memref<128xi32, #tpu.memory_space<hbm>>
        %dma_wait3A_341 = arith.constant 0 : i32
        %dma_wait3A_342 = tpu.memref_slice %arg8[%dma_wait3A_335, %dma_wait3A_341] : memref<4x128xi32, #tpu.memory_space<vmem>> -> memref<1x128xi32, #tpu.memory_space<vmem>>
        %dma_wait3A_343 = tpu.memref_squeeze %dma_wait3A_342 : memref<1x128xi32, #tpu.memory_space<vmem>> -> memref<128xi32, #tpu.memory_space<vmem>>
        %dma_wait3A_344 = arith.constant 0 : i32
        %dma_wait3A_345 = tpu.memref_slice %arg4[%dma_wait3A_344] : memref<327680xi32, #tpu.memory_space<hbm>> -> memref<128xi32, #tpu.memory_space<hbm>>
        tpu.wait_dma2 semaphore(%arg11 : memref<!tpu.dma_semaphore, #tpu.memory_space<semaphore_mem>>) src(%dma_wait3A_345 : memref<128xi32, #tpu.memory_space<hbm>>) dst(%dma_wait3A_343 : memref<128xi32, #tpu.memory_space<vmem>>)
        %dma_start3A_346 = arith.constant 1 : i32
        %dma_start3A_347 = arith.constant 1 : i32
        %dma_start3A_348 = arith.constant 0 : i32
        %dma_start3A_349 = arith.constant 0 : i32
        %dma_start3A_350 = tpu.memref_slice %arg9[%dma_start3A_347, %dma_start3A_348, %dma_start3A_349] : memref<2x128x128xf32, #tpu.memory_space<vmem>> -> memref<1x128x128xf32, #tpu.memory_space<vmem>>
        %dma_start3A_351 = tpu.memref_squeeze %dma_start3A_350 : memref<1x128x128xf32, #tpu.memory_space<vmem>> -> memref<128x128xf32, #tpu.memory_space<vmem>>
        %dma_start3A_352 = arith.constant 0 : i32
        %dma_start3A_353 = tpu.memref_slice %arg7[%dma_start3A_346, %dma_start3A_352] : memref<4x128xi32, #tpu.memory_space<vmem>> -> memref<1x128xi32, #tpu.memory_space<vmem>>
        %dma_start3A_354 = tpu.memref_squeeze %dma_start3A_353 : memref<1x128xi32, #tpu.memory_space<vmem>> -> memref<128xi32, #tpu.memory_space<vmem>>
        %dma_start3A_355 = arith.constant 0 : i32
        %dma_start3A_356 = arith.constant 0 : i32
        %dma_start3A_357 = tpu.memref_slice %arg2[%dma_start3A_355, %dma_start3A_356] : memref<10000x128xf32, #tpu.memory_space<hbm>> -> memref<10000x128xf32, #tpu.memory_space<hbm>>
        tpu.enqueue_indirect_dma source(%dma_start3A_357 : memref<10000x128xf32, #tpu.memory_space<hbm>>) target(%dma_start3A_351 : memref<128x128xf32, #tpu.memory_space<vmem>>) offsets(%dma_start3A_354 : memref<128xi32, #tpu.memory_space<vmem>>) semaphore(%arg12 : memref<!tpu.dma_semaphore, #tpu.memory_space<semaphore_mem>>)
      } else {
      }
      %add3A_181 = arith.constant 4 : i32
      %add3A_182 = arith.addi %add3A_149, %add3A_181 : i32
      %sub3A_183 = arith.constant 1 : i32
      %sub3A_184 = arith.subi %add3A_182, %sub3A_183 : i32
      %lt3A_185 = arith.cmpi slt, %sub3A_184, %select_n3A_4 : i32
      %convert_element_type3A_186 = arith.extui %lt3A_185 : i1 to i32
      %cond3A_187 = arith.constant 0 : i32
      %cond3A_188 = arith.cmpi ne, %convert_element_type3A_186, %cond3A_187 : i32
      scf.if %cond3A_188 {
        %add3A_324 = arith.constant 4 : i32
        %add3A_325 = arith.addi %add3A_149, %add3A_324 : i32
        %sub3A_326 = arith.constant 1 : i32
        %sub3A_327 = arith.subi %add3A_325, %sub3A_326 : i32
        %mul3A_328 = arith.constant 128 : i32
        %mul3A_329 = arith.muli %sub3A_327, %mul3A_328 : i32
        %add3A_330 = arith.addi %mul3A_15, %mul3A_329 : i32
        %dma_start3A_331 = arith.constant 3 : i32
        %dma_start3A_332 = arith.constant 0 : i32
        %dma_start3A_333 = tpu.memref_slice %arg7[%dma_start3A_331, %dma_start3A_332] : memref<4x128xi32, #tpu.memory_space<vmem>> -> memref<1x128xi32, #tpu.memory_space<vmem>>
        %dma_start3A_334 = tpu.memref_squeeze %dma_start3A_333 : memref<1x128xi32, #tpu.memory_space<vmem>> -> memref<128xi32, #tpu.memory_space<vmem>>
        %dma_start3A_335 = tpu.memref_slice %arg3[%add3A_330] : memref<327680xi32, #tpu.memory_space<hbm>> -> memref<128xi32, #tpu.memory_space<hbm>>
        %dma_start3A_336 = arith.constant 0 : i32
        %dma_start3A_337 = tpu.memref_slice %arg7[%dma_start3A_331, %dma_start3A_336] : memref<4x128xi32, #tpu.memory_space<vmem>> -> memref<1x128xi32, #tpu.memory_space<vmem>>
        %dma_start3A_338 = tpu.memref_squeeze %dma_start3A_337 : memref<1x128xi32, #tpu.memory_space<vmem>> -> memref<128xi32, #tpu.memory_space<vmem>>
        %dma_start3A_339 = tpu.memref_slice %arg3[%add3A_330] : memref<327680xi32, #tpu.memory_space<hbm>> -> memref<128xi32, #tpu.memory_space<hbm>>
        tpu.enqueue_dma source(%dma_start3A_339 : memref<128xi32, #tpu.memory_space<hbm>>) target(%dma_start3A_338 : memref<128xi32, #tpu.memory_space<vmem>>) target_semaphore(%arg11 : memref<!tpu.dma_semaphore, #tpu.memory_space<semaphore_mem>>)
        %dma_start3A_340 = arith.constant 3 : i32
        %dma_start3A_341 = arith.constant 0 : i32
        %dma_start3A_342 = tpu.memref_slice %arg8[%dma_start3A_340, %dma_start3A_341] : memref<4x128xi32, #tpu.memory_space<vmem>> -> memref<1x128xi32, #tpu.memory_space<vmem>>
        %dma_start3A_343 = tpu.memref_squeeze %dma_start3A_342 : memref<1x128xi32, #tpu.memory_space<vmem>> -> memref<128xi32, #tpu.memory_space<vmem>>
        %dma_start3A_344 = tpu.memref_slice %arg4[%add3A_330] : memref<327680xi32, #tpu.memory_space<hbm>> -> memref<128xi32, #tpu.memory_space<hbm>>
        %dma_start3A_345 = arith.constant 0 : i32
        %dma_start3A_346 = tpu.memref_slice %arg8[%dma_start3A_340, %dma_start3A_345] : memref<4x128xi32, #tpu.memory_space<vmem>> -> memref<1x128xi32, #tpu.memory_space<vmem>>
        %dma_start3A_347 = tpu.memref_squeeze %dma_start3A_346 : memref<1x128xi32, #tpu.memory_space<vmem>> -> memref<128xi32, #tpu.memory_space<vmem>>
        %dma_start3A_348 = tpu.memref_slice %arg4[%add3A_330] : memref<327680xi32, #tpu.memory_space<hbm>> -> memref<128xi32, #tpu.memory_space<hbm>>
        tpu.enqueue_dma source(%dma_start3A_348 : memref<128xi32, #tpu.memory_space<hbm>>) target(%dma_start3A_347 : memref<128xi32, #tpu.memory_space<vmem>>) target_semaphore(%arg11 : memref<!tpu.dma_semaphore, #tpu.memory_space<semaphore_mem>>)
      } else {
      }
      %add3A_189 = arith.constant 1 : i32
      %add3A_190 = arith.addi %add3A_147, %add3A_189 : i32
      %dma_wait3A_191 = arith.constant 0 : i32
      %dma_wait3A_192 = arith.constant 1 : i32
      %dma_wait3A_193 = arith.constant 0 : i32
      %dma_wait3A_194 = arith.constant 0 : i32
      %dma_wait3A_195 = tpu.memref_slice %arg9[%dma_wait3A_192, %dma_wait3A_193, %dma_wait3A_194] : memref<2x128x128xf32, #tpu.memory_space<vmem>> -> memref<1x128x128xf32, #tpu.memory_space<vmem>>
      %dma_wait3A_196 = tpu.memref_squeeze %dma_wait3A_195 : memref<1x128x128xf32, #tpu.memory_space<vmem>> -> memref<128x128xf32, #tpu.memory_space<vmem>>
      %dma_wait3A_197 = arith.constant 0 : i32
      %dma_wait3A_198 = tpu.memref_slice %arg7[%dma_wait3A_191, %dma_wait3A_197] : memref<4x128xi32, #tpu.memory_space<vmem>> -> memref<1x128xi32, #tpu.memory_space<vmem>>
      %dma_wait3A_199 = tpu.memref_squeeze %dma_wait3A_198 : memref<1x128xi32, #tpu.memory_space<vmem>> -> memref<128xi32, #tpu.memory_space<vmem>>
      %dma_wait3A_200 = arith.constant 0 : i32
      %dma_wait3A_201 = arith.constant 0 : i32
      %dma_wait3A_202 = tpu.memref_slice %arg2[%dma_wait3A_200, %dma_wait3A_201] : memref<10000x128xf32, #tpu.memory_space<hbm>> -> memref<10000x128xf32, #tpu.memory_space<hbm>>
      tpu.wait_indirect_dma semaphore(%arg12 : memref<!tpu.dma_semaphore, #tpu.memory_space<semaphore_mem>>) src(%dma_wait3A_202 : memref<10000x128xf32, #tpu.memory_space<hbm>>) dst(%dma_wait3A_196 : memref<128x128xf32, #tpu.memory_space<vmem>>)
      %dma_start3A_203 = arith.constant 1 : i32
      %dma_start3A_204 = arith.constant 1 : i32
      %dma_start3A_205 = arith.constant 0 : i32
      %dma_start3A_206 = arith.constant 0 : i32
      %dma_start3A_207 = tpu.memref_slice %arg9[%dma_start3A_203, %dma_start3A_205, %dma_start3A_206] : memref<2x128x128xf32, #tpu.memory_space<vmem>> -> memref<1x128x128xf32, #tpu.memory_space<vmem>>
      %dma_start3A_208 = tpu.memref_squeeze %dma_start3A_207 : memref<1x128x128xf32, #tpu.memory_space<vmem>> -> memref<128x128xf32, #tpu.memory_space<vmem>>
      %dma_start3A_209 = arith.constant 0 : i32
      %dma_start3A_210 = tpu.memref_slice %arg8[%dma_start3A_204, %dma_start3A_209] : memref<4x128xi32, #tpu.memory_space<vmem>> -> memref<1x128xi32, #tpu.memory_space<vmem>>
      %dma_start3A_211 = tpu.memref_squeeze %dma_start3A_210 : memref<1x128xi32, #tpu.memory_space<vmem>> -> memref<128xi32, #tpu.memory_space<vmem>>
      %dma_start3A_212 = arith.constant 0 : i32
      %dma_start3A_213 = arith.constant 0 : i32
      %dma_start3A_214 = tpu.memref_slice %arg10[%dma_start3A_212, %dma_start3A_213] : memref<10112x128xf32, #tpu.memory_space<vmem_shared>> -> memref<10112x128xf32, #tpu.memory_space<vmem_shared>>
      tpu.enqueue_indirect_dma source(%dma_start3A_208 : memref<128x128xf32, #tpu.memory_space<vmem>>) target(%dma_start3A_214 : memref<10112x128xf32, #tpu.memory_space<vmem_shared>>) offsets(%dma_start3A_211 : memref<128xi32, #tpu.memory_space<vmem>>) semaphore(%arg13 : memref<!tpu.dma_semaphore, #tpu.memory_space<semaphore_mem>>) {add = true}
      %ge3A_215 = arith.constant 1 : i32
      %ge3A_216 = arith.cmpi sge, %add3A_190, %ge3A_215 : i32
      %convert_element_type3A_217 = arith.extui %ge3A_216 : i1 to i32
      %cond3A_218 = arith.constant 0 : i32
      %cond3A_219 = arith.cmpi ne, %convert_element_type3A_217, %cond3A_218 : i32
      scf.if %cond3A_219 {
        %dma_wait3A_324 = arith.constant 0 : i32
        %dma_wait3A_325 = arith.constant 0 : i32
        %dma_wait3A_326 = arith.constant 0 : i32
        %dma_wait3A_327 = arith.constant 0 : i32
        %dma_wait3A_328 = tpu.memref_slice %arg9[%dma_wait3A_324, %dma_wait3A_326, %dma_wait3A_327] : memref<2x128x128xf32, #tpu.memory_space<vmem>> -> memref<1x128x128xf32, #tpu.memory_space<vmem>>
        %dma_wait3A_329 = tpu.memref_squeeze %dma_wait3A_328 : memref<1x128x128xf32, #tpu.memory_space<vmem>> -> memref<128x128xf32, #tpu.memory_space<vmem>>
        %dma_wait3A_330 = arith.constant 0 : i32
        %dma_wait3A_331 = tpu.memref_slice %arg8[%dma_wait3A_325, %dma_wait3A_330] : memref<4x128xi32, #tpu.memory_space<vmem>> -> memref<1x128xi32, #tpu.memory_space<vmem>>
        %dma_wait3A_332 = tpu.memref_squeeze %dma_wait3A_331 : memref<1x128xi32, #tpu.memory_space<vmem>> -> memref<128xi32, #tpu.memory_space<vmem>>
        %dma_wait3A_333 = arith.constant 0 : i32
        %dma_wait3A_334 = arith.constant 0 : i32
        %dma_wait3A_335 = tpu.memref_slice %arg10[%dma_wait3A_333, %dma_wait3A_334] : memref<10112x128xf32, #tpu.memory_space<vmem_shared>> -> memref<10112x128xf32, #tpu.memory_space<vmem_shared>>
        tpu.wait_indirect_dma semaphore(%arg13 : memref<!tpu.dma_semaphore, #tpu.memory_space<semaphore_mem>>) src(%dma_wait3A_329 : memref<128x128xf32, #tpu.memory_space<vmem>>) dst(%dma_wait3A_335 : memref<10112x128xf32, #tpu.memory_space<vmem_shared>>)
      } else {
      }
      %add3A_220 = arith.constant 1 : i32
      %add3A_221 = arith.addi %add3A_190, %add3A_220 : i32
      %lt3A_222 = arith.cmpi slt, %add3A_221, %select_n3A_4 : i32
      %convert_element_type3A_223 = arith.extui %lt3A_222 : i1 to i32
      %cond3A_224 = arith.constant 0 : i32
      %cond3A_225 = arith.cmpi ne, %convert_element_type3A_223, %cond3A_224 : i32
      scf.if %cond3A_225 {
        %dma_wait3A_324 = arith.constant 2 : i32
        %dma_wait3A_325 = arith.constant 0 : i32
        %dma_wait3A_326 = tpu.memref_slice %arg7[%dma_wait3A_324, %dma_wait3A_325] : memref<4x128xi32, #tpu.memory_space<vmem>> -> memref<1x128xi32, #tpu.memory_space<vmem>>
        %dma_wait3A_327 = tpu.memref_squeeze %dma_wait3A_326 : memref<1x128xi32, #tpu.memory_space<vmem>> -> memref<128xi32, #tpu.memory_space<vmem>>
        %dma_wait3A_328 = arith.constant 0 : i32
        %dma_wait3A_329 = tpu.memref_slice %arg3[%dma_wait3A_328] : memref<327680xi32, #tpu.memory_space<hbm>> -> memref<128xi32, #tpu.memory_space<hbm>>
        %dma_wait3A_330 = arith.constant 0 : i32
        %dma_wait3A_331 = tpu.memref_slice %arg7[%dma_wait3A_324, %dma_wait3A_330] : memref<4x128xi32, #tpu.memory_space<vmem>> -> memref<1x128xi32, #tpu.memory_space<vmem>>
        %dma_wait3A_332 = tpu.memref_squeeze %dma_wait3A_331 : memref<1x128xi32, #tpu.memory_space<vmem>> -> memref<128xi32, #tpu.memory_space<vmem>>
        %dma_wait3A_333 = arith.constant 0 : i32
        %dma_wait3A_334 = tpu.memref_slice %arg3[%dma_wait3A_333] : memref<327680xi32, #tpu.memory_space<hbm>> -> memref<128xi32, #tpu.memory_space<hbm>>
        tpu.wait_dma2 semaphore(%arg11 : memref<!tpu.dma_semaphore, #tpu.memory_space<semaphore_mem>>) src(%dma_wait3A_334 : memref<128xi32, #tpu.memory_space<hbm>>) dst(%dma_wait3A_332 : memref<128xi32, #tpu.memory_space<vmem>>)
        %dma_wait3A_335 = arith.constant 2 : i32
        %dma_wait3A_336 = arith.constant 0 : i32
        %dma_wait3A_337 = tpu.memref_slice %arg8[%dma_wait3A_335, %dma_wait3A_336] : memref<4x128xi32, #tpu.memory_space<vmem>> -> memref<1x128xi32, #tpu.memory_space<vmem>>
        %dma_wait3A_338 = tpu.memref_squeeze %dma_wait3A_337 : memref<1x128xi32, #tpu.memory_space<vmem>> -> memref<128xi32, #tpu.memory_space<vmem>>
        %dma_wait3A_339 = arith.constant 0 : i32
        %dma_wait3A_340 = tpu.memref_slice %arg4[%dma_wait3A_339] : memref<327680xi32, #tpu.memory_space<hbm>> -> memref<128xi32, #tpu.memory_space<hbm>>
        %dma_wait3A_341 = arith.constant 0 : i32
        %dma_wait3A_342 = tpu.memref_slice %arg8[%dma_wait3A_335, %dma_wait3A_341] : memref<4x128xi32, #tpu.memory_space<vmem>> -> memref<1x128xi32, #tpu.memory_space<vmem>>
        %dma_wait3A_343 = tpu.memref_squeeze %dma_wait3A_342 : memref<1x128xi32, #tpu.memory_space<vmem>> -> memref<128xi32, #tpu.memory_space<vmem>>
        %dma_wait3A_344 = arith.constant 0 : i32
        %dma_wait3A_345 = tpu.memref_slice %arg4[%dma_wait3A_344] : memref<327680xi32, #tpu.memory_space<hbm>> -> memref<128xi32, #tpu.memory_space<hbm>>
        tpu.wait_dma2 semaphore(%arg11 : memref<!tpu.dma_semaphore, #tpu.memory_space<semaphore_mem>>) src(%dma_wait3A_345 : memref<128xi32, #tpu.memory_space<hbm>>) dst(%dma_wait3A_343 : memref<128xi32, #tpu.memory_space<vmem>>)
        %dma_start3A_346 = arith.constant 2 : i32
        %dma_start3A_347 = arith.constant 0 : i32
        %dma_start3A_348 = arith.constant 0 : i32
        %dma_start3A_349 = arith.constant 0 : i32
        %dma_start3A_350 = tpu.memref_slice %arg9[%dma_start3A_347, %dma_start3A_348, %dma_start3A_349] : memref<2x128x128xf32, #tpu.memory_space<vmem>> -> memref<1x128x128xf32, #tpu.memory_space<vmem>>
        %dma_start3A_351 = tpu.memref_squeeze %dma_start3A_350 : memref<1x128x128xf32, #tpu.memory_space<vmem>> -> memref<128x128xf32, #tpu.memory_space<vmem>>
        %dma_start3A_352 = arith.constant 0 : i32
        %dma_start3A_353 = tpu.memref_slice %arg7[%dma_start3A_346, %dma_start3A_352] : memref<4x128xi32, #tpu.memory_space<vmem>> -> memref<1x128xi32, #tpu.memory_space<vmem>>
        %dma_start3A_354 = tpu.memref_squeeze %dma_start3A_353 : memref<1x128xi32, #tpu.memory_space<vmem>> -> memref<128xi32, #tpu.memory_space<vmem>>
        %dma_start3A_355 = arith.constant 0 : i32
        %dma_start3A_356 = arith.constant 0 : i32
        %dma_start3A_357 = tpu.memref_slice %arg2[%dma_start3A_355, %dma_start3A_356] : memref<10000x128xf32, #tpu.memory_space<hbm>> -> memref<10000x128xf32, #tpu.memory_space<hbm>>
        tpu.enqueue_indirect_dma source(%dma_start3A_357 : memref<10000x128xf32, #tpu.memory_space<hbm>>) target(%dma_start3A_351 : memref<128x128xf32, #tpu.memory_space<vmem>>) offsets(%dma_start3A_354 : memref<128xi32, #tpu.memory_space<vmem>>) semaphore(%arg12 : memref<!tpu.dma_semaphore, #tpu.memory_space<semaphore_mem>>)
      } else {
      }
      %add3A_226 = arith.constant 4 : i32
      %add3A_227 = arith.addi %add3A_190, %add3A_226 : i32
      %sub3A_228 = arith.constant 1 : i32
      %sub3A_229 = arith.subi %add3A_227, %sub3A_228 : i32
      %lt3A_230 = arith.cmpi slt, %sub3A_229, %select_n3A_4 : i32
      %convert_element_type3A_231 = arith.extui %lt3A_230 : i1 to i32
      %cond3A_232 = arith.constant 0 : i32
      %cond3A_233 = arith.cmpi ne, %convert_element_type3A_231, %cond3A_232 : i32
      scf.if %cond3A_233 {
        %add3A_324 = arith.constant 4 : i32
        %add3A_325 = arith.addi %add3A_190, %add3A_324 : i32
        %sub3A_326 = arith.constant 1 : i32
        %sub3A_327 = arith.subi %add3A_325, %sub3A_326 : i32
        %mul3A_328 = arith.constant 128 : i32
        %mul3A_329 = arith.muli %sub3A_327, %mul3A_328 : i32
        %add3A_330 = arith.addi %mul3A_15, %mul3A_329 : i32
        %dma_start3A_331 = arith.constant 0 : i32
        %dma_start3A_332 = arith.constant 0 : i32
        %dma_start3A_333 = tpu.memref_slice %arg7[%dma_start3A_331, %dma_start3A_332] : memref<4x128xi32, #tpu.memory_space<vmem>> -> memref<1x128xi32, #tpu.memory_space<vmem>>
        %dma_start3A_334 = tpu.memref_squeeze %dma_start3A_333 : memref<1x128xi32, #tpu.memory_space<vmem>> -> memref<128xi32, #tpu.memory_space<vmem>>
        %dma_start3A_335 = tpu.memref_slice %arg3[%add3A_330] : memref<327680xi32, #tpu.memory_space<hbm>> -> memref<128xi32, #tpu.memory_space<hbm>>
        %dma_start3A_336 = arith.constant 0 : i32
        %dma_start3A_337 = tpu.memref_slice %arg7[%dma_start3A_331, %dma_start3A_336] : memref<4x128xi32, #tpu.memory_space<vmem>> -> memref<1x128xi32, #tpu.memory_space<vmem>>
        %dma_start3A_338 = tpu.memref_squeeze %dma_start3A_337 : memref<1x128xi32, #tpu.memory_space<vmem>> -> memref<128xi32, #tpu.memory_space<vmem>>
        %dma_start3A_339 = tpu.memref_slice %arg3[%add3A_330] : memref<327680xi32, #tpu.memory_space<hbm>> -> memref<128xi32, #tpu.memory_space<hbm>>
        tpu.enqueue_dma source(%dma_start3A_339 : memref<128xi32, #tpu.memory_space<hbm>>) target(%dma_start3A_338 : memref<128xi32, #tpu.memory_space<vmem>>) target_semaphore(%arg11 : memref<!tpu.dma_semaphore, #tpu.memory_space<semaphore_mem>>)
        %dma_start3A_340 = arith.constant 0 : i32
        %dma_start3A_341 = arith.constant 0 : i32
        %dma_start3A_342 = tpu.memref_slice %arg8[%dma_start3A_340, %dma_start3A_341] : memref<4x128xi32, #tpu.memory_space<vmem>> -> memref<1x128xi32, #tpu.memory_space<vmem>>
        %dma_start3A_343 = tpu.memref_squeeze %dma_start3A_342 : memref<1x128xi32, #tpu.memory_space<vmem>> -> memref<128xi32, #tpu.memory_space<vmem>>
        %dma_start3A_344 = tpu.memref_slice %arg4[%add3A_330] : memref<327680xi32, #tpu.memory_space<hbm>> -> memref<128xi32, #tpu.memory_space<hbm>>
        %dma_start3A_345 = arith.constant 0 : i32
        %dma_start3A_346 = tpu.memref_slice %arg8[%dma_start3A_340, %dma_start3A_345] : memref<4x128xi32, #tpu.memory_space<vmem>> -> memref<1x128xi32, #tpu.memory_space<vmem>>
        %dma_start3A_347 = tpu.memref_squeeze %dma_start3A_346 : memref<1x128xi32, #tpu.memory_space<vmem>> -> memref<128xi32, #tpu.memory_space<vmem>>
        %dma_start3A_348 = tpu.memref_slice %arg4[%add3A_330] : memref<327680xi32, #tpu.memory_space<hbm>> -> memref<128xi32, #tpu.memory_space<hbm>>
        tpu.enqueue_dma source(%dma_start3A_348 : memref<128xi32, #tpu.memory_space<hbm>>) target(%dma_start3A_347 : memref<128xi32, #tpu.memory_space<vmem>>) target_semaphore(%arg11 : memref<!tpu.dma_semaphore, #tpu.memory_space<semaphore_mem>>)
      } else {
      }
      %add3A_234 = arith.constant 2 : i32
      %add3A_235 = arith.addi %add3A_147, %add3A_234 : i32
      %dma_wait3A_236 = arith.constant 0 : i32
      %dma_wait3A_237 = arith.constant 0 : i32
      %dma_wait3A_238 = arith.constant 0 : i32
      %dma_wait3A_239 = arith.constant 0 : i32
      %dma_wait3A_240 = tpu.memref_slice %arg9[%dma_wait3A_237, %dma_wait3A_238, %dma_wait3A_239] : memref<2x128x128xf32, #tpu.memory_space<vmem>> -> memref<1x128x128xf32, #tpu.memory_space<vmem>>
      %dma_wait3A_241 = tpu.memref_squeeze %dma_wait3A_240 : memref<1x128x128xf32, #tpu.memory_space<vmem>> -> memref<128x128xf32, #tpu.memory_space<vmem>>
      %dma_wait3A_242 = arith.constant 0 : i32
      %dma_wait3A_243 = tpu.memref_slice %arg7[%dma_wait3A_236, %dma_wait3A_242] : memref<4x128xi32, #tpu.memory_space<vmem>> -> memref<1x128xi32, #tpu.memory_space<vmem>>
      %dma_wait3A_244 = tpu.memref_squeeze %dma_wait3A_243 : memref<1x128xi32, #tpu.memory_space<vmem>> -> memref<128xi32, #tpu.memory_space<vmem>>
      %dma_wait3A_245 = arith.constant 0 : i32
      %dma_wait3A_246 = arith.constant 0 : i32
      %dma_wait3A_247 = tpu.memref_slice %arg2[%dma_wait3A_245, %dma_wait3A_246] : memref<10000x128xf32, #tpu.memory_space<hbm>> -> memref<10000x128xf32, #tpu.memory_space<hbm>>
      tpu.wait_indirect_dma semaphore(%arg12 : memref<!tpu.dma_semaphore, #tpu.memory_space<semaphore_mem>>) src(%dma_wait3A_247 : memref<10000x128xf32, #tpu.memory_space<hbm>>) dst(%dma_wait3A_241 : memref<128x128xf32, #tpu.memory_space<vmem>>)
      %dma_start3A_248 = arith.constant 0 : i32
      %dma_start3A_249 = arith.constant 2 : i32
      %dma_start3A_250 = arith.constant 0 : i32
      %dma_start3A_251 = arith.constant 0 : i32
      %dma_start3A_252 = tpu.memref_slice %arg9[%dma_start3A_248, %dma_start3A_250, %dma_start3A_251] : memref<2x128x128xf32, #tpu.memory_space<vmem>> -> memref<1x128x128xf32, #tpu.memory_space<vmem>>
      %dma_start3A_253 = tpu.memref_squeeze %dma_start3A_252 : memref<1x128x128xf32, #tpu.memory_space<vmem>> -> memref<128x128xf32, #tpu.memory_space<vmem>>
      %dma_start3A_254 = arith.constant 0 : i32
      %dma_start3A_255 = tpu.memref_slice %arg8[%dma_start3A_249, %dma_start3A_254] : memref<4x128xi32, #tpu.memory_space<vmem>> -> memref<1x128xi32, #tpu.memory_space<vmem>>
      %dma_start3A_256 = tpu.memref_squeeze %dma_start3A_255 : memref<1x128xi32, #tpu.memory_space<vmem>> -> memref<128xi32, #tpu.memory_space<vmem>>
      %dma_start3A_257 = arith.constant 0 : i32
      %dma_start3A_258 = arith.constant 0 : i32
      %dma_start3A_259 = tpu.memref_slice %arg10[%dma_start3A_257, %dma_start3A_258] : memref<10112x128xf32, #tpu.memory_space<vmem_shared>> -> memref<10112x128xf32, #tpu.memory_space<vmem_shared>>
      tpu.enqueue_indirect_dma source(%dma_start3A_253 : memref<128x128xf32, #tpu.memory_space<vmem>>) target(%dma_start3A_259 : memref<10112x128xf32, #tpu.memory_space<vmem_shared>>) offsets(%dma_start3A_256 : memref<128xi32, #tpu.memory_space<vmem>>) semaphore(%arg13 : memref<!tpu.dma_semaphore, #tpu.memory_space<semaphore_mem>>) {add = true}
      %ge3A_260 = arith.constant 1 : i32
      %ge3A_261 = arith.cmpi sge, %add3A_235, %ge3A_260 : i32
      %convert_element_type3A_262 = arith.extui %ge3A_261 : i1 to i32
      %cond3A_263 = arith.constant 0 : i32
      %cond3A_264 = arith.cmpi ne, %convert_element_type3A_262, %cond3A_263 : i32
      scf.if %cond3A_264 {
        %dma_wait3A_324 = arith.constant 1 : i32
        %dma_wait3A_325 = arith.constant 0 : i32
        %dma_wait3A_326 = arith.constant 0 : i32
        %dma_wait3A_327 = arith.constant 0 : i32
        %dma_wait3A_328 = tpu.memref_slice %arg9[%dma_wait3A_324, %dma_wait3A_326, %dma_wait3A_327] : memref<2x128x128xf32, #tpu.memory_space<vmem>> -> memref<1x128x128xf32, #tpu.memory_space<vmem>>
        %dma_wait3A_329 = tpu.memref_squeeze %dma_wait3A_328 : memref<1x128x128xf32, #tpu.memory_space<vmem>> -> memref<128x128xf32, #tpu.memory_space<vmem>>
        %dma_wait3A_330 = arith.constant 0 : i32
        %dma_wait3A_331 = tpu.memref_slice %arg8[%dma_wait3A_325, %dma_wait3A_330] : memref<4x128xi32, #tpu.memory_space<vmem>> -> memref<1x128xi32, #tpu.memory_space<vmem>>
        %dma_wait3A_332 = tpu.memref_squeeze %dma_wait3A_331 : memref<1x128xi32, #tpu.memory_space<vmem>> -> memref<128xi32, #tpu.memory_space<vmem>>
        %dma_wait3A_333 = arith.constant 0 : i32
        %dma_wait3A_334 = arith.constant 0 : i32
        %dma_wait3A_335 = tpu.memref_slice %arg10[%dma_wait3A_333, %dma_wait3A_334] : memref<10112x128xf32, #tpu.memory_space<vmem_shared>> -> memref<10112x128xf32, #tpu.memory_space<vmem_shared>>
        tpu.wait_indirect_dma semaphore(%arg13 : memref<!tpu.dma_semaphore, #tpu.memory_space<semaphore_mem>>) src(%dma_wait3A_329 : memref<128x128xf32, #tpu.memory_space<vmem>>) dst(%dma_wait3A_335 : memref<10112x128xf32, #tpu.memory_space<vmem_shared>>)
      } else {
      }
      %add3A_265 = arith.constant 1 : i32
      %add3A_266 = arith.addi %add3A_235, %add3A_265 : i32
      %lt3A_267 = arith.cmpi slt, %add3A_266, %select_n3A_4 : i32
      %convert_element_type3A_268 = arith.extui %lt3A_267 : i1 to i32
      %cond3A_269 = arith.constant 0 : i32
      %cond3A_270 = arith.cmpi ne, %convert_element_type3A_268, %cond3A_269 : i32
      scf.if %cond3A_270 {
        %dma_wait3A_324 = arith.constant 3 : i32
        %dma_wait3A_325 = arith.constant 0 : i32
        %dma_wait3A_326 = tpu.memref_slice %arg7[%dma_wait3A_324, %dma_wait3A_325] : memref<4x128xi32, #tpu.memory_space<vmem>> -> memref<1x128xi32, #tpu.memory_space<vmem>>
        %dma_wait3A_327 = tpu.memref_squeeze %dma_wait3A_326 : memref<1x128xi32, #tpu.memory_space<vmem>> -> memref<128xi32, #tpu.memory_space<vmem>>
        %dma_wait3A_328 = arith.constant 0 : i32
        %dma_wait3A_329 = tpu.memref_slice %arg3[%dma_wait3A_328] : memref<327680xi32, #tpu.memory_space<hbm>> -> memref<128xi32, #tpu.memory_space<hbm>>
        %dma_wait3A_330 = arith.constant 0 : i32
        %dma_wait3A_331 = tpu.memref_slice %arg7[%dma_wait3A_324, %dma_wait3A_330] : memref<4x128xi32, #tpu.memory_space<vmem>> -> memref<1x128xi32, #tpu.memory_space<vmem>>
        %dma_wait3A_332 = tpu.memref_squeeze %dma_wait3A_331 : memref<1x128xi32, #tpu.memory_space<vmem>> -> memref<128xi32, #tpu.memory_space<vmem>>
        %dma_wait3A_333 = arith.constant 0 : i32
        %dma_wait3A_334 = tpu.memref_slice %arg3[%dma_wait3A_333] : memref<327680xi32, #tpu.memory_space<hbm>> -> memref<128xi32, #tpu.memory_space<hbm>>
        tpu.wait_dma2 semaphore(%arg11 : memref<!tpu.dma_semaphore, #tpu.memory_space<semaphore_mem>>) src(%dma_wait3A_334 : memref<128xi32, #tpu.memory_space<hbm>>) dst(%dma_wait3A_332 : memref<128xi32, #tpu.memory_space<vmem>>)
        %dma_wait3A_335 = arith.constant 3 : i32
        %dma_wait3A_336 = arith.constant 0 : i32
        %dma_wait3A_337 = tpu.memref_slice %arg8[%dma_wait3A_335, %dma_wait3A_336] : memref<4x128xi32, #tpu.memory_space<vmem>> -> memref<1x128xi32, #tpu.memory_space<vmem>>
        %dma_wait3A_338 = tpu.memref_squeeze %dma_wait3A_337 : memref<1x128xi32, #tpu.memory_space<vmem>> -> memref<128xi32, #tpu.memory_space<vmem>>
        %dma_wait3A_339 = arith.constant 0 : i32
        %dma_wait3A_340 = tpu.memref_slice %arg4[%dma_wait3A_339] : memref<327680xi32, #tpu.memory_space<hbm>> -> memref<128xi32, #tpu.memory_space<hbm>>
        %dma_wait3A_341 = arith.constant 0 : i32
        %dma_wait3A_342 = tpu.memref_slice %arg8[%dma_wait3A_335, %dma_wait3A_341] : memref<4x128xi32, #tpu.memory_space<vmem>> -> memref<1x128xi32, #tpu.memory_space<vmem>>
        %dma_wait3A_343 = tpu.memref_squeeze %dma_wait3A_342 : memref<1x128xi32, #tpu.memory_space<vmem>> -> memref<128xi32, #tpu.memory_space<vmem>>
        %dma_wait3A_344 = arith.constant 0 : i32
        %dma_wait3A_345 = tpu.memref_slice %arg4[%dma_wait3A_344] : memref<327680xi32, #tpu.memory_space<hbm>> -> memref<128xi32, #tpu.memory_space<hbm>>
        tpu.wait_dma2 semaphore(%arg11 : memref<!tpu.dma_semaphore, #tpu.memory_space<semaphore_mem>>) src(%dma_wait3A_345 : memref<128xi32, #tpu.memory_space<hbm>>) dst(%dma_wait3A_343 : memref<128xi32, #tpu.memory_space<vmem>>)
        %dma_start3A_346 = arith.constant 3 : i32
        %dma_start3A_347 = arith.constant 1 : i32
        %dma_start3A_348 = arith.constant 0 : i32
        %dma_start3A_349 = arith.constant 0 : i32
        %dma_start3A_350 = tpu.memref_slice %arg9[%dma_start3A_347, %dma_start3A_348, %dma_start3A_349] : memref<2x128x128xf32, #tpu.memory_space<vmem>> -> memref<1x128x128xf32, #tpu.memory_space<vmem>>
        %dma_start3A_351 = tpu.memref_squeeze %dma_start3A_350 : memref<1x128x128xf32, #tpu.memory_space<vmem>> -> memref<128x128xf32, #tpu.memory_space<vmem>>
        %dma_start3A_352 = arith.constant 0 : i32
        %dma_start3A_353 = tpu.memref_slice %arg7[%dma_start3A_346, %dma_start3A_352] : memref<4x128xi32, #tpu.memory_space<vmem>> -> memref<1x128xi32, #tpu.memory_space<vmem>>
        %dma_start3A_354 = tpu.memref_squeeze %dma_start3A_353 : memref<1x128xi32, #tpu.memory_space<vmem>> -> memref<128xi32, #tpu.memory_space<vmem>>
        %dma_start3A_355 = arith.constant 0 : i32
        %dma_start3A_356 = arith.constant 0 : i32
        %dma_start3A_357 = tpu.memref_slice %arg2[%dma_start3A_355, %dma_start3A_356] : memref<10000x128xf32, #tpu.memory_space<hbm>> -> memref<10000x128xf32, #tpu.memory_space<hbm>>
        tpu.enqueue_indirect_dma source(%dma_start3A_357 : memref<10000x128xf32, #tpu.memory_space<hbm>>) target(%dma_start3A_351 : memref<128x128xf32, #tpu.memory_space<vmem>>) offsets(%dma_start3A_354 : memref<128xi32, #tpu.memory_space<vmem>>) semaphore(%arg12 : memref<!tpu.dma_semaphore, #tpu.memory_space<semaphore_mem>>)
      } else {
      }
      %add3A_271 = arith.constant 4 : i32
      %add3A_272 = arith.addi %add3A_235, %add3A_271 : i32
      %sub3A_273 = arith.constant 1 : i32
      %sub3A_274 = arith.subi %add3A_272, %sub3A_273 : i32
      %lt3A_275 = arith.cmpi slt, %sub3A_274, %select_n3A_4 : i32
      %convert_element_type3A_276 = arith.extui %lt3A_275 : i1 to i32
      %cond3A_277 = arith.constant 0 : i32
      %cond3A_278 = arith.cmpi ne, %convert_element_type3A_276, %cond3A_277 : i32
      scf.if %cond3A_278 {
        %add3A_324 = arith.constant 4 : i32
        %add3A_325 = arith.addi %add3A_235, %add3A_324 : i32
        %sub3A_326 = arith.constant 1 : i32
        %sub3A_327 = arith.subi %add3A_325, %sub3A_326 : i32
        %mul3A_328 = arith.constant 128 : i32
        %mul3A_329 = arith.muli %sub3A_327, %mul3A_328 : i32
        %add3A_330 = arith.addi %mul3A_15, %mul3A_329 : i32
        %dma_start3A_331 = arith.constant 1 : i32
        %dma_start3A_332 = arith.constant 0 : i32
        %dma_start3A_333 = tpu.memref_slice %arg7[%dma_start3A_331, %dma_start3A_332] : memref<4x128xi32, #tpu.memory_space<vmem>> -> memref<1x128xi32, #tpu.memory_space<vmem>>
        %dma_start3A_334 = tpu.memref_squeeze %dma_start3A_333 : memref<1x128xi32, #tpu.memory_space<vmem>> -> memref<128xi32, #tpu.memory_space<vmem>>
        %dma_start3A_335 = tpu.memref_slice %arg3[%add3A_330] : memref<327680xi32, #tpu.memory_space<hbm>> -> memref<128xi32, #tpu.memory_space<hbm>>
        %dma_start3A_336 = arith.constant 0 : i32
        %dma_start3A_337 = tpu.memref_slice %arg7[%dma_start3A_331, %dma_start3A_336] : memref<4x128xi32, #tpu.memory_space<vmem>> -> memref<1x128xi32, #tpu.memory_space<vmem>>
        %dma_start3A_338 = tpu.memref_squeeze %dma_start3A_337 : memref<1x128xi32, #tpu.memory_space<vmem>> -> memref<128xi32, #tpu.memory_space<vmem>>
        %dma_start3A_339 = tpu.memref_slice %arg3[%add3A_330] : memref<327680xi32, #tpu.memory_space<hbm>> -> memref<128xi32, #tpu.memory_space<hbm>>
        tpu.enqueue_dma source(%dma_start3A_339 : memref<128xi32, #tpu.memory_space<hbm>>) target(%dma_start3A_338 : memref<128xi32, #tpu.memory_space<vmem>>) target_semaphore(%arg11 : memref<!tpu.dma_semaphore, #tpu.memory_space<semaphore_mem>>)
        %dma_start3A_340 = arith.constant 1 : i32
        %dma_start3A_341 = arith.constant 0 : i32
        %dma_start3A_342 = tpu.memref_slice %arg8[%dma_start3A_340, %dma_start3A_341] : memref<4x128xi32, #tpu.memory_space<vmem>> -> memref<1x128xi32, #tpu.memory_space<vmem>>
        %dma_start3A_343 = tpu.memref_squeeze %dma_start3A_342 : memref<1x128xi32, #tpu.memory_space<vmem>> -> memref<128xi32, #tpu.memory_space<vmem>>
        %dma_start3A_344 = tpu.memref_slice %arg4[%add3A_330] : memref<327680xi32, #tpu.memory_space<hbm>> -> memref<128xi32, #tpu.memory_space<hbm>>
        %dma_start3A_345 = arith.constant 0 : i32
        %dma_start3A_346 = tpu.memref_slice %arg8[%dma_start3A_340, %dma_start3A_345] : memref<4x128xi32, #tpu.memory_space<vmem>> -> memref<1x128xi32, #tpu.memory_space<vmem>>
        %dma_start3A_347 = tpu.memref_squeeze %dma_start3A_346 : memref<1x128xi32, #tpu.memory_space<vmem>> -> memref<128xi32, #tpu.memory_space<vmem>>
        %dma_start3A_348 = tpu.memref_slice %arg4[%add3A_330] : memref<327680xi32, #tpu.memory_space<hbm>> -> memref<128xi32, #tpu.memory_space<hbm>>
        tpu.enqueue_dma source(%dma_start3A_348 : memref<128xi32, #tpu.memory_space<hbm>>) target(%dma_start3A_347 : memref<128xi32, #tpu.memory_space<vmem>>) target_semaphore(%arg11 : memref<!tpu.dma_semaphore, #tpu.memory_space<semaphore_mem>>)
      } else {
      }
      %add3A_279 = arith.constant 3 : i32
      %add3A_280 = arith.addi %add3A_147, %add3A_279 : i32
      %dma_wait3A_281 = arith.constant 0 : i32
      %dma_wait3A_282 = arith.constant 1 : i32
      %dma_wait3A_283 = arith.constant 0 : i32
      %dma_wait3A_284 = arith.constant 0 : i32
      %dma_wait3A_285 = tpu.memref_slice %arg9[%dma_wait3A_282, %dma_wait3A_283, %dma_wait3A_284] : memref<2x128x128xf32, #tpu.memory_space<vmem>> -> memref<1x128x128xf32, #tpu.memory_space<vmem>>
      %dma_wait3A_286 = tpu.memref_squeeze %dma_wait3A_285 : memref<1x128x128xf32, #tpu.memory_space<vmem>> -> memref<128x128xf32, #tpu.memory_space<vmem>>
      %dma_wait3A_287 = arith.constant 0 : i32
      %dma_wait3A_288 = tpu.memref_slice %arg7[%dma_wait3A_281, %dma_wait3A_287] : memref<4x128xi32, #tpu.memory_space<vmem>> -> memref<1x128xi32, #tpu.memory_space<vmem>>
      %dma_wait3A_289 = tpu.memref_squeeze %dma_wait3A_288 : memref<1x128xi32, #tpu.memory_space<vmem>> -> memref<128xi32, #tpu.memory_space<vmem>>
      %dma_wait3A_290 = arith.constant 0 : i32
      %dma_wait3A_291 = arith.constant 0 : i32
      %dma_wait3A_292 = tpu.memref_slice %arg2[%dma_wait3A_290, %dma_wait3A_291] : memref<10000x128xf32, #tpu.memory_space<hbm>> -> memref<10000x128xf32, #tpu.memory_space<hbm>>
      tpu.wait_indirect_dma semaphore(%arg12 : memref<!tpu.dma_semaphore, #tpu.memory_space<semaphore_mem>>) src(%dma_wait3A_292 : memref<10000x128xf32, #tpu.memory_space<hbm>>) dst(%dma_wait3A_286 : memref<128x128xf32, #tpu.memory_space<vmem>>)
      %dma_start3A_293 = arith.constant 1 : i32
      %dma_start3A_294 = arith.constant 3 : i32
      %dma_start3A_295 = arith.constant 0 : i32
      %dma_start3A_296 = arith.constant 0 : i32
      %dma_start3A_297 = tpu.memref_slice %arg9[%dma_start3A_293, %dma_start3A_295, %dma_start3A_296] : memref<2x128x128xf32, #tpu.memory_space<vmem>> -> memref<1x128x128xf32, #tpu.memory_space<vmem>>
      %dma_start3A_298 = tpu.memref_squeeze %dma_start3A_297 : memref<1x128x128xf32, #tpu.memory_space<vmem>> -> memref<128x128xf32, #tpu.memory_space<vmem>>
      %dma_start3A_299 = arith.constant 0 : i32
      %dma_start3A_300 = tpu.memref_slice %arg8[%dma_start3A_294, %dma_start3A_299] : memref<4x128xi32, #tpu.memory_space<vmem>> -> memref<1x128xi32, #tpu.memory_space<vmem>>
      %dma_start3A_301 = tpu.memref_squeeze %dma_start3A_300 : memref<1x128xi32, #tpu.memory_space<vmem>> -> memref<128xi32, #tpu.memory_space<vmem>>
      %dma_start3A_302 = arith.constant 0 : i32
      %dma_start3A_303 = arith.constant 0 : i32
      %dma_start3A_304 = tpu.memref_slice %arg10[%dma_start3A_302, %dma_start3A_303] : memref<10112x128xf32, #tpu.memory_space<vmem_shared>> -> memref<10112x128xf32, #tpu.memory_space<vmem_shared>>
      tpu.enqueue_indirect_dma source(%dma_start3A_298 : memref<128x128xf32, #tpu.memory_space<vmem>>) target(%dma_start3A_304 : memref<10112x128xf32, #tpu.memory_space<vmem_shared>>) offsets(%dma_start3A_301 : memref<128xi32, #tpu.memory_space<vmem>>) semaphore(%arg13 : memref<!tpu.dma_semaphore, #tpu.memory_space<semaphore_mem>>) {add = true}
      %ge3A_305 = arith.constant 1 : i32
      %ge3A_306 = arith.cmpi sge, %add3A_280, %ge3A_305 : i32
      %convert_element_type3A_307 = arith.extui %ge3A_306 : i1 to i32
      %cond3A_308 = arith.constant 0 : i32
      %cond3A_309 = arith.cmpi ne, %convert_element_type3A_307, %cond3A_308 : i32
      scf.if %cond3A_309 {
        %dma_wait3A_324 = arith.constant 0 : i32
        %dma_wait3A_325 = arith.constant 0 : i32
        %dma_wait3A_326 = arith.constant 0 : i32
        %dma_wait3A_327 = arith.constant 0 : i32
        %dma_wait3A_328 = tpu.memref_slice %arg9[%dma_wait3A_324, %dma_wait3A_326, %dma_wait3A_327] : memref<2x128x128xf32, #tpu.memory_space<vmem>> -> memref<1x128x128xf32, #tpu.memory_space<vmem>>
        %dma_wait3A_329 = tpu.memref_squeeze %dma_wait3A_328 : memref<1x128x128xf32, #tpu.memory_space<vmem>> -> memref<128x128xf32, #tpu.memory_space<vmem>>
        %dma_wait3A_330 = arith.constant 0 : i32
        %dma_wait3A_331 = tpu.memref_slice %arg8[%dma_wait3A_325, %dma_wait3A_330] : memref<4x128xi32, #tpu.memory_space<vmem>> -> memref<1x128xi32, #tpu.memory_space<vmem>>
        %dma_wait3A_332 = tpu.memref_squeeze %dma_wait3A_331 : memref<1x128xi32, #tpu.memory_space<vmem>> -> memref<128xi32, #tpu.memory_space<vmem>>
        %dma_wait3A_333 = arith.constant 0 : i32
        %dma_wait3A_334 = arith.constant 0 : i32
        %dma_wait3A_335 = tpu.memref_slice %arg10[%dma_wait3A_333, %dma_wait3A_334] : memref<10112x128xf32, #tpu.memory_space<vmem_shared>> -> memref<10112x128xf32, #tpu.memory_space<vmem_shared>>
        tpu.wait_indirect_dma semaphore(%arg13 : memref<!tpu.dma_semaphore, #tpu.memory_space<semaphore_mem>>) src(%dma_wait3A_329 : memref<128x128xf32, #tpu.memory_space<vmem>>) dst(%dma_wait3A_335 : memref<10112x128xf32, #tpu.memory_space<vmem_shared>>)
      } else {
      }
      %add3A_310 = arith.constant 1 : i32
      %add3A_311 = arith.addi %add3A_280, %add3A_310 : i32
      %lt3A_312 = arith.cmpi slt, %add3A_311, %select_n3A_4 : i32
      %convert_element_type3A_313 = arith.extui %lt3A_312 : i1 to i32
      %cond3A_314 = arith.constant 0 : i32
      %cond3A_315 = arith.cmpi ne, %convert_element_type3A_313, %cond3A_314 : i32
      scf.if %cond3A_315 {
        %dma_wait3A_324 = arith.constant 0 : i32
        %dma_wait3A_325 = arith.constant 0 : i32
        %dma_wait3A_326 = tpu.memref_slice %arg7[%dma_wait3A_324, %dma_wait3A_325] : memref<4x128xi32, #tpu.memory_space<vmem>> -> memref<1x128xi32, #tpu.memory_space<vmem>>
        %dma_wait3A_327 = tpu.memref_squeeze %dma_wait3A_326 : memref<1x128xi32, #tpu.memory_space<vmem>> -> memref<128xi32, #tpu.memory_space<vmem>>
        %dma_wait3A_328 = arith.constant 0 : i32
        %dma_wait3A_329 = tpu.memref_slice %arg3[%dma_wait3A_328] : memref<327680xi32, #tpu.memory_space<hbm>> -> memref<128xi32, #tpu.memory_space<hbm>>
        %dma_wait3A_330 = arith.constant 0 : i32
        %dma_wait3A_331 = tpu.memref_slice %arg7[%dma_wait3A_324, %dma_wait3A_330] : memref<4x128xi32, #tpu.memory_space<vmem>> -> memref<1x128xi32, #tpu.memory_space<vmem>>
        %dma_wait3A_332 = tpu.memref_squeeze %dma_wait3A_331 : memref<1x128xi32, #tpu.memory_space<vmem>> -> memref<128xi32, #tpu.memory_space<vmem>>
        %dma_wait3A_333 = arith.constant 0 : i32
        %dma_wait3A_334 = tpu.memref_slice %arg3[%dma_wait3A_333] : memref<327680xi32, #tpu.memory_space<hbm>> -> memref<128xi32, #tpu.memory_space<hbm>>
        tpu.wait_dma2 semaphore(%arg11 : memref<!tpu.dma_semaphore, #tpu.memory_space<semaphore_mem>>) src(%dma_wait3A_334 : memref<128xi32, #tpu.memory_space<hbm>>) dst(%dma_wait3A_332 : memref<128xi32, #tpu.memory_space<vmem>>)
        %dma_wait3A_335 = arith.constant 0 : i32
        %dma_wait3A_336 = arith.constant 0 : i32
        %dma_wait3A_337 = tpu.memref_slice %arg8[%dma_wait3A_335, %dma_wait3A_336] : memref<4x128xi32, #tpu.memory_space<vmem>> -> memref<1x128xi32, #tpu.memory_space<vmem>>
        %dma_wait3A_338 = tpu.memref_squeeze %dma_wait3A_337 : memref<1x128xi32, #tpu.memory_space<vmem>> -> memref<128xi32, #tpu.memory_space<vmem>>
        %dma_wait3A_339 = arith.constant 0 : i32
        %dma_wait3A_340 = tpu.memref_slice %arg4[%dma_wait3A_339] : memref<327680xi32, #tpu.memory_space<hbm>> -> memref<128xi32, #tpu.memory_space<hbm>>
        %dma_wait3A_341 = arith.constant 0 : i32
        %dma_wait3A_342 = tpu.memref_slice %arg8[%dma_wait3A_335, %dma_wait3A_341] : memref<4x128xi32, #tpu.memory_space<vmem>> -> memref<1x128xi32, #tpu.memory_space<vmem>>
        %dma_wait3A_343 = tpu.memref_squeeze %dma_wait3A_342 : memref<1x128xi32, #tpu.memory_space<vmem>> -> memref<128xi32, #tpu.memory_space<vmem>>
        %dma_wait3A_344 = arith.constant 0 : i32
        %dma_wait3A_345 = tpu.memref_slice %arg4[%dma_wait3A_344] : memref<327680xi32, #tpu.memory_space<hbm>> -> memref<128xi32, #tpu.memory_space<hbm>>
        tpu.wait_dma2 semaphore(%arg11 : memref<!tpu.dma_semaphore, #tpu.memory_space<semaphore_mem>>) src(%dma_wait3A_345 : memref<128xi32, #tpu.memory_space<hbm>>) dst(%dma_wait3A_343 : memref<128xi32, #tpu.memory_space<vmem>>)
        %dma_start3A_346 = arith.constant 0 : i32
        %dma_start3A_347 = arith.constant 0 : i32
        %dma_start3A_348 = arith.constant 0 : i32
        %dma_start3A_349 = arith.constant 0 : i32
        %dma_start3A_350 = tpu.memref_slice %arg9[%dma_start3A_347, %dma_start3A_348, %dma_start3A_349] : memref<2x128x128xf32, #tpu.memory_space<vmem>> -> memref<1x128x128xf32, #tpu.memory_space<vmem>>
        %dma_start3A_351 = tpu.memref_squeeze %dma_start3A_350 : memref<1x128x128xf32, #tpu.memory_space<vmem>> -> memref<128x128xf32, #tpu.memory_space<vmem>>
        %dma_start3A_352 = arith.constant 0 : i32
        %dma_start3A_353 = tpu.memref_slice %arg7[%dma_start3A_346, %dma_start3A_352] : memref<4x128xi32, #tpu.memory_space<vmem>> -> memref<1x128xi32, #tpu.memory_space<vmem>>
        %dma_start3A_354 = tpu.memref_squeeze %dma_start3A_353 : memref<1x128xi32, #tpu.memory_space<vmem>> -> memref<128xi32, #tpu.memory_space<vmem>>
        %dma_start3A_355 = arith.constant 0 : i32
        %dma_start3A_356 = arith.constant 0 : i32
        %dma_start3A_357 = tpu.memref_slice %arg2[%dma_start3A_355, %dma_start3A_356] : memref<10000x128xf32, #tpu.memory_space<hbm>> -> memref<10000x128xf32, #tpu.memory_space<hbm>>
        tpu.enqueue_indirect_dma source(%dma_start3A_357 : memref<10000x128xf32, #tpu.memory_space<hbm>>) target(%dma_start3A_351 : memref<128x128xf32, #tpu.memory_space<vmem>>) offsets(%dma_start3A_354 : memref<128xi32, #tpu.memory_space<vmem>>) semaphore(%arg12 : memref<!tpu.dma_semaphore, #tpu.memory_space<semaphore_mem>>)
      } else {
      }
      %add3A_316 = arith.constant 4 : i32
      %add3A_317 = arith.addi %add3A_280, %add3A_316 : i32
      %sub3A_318 = arith.constant 1 : i32
      %sub3A_319 = arith.subi %add3A_317, %sub3A_318 : i32
      %lt3A_320 = arith.cmpi slt, %sub3A_319, %select_n3A_4 : i32
      %convert_element_type3A_321 = arith.extui %lt3A_320 : i1 to i32
      %cond3A_322 = arith.constant 0 : i32
      %cond3A_323 = arith.cmpi ne, %convert_element_type3A_321, %cond3A_322 : i32
      scf.if %cond3A_323 {
        %add3A_324 = arith.constant 4 : i32
        %add3A_325 = arith.addi %add3A_280, %add3A_324 : i32
        %sub3A_326 = arith.constant 1 : i32
        %sub3A_327 = arith.subi %add3A_325, %sub3A_326 : i32
        %mul3A_328 = arith.constant 128 : i32
        %mul3A_329 = arith.muli %sub3A_327, %mul3A_328 : i32
        %add3A_330 = arith.addi %mul3A_15, %mul3A_329 : i32
        %dma_start3A_331 = arith.constant 2 : i32
        %dma_start3A_332 = arith.constant 0 : i32
        %dma_start3A_333 = tpu.memref_slice %arg7[%dma_start3A_331, %dma_start3A_332] : memref<4x128xi32, #tpu.memory_space<vmem>> -> memref<1x128xi32, #tpu.memory_space<vmem>>
        %dma_start3A_334 = tpu.memref_squeeze %dma_start3A_333 : memref<1x128xi32, #tpu.memory_space<vmem>> -> memref<128xi32, #tpu.memory_space<vmem>>
        %dma_start3A_335 = tpu.memref_slice %arg3[%add3A_330] : memref<327680xi32, #tpu.memory_space<hbm>> -> memref<128xi32, #tpu.memory_space<hbm>>
        %dma_start3A_336 = arith.constant 0 : i32
        %dma_start3A_337 = tpu.memref_slice %arg7[%dma_start3A_331, %dma_start3A_336] : memref<4x128xi32, #tpu.memory_space<vmem>> -> memref<1x128xi32, #tpu.memory_space<vmem>>
        %dma_start3A_338 = tpu.memref_squeeze %dma_start3A_337 : memref<1x128xi32, #tpu.memory_space<vmem>> -> memref<128xi32, #tpu.memory_space<vmem>>
        %dma_start3A_339 = tpu.memref_slice %arg3[%add3A_330] : memref<327680xi32, #tpu.memory_space<hbm>> -> memref<128xi32, #tpu.memory_space<hbm>>
        tpu.enqueue_dma source(%dma_start3A_339 : memref<128xi32, #tpu.memory_space<hbm>>) target(%dma_start3A_338 : memref<128xi32, #tpu.memory_space<vmem>>) target_semaphore(%arg11 : memref<!tpu.dma_semaphore, #tpu.memory_space<semaphore_mem>>)
        %dma_start3A_340 = arith.constant 2 : i32
        %dma_start3A_341 = arith.constant 0 : i32
        %dma_start3A_342 = tpu.memref_slice %arg8[%dma_start3A_340, %dma_start3A_341] : memref<4x128xi32, #tpu.memory_space<vmem>> -> memref<1x128xi32, #tpu.memory_space<vmem>>
        %dma_start3A_343 = tpu.memref_squeeze %dma_start3A_342 : memref<1x128xi32, #tpu.memory_space<vmem>> -> memref<128xi32, #tpu.memory_space<vmem>>
        %dma_start3A_344 = tpu.memref_slice %arg4[%add3A_330] : memref<327680xi32, #tpu.memory_space<hbm>> -> memref<128xi32, #tpu.memory_space<hbm>>
        %dma_start3A_345 = arith.constant 0 : i32
        %dma_start3A_346 = tpu.memref_slice %arg8[%dma_start3A_340, %dma_start3A_345] : memref<4x128xi32, #tpu.memory_space<vmem>> -> memref<1x128xi32, #tpu.memory_space<vmem>>
        %dma_start3A_347 = tpu.memref_squeeze %dma_start3A_346 : memref<1x128xi32, #tpu.memory_space<vmem>> -> memref<128xi32, #tpu.memory_space<vmem>>
        %dma_start3A_348 = tpu.memref_slice %arg4[%add3A_330] : memref<327680xi32, #tpu.memory_space<hbm>> -> memref<128xi32, #tpu.memory_space<hbm>>
        tpu.enqueue_dma source(%dma_start3A_348 : memref<128xi32, #tpu.memory_space<hbm>>) target(%dma_start3A_347 : memref<128xi32, #tpu.memory_space<vmem>>) target_semaphore(%arg11 : memref<!tpu.dma_semaphore, #tpu.memory_space<semaphore_mem>>)
      } else {
      }
    }
    %dma_wait3A_128 = arith.constant 1 : i32
    %dma_wait3A_129 = arith.constant 0 : i32
    %dma_wait3A_130 = arith.constant 0 : i32
    %dma_wait3A_131 = arith.constant 0 : i32
    %dma_wait3A_132 = tpu.memref_slice %arg9[%dma_wait3A_128, %dma_wait3A_130, %dma_wait3A_131] : memref<2x128x128xf32, #tpu.memory_space<vmem>> -> memref<1x128x128xf32, #tpu.memory_space<vmem>>
    %dma_wait3A_133 = tpu.memref_squeeze %dma_wait3A_132 : memref<1x128x128xf32, #tpu.memory_space<vmem>> -> memref<128x128xf32, #tpu.memory_space<vmem>>
    %dma_wait3A_134 = arith.constant 0 : i32
    %dma_wait3A_135 = tpu.memref_slice %arg8[%dma_wait3A_129, %dma_wait3A_134] : memref<4x128xi32, #tpu.memory_space<vmem>> -> memref<1x128xi32, #tpu.memory_space<vmem>>
    %dma_wait3A_136 = tpu.memref_squeeze %dma_wait3A_135 : memref<1x128xi32, #tpu.memory_space<vmem>> -> memref<128xi32, #tpu.memory_space<vmem>>
    %dma_wait3A_137 = arith.constant 0 : i32
    %dma_wait3A_138 = arith.constant 0 : i32
    %dma_wait3A_139 = tpu.memref_slice %arg10[%dma_wait3A_137, %dma_wait3A_138] : memref<10112x128xf32, #tpu.memory_space<vmem_shared>> -> memref<10112x128xf32, #tpu.memory_space<vmem_shared>>
    tpu.wait_indirect_dma semaphore(%arg13 : memref<!tpu.dma_semaphore, #tpu.memory_space<semaphore_mem>>) src(%dma_wait3A_133 : memref<128x128xf32, #tpu.memory_space<vmem>>) dst(%dma_wait3A_139 : memref<10112x128xf32, #tpu.memory_space<vmem_shared>>)
    %barrier3A_140 = arith.constant 0 : index
    tpu.barrier barrier_id(%barrier3A_140)
    %mul3A_141 = arith.constant 632 : i32
    %mul3A_142 = arith.muli %arg1, %mul3A_141 : i32
    %mul3A_143 = arith.constant 632 : i32
    %mul3A_144 = arith.muli %arg1, %mul3A_143 : i32
    "tpu.region"() ({
      %run_scoped3A = tpu.sem_alloc : memref<!tpu.dma_semaphore, #tpu.memory_space<semaphore_mem>>
      %dma_start3A_145 = arith.constant 0 : i32
      %dma_start3A_146 = tpu.memref_slice %arg6[%arg0, %mul3A_144, %dma_start3A_145] : memref<2x10112x128xf32, #tpu.memory_space<hbm>> -> memref<1x632x128xf32, #tpu.memory_space<hbm>>
      %dma_start3A_147 = tpu.memref_squeeze %dma_start3A_146 : memref<1x632x128xf32, #tpu.memory_space<hbm>> -> memref<632x128xf32, #tpu.memory_space<hbm>>
      %dma_start3A_148 = arith.constant 0 : i32
      %dma_start3A_149 = tpu.memref_slice %arg10[%mul3A_142, %dma_start3A_148] : memref<10112x128xf32, #tpu.memory_space<vmem_shared>> -> memref<632x128xf32, #tpu.memory_space<vmem_shared>>
      tpu.enqueue_dma source(%dma_start3A_149 : memref<632x128xf32, #tpu.memory_space<vmem_shared>>) target(%dma_start3A_147 : memref<632x128xf32, #tpu.memory_space<hbm>>) target_semaphore(%run_scoped3A : memref<!tpu.dma_semaphore, #tpu.memory_space<semaphore_mem>>)
      %dma_wait3A_150 = arith.constant 0 : i32
      %dma_wait3A_151 = tpu.memref_slice %arg6[%arg0, %mul3A_144, %dma_wait3A_150] : memref<2x10112x128xf32, #tpu.memory_space<hbm>> -> memref<1x632x128xf32, #tpu.memory_space<hbm>>
      %dma_wait3A_152 = tpu.memref_squeeze %dma_wait3A_151 : memref<1x632x128xf32, #tpu.memory_space<hbm>> -> memref<632x128xf32, #tpu.memory_space<hbm>>
      %dma_wait3A_153 = arith.constant 0 : i32
      %dma_wait3A_154 = tpu.memref_slice %arg10[%mul3A_142, %dma_wait3A_153] : memref<10112x128xf32, #tpu.memory_space<vmem_shared>> -> memref<632x128xf32, #tpu.memory_space<vmem_shared>>
      tpu.wait_dma2 semaphore(%run_scoped3A : memref<!tpu.dma_semaphore, #tpu.memory_space<semaphore_mem>>) src(%dma_wait3A_154 : memref<632x128xf32, #tpu.memory_space<vmem_shared>>) dst(%dma_wait3A_152 : memref<632x128xf32, #tpu.memory_space<hbm>>)
      tpu.yield
    }) : () -> ()
    return
  }
}

module attributes {stable_mosaic.version = 14 : i64} {
  func.func @_tc1_body(%arg0: memref<2x10112x128xf32, #tpu.memory_space<vmem>>, %arg1: memref<10112x32xf32, #tpu.memory_space<vmem>>, %arg2: memref<10000x128xf32, #tpu.memory_space<vmem>>, %arg3: memref<128x128xf32, #tpu.memory_space<vmem>>, %arg4: memref<1x128xf32, #tpu.memory_space<vmem>>, %arg5: memref<128x128xf32, #tpu.memory_space<vmem>>, %arg6: memref<1x128xf32, #tpu.memory_space<vmem>>, %arg7: memref<1x128xf32, #tpu.memory_space<vmem>>, %arg8: memref<10000x128xf32, #tpu.memory_space<vmem>>, %arg9: memref<10000x1xf32, #tpu.memory_space<vmem>>) attributes {dimension_semantics = [], scalar_prefetch = 0 : i64, scratch_operands = 0 : i64, tpu.core_type = #tpu.core_type<tc>} {
    %get3A = arith.constant 0 : index
    %get3A_0 = arith.constant 0 : index
    %get3A_1 = arith.constant 0 : index
    %get3A_2 = vector.load %arg0[%get3A, %get3A_0, %get3A_1] : memref<2x10112x128xf32, #tpu.memory_space<vmem>>, vector<1x10112x128xf32>
    %get3A_3 = vector.shape_cast %get3A_2 : vector<1x10112x128xf32> to vector<10112x128xf32>
    %get3A_4 = arith.constant 1 : index
    %get3A_5 = arith.constant 0 : index
    %get3A_6 = arith.constant 0 : index
    %get3A_7 = vector.load %arg0[%get3A_4, %get3A_5, %get3A_6] : memref<2x10112x128xf32, #tpu.memory_space<vmem>>, vector<1x10112x128xf32>
    %get3A_8 = vector.shape_cast %get3A_7 : vector<1x10112x128xf32> to vector<10112x128xf32>
    %add3A = arith.addf %get3A_3, %get3A_8 : vector<10112x128xf32>
    %slice3A = vector.extract_strided_slice %add3A {offsets = [0, 0], sizes = [10000, 128], strides = [1, 1]} : vector<10112x128xf32> to vector<10000x128xf32>
    %get3A_9 = arith.constant 0 : index
    %get3A_10 = arith.constant 0 : index
    %get3A_11 = vector.load %arg1[%get3A_9, %get3A_10] : memref<10112x32xf32, #tpu.memory_space<vmem>>, vector<10112x32xf32>
    %reduce_sum3A = arith.constant dense<0.000000e+00> : vector<10112xf32>
    %reduce_sum3A_12 = vector.multi_reduction <add>, %get3A_11, %reduce_sum3A [1] : vector<10112x32xf32> to vector<10112xf32>
    %broadcast_in_dim3A = vector.shape_cast %reduce_sum3A_12 : vector<10112xf32> to vector<10112x1xf32>
    %slice3A_13 = vector.extract_strided_slice %broadcast_in_dim3A {offsets = [0, 0], sizes = [10000, 1], strides = [1, 1]} : vector<10112x1xf32> to vector<10000x1xf32>
    %max3A = arith.constant 1.000000e+00 : f32
    %max3A_14 = vector.broadcast %max3A : f32 to vector<10000x1xf32>
    %max3A_15 = arith.maximumf %slice3A_13, %max3A_14 : vector<10000x1xf32>
    %div3A = arith.constant 1.000000e+00 : f32
    %div3A_16 = vector.broadcast %div3A : f32 to vector<10000x1xf32>
    %div3A_17 = arith.divf %div3A_16, %max3A_15 : vector<10000x1xf32>
    %mul3A = vector.broadcast %div3A_17 : vector<10000x1xf32> to vector<10000x128xf32>
    %mul3A_18 = arith.mulf %slice3A, %mul3A : vector<10000x128xf32>
    %get3A_19 = arith.constant 0 : index
    %get3A_20 = arith.constant 0 : index
    %get3A_21 = vector.load %arg3[%get3A_19, %get3A_20] : memref<128x128xf32, #tpu.memory_space<vmem>>, vector<128x128xf32>
    %dot_general3A = arith.constant dense<0.000000e+00> : vector<10000x128xf32>
    %dot_general3A_22 = tpu.matmul %mul3A_18, %get3A_21, %dot_general3A {dimension_numbers = #tpu.dot_dimension_numbers<[1], [0], [0], [1], [0, 0, 1, 1], [], []>, transpose_lhs_hint = false} : vector<10000x128xf32>, vector<128x128xf32>, vector<10000x128xf32> -> vector<10000x128xf32>
    %get3A_23 = arith.constant 0 : index
    %get3A_24 = arith.constant 0 : index
    %get3A_25 = vector.load %arg4[%get3A_23, %get3A_24] : memref<1x128xf32, #tpu.memory_space<vmem>>, vector<1x128xf32>
    %add3A_26 = vector.broadcast %get3A_25 : vector<1x128xf32> to vector<10000x128xf32>
    %add3A_27 = arith.addf %dot_general3A_22, %add3A_26 : vector<10000x128xf32>
    %get3A_28 = arith.constant 0 : index
    %get3A_29 = arith.constant 0 : index
    %get3A_30 = vector.load %arg2[%get3A_28, %get3A_29] : memref<10000x128xf32, #tpu.memory_space<vmem>>, vector<10000x128xf32>
    %get3A_31 = arith.constant 0 : index
    %get3A_32 = arith.constant 0 : index
    %get3A_33 = vector.load %arg5[%get3A_31, %get3A_32] : memref<128x128xf32, #tpu.memory_space<vmem>>, vector<128x128xf32>
    %dot_general3A_34 = arith.constant dense<0.000000e+00> : vector<10000x128xf32>
    %dot_general3A_35 = tpu.matmul %get3A_30, %get3A_33, %dot_general3A_34 {dimension_numbers = #tpu.dot_dimension_numbers<[1], [0], [0], [1], [0, 0, 1, 1], [], []>, transpose_lhs_hint = false} : vector<10000x128xf32>, vector<128x128xf32>, vector<10000x128xf32> -> vector<10000x128xf32>
    %add3A_36 = arith.addf %add3A_27, %dot_general3A_35 : vector<10000x128xf32>
    %get3A_37 = arith.constant 0 : index
    %get3A_38 = arith.constant 0 : index
    %get3A_39 = vector.load %arg6[%get3A_37, %get3A_38] : memref<1x128xf32, #tpu.memory_space<vmem>>, vector<1x128xf32>
    %get3A_40 = arith.constant 0 : index
    %get3A_41 = arith.constant 0 : index
    %get3A_42 = vector.load %arg7[%get3A_40, %get3A_41] : memref<1x128xf32, #tpu.memory_space<vmem>>, vector<1x128xf32>
    %reduce_sum3A_43 = arith.constant dense<0.000000e+00> : vector<128xf32>
    %reduce_sum3A_44 = vector.multi_reduction <add>, %add3A_36, %reduce_sum3A_43 [0] : vector<10000x128xf32> to vector<128xf32>
    %broadcast_in_dim3A_45 = vector.shape_cast %reduce_sum3A_44 : vector<128xf32> to vector<1x128xf32>
    %div3A_46 = arith.constant 1.000000e+04 : f32
    %div3A_47 = vector.broadcast %div3A_46 : f32 to vector<1x128xf32>
    %div3A_48 = arith.divf %broadcast_in_dim3A_45, %div3A_47 : vector<1x128xf32>
    %sub3A = vector.broadcast %div3A_48 : vector<1x128xf32> to vector<10000x128xf32>
    %sub3A_49 = arith.subf %add3A_36, %sub3A : vector<10000x128xf32>
    %square3A = arith.mulf %sub3A_49, %sub3A_49 : vector<10000x128xf32>
    %reduce_sum3A_50 = arith.constant dense<0.000000e+00> : vector<128xf32>
    %reduce_sum3A_51 = vector.multi_reduction <add>, %square3A, %reduce_sum3A_50 [0] : vector<10000x128xf32> to vector<128xf32>
    %broadcast_in_dim3A_52 = vector.shape_cast %reduce_sum3A_51 : vector<128xf32> to vector<1x128xf32>
    %div3A_53 = arith.constant 1.000000e+04 : f32
    %div3A_54 = vector.broadcast %div3A_53 : f32 to vector<1x128xf32>
    %div3A_55 = arith.divf %broadcast_in_dim3A_52, %div3A_54 : vector<1x128xf32>
    %sub3A_56 = vector.broadcast %div3A_48 : vector<1x128xf32> to vector<10000x128xf32>
    %sub3A_57 = arith.subf %add3A_36, %sub3A_56 : vector<10000x128xf32>
    %add3A_58 = arith.constant 9.99999974E-6 : f32
    %add3A_59 = vector.broadcast %add3A_58 : f32 to vector<1x128xf32>
    %add3A_60 = arith.addf %div3A_55, %add3A_59 : vector<1x128xf32>
    %rsqrt3A = math.rsqrt %add3A_60 : vector<1x128xf32>
    %mul3A_61 = vector.broadcast %rsqrt3A : vector<1x128xf32> to vector<10000x128xf32>
    %mul3A_62 = arith.mulf %sub3A_57, %mul3A_61 : vector<10000x128xf32>
    %mul3A_63 = vector.broadcast %get3A_39 : vector<1x128xf32> to vector<10000x128xf32>
    %mul3A_64 = arith.mulf %mul3A_62, %mul3A_63 : vector<10000x128xf32>
    %add3A_65 = vector.broadcast %get3A_42 : vector<1x128xf32> to vector<10000x128xf32>
    %add3A_66 = arith.addf %mul3A_64, %add3A_65 : vector<10000x128xf32>
    %max3A_67 = arith.constant 0.000000e+00 : f32
    %max3A_68 = vector.broadcast %max3A_67 : f32 to vector<10000x128xf32>
    %max3A_69 = arith.maximumf %add3A_66, %max3A_68 : vector<10000x128xf32>
    %swap3A = arith.constant 0 : index
    %swap3A_70 = arith.constant 0 : index
    %swap3A_71 = vector.load %arg8[%swap3A, %swap3A_70] : memref<10000x128xf32, #tpu.memory_space<vmem>>, vector<10000x128xf32>
    tpu.vector_store %arg8[%swap3A, %swap3A_70], %max3A_69 {strides = array<i32>} : memref<10000x128xf32, #tpu.memory_space<vmem>>, vector<10000x128xf32>,
    %swap3A_72 = arith.constant 0 : index
    %swap3A_73 = arith.constant 0 : index
    %swap3A_74 = vector.load %arg9[%swap3A_72, %swap3A_73] : memref<10000x1xf32, #tpu.memory_space<vmem>>, vector<10000x1xf32>
    tpu.vector_store %arg9[%swap3A_72, %swap3A_73], %div3A_17 {strides = array<i32>} : memref<10000x1xf32, #tpu.memory_space<vmem>>, vector<10000x1xf32>,
    return
  }
}

module attributes {stable_mosaic.version = 14 : i64} {
  func.func @_tc3_body(%arg0: memref<2x10112x128xf32, #tpu.memory_space<vmem>>, %arg1: memref<10000x1xf32, #tpu.memory_space<vmem>>, %arg2: memref<10000x128xf32, #tpu.memory_space<vmem>>, %arg3: memref<128x64xf32, #tpu.memory_space<vmem>>, %arg4: memref<1x64xf32, #tpu.memory_space<vmem>>, %arg5: memref<128x64xf32, #tpu.memory_space<vmem>>, %arg6: memref<1x64xf32, #tpu.memory_space<vmem>>, %arg7: memref<1x64xf32, #tpu.memory_space<vmem>>, %arg8: memref<64x64xf32, #tpu.memory_space<vmem>>, %arg9: memref<1x64xf32, #tpu.memory_space<vmem>>, %arg10: memref<64x32xf32, #tpu.memory_space<vmem>>, %arg11: memref<1x32xf32, #tpu.memory_space<vmem>>, %arg12: memref<32x1xf32, #tpu.memory_space<vmem>>, %arg13: memref<1x1xf32, #tpu.memory_space<vmem>>, %arg14: memref<10000x1xf32, #tpu.memory_space<vmem>>) attributes {dimension_semantics = [], scalar_prefetch = 0 : i64, scratch_operands = 0 : i64, tpu.core_type = #tpu.core_type<tc>} {
    %get3A = arith.constant 0 : index
    %get3A_0 = arith.constant 0 : index
    %get3A_1 = arith.constant 0 : index
    %get3A_2 = vector.load %arg0[%get3A, %get3A_0, %get3A_1] : memref<2x10112x128xf32, #tpu.memory_space<vmem>>, vector<1x10112x128xf32>
    %get3A_3 = vector.shape_cast %get3A_2 : vector<1x10112x128xf32> to vector<10112x128xf32>
    %get3A_4 = arith.constant 1 : index
    %get3A_5 = arith.constant 0 : index
    %get3A_6 = arith.constant 0 : index
    %get3A_7 = vector.load %arg0[%get3A_4, %get3A_5, %get3A_6] : memref<2x10112x128xf32, #tpu.memory_space<vmem>>, vector<1x10112x128xf32>
    %get3A_8 = vector.shape_cast %get3A_7 : vector<1x10112x128xf32> to vector<10112x128xf32>
    %add3A = arith.addf %get3A_3, %get3A_8 : vector<10112x128xf32>
    %slice3A = vector.extract_strided_slice %add3A {offsets = [0, 0], sizes = [10000, 128], strides = [1, 1]} : vector<10112x128xf32> to vector<10000x128xf32>
    %get3A_9 = arith.constant 0 : index
    %get3A_10 = arith.constant 0 : index
    %get3A_11 = vector.load %arg1[%get3A_9, %get3A_10] : memref<10000x1xf32, #tpu.memory_space<vmem>>, vector<10000x1xf32>
    %mul3A = vector.broadcast %get3A_11 : vector<10000x1xf32> to vector<10000x128xf32>
    %mul3A_12 = arith.mulf %slice3A, %mul3A : vector<10000x128xf32>
    %get3A_13 = arith.constant 0 : index
    %get3A_14 = arith.constant 0 : index
    %get3A_15 = vector.load %arg3[%get3A_13, %get3A_14] : memref<128x64xf32, #tpu.memory_space<vmem>>, vector<128x64xf32>
    %dot_general3A = arith.constant dense<0.000000e+00> : vector<10000x64xf32>
    %dot_general3A_16 = tpu.matmul %mul3A_12, %get3A_15, %dot_general3A {dimension_numbers = #tpu.dot_dimension_numbers<[1], [0], [0], [1], [0, 0, 1, 1], [], []>, transpose_lhs_hint = false} : vector<10000x128xf32>, vector<128x64xf32>, vector<10000x64xf32> -> vector<10000x64xf32>
    %get3A_17 = arith.constant 0 : index
    %get3A_18 = arith.constant 0 : index
    %get3A_19 = vector.load %arg4[%get3A_17, %get3A_18] : memref<1x64xf32, #tpu.memory_space<vmem>>, vector<1x64xf32>
    %add3A_20 = vector.broadcast %get3A_19 : vector<1x64xf32> to vector<10000x64xf32>
    %add3A_21 = arith.addf %dot_general3A_16, %add3A_20 : vector<10000x64xf32>
    %get3A_22 = arith.constant 0 : index
    %get3A_23 = arith.constant 0 : index
    %get3A_24 = vector.load %arg2[%get3A_22, %get3A_23] : memref<10000x128xf32, #tpu.memory_space<vmem>>, vector<10000x128xf32>
    %get3A_25 = arith.constant 0 : index
    %get3A_26 = arith.constant 0 : index
    %get3A_27 = vector.load %arg5[%get3A_25, %get3A_26] : memref<128x64xf32, #tpu.memory_space<vmem>>, vector<128x64xf32>
    %dot_general3A_28 = arith.constant dense<0.000000e+00> : vector<10000x64xf32>
    %dot_general3A_29 = tpu.matmul %get3A_24, %get3A_27, %dot_general3A_28 {dimension_numbers = #tpu.dot_dimension_numbers<[1], [0], [0], [1], [0, 0, 1, 1], [], []>, transpose_lhs_hint = false} : vector<10000x128xf32>, vector<128x64xf32>, vector<10000x64xf32> -> vector<10000x64xf32>
    %add3A_30 = arith.addf %add3A_21, %dot_general3A_29 : vector<10000x64xf32>
    %get3A_31 = arith.constant 0 : index
    %get3A_32 = arith.constant 0 : index
    %get3A_33 = vector.load %arg6[%get3A_31, %get3A_32] : memref<1x64xf32, #tpu.memory_space<vmem>>, vector<1x64xf32>
    %get3A_34 = arith.constant 0 : index
    %get3A_35 = arith.constant 0 : index
    %get3A_36 = vector.load %arg7[%get3A_34, %get3A_35] : memref<1x64xf32, #tpu.memory_space<vmem>>, vector<1x64xf32>
    %reduce_sum3A = arith.constant dense<0.000000e+00> : vector<64xf32>
    %reduce_sum3A_37 = vector.multi_reduction <add>, %add3A_30, %reduce_sum3A [0] : vector<10000x64xf32> to vector<64xf32>
    %broadcast_in_dim3A = vector.shape_cast %reduce_sum3A_37 : vector<64xf32> to vector<1x64xf32>
    %div3A = arith.constant 1.000000e+04 : f32
    %div3A_38 = vector.broadcast %div3A : f32 to vector<1x64xf32>
    %div3A_39 = arith.divf %broadcast_in_dim3A, %div3A_38 : vector<1x64xf32>
    %sub3A = vector.broadcast %div3A_39 : vector<1x64xf32> to vector<10000x64xf32>
    %sub3A_40 = arith.subf %add3A_30, %sub3A : vector<10000x64xf32>
    %square3A = arith.mulf %sub3A_40, %sub3A_40 : vector<10000x64xf32>
    %reduce_sum3A_41 = arith.constant dense<0.000000e+00> : vector<64xf32>
    %reduce_sum3A_42 = vector.multi_reduction <add>, %square3A, %reduce_sum3A_41 [0] : vector<10000x64xf32> to vector<64xf32>
    %broadcast_in_dim3A_43 = vector.shape_cast %reduce_sum3A_42 : vector<64xf32> to vector<1x64xf32>
    %div3A_44 = arith.constant 1.000000e+04 : f32
    %div3A_45 = vector.broadcast %div3A_44 : f32 to vector<1x64xf32>
    %div3A_46 = arith.divf %broadcast_in_dim3A_43, %div3A_45 : vector<1x64xf32>
    %sub3A_47 = vector.broadcast %div3A_39 : vector<1x64xf32> to vector<10000x64xf32>
    %sub3A_48 = arith.subf %add3A_30, %sub3A_47 : vector<10000x64xf32>
    %add3A_49 = arith.constant 9.99999974E-6 : f32
    %add3A_50 = vector.broadcast %add3A_49 : f32 to vector<1x64xf32>
    %add3A_51 = arith.addf %div3A_46, %add3A_50 : vector<1x64xf32>
    %rsqrt3A = math.rsqrt %add3A_51 : vector<1x64xf32>
    %mul3A_52 = vector.broadcast %rsqrt3A : vector<1x64xf32> to vector<10000x64xf32>
    %mul3A_53 = arith.mulf %sub3A_48, %mul3A_52 : vector<10000x64xf32>
    %mul3A_54 = vector.broadcast %get3A_33 : vector<1x64xf32> to vector<10000x64xf32>
    %mul3A_55 = arith.mulf %mul3A_53, %mul3A_54 : vector<10000x64xf32>
    %add3A_56 = vector.broadcast %get3A_36 : vector<1x64xf32> to vector<10000x64xf32>
    %add3A_57 = arith.addf %mul3A_55, %add3A_56 : vector<10000x64xf32>
    %max3A = arith.constant 0.000000e+00 : f32
    %max3A_58 = vector.broadcast %max3A : f32 to vector<10000x64xf32>
    %max3A_59 = arith.maximumf %add3A_57, %max3A_58 : vector<10000x64xf32>
    %get3A_60 = arith.constant 0 : index
    %get3A_61 = arith.constant 0 : index
    %get3A_62 = vector.load %arg8[%get3A_60, %get3A_61] : memref<64x64xf32, #tpu.memory_space<vmem>>, vector<64x64xf32>
    %dot_general3A_63 = arith.constant dense<0.000000e+00> : vector<10000x64xf32>
    %dot_general3A_64 = tpu.matmul %max3A_59, %get3A_62, %dot_general3A_63 {dimension_numbers = #tpu.dot_dimension_numbers<[1], [0], [0], [1], [0, 0, 1, 1], [], []>, transpose_lhs_hint = false} : vector<10000x64xf32>, vector<64x64xf32>, vector<10000x64xf32> -> vector<10000x64xf32>
    %get3A_65 = arith.constant 0 : index
    %get3A_66 = arith.constant 0 : index
    %get3A_67 = vector.load %arg9[%get3A_65, %get3A_66] : memref<1x64xf32, #tpu.memory_space<vmem>>, vector<1x64xf32>
    %add3A_68 = vector.broadcast %get3A_67 : vector<1x64xf32> to vector<10000x64xf32>
    %add3A_69 = arith.addf %dot_general3A_64, %add3A_68 : vector<10000x64xf32>
    %max3A_70 = arith.constant 0.000000e+00 : f32
    %max3A_71 = vector.broadcast %max3A_70 : f32 to vector<10000x64xf32>
    %max3A_72 = arith.maximumf %add3A_69, %max3A_71 : vector<10000x64xf32>
    %get3A_73 = arith.constant 0 : index
    %get3A_74 = arith.constant 0 : index
    %get3A_75 = vector.load %arg10[%get3A_73, %get3A_74] : memref<64x32xf32, #tpu.memory_space<vmem>>, vector<64x32xf32>
    %dot_general3A_76 = arith.constant dense<0.000000e+00> : vector<10000x32xf32>
    %dot_general3A_77 = tpu.matmul %max3A_72, %get3A_75, %dot_general3A_76 {dimension_numbers = #tpu.dot_dimension_numbers<[1], [0], [0], [1], [0, 0, 1, 1], [], []>, transpose_lhs_hint = false} : vector<10000x64xf32>, vector<64x32xf32>, vector<10000x32xf32> -> vector<10000x32xf32>
    %get3A_78 = arith.constant 0 : index
    %get3A_79 = arith.constant 0 : index
    %get3A_80 = vector.load %arg11[%get3A_78, %get3A_79] : memref<1x32xf32, #tpu.memory_space<vmem>>, vector<1x32xf32>
    %add3A_81 = vector.broadcast %get3A_80 : vector<1x32xf32> to vector<10000x32xf32>
    %add3A_82 = arith.addf %dot_general3A_77, %add3A_81 : vector<10000x32xf32>
    %max3A_83 = arith.constant 0.000000e+00 : f32
    %max3A_84 = vector.broadcast %max3A_83 : f32 to vector<10000x32xf32>
    %max3A_85 = arith.maximumf %add3A_82, %max3A_84 : vector<10000x32xf32>
    %get3A_86 = arith.constant 0 : index
    %get3A_87 = arith.constant 0 : index
    %get3A_88 = vector.load %arg12[%get3A_86, %get3A_87] : memref<32x1xf32, #tpu.memory_space<vmem>>, vector<32x1xf32>
    %dot_general3A_89 = arith.constant dense<0.000000e+00> : vector<10000x1xf32>
    %dot_general3A_90 = tpu.matmul %max3A_85, %get3A_88, %dot_general3A_89 {dimension_numbers = #tpu.dot_dimension_numbers<[1], [0], [0], [1], [0, 0, 1, 1], [], []>, transpose_lhs_hint = false} : vector<10000x32xf32>, vector<32x1xf32>, vector<10000x1xf32> -> vector<10000x1xf32>
    %get3A_91 = arith.constant 0 : index
    %get3A_92 = arith.constant 0 : index
    %get3A_93 = vector.load %arg13[%get3A_91, %get3A_92] : memref<1x1xf32, #tpu.memory_space<vmem>>, vector<1x1xf32>
    %add3A_94 = vector.broadcast %get3A_93 : vector<1x1xf32> to vector<10000x1xf32>
    %add3A_95 = arith.addf %dot_general3A_90, %add3A_94 : vector<10000x1xf32>
    %swap3A = arith.constant 0 : index
    %swap3A_96 = arith.constant 0 : index
    %swap3A_97 = vector.load %arg14[%swap3A, %swap3A_96] : memref<10000x1xf32, #tpu.memory_space<vmem>>, vector<10000x1xf32>
    tpu.vector_store %arg14[%swap3A, %swap3A_96], %add3A_95 {strides = array<i32>} : memref<10000x1xf32, #tpu.memory_space<vmem>>, vector<10000x1xf32>,
    return
  }
}

module attributes {stable_mosaic.version = 14 : i64} {
  func.func @_tc2_body(%arg0: memref<2x10112x128xf32, #tpu.memory_space<vmem>>, %arg1: memref<10000x1xf32, #tpu.memory_space<vmem>>, %arg2: memref<10000x128xf32, #tpu.memory_space<vmem>>, %arg3: memref<128x128xf32, #tpu.memory_space<vmem>>, %arg4: memref<1x128xf32, #tpu.memory_space<vmem>>, %arg5: memref<128x128xf32, #tpu.memory_space<vmem>>, %arg6: memref<1x128xf32, #tpu.memory_space<vmem>>, %arg7: memref<1x128xf32, #tpu.memory_space<vmem>>, %arg8: memref<10000x128xf32, #tpu.memory_space<vmem>>) attributes {dimension_semantics = [], scalar_prefetch = 0 : i64, scratch_operands = 0 : i64, tpu.core_type = #tpu.core_type<tc>} {
    %get3A = arith.constant 0 : index
    %get3A_0 = arith.constant 0 : index
    %get3A_1 = arith.constant 0 : index
    %get3A_2 = vector.load %arg0[%get3A, %get3A_0, %get3A_1] : memref<2x10112x128xf32, #tpu.memory_space<vmem>>, vector<1x10112x128xf32>
    %get3A_3 = vector.shape_cast %get3A_2 : vector<1x10112x128xf32> to vector<10112x128xf32>
    %get3A_4 = arith.constant 1 : index
    %get3A_5 = arith.constant 0 : index
    %get3A_6 = arith.constant 0 : index
    %get3A_7 = vector.load %arg0[%get3A_4, %get3A_5, %get3A_6] : memref<2x10112x128xf32, #tpu.memory_space<vmem>>, vector<1x10112x128xf32>
    %get3A_8 = vector.shape_cast %get3A_7 : vector<1x10112x128xf32> to vector<10112x128xf32>
    %add3A = arith.addf %get3A_3, %get3A_8 : vector<10112x128xf32>
    %slice3A = vector.extract_strided_slice %add3A {offsets = [0, 0], sizes = [10000, 128], strides = [1, 1]} : vector<10112x128xf32> to vector<10000x128xf32>
    %get3A_9 = arith.constant 0 : index
    %get3A_10 = arith.constant 0 : index
    %get3A_11 = vector.load %arg1[%get3A_9, %get3A_10] : memref<10000x1xf32, #tpu.memory_space<vmem>>, vector<10000x1xf32>
    %mul3A = vector.broadcast %get3A_11 : vector<10000x1xf32> to vector<10000x128xf32>
    %mul3A_12 = arith.mulf %slice3A, %mul3A : vector<10000x128xf32>
    %get3A_13 = arith.constant 0 : index
    %get3A_14 = arith.constant 0 : index
    %get3A_15 = vector.load %arg3[%get3A_13, %get3A_14] : memref<128x128xf32, #tpu.memory_space<vmem>>, vector<128x128xf32>
    %dot_general3A = arith.constant dense<0.000000e+00> : vector<10000x128xf32>
    %dot_general3A_16 = tpu.matmul %mul3A_12, %get3A_15, %dot_general3A {dimension_numbers = #tpu.dot_dimension_numbers<[1], [0], [0], [1], [0, 0, 1, 1], [], []>, transpose_lhs_hint = false} : vector<10000x128xf32>, vector<128x128xf32>, vector<10000x128xf32> -> vector<10000x128xf32>
    %get3A_17 = arith.constant 0 : index
    %get3A_18 = arith.constant 0 : index
    %get3A_19 = vector.load %arg4[%get3A_17, %get3A_18] : memref<1x128xf32, #tpu.memory_space<vmem>>, vector<1x128xf32>
    %add3A_20 = vector.broadcast %get3A_19 : vector<1x128xf32> to vector<10000x128xf32>
    %add3A_21 = arith.addf %dot_general3A_16, %add3A_20 : vector<10000x128xf32>
    %get3A_22 = arith.constant 0 : index
    %get3A_23 = arith.constant 0 : index
    %get3A_24 = vector.load %arg2[%get3A_22, %get3A_23] : memref<10000x128xf32, #tpu.memory_space<vmem>>, vector<10000x128xf32>
    %get3A_25 = arith.constant 0 : index
    %get3A_26 = arith.constant 0 : index
    %get3A_27 = vector.load %arg5[%get3A_25, %get3A_26] : memref<128x128xf32, #tpu.memory_space<vmem>>, vector<128x128xf32>
    %dot_general3A_28 = arith.constant dense<0.000000e+00> : vector<10000x128xf32>
    %dot_general3A_29 = tpu.matmul %get3A_24, %get3A_27, %dot_general3A_28 {dimension_numbers = #tpu.dot_dimension_numbers<[1], [0], [0], [1], [0, 0, 1, 1], [], []>, transpose_lhs_hint = false} : vector<10000x128xf32>, vector<128x128xf32>, vector<10000x128xf32> -> vector<10000x128xf32>
    %add3A_30 = arith.addf %add3A_21, %dot_general3A_29 : vector<10000x128xf32>
    %get3A_31 = arith.constant 0 : index
    %get3A_32 = arith.constant 0 : index
    %get3A_33 = vector.load %arg6[%get3A_31, %get3A_32] : memref<1x128xf32, #tpu.memory_space<vmem>>, vector<1x128xf32>
    %get3A_34 = arith.constant 0 : index
    %get3A_35 = arith.constant 0 : index
    %get3A_36 = vector.load %arg7[%get3A_34, %get3A_35] : memref<1x128xf32, #tpu.memory_space<vmem>>, vector<1x128xf32>
    %reduce_sum3A = arith.constant dense<0.000000e+00> : vector<128xf32>
    %reduce_sum3A_37 = vector.multi_reduction <add>, %add3A_30, %reduce_sum3A [0] : vector<10000x128xf32> to vector<128xf32>
    %broadcast_in_dim3A = vector.shape_cast %reduce_sum3A_37 : vector<128xf32> to vector<1x128xf32>
    %div3A = arith.constant 1.000000e+04 : f32
    %div3A_38 = vector.broadcast %div3A : f32 to vector<1x128xf32>
    %div3A_39 = arith.divf %broadcast_in_dim3A, %div3A_38 : vector<1x128xf32>
    %sub3A = vector.broadcast %div3A_39 : vector<1x128xf32> to vector<10000x128xf32>
    %sub3A_40 = arith.subf %add3A_30, %sub3A : vector<10000x128xf32>
    %square3A = arith.mulf %sub3A_40, %sub3A_40 : vector<10000x128xf32>
    %reduce_sum3A_41 = arith.constant dense<0.000000e+00> : vector<128xf32>
    %reduce_sum3A_42 = vector.multi_reduction <add>, %square3A, %reduce_sum3A_41 [0] : vector<10000x128xf32> to vector<128xf32>
    %broadcast_in_dim3A_43 = vector.shape_cast %reduce_sum3A_42 : vector<128xf32> to vector<1x128xf32>
    %div3A_44 = arith.constant 1.000000e+04 : f32
    %div3A_45 = vector.broadcast %div3A_44 : f32 to vector<1x128xf32>
    %div3A_46 = arith.divf %broadcast_in_dim3A_43, %div3A_45 : vector<1x128xf32>
    %sub3A_47 = vector.broadcast %div3A_39 : vector<1x128xf32> to vector<10000x128xf32>
    %sub3A_48 = arith.subf %add3A_30, %sub3A_47 : vector<10000x128xf32>
    %add3A_49 = arith.constant 9.99999974E-6 : f32
    %add3A_50 = vector.broadcast %add3A_49 : f32 to vector<1x128xf32>
    %add3A_51 = arith.addf %div3A_46, %add3A_50 : vector<1x128xf32>
    %rsqrt3A = math.rsqrt %add3A_51 : vector<1x128xf32>
    %mul3A_52 = vector.broadcast %rsqrt3A : vector<1x128xf32> to vector<10000x128xf32>
    %mul3A_53 = arith.mulf %sub3A_48, %mul3A_52 : vector<10000x128xf32>
    %mul3A_54 = vector.broadcast %get3A_33 : vector<1x128xf32> to vector<10000x128xf32>
    %mul3A_55 = arith.mulf %mul3A_53, %mul3A_54 : vector<10000x128xf32>
    %add3A_56 = vector.broadcast %get3A_36 : vector<1x128xf32> to vector<10000x128xf32>
    %add3A_57 = arith.addf %mul3A_55, %add3A_56 : vector<10000x128xf32>
    %max3A = arith.constant 0.000000e+00 : f32
    %max3A_58 = vector.broadcast %max3A : f32 to vector<10000x128xf32>
    %max3A_59 = arith.maximumf %add3A_57, %max3A_58 : vector<10000x128xf32>
    %swap3A = arith.constant 0 : index
    %swap3A_60 = arith.constant 0 : index
    %swap3A_61 = vector.load %arg8[%swap3A, %swap3A_60] : memref<10000x128xf32, #tpu.memory_space<vmem>>, vector<10000x128xf32>
    tpu.vector_store %arg8[%swap3A, %swap3A_60], %max3A_59 {strides = array<i32>} : memref<10000x128xf32, #tpu.memory_space<vmem>>, vector<10000x128xf32>,
    return
  }
}

</mosaic_0001>

<sc_bundles>
// kernel: kernel.11.cloned.1.call-start
scs
__scs_entry_jumppad:
0x0: {  	(pc) =	sbr.rel $0x88, $3  }
0x1: {  	(tag) =	ssettag $0x0;
	lr =	simm.s32 $0x1  }
0x2: {  	[smem:$0x3F8A] =	sst lr;
	_ =	strace $0xD0000000  }
0x3: {  	_ = 	snop  }
0x4: {  	_ = 	snop  }
0x5: {  	_ = 	snop  }
0x6: {  	_ = 	snop  }
0x7: {  	_ = 	snop  }
__scs_overlays_trampoline_lowered:
0x8: {  	[smem:$0x3F99] =	sst s0  }
0x9: {  	[smem:$0x3F9A] =	sst s1  }
0xa: {  	[smem:$0x3F9B] =	sst s2  }
0xb: {  	[smem:$0x3F9C] =	sst s3  }
0xc: {  	[smem:$0x3F9D] =	sst s4  }
0xd: {  	[smem:$0x3F9E] =	sst s5  }
0xe: {  	[smem:$0x3F9F] =	sst s6  }
0xf: {  	[smem:$0x3FA0] =	sst s7  }
0x10: {  	[smem:$0x3FA1] =	sst s8  }
0x11: {  	[smem:$0x3FA2] =	sst s9;
	s0 =	simm.s32 @!p0 $0x0  }
0x12: {  	s1 =	sld [smem:$0x3F88];
	s0 =	simm.s32 @p0 $0x1  }
0x13: {  	[smem:$0x3FA3] =	sst s0;
	s0 =	simm.s32 @!p1 $0x0  }
0x14: {  	s2 =	sld [smem:$0x3F87];
	s0 =	simm.s32 @p1 $0x1  }
0x15: {  	[smem:$0x3FA4] =	sst s0;
	s0 =	simm.s32 @!p2 $0x0  }
0x16: {  	s3 =	sld [smem:$0x3FDB];
	s0 =	simm.s32 @p2 $0x1  }
0x17: {  	s4 =	simm.s32 $0x1BF5;
	[smem:$0x3FA6] =	sst s0  }
0x18: {  	s0 =	sld [smem:$0x3F89];
	_ =	swait.ge [sflag:s4], $0x0  }
0x19: {  	s7 =	sld [smem:$0x3F8A]  }
0x1a: {  	s8 =	sadd.s32 $0xFFFFE003, lr  }
0x1b: {  	s9 =	sadd.s32 $0xFFFFFEF7, lr;
	s5 =	simm.s32 $0xFFFFFFFF;
	p2 =	slt.u32 s8, $0xFFFFF086  }
0x1c: {  	p1 =	slt.u32 s9, $0xF7A;
	s5 =	simm.s32 @!p2 $0x0  }
0x1d: {  	s5 =	simm.s32 @p1 $0x1;
	p0 =	seq.s32 s7, s2  }
0x1e: {  	s7 =	smul.u32 @!p0 $0xF7A, s2;
	p2 =	seq.s32 @!p0 s5, $0x0  }
0x1f: {  	s9 =	smul.u32 $0xF7A, s1;
	s8 =	simm.s32 @!p0 $0x1BF5;
	p2 =	por !p2, p0  }
0x20: {  	[sflag:s8] =	ssyncset.s32 @!p0 $0xFFFFF086;
	s6 =	sadd.s32 @!p0 s3, s7;
	s7 =	simm.s32 @!p0 $0x108  }
0x21: {  	s3 =	sadd.s32 s3, s9;
	s6 =	sadd.s32 @!p0 $0x88, s6;
	s7 =	simm.s32 @p2 $0x1082  }
0x22: {  	[simem:s7], [sflag:s8] =	dma.local @!p0 [hbm:s6], $0xF7A  }
0x23: {  	s9 =	sor.u32 $0xD0000000, s2;
	s6 =	simm.s32 $0x108;
	_ =	swait.ge @!p0 [sflag:s8], $0x0  }
0x24: {  	s3 =	sadd.s32 $0x88, s3;
	s6 =	simm.s32 @!p1 $0x1082;
	[sflag:s4] =	ssyncset.s32 $0xFFFFF086  }
0x25: {  	[simem:s6], [sflag:s4] =	dma.local [hbm:s3], $0xF7A  }
0x26: {  	[smem:$0x3F8A] =	sst s1;
	(tag) =	ssettag s2;
	_ =	strace s9  }
0x27: {  	s1 =	sld [smem:$0x3F9A]  }
0x28: {  	s2 =	sld [smem:$0x3F9B]  }
0x29: {  	s4 =	sld [smem:$0x3F9D]  }
0x2a: {  	p0 =	seq.s32 s5, $0x0;
	s5 =	sld [smem:$0x3F9E]  }
0x2b: {  	s6 =	sld [smem:$0x3F9F]  }
0x2c: {  	s7 =	sld [smem:$0x3FA0]  }
0x2d: {  	s3 =	simm.s32 $0x108;
	s8 =	sld [smem:$0x3FA1]  }
0x2e: {  	s3 =	simm.s32 @!p0 $0x1082;
	s9 =	sld [smem:$0x3FA2]  }
0x2f: {  	lr =	sadd.s32 s0, s3;
	s0 =	sld [smem:$0x3F99]  }
0x30: {  	s3 =	sld [smem:$0x3F9C]  }
0x31: {  	[smem:$0x3FA5] =	sst s10  }
0x32: {  	s10 =	sld [smem:$0x3FA3];
	_ =	sdelay $0x3  }
0x33: {  	p0 =	seq.s32 s10, $0x1;
	s10 =	sld [smem:$0x3FA5];
	_ =	sdelay $0x3  }
0x34: {  	[smem:$0x3FA5] =	sst s10  }
0x35: {  	s10 =	sld [smem:$0x3FA4];
	_ =	sdelay $0x3  }
0x36: {  	p1 =	seq.s32 s10, $0x1;
	s10 =	sld [smem:$0x3FA5];
	_ =	sdelay $0x3  }
0x37: {  	[smem:$0x3FA5] =	sst s10  }
0x38: {  	s10 =	sld [smem:$0x3FA6]  }
0x39: {  	_ = 	snop;
	(pc) =	sbr.ind lr, $3  }
0x3a: {  	_ = 	snop  }
0x3b: {  	_ = 	snop  }
0x3c: {  	p2 =	seq.s32 s10, $0x1;
	s10 =	sld [smem:$0x3FA5]  }
0x3d: {  	_ =	shalt  }
0x3e: {  	_ =	shalt  }
0x3f: {  	_ =	shalt  }
0x40: {  	_ =	shalt  }
0x41: {  	_ =	shalt  }
0x42: {  	_ =	shalt  }
0x43: {  	_ =	shalt  }
0x44: {  	_ =	shalt  }
0x45: {  	_ =	shalt  }
0x46: {  	_ =	shalt  }
0x47: {  	_ =	shalt  }
0x48: {  	_ =	shalt  }
0x49: {  	_ =	shalt  }
0x4a: {  	_ =	shalt  }
0x4b: {  	_ =	shalt  }
0x4c: {  	_ =	shalt  }
0x4d: {  	_ =	shalt  }
0x4e: {  	_ =	shalt  }
0x4f: {  	_ =	shalt  }
0x50: {  	_ =	shalt  }
0x51: {  	_ =	shalt  }
0x52: {  	_ =	shalt  }
0x53: {  	_ =	shalt  }
0x54: {  	_ =	shalt  }
0x55: {  	_ =	shalt  }
0x56: {  	_ =	shalt  }
0x57: {  	_ =	shalt  }
0x58: {  	_ =	shalt  }
0x59: {  	_ =	shalt  }
0x5a: {  	_ =	shalt  }
0x5b: {  	_ =	shalt  }
0x5c: {  	_ =	shalt  }
0x5d: {  	_ =	shalt  }
0x5e: {  	_ =	shalt  }
0x5f: {  	_ =	shalt  }
0x60: {  	_ =	shalt  }
0x61: {  	_ =	shalt  }
0x62: {  	_ =	shalt  }
0x63: {  	_ =	shalt  }
0x64: {  	_ =	shalt  }
0x65: {  	_ =	shalt  }
0x66: {  	_ =	shalt  }
0x67: {  	_ =	shalt  }
0x68: {  	_ =	shalt  }
0x69: {  	_ =	shalt  }
0x6a: {  	_ =	shalt  }
0x6b: {  	_ =	shalt  }
0x6c: {  	_ =	shalt  }
0x6d: {  	_ =	shalt  }
0x6e: {  	_ =	shalt  }
0x6f: {  	_ =	shalt  }
0x70: {  	_ =	shalt  }
0x71: {  	_ =	shalt  }
0x72: {  	_ =	shalt  }
0x73: {  	_ =	shalt  }
0x74: {  	_ =	shalt  }
0x75: {  	_ =	shalt  }
0x76: {  	_ =	shalt  }
0x77: {  	_ =	shalt  }
0x78: {  	_ =	shalt  }
0x79: {  	_ =	shalt  }
0x7a: {  	_ =	shalt  }
0x7b: {  	_ =	shalt  }
0x7c: {  	_ =	shalt  }
0x7d: {  	_ =	shalt  }
0x7e: {  	_ =	shalt  }
0x7f: {  	_ =	shalt  }
0x80: {  	_ =	shalt  }
0x81: {  	_ =	shalt  }
0x82: {  	_ =	shalt  }
0x83: {  	_ =	shalt  }
0x84: {  	_ =	shalt  }
0x85: {  	_ =	shalt  }
0x86: {  	_ =	shalt  }
0x87: {  	_ =	shalt  }
.Lfunc_end0:
.L_simem_size_0:
called_computation.1_lowered:
.L_overlay_start_0:
0x88: {  	s2 =	sld [smem:$0x3FD9]  }
0x89: {  	s3 =	sld [smem:$0x3FFE];
	_ =	sdelay $0x1  }
0x8a: {  	s1 =	srdreg.scid  }
0x8b: {  	s0 =	sand.u32 $0x1, s1  }
0x8c: {  	s16 =	sshll.u32 s0, $0xA;
	s2 =	sadd.s32 s3, s2  }
0x8d: {  	s2 =	sadd.s32 s2, s16  }
0x8e: {  	[smem:$0x3FB1] =	sst s2  }
0x8f: {  	_ = 	snop  }
0x90: {  	(tm) =	ssettm $0x1  }
0x91: {  	s17 =	sld [smem:$0x3FFB];
	_ =	sdelay $0x3  }
0x92: {  	_ =	strace s17  }
0x93: {  	s2 =	sld [smem:$0x3FFC];
	_ =	sdelay $0x3  }
0x94: {  	_ =	strace s2  }
0x95: {  	s2 =	sld [smem:$0x3FFD];
	_ =	sdelay $0x3  }
0x96: {  	_ =	strace s2  }
0x97: {  	_ =	strace $0x8FFFFFFF  }
0x98: {  	s18 =	sld [smem:$0x3FDB];
	_ =	sdelay $0x1  }
0x99: {  	s19 =	simm.s32 $_scs_section_size  }
0x9a: {  	s4 =	simm.s32 $_size__tile_overlayer_lowered;
	s5 =	simm.s32 $_tile_overlayer_lowered  }
0x9b: {  	s22 =	simm.s32 $0x1BFF;
	s21 =	sshll.u32 s5, $0x1;
	s2 =	sadd.s32 s19, s18  }
0x9c: {  	s6 =	simm.s32 $0x0;
	s20 =	sshll.u32 s4, $0x1;
	s4 =	sadd.s32 s21, s2  }
0x9d: {  	[timem:s6], [sflag:s22] =	dma.local [hbm:s4], s20  }
0x9e: {  	_ =	swait.ge [sflag:s22], s20  }
0x9f: {  	s3 =	ssub.s32 $0x0, s20;
	[sflag:s22] =	ssyncset.done $0x0  }
0xa0: {  	[sflag:s22] =	ssyncadd.s32 s3;
	_ =	sdelay $0x1  }
0xa1: {  	s23 =	simm.s32 $0x1B8B  }
0xa2: {  	_ =	swait.ge [sflag:s23], $0x1  }
0xa3: {  	[sflag:s23] =	ssyncset.done $0x0  }
0xa4: {  	s25 =	simm.s32 $0x1B8E;
	s24 =	sld [smem:$0x3FFE];
	[sflag:s23] =	ssyncadd.s32 $0xFFFFFFFF  }
0xa5: {  	s26 =	simm.s32 $execute0_lowered;
	[smem:$0x3FD2] =	sst s25  }
0xa6: {  	s4 =	sshll.u32 s26, $0x1;
	_ =	strace $0x80000049;
	[dreg:$0x1] =	wrdreg $0xFFFFFFFF  }
0xa7: {  	s28 =	simm.s32 $_size_execute0_lowered;
	s2 =	sadd.s32 s2, s4;
	[dreg:$0x0] =	wrdreg $0x0  }
0xa8: {  	s4 =	sshll.u32 s28, $0x1;
	[dreg:$0x2] =	wrdreg s2  }
0xa9: {  	[dreg:$0x3] =	wrdreg s4  }
0xaa: {  	[dreg:$0x4] =	wrdreg $0xC0  }
0xab: {  	_ =	task [dreg:s6], $0x5FFFF  }
0xac: {  	[dreg:$0x1] =	wrdreg $0xFFFFFFFF  }
0xad: {  	[dreg:$0x0] =	wrdreg $0x60  }
0xae: {  	[dreg:$0x2] =	wrdreg s24  }
0xaf: {  	[dreg:$0x3] =	wrdreg $0x84000  }
0xb0: {  	[dreg:$0x4] =	wrdreg $0x9  }
0xb1: {  	_ =	task.clear_ibuf [dreg:s6], $0x5FFFF;
	_ =	strace $0x90000049  }
0xb2: {  	s29 =	simm.s32 $0x9;
	_ =	strace $0x8000004B  }
0xb3: {  	_ =	swait.ge [sflag:s29], $0x1  }
0xb4: {  	[sflag:s29] =	ssyncadd.s32 $0xFFFFFFFF  }
0xb5: {  	_ =	strace $0x9000004B  }
0xb6: {  	_ =	sfence  }
0xb7: {  	s30 =	sld [smem:$0x0];
	_ =	sdelay $0x2  }
0xb8: {  	s31 =	sshll.u32 s1, $0xD;
	s1 =	sshrl.u32 s1, $0x2  }
0xb9: {  	s3 =	sand.u32 $0x4000, s31;
	s1 =	sadd.s32 s1, s30  }
0xba: {  	s0 =	sor.u32 s3, s0;
	s1 =	sshll.u32 s1, $0x11  }
0xbb: {  	s0 =	sor.u32 s1, s0  }
0xbc: {  	s0 =	sadd.s32 $0x8F2B, s0  }
0xbd: {  	[sflag:s0] =	ssyncadd.remote.s32 $0x1  }
0xbe: {  	_ =	sfence.sel $0xFFFF  }
0xbf: {  	[dreg:$0x0] =	wrdreg $0xFFFFFFFF;
	(pc) =	sbr.abs _section_cstart, $3  }
0xc0: {  	[dreg:$0x1] =	wrdreg $0xFFFFFFFF  }
0xc1: {  	_ =	task.clear_ibuf [dreg:s6], $0x2FFFF;
	_ =	strace $0x9FFFFFFF  }
0xc2: {  	(tm) =	ssettm $0x7FFFFFFF  }
0xc3: {  	_ =	shalt  }
tec
execute0_lowered:
.L_overlay_start_1:
0x0: {  	(tag) =	ssettag $0x1  }
0x1: {  	s0 =	rddreg [dreg:$0x0]  }
0x2: {  	s2 =	rddreg [dreg:$0x1];
	s3 =	simm.s32 $0x0;
	s13 =	stileid.u32  }
0x3: {  	s1 =	srdreg.scid;
	s28 =	simm.s32 $0x280;
	s29 =	simm.s32 $0x100  }
0x4: {  	s30 =	simm.s32 $0x300;
	s31 =	simm.s32 $0x1;
	[smem:$0x7FF] =	sst s3  }
0x5: {  	s5 =	smul.u32 $0x13C00, s13;
	s1 =	sand.u32 $0x1, s1;
	s4 =	sadd.s32 $0x3FC00, s0  }
0x6: {  	s8 =	sadd.s32 $0x4400, s0;
	s9 =	sadd.s32 $0xE400, s0;
	s10 =	smul.u32 $0x2800, s13  }
0x7: {  	s12 =	smul.u32 $0x4F000, s13;
	s16 =	sshll.u32 s13, $0x6;
	_ =	strace $0x8000004A  }
0x8: {  	s6 =	smul.u32 $0x13C000, s1;
	s26 =	ssub.s32 $0x2, s1;
	p0 =	seq.s32 s1, $0x0  }
0x9: {  	s7 =	sshrl.u32 s5, $0x3;
	s11 =	sshrl.u32 s26, $0x1;
	s1 =	sadd.s32 $0x28000, s10  }
0xa: {  	s15 =	sshrl.u32 s12, $0x2;
	s5 =	sadd.s32 s5, s6;
	s7 =	sadd.s32 s7, s0  }
0xb: {  	s14 =	ssub.s32 s26, s11;
	s1 =	smov.u32 @p0 s10;
	s6 =	sadd.s32 s15, s2  }
0xc: {  	s10 =	simm.s32 $0x0;
	s5 =	sshrl.u32 s5, $0x3;
	[dreg:$0x3] =	wrdreg s6  }
0xd: {  	s7 =	sadd.s32 $0x18400, s7;
	s1 =	sshrl.u32 s1, $0x3;
	s23 =	smax.u32 s14, $0x1  }
0xe: {  	s0 =	sadd.s32 s5, s0;
	[dreg:$0x4] =	wrdreg s7;
	s7 =	sor.u32 $0x1C04, s16  }
0xf: {  	s17 =	sadd.s32 s8, s1;
	s18 =	sadd.s32 s9, s1;
	s19 =	sor.u32 $0x10, s1  }
0x10: {  	s21 =	sor.u32 $0x20, s1;
	[dreg:$0xc] =	wrdreg s23;
	s24 =	sor.u32 $0x60, s1  }
0x11: {  	s25 =	sor.u32 $0x50, s1;
	s26 =	sor.u32 $0x40, s1;
	[dreg:$0x5] =	wrdreg s17  }
0x12: {  	s1 =	sor.u32 $0x30, s1;
	s5 =	simm.s32 $0x4400;
	[dreg:$0x6] =	wrdreg s18  }
0x13: {  	s20 =	sadd.s32 s8, s19;
	s6 =	sadd.s32 s9, s19;
	s22 =	sadd.s32 s8, s21  }
0x14: {  	s0 =	sadd.s32 $0x66E00, s0;
	s16 =	sadd.s32 s24, s9;
	s17 =	sadd.s32 s24, s8  }
0x15: {  	s18 =	sadd.s32 s25, s9;
	s19 =	sadd.s32 s25, s8;
	[dreg:$0x7] =	wrdreg s20  }
0x16: {  	s23 =	sadd.s32 s1, s8;
	s24 =	simm.s32 $0x4;
	[dreg:$0x8] =	wrdreg s6  }
.Ltmp0:
0x17: {  	s25 =	simm.s32 $0x200;
	[dreg:$0x9] =	wrdreg s22;
	(pc) =	sbr.rel .LBB2_1-.Ltmp0, $4  }
0x18: {  	s6 =	sadd.s32 s9, s21;
	[dreg:$0xb] =	wrdreg s0;
	s20 =	sadd.s32 s26, s9  }
0x19: {  	s21 =	sadd.s32 s26, s8;
	s22 =	sadd.s32 s1, s9;
	s26 =	simm.s32 $0x80  }
0x1a: {  	s0 =	simm.s32 $0x400;
	s1 =	simm.s32 $0x2;
	s8 =	simm.s32 $0x380  }
0x1b: {  	s9 =	simm.s32 $0x3;
	[dreg:$0xa] =	wrdreg s6;
	s6 =	simm.s32 $0x180  }
.LBB2_4:
0x1c: {  	_ =	swait.ge [sflag:s1], $0x4000  }
0x1d: {  	[sflag:s1] =	ssyncset.done $0x0  }
0x1e: {  	[sflag:s1] =	ssyncadd.s32 $0xFFFFC000  }
0x1f: {  	[spmem:s2] =	stream.indirect.scatter.add.f32 [tilespmem:s5], [sflag:$0x3], $0x80, s8, s26, $0xb8;
	[tilespmem:$0x1C000] =	vst v63  }
0x20: {  	_ =	swait.ge [sflag:s9], $0x4000  }
0x21: {  	[sflag:s9] =	ssyncset.done $0x0  }
0x22: {  	[sflag:s9] =	ssyncadd.s32 $0xFFFFC000  }
0x23: {  	_ =	swait.ge [sflag:s9], $0x4000  }
0x24: {  	[sflag:s9] =	ssyncset.done $0x0  }
0x25: {  	[sflag:s9] =	ssyncadd.s32 $0xFFFFC000  }
0x26: {  	[bflag:$0x0] =	sbarrier.arrive $0xFFFF  }
0x27: {  	s12 =	rddreg [dreg:$0xb]  }
0x28: {  	[hbm:s12], [sflag:s7] =	dma.local [spmem:s11], $0x2780  }
0x29: {  	_ =	swait.ge [sflag:s24], $0x2780  }
0x2a: {  	s10 =	sadd.s32 $0x1, s10;
	s15 =	rddreg [dreg:$0xc]  }
0x2b: {  	p0 =	sne.s32 s10, s15  }
.Ltmp1:
0x2c: {  	_ = 	snop;
	(pc) =	sbr.rel @!p0 .LBB2_5-.Ltmp1, $3  }
0x2d: {  	_ =	sdelay $0x1  }
0x2e: {  	[sflag:s24] =	ssyncset.done $0x0  }
0x2f: {  	[sflag:s24] =	ssyncadd.s32 $0xFFFFD880  }
.LBB2_1:
0x30: {  	s11 =	rddreg [dreg:$0x3]  }
0x31: {  	s12 =	rddreg [dreg:$0x4];
	s11 =	sshrl.u32 s11, $0x3  }
0x32: {  	[spmem:s11], [sflag:s7] =	dma.local [hbm:s12], $0x2780  }
0x33: {  	_ =	swait.ge [sflag:s24], $0x2780  }
0x34: {  	[sflag:s24] =	ssyncset.done $0x0  }
0x35: {  	[sflag:s24] =	ssyncadd.s32 $0xFFFFD880  }
0x36: {  	[bflag:$0x0] =	sbarrier.arrive $0xFFFF  }
0x37: {  	s13 =	rddreg [dreg:$0x5]  }
0x38: {  	[tilespmem:s3], [sflag:$0x1] =	stream.linear.gather [hbm4b:s13+s3], $0x80, $0x38;
	[tilespmem:$0x1C000] =	vst v63  }
0x39: {  	s14 =	rddreg [dreg:$0x6]  }
0x3a: {  	[tilespmem:s25], [sflag:$0x1] =	stream.linear.gather [hbm4b:s14+s3], $0x80, $0x38;
	[tilespmem:$0x1C000] =	vst v63  }
0x3b: {  	s15 =	rddreg [dreg:$0x7]  }
0x3c: {  	[tilespmem:s26], [sflag:$0x1] =	stream.linear.gather [hbm4b:s15+s3], $0x80, $0x38;
	[tilespmem:$0x1C000] =	vst v63  }
0x3d: {  	s13 =	rddreg [dreg:$0x8]  }
0x3e: {  	[tilespmem:s28], [sflag:$0x1] =	stream.linear.gather [hbm4b:s13+s3], $0x80, $0x38;
	[tilespmem:$0x1C000] =	vst v63  }
0x3f: {  	s14 =	rddreg [dreg:$0x9]  }
0x40: {  	[tilespmem:s29], [sflag:$0x1] =	stream.linear.gather [hbm4b:s14+s3], $0x80, $0x38;
	[tilespmem:$0x1C000] =	vst v63  }
0x41: {  	s15 =	rddreg [dreg:$0xa]  }
0x42: {  	[tilespmem:s30], [sflag:$0x1] =	stream.linear.gather [hbm4b:s15+s3], $0x80, $0x38;
	[tilespmem:$0x1C000] =	vst v63  }
0x43: {  	_ =	swait.ge [sflag:s31], $0x80  }
0x44: {  	[sflag:s31] =	ssyncset.done $0x0  }
0x45: {  	[sflag:s31] =	ssyncadd.s32 $0xFFFFFF80  }
0x46: {  	_ =	swait.ge [sflag:s31], $0x80  }
0x47: {  	[sflag:s31] =	ssyncset.done $0x0  }
0x48: {  	s12 =	simm.s32 $0x0;
	[sflag:s31] =	ssyncadd.s32 $0xFFFFFF80  }
0x49: {  	[tilespmem:s0], [sflag:$0x2] =	stream.indirect.gather [hbm4b:s4+s26], $0x80, s3, s26, $0xb8;
	[tilespmem:$0x1C000] =	vst v63  }
.LBB2_2:
0x4a: {  	_ =	swait.ge [sflag:s1], $0x4000  }
0x4b: {  	p0 =	seq.s32 s12, $0x0;
	[sflag:s1] =	ssyncset.done $0x0  }
0x4c: {  	s13 =	simm.s32 @!p0 $0x3;
	[sflag:s1] =	ssyncadd.s32 $0xFFFFC000  }
0x4d: {  	[spmem:s2] =	stream.indirect.scatter.add.f32 [tilespmem:s0], [sflag:$0x3], $0x80, s25, s26, $0xb8;
	[tilespmem:$0x1C000] =	vst v63  }
0x4e: {  	_ =	swait.ge @!p0 [sflag:s13], $0x4000  }
0x4f: {  	[sflag:s13] =	ssyncset.done @!p0 $0x0  }
0x50: {  	[sflag:s13] =	ssyncadd.s32 @!p0 $0xFFFFC000  }
0x51: {  	_ =	swait.ge [sflag:s31], $0x80  }
0x52: {  	[sflag:s31] =	ssyncset.done $0x0  }
0x53: {  	[sflag:s31] =	ssyncadd.s32 $0xFFFFFF80  }
0x54: {  	_ =	swait.ge [sflag:s31], $0x80  }
0x55: {  	[sflag:s31] =	ssyncset.done $0x0  }
0x56: {  	[sflag:s31] =	ssyncadd.s32 $0xFFFFFF80  }
0x57: {  	[tilespmem:s5], [sflag:$0x2] =	stream.indirect.gather [hbm4b:s4+s26], $0x80, s26, s26, $0xb8;
	[tilespmem:$0x1C000] =	vst v63  }
0x58: {  	s14 =	sadd.s32 s12, s23  }
0x59: {  	[tilespmem:s6], [sflag:$0x1] =	stream.linear.gather [hbm4b:s14+s3], $0x80, $0x38;
	[tilespmem:$0x1C000] =	vst v63  }
0x5a: {  	s15 =	sadd.s32 s12, s22  }
0x5b: {  	[tilespmem:s8], [sflag:$0x1] =	stream.linear.gather [hbm4b:s15+s3], $0x80, $0x38;
	[tilespmem:$0x1C000] =	vst v63  }
0x5c: {  	_ =	swait.ge [sflag:s1], $0x4000  }
0x5d: {  	[sflag:s1] =	ssyncset.done $0x0  }
0x5e: {  	[sflag:s1] =	ssyncadd.s32 $0xFFFFC000  }
0x5f: {  	[spmem:s2] =	stream.indirect.scatter.add.f32 [tilespmem:s5], [sflag:$0x3], $0x80, s28, s26, $0xb8;
	[tilespmem:$0x1C000] =	vst v63  }
0x60: {  	_ =	swait.ge [sflag:s9], $0x4000  }
0x61: {  	[sflag:s9] =	ssyncset.done $0x0  }
0x62: {  	[sflag:s9] =	ssyncadd.s32 $0xFFFFC000  }
0x63: {  	_ =	swait.ge [sflag:s31], $0x80  }
0x64: {  	[sflag:s31] =	ssyncset.done $0x0  }
0x65: {  	[sflag:s31] =	ssyncadd.s32 $0xFFFFFF80  }
0x66: {  	_ =	swait.ge [sflag:s31], $0x80  }
0x67: {  	[sflag:s31] =	ssyncset.done $0x0  }
0x68: {  	p0 =	seq.s32 s12, $0x4C0;
	[sflag:s31] =	ssyncadd.s32 $0xFFFFFF80  }
0x69: {  	[tilespmem:s0], [sflag:$0x2] =	stream.indirect.gather [hbm4b:s4+s26], $0x80, s29, s26, $0xb8;
	[tilespmem:$0x1C000] =	vst v63  }
0x6a: {  	s13 =	sadd.s32 @!p0 s12, s21;
	s14 =	simm.s32 @!p0 $0x0  }
0x6b: {  	[tilespmem:s14], [sflag:$0x1] =	stream.linear.gather @!p0 [hbm4b:s13+s14], $0x80, $0x38;
	[tilespmem:$0x1C000] =	vst v63  }
0x6c: {  	s15 =	simm.s32 @!p0 $0x200;
	s13 =	sadd.s32 @!p0 s12, s20  }
0x6d: {  	[tilespmem:s15], [sflag:$0x1] =	stream.linear.gather @!p0 [hbm4b:s13+s14], $0x80, $0x38;
	[tilespmem:$0x1C000] =	vst v63  }
0x6e: {  	_ =	swait.ge [sflag:s1], $0x4000  }
0x6f: {  	[sflag:s1] =	ssyncset.done $0x0  }
0x70: {  	[sflag:s1] =	ssyncadd.s32 $0xFFFFC000  }
0x71: {  	[spmem:s2] =	stream.indirect.scatter.add.f32 [tilespmem:s0], [sflag:$0x3], $0x80, s30, s26, $0xb8;
	[tilespmem:$0x1C000] =	vst v63  }
0x72: {  	_ =	swait.ge [sflag:s9], $0x4000  }
0x73: {  	[sflag:s9] =	ssyncset.done $0x0  }
0x74: {  	[sflag:s9] =	ssyncadd.s32 $0xFFFFC000  }
0x75: {  	_ =	swait.ge [sflag:s31], $0x80  }
0x76: {  	[sflag:s31] =	ssyncset.done $0x0  }
.Ltmp2:
0x77: {  	[sflag:s31] =	ssyncadd.s32 $0xFFFFFF80;
	(pc) =	sbr.rel @p0 .LBB2_4-.Ltmp2, $4  }
0x78: {  	_ =	swait.ge [sflag:s31], $0x80  }
0x79: {  	[sflag:s31] =	ssyncset.done $0x0  }
0x7a: {  	[sflag:s31] =	ssyncadd.s32 $0xFFFFFF80  }
0x7b: {  	[tilespmem:s5], [sflag:$0x2] =	stream.indirect.gather [hbm4b:s4+s26], $0x80, s6, s26, $0xb8;
	[tilespmem:$0x1C000] =	vst v63  }
0x7c: {  	s13 =	sadd.s32 s12, s19  }
0x7d: {  	[tilespmem:s26], [sflag:$0x1] =	stream.linear.gather [hbm4b:s13+s3], $0x80, $0x38;
	[tilespmem:$0x1C000] =	vst v63  }
0x7e: {  	s15 =	sadd.s32 s12, s18  }
0x7f: {  	[tilespmem:s28], [sflag:$0x1] =	stream.linear.gather [hbm4b:s15+s3], $0x80, $0x38;
	[tilespmem:$0x1C000] =	vst v63  }
0x80: {  	_ =	swait.ge [sflag:s1], $0x4000  }
0x81: {  	[sflag:s1] =	ssyncset.done $0x0  }
0x82: {  	[sflag:s1] =	ssyncadd.s32 $0xFFFFC000  }
0x83: {  	[spmem:s2] =	stream.indirect.scatter.add.f32 [tilespmem:s5], [sflag:$0x3], $0x80, s8, s26, $0xb8;
	[tilespmem:$0x1C000] =	vst v63  }
0x84: {  	_ =	swait.ge [sflag:s9], $0x4000  }
0x85: {  	[sflag:s9] =	ssyncset.done $0x0  }
0x86: {  	[sflag:s9] =	ssyncadd.s32 $0xFFFFC000  }
0x87: {  	_ =	swait.ge [sflag:s31], $0x80  }
0x88: {  	[sflag:s31] =	ssyncset.done $0x0  }
0x89: {  	[sflag:s31] =	ssyncadd.s32 $0xFFFFFF80  }
0x8a: {  	_ =	swait.ge [sflag:s31], $0x80  }
0x8b: {  	[sflag:s31] =	ssyncset.done $0x0  }
0x8c: {  	[sflag:s31] =	ssyncadd.s32 $0xFFFFFF80  }
0x8d: {  	[tilespmem:s0], [sflag:$0x2] =	stream.indirect.gather [hbm4b:s4+s26], $0x80, s3, s26, $0xb8;
	[tilespmem:$0x1C000] =	vst v63  }
.Ltmp3:
0x8e: {  	_ = 	snop;
	(pc) =	sbr.rel .LBB2_2-.Ltmp3, $4  }
0x8f: {  	s14 =	sadd.s32 s12, s17  }
0x90: {  	[tilespmem:s29], [sflag:$0x1] =	stream.linear.gather [hbm4b:s14+s3], $0x80, $0x38;
	[tilespmem:$0x1C000] =	vst v63  }
0x91: {  	s15 =	sadd.s32 s12, s16;
	s12 =	sadd.s32 $0x40, s12  }
0x92: {  	[tilespmem:s30], [sflag:$0x1] =	stream.linear.gather [hbm4b:s15+s3], $0x80, $0x38;
	[tilespmem:$0x1C000] =	vst v63  }
.LBB2_5:
0x93: {  	_ =	sfence.sel $0x180000  }
0x94: {  	[bflag:$0x0] =	sbarrier.arrive $0xFFFF  }
0x95: {  	_ =	strace $0x9000004A  }
0x96: {  	s0 =	stileid.u32;
	[bflag:$0x2] =	sbarrier.arrive $0xFFFF  }
0x97: {  	p0 =	sne.s32 s0, $0x0;
	s0 =	rddreg [dreg:$0x2]  }
0x98: {  	s0 =	sadd.s32 @!p0 $0x100000, s0  }
0x99: {  	[sflag:s0] =	ssyncadd.tile.s32 @!p0 $0x1;
	_ =	shalt  }
.Lfunc_end2:
_tile_overlayer_lowered:
.L_overlay_start_2:
0x9a: {  	(tag) =	ssettag $0x2  }
0x9b: {  	s0 =	rddreg [dreg:$0x0];
	s2 =	stileid.u32  }
0x9c: {  	s1 =	rddreg [dreg:$0x1];
	p0 =	sne.s32 s2, $0x0  }
0x9d: {  	s3 =	rddreg [dreg:$0x2];
	[bflag:$0x3] =	sbarrier.arrive $0xFFFF;
	s2 =	simm.s32 @!p0 $0x1C04  }
0x9e: {  	[timem:s3], [sflag:s2] =	dma.local @!p0 [hbm:s0], s1  }
0x9f: {  	s0 =	simm.s32 @!p0 $0x4  }
0xa0: {  	_ =	swait.ge @!p0 [sflag:s0], s1  }
0xa1: {  	s1 =	ssub.s32 @!p0 $0x0, s1;
	[sflag:s0] =	ssyncset.done @!p0 $0x0  }
0xa2: {  	[sflag:s0] =	ssyncadd.s32 @!p0 s1  }
0xa3: {  	[bflag:$0x3] =	sbarrier.arrive $0xFFFF  }
0xa4: {  	_ =	shalt  }

// kernel: kernel.14.cloned.1.call-start
scs
__scs_entry_jumppad:
0x0: {  	(pc) =	sbr.rel $0x88, $3  }
0x1: {  	(tag) =	ssettag $0x0;
	lr =	simm.s32 $0x1  }
0x2: {  	[smem:$0x3F8A] =	sst lr;
	_ =	strace $0xD0000000  }
0x3: {  	_ = 	snop  }
0x4: {  	_ = 	snop  }
0x5: {  	_ = 	snop  }
0x6: {  	_ = 	snop  }
0x7: {  	_ = 	snop  }
__scs_overlays_trampoline_lowered:
0x8: {  	[smem:$0x3F99] =	sst s0  }
0x9: {  	[smem:$0x3F9A] =	sst s1  }
0xa: {  	[smem:$0x3F9B] =	sst s2  }
0xb: {  	[smem:$0x3F9C] =	sst s3  }
0xc: {  	[smem:$0x3F9D] =	sst s4  }
0xd: {  	[smem:$0x3F9E] =	sst s5  }
0xe: {  	[smem:$0x3F9F] =	sst s6  }
0xf: {  	[smem:$0x3FA0] =	sst s7  }
0x10: {  	[smem:$0x3FA1] =	sst s8  }
0x11: {  	[smem:$0x3FA2] =	sst s9;
	s0 =	simm.s32 @!p0 $0x0  }
0x12: {  	s1 =	sld [smem:$0x3F88];
	s0 =	simm.s32 @p0 $0x1  }
0x13: {  	[smem:$0x3FA3] =	sst s0;
	s0 =	simm.s32 @!p1 $0x0  }
0x14: {  	s2 =	sld [smem:$0x3F87];
	s0 =	simm.s32 @p1 $0x1  }
0x15: {  	[smem:$0x3FA4] =	sst s0;
	s0 =	simm.s32 @!p2 $0x0  }
0x16: {  	s3 =	sld [smem:$0x3FDB];
	s0 =	simm.s32 @p2 $0x1  }
0x17: {  	s4 =	simm.s32 $0x1BF5;
	[smem:$0x3FA6] =	sst s0  }
0x18: {  	s0 =	sld [smem:$0x3F89];
	_ =	swait.ge [sflag:s4], $0x0  }
0x19: {  	s7 =	sld [smem:$0x3F8A]  }
0x1a: {  	s8 =	sadd.s32 $0xFFFFE003, lr  }
0x1b: {  	s9 =	sadd.s32 $0xFFFFFEF7, lr;
	s5 =	simm.s32 $0xFFFFFFFF;
	p2 =	slt.u32 s8, $0xFFFFF086  }
0x1c: {  	p1 =	slt.u32 s9, $0xF7A;
	s5 =	simm.s32 @!p2 $0x0  }
0x1d: {  	s5 =	simm.s32 @p1 $0x1;
	p0 =	seq.s32 s7, s2  }
0x1e: {  	s7 =	smul.u32 @!p0 $0xF7A, s2;
	p2 =	seq.s32 @!p0 s5, $0x0  }
0x1f: {  	s9 =	smul.u32 $0xF7A, s1;
	s8 =	simm.s32 @!p0 $0x1BF5;
	p2 =	por !p2, p0  }
0x20: {  	[sflag:s8] =	ssyncset.s32 @!p0 $0xFFFFF086;
	s6 =	sadd.s32 @!p0 s3, s7;
	s7 =	simm.s32 @!p0 $0x108  }
0x21: {  	s3 =	sadd.s32 s3, s9;
	s6 =	sadd.s32 @!p0 $0x88, s6;
	s7 =	simm.s32 @p2 $0x1082  }
0x22: {  	[simem:s7], [sflag:s8] =	dma.local @!p0 [hbm:s6], $0xF7A  }
0x23: {  	s9 =	sor.u32 $0xD0000000, s2;
	s6 =	simm.s32 $0x108;
	_ =	swait.ge @!p0 [sflag:s8], $0x0  }
0x24: {  	s3 =	sadd.s32 $0x88, s3;
	s6 =	simm.s32 @!p1 $0x1082;
	[sflag:s4] =	ssyncset.s32 $0xFFFFF086  }
0x25: {  	[simem:s6], [sflag:s4] =	dma.local [hbm:s3], $0xF7A  }
0x26: {  	[smem:$0x3F8A] =	sst s1;
	(tag) =	ssettag s2;
	_ =	strace s9  }
0x27: {  	s1 =	sld [smem:$0x3F9A]  }
0x28: {  	s2 =	sld [smem:$0x3F9B]  }
0x29: {  	s4 =	sld [smem:$0x3F9D]  }
0x2a: {  	p0 =	seq.s32 s5, $0x0;
	s5 =	sld [smem:$0x3F9E]  }
0x2b: {  	s6 =	sld [smem:$0x3F9F]  }
0x2c: {  	s7 =	sld [smem:$0x3FA0]  }
0x2d: {  	s3 =	simm.s32 $0x108;
	s8 =	sld [smem:$0x3FA1]  }
0x2e: {  	s3 =	simm.s32 @!p0 $0x1082;
	s9 =	sld [smem:$0x3FA2]  }
0x2f: {  	lr =	sadd.s32 s0, s3;
	s0 =	sld [smem:$0x3F99]  }
0x30: {  	s3 =	sld [smem:$0x3F9C]  }
0x31: {  	[smem:$0x3FA5] =	sst s10  }
0x32: {  	s10 =	sld [smem:$0x3FA3];
	_ =	sdelay $0x3  }
0x33: {  	p0 =	seq.s32 s10, $0x1;
	s10 =	sld [smem:$0x3FA5];
	_ =	sdelay $0x3  }
0x34: {  	[smem:$0x3FA5] =	sst s10  }
0x35: {  	s10 =	sld [smem:$0x3FA4];
	_ =	sdelay $0x3  }
0x36: {  	p1 =	seq.s32 s10, $0x1;
	s10 =	sld [smem:$0x3FA5];
	_ =	sdelay $0x3  }
0x37: {  	[smem:$0x3FA5] =	sst s10  }
0x38: {  	s10 =	sld [smem:$0x3FA6]  }
0x39: {  	_ = 	snop;
	(pc) =	sbr.ind lr, $3  }
0x3a: {  	_ = 	snop  }
0x3b: {  	_ = 	snop  }
0x3c: {  	p2 =	seq.s32 s10, $0x1;
	s10 =	sld [smem:$0x3FA5]  }
0x3d: {  	_ =	shalt  }
0x3e: {  	_ =	shalt  }
0x3f: {  	_ =	shalt  }
0x40: {  	_ =	shalt  }
0x41: {  	_ =	shalt  }
0x42: {  	_ =	shalt  }
0x43: {  	_ =	shalt  }
0x44: {  	_ =	shalt  }
0x45: {  	_ =	shalt  }
0x46: {  	_ =	shalt  }
0x47: {  	_ =	shalt  }
0x48: {  	_ =	shalt  }
0x49: {  	_ =	shalt  }
0x4a: {  	_ =	shalt  }
0x4b: {  	_ =	shalt  }
0x4c: {  	_ =	shalt  }
0x4d: {  	_ =	shalt  }
0x4e: {  	_ =	shalt  }
0x4f: {  	_ =	shalt  }
0x50: {  	_ =	shalt  }
0x51: {  	_ =	shalt  }
0x52: {  	_ =	shalt  }
0x53: {  	_ =	shalt  }
0x54: {  	_ =	shalt  }
0x55: {  	_ =	shalt  }
0x56: {  	_ =	shalt  }
0x57: {  	_ =	shalt  }
0x58: {  	_ =	shalt  }
0x59: {  	_ =	shalt  }
0x5a: {  	_ =	shalt  }
0x5b: {  	_ =	shalt  }
0x5c: {  	_ =	shalt  }
0x5d: {  	_ =	shalt  }
0x5e: {  	_ =	shalt  }
0x5f: {  	_ =	shalt  }
0x60: {  	_ =	shalt  }
0x61: {  	_ =	shalt  }
0x62: {  	_ =	shalt  }
0x63: {  	_ =	shalt  }
0x64: {  	_ =	shalt  }
0x65: {  	_ =	shalt  }
0x66: {  	_ =	shalt  }
0x67: {  	_ =	shalt  }
0x68: {  	_ =	shalt  }
0x69: {  	_ =	shalt  }
0x6a: {  	_ =	shalt  }
0x6b: {  	_ =	shalt  }
0x6c: {  	_ =	shalt  }
0x6d: {  	_ =	shalt  }
0x6e: {  	_ =	shalt  }
0x6f: {  	_ =	shalt  }
0x70: {  	_ =	shalt  }
0x71: {  	_ =	shalt  }
0x72: {  	_ =	shalt  }
0x73: {  	_ =	shalt  }
0x74: {  	_ =	shalt  }
0x75: {  	_ =	shalt  }
0x76: {  	_ =	shalt  }
0x77: {  	_ =	shalt  }
0x78: {  	_ =	shalt  }
0x79: {  	_ =	shalt  }
0x7a: {  	_ =	shalt  }
0x7b: {  	_ =	shalt  }
0x7c: {  	_ =	shalt  }
0x7d: {  	_ =	shalt  }
0x7e: {  	_ =	shalt  }
0x7f: {  	_ =	shalt  }
0x80: {  	_ =	shalt  }
0x81: {  	_ =	shalt  }
0x82: {  	_ =	shalt  }
0x83: {  	_ =	shalt  }
0x84: {  	_ =	shalt  }
0x85: {  	_ =	shalt  }
0x86: {  	_ =	shalt  }
0x87: {  	_ =	shalt  }
.Lfunc_end0:
.L_simem_size_0:
called_computation.2_lowered:
.L_overlay_start_0:
0x88: {  	s2 =	sld [smem:$0x3FD9]  }
0x89: {  	s3 =	sld [smem:$0x3FFE];
	_ =	sdelay $0x1  }
0x8a: {  	s1 =	srdreg.scid  }
0x8b: {  	s0 =	sand.u32 $0x1, s1  }
0x8c: {  	s16 =	sshll.u32 s0, $0xA;
	s2 =	sadd.s32 s3, s2  }
0x8d: {  	s2 =	sadd.s32 s2, s16  }
0x8e: {  	[smem:$0x3FB1] =	sst s2  }
0x8f: {  	_ = 	snop  }
0x90: {  	(tm) =	ssettm $0x1  }
0x91: {  	s17 =	sld [smem:$0x3FFB];
	_ =	sdelay $0x3  }
0x92: {  	_ =	strace s17  }
0x93: {  	s2 =	sld [smem:$0x3FFC];
	_ =	sdelay $0x3  }
0x94: {  	_ =	strace s2  }
0x95: {  	s2 =	sld [smem:$0x3FFD];
	_ =	sdelay $0x3  }
0x96: {  	_ =	strace s2  }
0x97: {  	_ =	strace $0x8FFFFFFF  }
0x98: {  	s18 =	sld [smem:$0x3FDB];
	_ =	sdelay $0x1  }
0x99: {  	s19 =	simm.s32 $_scs_section_size  }
0x9a: {  	s4 =	simm.s32 $_size__tile_overlayer_lowered;
	s5 =	simm.s32 $_tile_overlayer_lowered  }
0x9b: {  	s22 =	simm.s32 $0x1BFF;
	s21 =	sshll.u32 s5, $0x1;
	s2 =	sadd.s32 s19, s18  }
0x9c: {  	s6 =	simm.s32 $0x0;
	s20 =	sshll.u32 s4, $0x1;
	s4 =	sadd.s32 s21, s2  }
0x9d: {  	[timem:s6], [sflag:s22] =	dma.local [hbm:s4], s20  }
0x9e: {  	_ =	swait.ge [sflag:s22], s20  }
0x9f: {  	s3 =	ssub.s32 $0x0, s20;
	[sflag:s22] =	ssyncset.done $0x0  }
0xa0: {  	[sflag:s22] =	ssyncadd.s32 s3;
	_ =	sdelay $0x1  }
0xa1: {  	s23 =	simm.s32 $0x1B8B  }
0xa2: {  	_ =	swait.ge [sflag:s23], $0x1  }
0xa3: {  	[sflag:s23] =	ssyncset.done $0x0  }
0xa4: {  	s25 =	simm.s32 $0x1B8E;
	s24 =	sld [smem:$0x3FFE];
	[sflag:s23] =	ssyncadd.s32 $0xFFFFFFFF  }
0xa5: {  	s26 =	simm.s32 $execute0_lowered;
	[smem:$0x3FD2] =	sst s25  }
0xa6: {  	s4 =	sshll.u32 s26, $0x1;
	_ =	strace $0x8000004C;
	[dreg:$0x1] =	wrdreg $0xFFFFFFFF  }
0xa7: {  	s28 =	simm.s32 $_size_execute0_lowered;
	s2 =	sadd.s32 s2, s4;
	[dreg:$0x0] =	wrdreg $0x0  }
0xa8: {  	s4 =	sshll.u32 s28, $0x1;
	[dreg:$0x2] =	wrdreg s2  }
0xa9: {  	[dreg:$0x3] =	wrdreg s4  }
0xaa: {  	[dreg:$0x4] =	wrdreg $0xC0  }
0xab: {  	_ =	task [dreg:s6], $0x5FFFF  }
0xac: {  	[dreg:$0x1] =	wrdreg $0xFFFFFFFF  }
0xad: {  	[dreg:$0x0] =	wrdreg $0x60  }
0xae: {  	[dreg:$0x2] =	wrdreg s24  }
0xaf: {  	[dreg:$0x3] =	wrdreg $0x84000  }
0xb0: {  	[dreg:$0x4] =	wrdreg $0x9  }
0xb1: {  	_ =	task.clear_ibuf [dreg:s6], $0x5FFFF;
	_ =	strace $0x9000004C  }
0xb2: {  	s29 =	simm.s32 $0x9;
	_ =	strace $0x8000004E  }
0xb3: {  	_ =	swait.ge [sflag:s29], $0x1  }
0xb4: {  	[sflag:s29] =	ssyncadd.s32 $0xFFFFFFFF  }
0xb5: {  	_ =	strace $0x9000004E  }
0xb6: {  	_ =	sfence  }
0xb7: {  	s30 =	sld [smem:$0x0];
	_ =	sdelay $0x2  }
0xb8: {  	s31 =	sshll.u32 s1, $0xD;
	s1 =	sshrl.u32 s1, $0x2  }
0xb9: {  	s3 =	sand.u32 $0x4000, s31;
	s1 =	sadd.s32 s1, s30  }
0xba: {  	s0 =	sor.u32 s3, s0;
	s1 =	sshll.u32 s1, $0x11  }
0xbb: {  	s0 =	sor.u32 s1, s0  }
0xbc: {  	s0 =	sadd.s32 $0x8F2B, s0  }
0xbd: {  	[sflag:s0] =	ssyncadd.remote.s32 $0x1  }
0xbe: {  	_ =	sfence.sel $0xFFFF  }
0xbf: {  	[dreg:$0x0] =	wrdreg $0xFFFFFFFF;
	(pc) =	sbr.abs _section_cstart, $3  }
0xc0: {  	[dreg:$0x1] =	wrdreg $0xFFFFFFFF  }
0xc1: {  	_ =	task.clear_ibuf [dreg:s6], $0x2FFFF;
	_ =	strace $0x9FFFFFFF  }
0xc2: {  	(tm) =	ssettm $0x7FFFFFFF  }
0xc3: {  	_ =	shalt  }
tec
execute0_lowered:
.L_overlay_start_1:
0x0: {  	(tag) =	ssettag $0x1  }
0x1: {  	s0 =	rddreg [dreg:$0x0]  }
0x2: {  	s2 =	rddreg [dreg:$0x1];
	s3 =	simm.s32 $0x0;
	s13 =	stileid.u32  }
0x3: {  	s1 =	srdreg.scid;
	s28 =	simm.s32 $0x280;
	s29 =	simm.s32 $0x100  }
0x4: {  	s30 =	simm.s32 $0x300;
	s31 =	simm.s32 $0x1;
	[smem:$0x7FF] =	sst s3  }
0x5: {  	s5 =	smul.u32 $0x13C00, s13;
	s1 =	sand.u32 $0x1, s1;
	s4 =	sadd.s32 $0x3FC00, s0  }
0x6: {  	s8 =	sadd.s32 $0x4400, s0;
	s9 =	sadd.s32 $0xE400, s0;
	s10 =	smul.u32 $0x2800, s13  }
0x7: {  	s12 =	smul.u32 $0x4F000, s13;
	s16 =	sshll.u32 s13, $0x6;
	_ =	strace $0x8000004D  }
0x8: {  	s6 =	smul.u32 $0x13C000, s1;
	s26 =	ssub.s32 $0x2, s1;
	p0 =	seq.s32 s1, $0x0  }
0x9: {  	s7 =	sshrl.u32 s5, $0x3;
	s11 =	sshrl.u32 s26, $0x1;
	s1 =	sadd.s32 $0x28000, s10  }
0xa: {  	s15 =	sshrl.u32 s12, $0x2;
	s5 =	sadd.s32 s5, s6;
	s7 =	sadd.s32 s7, s0  }
0xb: {  	s14 =	ssub.s32 s26, s11;
	s1 =	smov.u32 @p0 s10;
	s6 =	sadd.s32 s15, s2  }
0xc: {  	s10 =	simm.s32 $0x0;
	s5 =	sshrl.u32 s5, $0x3;
	[dreg:$0x3] =	wrdreg s6  }
0xd: {  	s7 =	sadd.s32 $0x18400, s7;
	s1 =	sshrl.u32 s1, $0x3;
	s23 =	smax.u32 s14, $0x1  }
0xe: {  	s0 =	sadd.s32 s5, s0;
	[dreg:$0x4] =	wrdreg s7;
	s7 =	sor.u32 $0x1C04, s16  }
0xf: {  	s17 =	sadd.s32 s8, s1;
	s18 =	sadd.s32 s9, s1;
	s19 =	sor.u32 $0x10, s1  }
0x10: {  	s21 =	sor.u32 $0x20, s1;
	[dreg:$0xc] =	wrdreg s23;
	s24 =	sor.u32 $0x60, s1  }
0x11: {  	s25 =	sor.u32 $0x50, s1;
	s26 =	sor.u32 $0x40, s1;
	[dreg:$0x5] =	wrdreg s17  }
0x12: {  	s1 =	sor.u32 $0x30, s1;
	s5 =	simm.s32 $0x4400;
	[dreg:$0x6] =	wrdreg s18  }
0x13: {  	s20 =	sadd.s32 s8, s19;
	s6 =	sadd.s32 s9, s19;
	s22 =	sadd.s32 s8, s21  }
0x14: {  	s0 =	sadd.s32 $0x66E00, s0;
	s16 =	sadd.s32 s24, s9;
	s17 =	sadd.s32 s24, s8  }
0x15: {  	s18 =	sadd.s32 s25, s9;
	s19 =	sadd.s32 s25, s8;
	[dreg:$0x7] =	wrdreg s20  }
0x16: {  	s23 =	sadd.s32 s1, s8;
	s24 =	simm.s32 $0x4;
	[dreg:$0x8] =	wrdreg s6  }
.Ltmp0:
0x17: {  	s25 =	simm.s32 $0x200;
	[dreg:$0x9] =	wrdreg s22;
	(pc) =	sbr.rel .LBB2_1-.Ltmp0, $4  }
0x18: {  	s6 =	sadd.s32 s9, s21;
	[dreg:$0xb] =	wrdreg s0;
	s20 =	sadd.s32 s26, s9  }
0x19: {  	s21 =	sadd.s32 s26, s8;
	s22 =	sadd.s32 s1, s9;
	s26 =	simm.s32 $0x80  }
0x1a: {  	s0 =	simm.s32 $0x400;
	s1 =	simm.s32 $0x2;
	s8 =	simm.s32 $0x380  }
0x1b: {  	s9 =	simm.s32 $0x3;
	[dreg:$0xa] =	wrdreg s6;
	s6 =	simm.s32 $0x180  }
.LBB2_4:
0x1c: {  	_ =	swait.ge [sflag:s1], $0x4000  }
0x1d: {  	[sflag:s1] =	ssyncset.done $0x0  }
0x1e: {  	[sflag:s1] =	ssyncadd.s32 $0xFFFFC000  }
0x1f: {  	[spmem:s2] =	stream.indirect.scatter.add.f32 [tilespmem:s5], [sflag:$0x3], $0x80, s8, s26, $0xb8;
	[tilespmem:$0x1C000] =	vst v63  }
0x20: {  	_ =	swait.ge [sflag:s9], $0x4000  }
0x21: {  	[sflag:s9] =	ssyncset.done $0x0  }
0x22: {  	[sflag:s9] =	ssyncadd.s32 $0xFFFFC000  }
0x23: {  	_ =	swait.ge [sflag:s9], $0x4000  }
0x24: {  	[sflag:s9] =	ssyncset.done $0x0  }
0x25: {  	[sflag:s9] =	ssyncadd.s32 $0xFFFFC000  }
0x26: {  	[bflag:$0x0] =	sbarrier.arrive $0xFFFF  }
0x27: {  	s12 =	rddreg [dreg:$0xb]  }
0x28: {  	[hbm:s12], [sflag:s7] =	dma.local [spmem:s11], $0x2780  }
0x29: {  	_ =	swait.ge [sflag:s24], $0x2780  }
0x2a: {  	s10 =	sadd.s32 $0x1, s10;
	s15 =	rddreg [dreg:$0xc]  }
0x2b: {  	p0 =	sne.s32 s10, s15  }
.Ltmp1:
0x2c: {  	_ = 	snop;
	(pc) =	sbr.rel @!p0 .LBB2_5-.Ltmp1, $3  }
0x2d: {  	_ =	sdelay $0x1  }
0x2e: {  	[sflag:s24] =	ssyncset.done $0x0  }
0x2f: {  	[sflag:s24] =	ssyncadd.s32 $0xFFFFD880  }
.LBB2_1:
0x30: {  	s11 =	rddreg [dreg:$0x3]  }
0x31: {  	s12 =	rddreg [dreg:$0x4];
	s11 =	sshrl.u32 s11, $0x3  }
0x32: {  	[spmem:s11], [sflag:s7] =	dma.local [hbm:s12], $0x2780  }
0x33: {  	_ =	swait.ge [sflag:s24], $0x2780  }
0x34: {  	[sflag:s24] =	ssyncset.done $0x0  }
0x35: {  	[sflag:s24] =	ssyncadd.s32 $0xFFFFD880  }
0x36: {  	[bflag:$0x0] =	sbarrier.arrive $0xFFFF  }
0x37: {  	s13 =	rddreg [dreg:$0x5]  }
0x38: {  	[tilespmem:s3], [sflag:$0x1] =	stream.linear.gather [hbm4b:s13+s3], $0x80, $0x38;
	[tilespmem:$0x1C000] =	vst v63  }
0x39: {  	s14 =	rddreg [dreg:$0x6]  }
0x3a: {  	[tilespmem:s25], [sflag:$0x1] =	stream.linear.gather [hbm4b:s14+s3], $0x80, $0x38;
	[tilespmem:$0x1C000] =	vst v63  }
0x3b: {  	s15 =	rddreg [dreg:$0x7]  }
0x3c: {  	[tilespmem:s26], [sflag:$0x1] =	stream.linear.gather [hbm4b:s15+s3], $0x80, $0x38;
	[tilespmem:$0x1C000] =	vst v63  }
0x3d: {  	s13 =	rddreg [dreg:$0x8]  }
0x3e: {  	[tilespmem:s28], [sflag:$0x1] =	stream.linear.gather [hbm4b:s13+s3], $0x80, $0x38;
	[tilespmem:$0x1C000] =	vst v63  }
0x3f: {  	s14 =	rddreg [dreg:$0x9]  }
0x40: {  	[tilespmem:s29], [sflag:$0x1] =	stream.linear.gather [hbm4b:s14+s3], $0x80, $0x38;
	[tilespmem:$0x1C000] =	vst v63  }
0x41: {  	s15 =	rddreg [dreg:$0xa]  }
0x42: {  	[tilespmem:s30], [sflag:$0x1] =	stream.linear.gather [hbm4b:s15+s3], $0x80, $0x38;
	[tilespmem:$0x1C000] =	vst v63  }
0x43: {  	_ =	swait.ge [sflag:s31], $0x80  }
0x44: {  	[sflag:s31] =	ssyncset.done $0x0  }
0x45: {  	[sflag:s31] =	ssyncadd.s32 $0xFFFFFF80  }
0x46: {  	_ =	swait.ge [sflag:s31], $0x80  }
0x47: {  	[sflag:s31] =	ssyncset.done $0x0  }
0x48: {  	s12 =	simm.s32 $0x0;
	[sflag:s31] =	ssyncadd.s32 $0xFFFFFF80  }
0x49: {  	[tilespmem:s0], [sflag:$0x2] =	stream.indirect.gather [hbm4b:s4+s26], $0x80, s3, s26, $0xb8;
	[tilespmem:$0x1C000] =	vst v63  }
.LBB2_2:
0x4a: {  	_ =	swait.ge [sflag:s1], $0x4000  }
0x4b: {  	p0 =	seq.s32 s12, $0x0;
	[sflag:s1] =	ssyncset.done $0x0  }
0x4c: {  	s13 =	simm.s32 @!p0 $0x3;
	[sflag:s1] =	ssyncadd.s32 $0xFFFFC000  }
0x4d: {  	[spmem:s2] =	stream.indirect.scatter.add.f32 [tilespmem:s0], [sflag:$0x3], $0x80, s25, s26, $0xb8;
	[tilespmem:$0x1C000] =	vst v63  }
0x4e: {  	_ =	swait.ge @!p0 [sflag:s13], $0x4000  }
0x4f: {  	[sflag:s13] =	ssyncset.done @!p0 $0x0  }
0x50: {  	[sflag:s13] =	ssyncadd.s32 @!p0 $0xFFFFC000  }
0x51: {  	_ =	swait.ge [sflag:s31], $0x80  }
0x52: {  	[sflag:s31] =	ssyncset.done $0x0  }
0x53: {  	[sflag:s31] =	ssyncadd.s32 $0xFFFFFF80  }
0x54: {  	_ =	swait.ge [sflag:s31], $0x80  }
0x55: {  	[sflag:s31] =	ssyncset.done $0x0  }
0x56: {  	[sflag:s31] =	ssyncadd.s32 $0xFFFFFF80  }
0x57: {  	[tilespmem:s5], [sflag:$0x2] =	stream.indirect.gather [hbm4b:s4+s26], $0x80, s26, s26, $0xb8;
	[tilespmem:$0x1C000] =	vst v63  }
0x58: {  	s14 =	sadd.s32 s12, s23  }
0x59: {  	[tilespmem:s6], [sflag:$0x1] =	stream.linear.gather [hbm4b:s14+s3], $0x80, $0x38;
	[tilespmem:$0x1C000] =	vst v63  }
0x5a: {  	s15 =	sadd.s32 s12, s22  }
0x5b: {  	[tilespmem:s8], [sflag:$0x1] =	stream.linear.gather [hbm4b:s15+s3], $0x80, $0x38;
	[tilespmem:$0x1C000] =	vst v63  }
0x5c: {  	_ =	swait.ge [sflag:s1], $0x4000  }
0x5d: {  	[sflag:s1] =	ssyncset.done $0x0  }
0x5e: {  	[sflag:s1] =	ssyncadd.s32 $0xFFFFC000  }
0x5f: {  	[spmem:s2] =	stream.indirect.scatter.add.f32 [tilespmem:s5], [sflag:$0x3], $0x80, s28, s26, $0xb8;
	[tilespmem:$0x1C000] =	vst v63  }
0x60: {  	_ =	swait.ge [sflag:s9], $0x4000  }
0x61: {  	[sflag:s9] =	ssyncset.done $0x0  }
0x62: {  	[sflag:s9] =	ssyncadd.s32 $0xFFFFC000  }
0x63: {  	_ =	swait.ge [sflag:s31], $0x80  }
0x64: {  	[sflag:s31] =	ssyncset.done $0x0  }
0x65: {  	[sflag:s31] =	ssyncadd.s32 $0xFFFFFF80  }
0x66: {  	_ =	swait.ge [sflag:s31], $0x80  }
0x67: {  	[sflag:s31] =	ssyncset.done $0x0  }
0x68: {  	p0 =	seq.s32 s12, $0x4C0;
	[sflag:s31] =	ssyncadd.s32 $0xFFFFFF80  }
0x69: {  	[tilespmem:s0], [sflag:$0x2] =	stream.indirect.gather [hbm4b:s4+s26], $0x80, s29, s26, $0xb8;
	[tilespmem:$0x1C000] =	vst v63  }
0x6a: {  	s13 =	sadd.s32 @!p0 s12, s21;
	s14 =	simm.s32 @!p0 $0x0  }
0x6b: {  	[tilespmem:s14], [sflag:$0x1] =	stream.linear.gather @!p0 [hbm4b:s13+s14], $0x80, $0x38;
	[tilespmem:$0x1C000] =	vst v63  }
0x6c: {  	s15 =	simm.s32 @!p0 $0x200;
	s13 =	sadd.s32 @!p0 s12, s20  }
0x6d: {  	[tilespmem:s15], [sflag:$0x1] =	stream.linear.gather @!p0 [hbm4b:s13+s14], $0x80, $0x38;
	[tilespmem:$0x1C000] =	vst v63  }
0x6e: {  	_ =	swait.ge [sflag:s1], $0x4000  }
0x6f: {  	[sflag:s1] =	ssyncset.done $0x0  }
0x70: {  	[sflag:s1] =	ssyncadd.s32 $0xFFFFC000  }
0x71: {  	[spmem:s2] =	stream.indirect.scatter.add.f32 [tilespmem:s0], [sflag:$0x3], $0x80, s30, s26, $0xb8;
	[tilespmem:$0x1C000] =	vst v63  }
0x72: {  	_ =	swait.ge [sflag:s9], $0x4000  }
0x73: {  	[sflag:s9] =	ssyncset.done $0x0  }
0x74: {  	[sflag:s9] =	ssyncadd.s32 $0xFFFFC000  }
0x75: {  	_ =	swait.ge [sflag:s31], $0x80  }
0x76: {  	[sflag:s31] =	ssyncset.done $0x0  }
.Ltmp2:
0x77: {  	[sflag:s31] =	ssyncadd.s32 $0xFFFFFF80;
	(pc) =	sbr.rel @p0 .LBB2_4-.Ltmp2, $4  }
0x78: {  	_ =	swait.ge [sflag:s31], $0x80  }
0x79: {  	[sflag:s31] =	ssyncset.done $0x0  }
0x7a: {  	[sflag:s31] =	ssyncadd.s32 $0xFFFFFF80  }
0x7b: {  	[tilespmem:s5], [sflag:$0x2] =	stream.indirect.gather [hbm4b:s4+s26], $0x80, s6, s26, $0xb8;
	[tilespmem:$0x1C000] =	vst v63  }
0x7c: {  	s13 =	sadd.s32 s12, s19  }
0x7d: {  	[tilespmem:s26], [sflag:$0x1] =	stream.linear.gather [hbm4b:s13+s3], $0x80, $0x38;
	[tilespmem:$0x1C000] =	vst v63  }
0x7e: {  	s15 =	sadd.s32 s12, s18  }
0x7f: {  	[tilespmem:s28], [sflag:$0x1] =	stream.linear.gather [hbm4b:s15+s3], $0x80, $0x38;
	[tilespmem:$0x1C000] =	vst v63  }
0x80: {  	_ =	swait.ge [sflag:s1], $0x4000  }
0x81: {  	[sflag:s1] =	ssyncset.done $0x0  }
0x82: {  	[sflag:s1] =	ssyncadd.s32 $0xFFFFC000  }
0x83: {  	[spmem:s2] =	stream.indirect.scatter.add.f32 [tilespmem:s5], [sflag:$0x3], $0x80, s8, s26, $0xb8;
	[tilespmem:$0x1C000] =	vst v63  }
0x84: {  	_ =	swait.ge [sflag:s9], $0x4000  }
0x85: {  	[sflag:s9] =	ssyncset.done $0x0  }
0x86: {  	[sflag:s9] =	ssyncadd.s32 $0xFFFFC000  }
0x87: {  	_ =	swait.ge [sflag:s31], $0x80  }
0x88: {  	[sflag:s31] =	ssyncset.done $0x0  }
0x89: {  	[sflag:s31] =	ssyncadd.s32 $0xFFFFFF80  }
0x8a: {  	_ =	swait.ge [sflag:s31], $0x80  }
0x8b: {  	[sflag:s31] =	ssyncset.done $0x0  }
0x8c: {  	[sflag:s31] =	ssyncadd.s32 $0xFFFFFF80  }
0x8d: {  	[tilespmem:s0], [sflag:$0x2] =	stream.indirect.gather [hbm4b:s4+s26], $0x80, s3, s26, $0xb8;
	[tilespmem:$0x1C000] =	vst v63  }
.Ltmp3:
0x8e: {  	_ = 	snop;
	(pc) =	sbr.rel .LBB2_2-.Ltmp3, $4  }
0x8f: {  	s14 =	sadd.s32 s12, s17  }
0x90: {  	[tilespmem:s29], [sflag:$0x1] =	stream.linear.gather [hbm4b:s14+s3], $0x80, $0x38;
	[tilespmem:$0x1C000] =	vst v63  }
0x91: {  	s15 =	sadd.s32 s12, s16;
	s12 =	sadd.s32 $0x40, s12  }
0x92: {  	[tilespmem:s30], [sflag:$0x1] =	stream.linear.gather [hbm4b:s15+s3], $0x80, $0x38;
	[tilespmem:$0x1C000] =	vst v63  }
.LBB2_5:
0x93: {  	_ =	sfence.sel $0x180000  }
0x94: {  	[bflag:$0x0] =	sbarrier.arrive $0xFFFF  }
0x95: {  	_ =	strace $0x9000004D  }
0x96: {  	s0 =	stileid.u32;
	[bflag:$0x2] =	sbarrier.arrive $0xFFFF  }
0x97: {  	p0 =	sne.s32 s0, $0x0;
	s0 =	rddreg [dreg:$0x2]  }
0x98: {  	s0 =	sadd.s32 @!p0 $0x100000, s0  }
0x99: {  	[sflag:s0] =	ssyncadd.tile.s32 @!p0 $0x1;
	_ =	shalt  }
.Lfunc_end2:
_tile_overlayer_lowered:
.L_overlay_start_2:
0x9a: {  	(tag) =	ssettag $0x2  }
0x9b: {  	s0 =	rddreg [dreg:$0x0];
	s2 =	stileid.u32  }
0x9c: {  	s1 =	rddreg [dreg:$0x1];
	p0 =	sne.s32 s2, $0x0  }
0x9d: {  	s3 =	rddreg [dreg:$0x2];
	[bflag:$0x3] =	sbarrier.arrive $0xFFFF;
	s2 =	simm.s32 @!p0 $0x1C04  }
0x9e: {  	[timem:s3], [sflag:s2] =	dma.local @!p0 [hbm:s0], s1  }
0x9f: {  	s0 =	simm.s32 @!p0 $0x4  }
0xa0: {  	_ =	swait.ge @!p0 [sflag:s0], s1  }
0xa1: {  	s1 =	ssub.s32 @!p0 $0x0, s1;
	[sflag:s0] =	ssyncset.done @!p0 $0x0  }
0xa2: {  	[sflag:s0] =	ssyncadd.s32 @!p0 s1  }
0xa3: {  	[bflag:$0x3] =	sbarrier.arrive $0xFFFF  }
0xa4: {  	_ =	shalt  }

// kernel: kernel.8.cloned.1.call-start
scs
__scs_entry_jumppad:
0x0: {  	(pc) =	sbr.rel $0x88, $3  }
0x1: {  	(tag) =	ssettag $0x0;
	lr =	simm.s32 $0x1  }
0x2: {  	[smem:$0x3F8A] =	sst lr;
	_ =	strace $0xD0000000  }
0x3: {  	_ = 	snop  }
0x4: {  	_ = 	snop  }
0x5: {  	_ = 	snop  }
0x6: {  	_ = 	snop  }
0x7: {  	_ = 	snop  }
__scs_overlays_trampoline_lowered:
0x8: {  	[smem:$0x3F99] =	sst s0  }
0x9: {  	[smem:$0x3F9A] =	sst s1  }
0xa: {  	[smem:$0x3F9B] =	sst s2  }
0xb: {  	[smem:$0x3F9C] =	sst s3  }
0xc: {  	[smem:$0x3F9D] =	sst s4  }
0xd: {  	[smem:$0x3F9E] =	sst s5  }
0xe: {  	[smem:$0x3F9F] =	sst s6  }
0xf: {  	[smem:$0x3FA0] =	sst s7  }
0x10: {  	[smem:$0x3FA1] =	sst s8  }
0x11: {  	[smem:$0x3FA2] =	sst s9;
	s0 =	simm.s32 @!p0 $0x0  }
0x12: {  	s1 =	sld [smem:$0x3F88];
	s0 =	simm.s32 @p0 $0x1  }
0x13: {  	[smem:$0x3FA3] =	sst s0;
	s0 =	simm.s32 @!p1 $0x0  }
0x14: {  	s2 =	sld [smem:$0x3F87];
	s0 =	simm.s32 @p1 $0x1  }
0x15: {  	[smem:$0x3FA4] =	sst s0;
	s0 =	simm.s32 @!p2 $0x0  }
0x16: {  	s3 =	sld [smem:$0x3FDB];
	s0 =	simm.s32 @p2 $0x1  }
0x17: {  	s4 =	simm.s32 $0x1BF5;
	[smem:$0x3FA6] =	sst s0  }
0x18: {  	s0 =	sld [smem:$0x3F89];
	_ =	swait.ge [sflag:s4], $0x0  }
0x19: {  	s7 =	sld [smem:$0x3F8A]  }
0x1a: {  	s8 =	sadd.s32 $0xFFFFE003, lr  }
0x1b: {  	s9 =	sadd.s32 $0xFFFFFEF7, lr;
	s5 =	simm.s32 $0xFFFFFFFF;
	p2 =	slt.u32 s8, $0xFFFFF086  }
0x1c: {  	p1 =	slt.u32 s9, $0xF7A;
	s5 =	simm.s32 @!p2 $0x0  }
0x1d: {  	s5 =	simm.s32 @p1 $0x1;
	p0 =	seq.s32 s7, s2  }
0x1e: {  	s7 =	smul.u32 @!p0 $0xF7A, s2;
	p2 =	seq.s32 @!p0 s5, $0x0  }
0x1f: {  	s9 =	smul.u32 $0xF7A, s1;
	s8 =	simm.s32 @!p0 $0x1BF5;
	p2 =	por !p2, p0  }
0x20: {  	[sflag:s8] =	ssyncset.s32 @!p0 $0xFFFFF086;
	s6 =	sadd.s32 @!p0 s3, s7;
	s7 =	simm.s32 @!p0 $0x108  }
0x21: {  	s3 =	sadd.s32 s3, s9;
	s6 =	sadd.s32 @!p0 $0x88, s6;
	s7 =	simm.s32 @p2 $0x1082  }
0x22: {  	[simem:s7], [sflag:s8] =	dma.local @!p0 [hbm:s6], $0xF7A  }
0x23: {  	s9 =	sor.u32 $0xD0000000, s2;
	s6 =	simm.s32 $0x108;
	_ =	swait.ge @!p0 [sflag:s8], $0x0  }
0x24: {  	s3 =	sadd.s32 $0x88, s3;
	s6 =	simm.s32 @!p1 $0x1082;
	[sflag:s4] =	ssyncset.s32 $0xFFFFF086  }
0x25: {  	[simem:s6], [sflag:s4] =	dma.local [hbm:s3], $0xF7A  }
0x26: {  	[smem:$0x3F8A] =	sst s1;
	(tag) =	ssettag s2;
	_ =	strace s9  }
0x27: {  	s1 =	sld [smem:$0x3F9A]  }
0x28: {  	s2 =	sld [smem:$0x3F9B]  }
0x29: {  	s4 =	sld [smem:$0x3F9D]  }
0x2a: {  	p0 =	seq.s32 s5, $0x0;
	s5 =	sld [smem:$0x3F9E]  }
0x2b: {  	s6 =	sld [smem:$0x3F9F]  }
0x2c: {  	s7 =	sld [smem:$0x3FA0]  }
0x2d: {  	s3 =	simm.s32 $0x108;
	s8 =	sld [smem:$0x3FA1]  }
0x2e: {  	s3 =	simm.s32 @!p0 $0x1082;
	s9 =	sld [smem:$0x3FA2]  }
0x2f: {  	lr =	sadd.s32 s0, s3;
	s0 =	sld [smem:$0x3F99]  }
0x30: {  	s3 =	sld [smem:$0x3F9C]  }
0x31: {  	[smem:$0x3FA5] =	sst s10  }
0x32: {  	s10 =	sld [smem:$0x3FA3];
	_ =	sdelay $0x3  }
0x33: {  	p0 =	seq.s32 s10, $0x1;
	s10 =	sld [smem:$0x3FA5];
	_ =	sdelay $0x3  }
0x34: {  	[smem:$0x3FA5] =	sst s10  }
0x35: {  	s10 =	sld [smem:$0x3FA4];
	_ =	sdelay $0x3  }
0x36: {  	p1 =	seq.s32 s10, $0x1;
	s10 =	sld [smem:$0x3FA5];
	_ =	sdelay $0x3  }
0x37: {  	[smem:$0x3FA5] =	sst s10  }
0x38: {  	s10 =	sld [smem:$0x3FA6]  }
0x39: {  	_ = 	snop;
	(pc) =	sbr.ind lr, $3  }
0x3a: {  	_ = 	snop  }
0x3b: {  	_ = 	snop  }
0x3c: {  	p2 =	seq.s32 s10, $0x1;
	s10 =	sld [smem:$0x3FA5]  }
0x3d: {  	_ =	shalt  }
0x3e: {  	_ =	shalt  }
0x3f: {  	_ =	shalt  }
0x40: {  	_ =	shalt  }
0x41: {  	_ =	shalt  }
0x42: {  	_ =	shalt  }
0x43: {  	_ =	shalt  }
0x44: {  	_ =	shalt  }
0x45: {  	_ =	shalt  }
0x46: {  	_ =	shalt  }
0x47: {  	_ =	shalt  }
0x48: {  	_ =	shalt  }
0x49: {  	_ =	shalt  }
0x4a: {  	_ =	shalt  }
0x4b: {  	_ =	shalt  }
0x4c: {  	_ =	shalt  }
0x4d: {  	_ =	shalt  }
0x4e: {  	_ =	shalt  }
0x4f: {  	_ =	shalt  }
0x50: {  	_ =	shalt  }
0x51: {  	_ =	shalt  }
0x52: {  	_ =	shalt  }
0x53: {  	_ =	shalt  }
0x54: {  	_ =	shalt  }
0x55: {  	_ =	shalt  }
0x56: {  	_ =	shalt  }
0x57: {  	_ =	shalt  }
0x58: {  	_ =	shalt  }
0x59: {  	_ =	shalt  }
0x5a: {  	_ =	shalt  }
0x5b: {  	_ =	shalt  }
0x5c: {  	_ =	shalt  }
0x5d: {  	_ =	shalt  }
0x5e: {  	_ =	shalt  }
0x5f: {  	_ =	shalt  }
0x60: {  	_ =	shalt  }
0x61: {  	_ =	shalt  }
0x62: {  	_ =	shalt  }
0x63: {  	_ =	shalt  }
0x64: {  	_ =	shalt  }
0x65: {  	_ =	shalt  }
0x66: {  	_ =	shalt  }
0x67: {  	_ =	shalt  }
0x68: {  	_ =	shalt  }
0x69: {  	_ =	shalt  }
0x6a: {  	_ =	shalt  }
0x6b: {  	_ =	shalt  }
0x6c: {  	_ =	shalt  }
0x6d: {  	_ =	shalt  }
0x6e: {  	_ =	shalt  }
0x6f: {  	_ =	shalt  }
0x70: {  	_ =	shalt  }
0x71: {  	_ =	shalt  }
0x72: {  	_ =	shalt  }
0x73: {  	_ =	shalt  }
0x74: {  	_ =	shalt  }
0x75: {  	_ =	shalt  }
0x76: {  	_ =	shalt  }
0x77: {  	_ =	shalt  }
0x78: {  	_ =	shalt  }
0x79: {  	_ =	shalt  }
0x7a: {  	_ =	shalt  }
0x7b: {  	_ =	shalt  }
0x7c: {  	_ =	shalt  }
0x7d: {  	_ =	shalt  }
0x7e: {  	_ =	shalt  }
0x7f: {  	_ =	shalt  }
0x80: {  	_ =	shalt  }
0x81: {  	_ =	shalt  }
0x82: {  	_ =	shalt  }
0x83: {  	_ =	shalt  }
0x84: {  	_ =	shalt  }
0x85: {  	_ =	shalt  }
0x86: {  	_ =	shalt  }
0x87: {  	_ =	shalt  }
.Lfunc_end0:
.L_simem_size_0:
called_computation_lowered:
.L_overlay_start_0:
0x88: {  	s2 =	sld [smem:$0x3FD9]  }
0x89: {  	s3 =	sld [smem:$0x3FFE];
	_ =	sdelay $0x1  }
0x8a: {  	s1 =	srdreg.scid  }
0x8b: {  	s0 =	sand.u32 $0x1, s1  }
0x8c: {  	s17 =	sshll.u32 s0, $0xA;
	s2 =	sadd.s32 s3, s2  }
0x8d: {  	s2 =	sadd.s32 s2, s17  }
0x8e: {  	[smem:$0x3FB1] =	sst s2  }
0x8f: {  	_ = 	snop  }
0x90: {  	s2 =	sld [smem:$0x3FC9]  }
0x91: {  	s18 =	sld [smem:$0x3FD0];
	(tm) =	ssettm $0x1  }
0x92: {  	s4 =	sld [smem:$0x3FFB];
	_ =	sdelay $0x3  }
0x93: {  	_ =	strace s4  }
0x94: {  	s4 =	sld [smem:$0x3FFC];
	_ =	sdelay $0x3  }
0x95: {  	_ =	strace s4  }
0x96: {  	s4 =	sld [smem:$0x3FFD];
	_ =	sdelay $0x3  }
0x97: {  	_ =	strace s4  }
0x98: {  	_ =	strace $0x8FFFFFFF  }
0x99: {  	s19 =	sld [smem:$0x3FDB];
	_ =	sdelay $0x1  }
0x9a: {  	s5 =	simm.s32 $_scs_section_size  }
0x9b: {  	s6 =	simm.s32 $_size__tile_overlayer_lowered;
	s7 =	simm.s32 $_tile_overlayer_lowered  }
0x9c: {  	s22 =	simm.s32 $0x1BFF;
	s21 =	sshll.u32 s7, $0x1;
	s4 =	sadd.s32 s5, s19  }
0x9d: {  	s8 =	simm.s32 $0x0;
	s20 =	sshll.u32 s6, $0x1;
	s6 =	sadd.s32 s21, s4  }
0x9e: {  	[timem:s8], [sflag:s22] =	dma.local [hbm:s6], s20  }
0x9f: {  	_ =	swait.ge [sflag:s22], s20  }
0xa0: {  	s5 =	ssub.s32 $0x0, s20;
	[sflag:s22] =	ssyncset.done $0x0  }
0xa1: {  	[sflag:s22] =	ssyncadd.s32 s5;
	_ =	sdelay $0x1  }
0xa2: {  	s23 =	simm.s32 $0x1B8B  }
0xa3: {  	_ =	swait.ge [sflag:s23], $0x1  }
0xa4: {  	[sflag:s23] =	ssyncset.done $0x0  }
0xa5: {  	s25 =	simm.s32 $0x1B8E;
	s24 =	sld [smem:$0x3FFE];
	[sflag:s23] =	ssyncadd.s32 $0xFFFFFFFF  }
0xa6: {  	s26 =	simm.s32 $execute0_lowered;
	[smem:$0x3FD2] =	sst s25  }
0xa7: {  	s6 =	sshll.u32 s26, $0x1;
	_ =	strace $0x80000046;
	[dreg:$0x1] =	wrdreg $0xFFFFFFFF  }
0xa8: {  	s28 =	simm.s32 $_size_execute0_lowered;
	s4 =	sadd.s32 s4, s6;
	[dreg:$0x0] =	wrdreg $0x0  }
0xa9: {  	s6 =	sshll.u32 s28, $0x1;
	[dreg:$0x2] =	wrdreg s4  }
0xaa: {  	[dreg:$0x3] =	wrdreg s6  }
0xab: {  	[dreg:$0x4] =	wrdreg $0xC0  }
0xac: {  	_ =	task [dreg:s8], $0x5FFFF  }
0xad: {  	[dreg:$0x1] =	wrdreg $0xFFFFFFFF  }
0xae: {  	[dreg:$0x0] =	wrdreg $0x60  }
0xaf: {  	[dreg:$0x2] =	wrdreg s2  }
0xb0: {  	[dreg:$0x3] =	wrdreg s24  }
0xb1: {  	[dreg:$0x4] =	wrdreg s18  }
0xb2: {  	[dreg:$0x5] =	wrdreg $0xAB800  }
0xb3: {  	[dreg:$0x6] =	wrdreg $0x9  }
0xb4: {  	_ =	task.clear_ibuf [dreg:s8], $0x7FFFF;
	_ =	strace $0x90000046  }
0xb5: {  	s29 =	simm.s32 $0x9;
	_ =	strace $0x80000048  }
0xb6: {  	_ =	swait.ge [sflag:s29], $0x1  }
0xb7: {  	[sflag:s29] =	ssyncadd.s32 $0xFFFFFFFF  }
0xb8: {  	_ =	strace $0x90000048  }
0xb9: {  	_ =	sfence  }
0xba: {  	s30 =	sld [smem:$0x0];
	_ =	sdelay $0x2  }
0xbb: {  	s31 =	sshll.u32 s1, $0xD;
	s1 =	sshrl.u32 s1, $0x2  }
0xbc: {  	s3 =	sand.u32 $0x4000, s31;
	s1 =	sadd.s32 s1, s30  }
0xbd: {  	s0 =	sor.u32 s3, s0;
	s1 =	sshll.u32 s1, $0x11  }
0xbe: {  	s0 =	sor.u32 s1, s0  }
0xbf: {  	s0 =	sadd.s32 $0x8F2B, s0  }
0xc0: {  	[sflag:s0] =	ssyncadd.remote.s32 $0x1  }
0xc1: {  	_ =	sfence.sel $0xFFFF  }
0xc2: {  	[dreg:$0x0] =	wrdreg $0xFFFFFFFF;
	(pc) =	sbr.abs _section_cstart, $3  }
0xc3: {  	[dreg:$0x1] =	wrdreg $0xFFFFFFFF  }
0xc4: {  	_ =	task.clear_ibuf [dreg:s8], $0x2FFFF;
	_ =	strace $0x9FFFFFFF  }
0xc5: {  	(tm) =	ssettm $0x7FFFFFFF  }
tec
execute0_lowered:
.L_overlay_start_1:
0x0: {  	(tag) =	ssettag $0x1  }
0x1: {  	s1 =	rddreg [dreg:$0x0]  }
0x2: {  	s0 =	rddreg [dreg:$0x1]  }
0x3: {  	s4 =	rddreg [dreg:$0x3]  }
0x4: {  	s5 =	simm.s32 $0x0;
	s20 =	stileid.u32;
	s2 =	srdreg.scid  }
0x5: {  	s28 =	simm.s32 $0x8400;
	s29 =	simm.s32 $0x200;
	s30 =	simm.s32 $0x80  }
0x6: {  	s31 =	simm.s32 $0x280;
	[smem:$0x7FF] =	sst s5;
	s3 =	smul.u32 $0x13C00, s20  }
0x7: {  	s2 =	sand.u32 $0x1, s2;
	s7 =	sadd.s32 $0x4400, s0;
	s10 =	smul.u32 $0x2800, s20  }
0x8: {  	s8 =	sadd.s32 $0xE400, s0;
	s12 =	smul.u32 $0x4F000, s20;
	s22 =	sshll.u32 s20, $0x6  }
0x9: {  	_ =	strace $0x80000047;
	s6 =	smul.u32 $0x13C000, s2;
	s24 =	sshll.u32 s2, $0x4  }
0xa: {  	s11 =	ssub.s32 $0x2, s2;
	p0 =	seq.s32 s2, $0x0;
	s9 =	sshrl.u32 s3, $0x3  }
0xb: {  	s2 =	sadd.s32 $0x28000, s10;
	s25 =	sshrl.u32 s11, $0x1;
	s26 =	sshrl.u32 s12, $0x2  }
0xc: {  	s9 =	sadd.s32 s9, s0;
	s3 =	sadd.s32 s3, s6;
	s6 =	sor.u32 s20, s24  }
0xd: {  	s2 =	smov.u32 @p0 s10;
	s23 =	sadd.s32 s26, s4;
	s10 =	simm.s32 $0x380  }
0xe: {  	s20 =	simm.s32 $0x0;
	s3 =	sshrl.u32 s3, $0x3;
	s6 =	smul.u32 $0x4F0, s6  }
0xf: {  	s2 =	sshrl.u32 s2, $0x3;
	[dreg:$0xb] =	wrdreg s23;
	s24 =	sadd.s32 $0x18400, s9  }
0x10: {  	s23 =	sor.u32 $0x1C04, s22;
	s9 =	simm.s32 $0x180;
	s3 =	sadd.s32 s3, s0  }
0x11: {  	s12 =	sadd.s32 s7, s2;
	s13 =	sadd.s32 s8, s2;
	s14 =	sor.u32 $0x10, s2  }
0x12: {  	s16 =	sor.u32 $0x20, s2;
	s18 =	sor.u32 $0x60, s2;
	[dreg:$0xc] =	wrdreg s24  }
0x13: {  	s19 =	sor.u32 $0x50, s2;
	s21 =	sor.u32 $0x40, s2;
	[dreg:$0xd] =	wrdreg s23  }
0x14: {  	s2 =	sor.u32 $0x30, s2;
	s0 =	sadd.s32 s6, s0;
	[dreg:$0x5] =	wrdreg s12  }
0x15: {  	s6 =	ssub.s32 s11, s25;
	[dreg:$0x6] =	wrdreg s13;
	s15 =	sadd.s32 s7, s14  }
0x16: {  	s11 =	sadd.s32 s8, s14;
	s17 =	sadd.s32 s7, s16;
	s12 =	sadd.s32 s18, s8  }
0x17: {  	s13 =	sadd.s32 s18, s7;
	s14 =	sadd.s32 s19, s8;
	[dreg:$0x7] =	wrdreg s15  }
0x18: {  	s18 =	sadd.s32 s2, s8;
	s25 =	sadd.s32 $0x49A00, s3;
	[dreg:$0x8] =	wrdreg s11  }
0x19: {  	s3 =	simm.s32 $0x1;
	[dreg:$0x9] =	wrdreg s17;
	s11 =	sadd.s32 s8, s16  }
0x1a: {  	s15 =	sadd.s32 s19, s7;
	s16 =	sadd.s32 s21, s8;
	s17 =	sadd.s32 s21, s7  }
.Ltmp0:
0x1b: {  	s19 =	sadd.s32 s2, s7;
	[dreg:$0xe] =	wrdreg s25;
	(pc) =	sbr.rel .LBB2_1-.Ltmp0, $4  }
0x1c: {  	s0 =	sadd.s32 $0x3FC00, s0;
	s26 =	smax.u32 s6, $0x1;
	[dreg:$0xa] =	wrdreg s11  }
0x1d: {  	s2 =	simm.s32 $0x300;
	s6 =	simm.s32 $0x400;
	[dreg:$0xf] =	wrdreg s0  }
0x1e: {  	s7 =	simm.s32 $0x2;
	s8 =	simm.s32 $0x4400;
	[dreg:$0x10] =	wrdreg s26  }
0x1f: {  	v0 =	vimm.f32 $1.000000000e+00;
	s26 =	simm.s32 $0x4;
	s0 =	simm.s32 $0x100;
	s11 =	simm.s32 $0x3  }
.LBB2_4:
0x20: {  	_ =	swait.ge [sflag:s11], $0x4000  }
0x21: {  	[sflag:s11] =	ssyncset.done $0x0  }
0x22: {  	[sflag:s11] =	ssyncadd.s32 $0xFFFFC000  }
0x23: {  	[bflag:$0x0] =	sbarrier.arrive $0xFFFF  }
0x24: {  	s23 =	rddreg [dreg:$0xd]  }
0x25: {  	s22 =	rddreg [dreg:$0xe]  }
0x26: {  	[hbm:s22], [sflag:s23] =	dma.local [spmem:s21], $0x2780  }
0x27: {  	_ =	swait.ge [sflag:s26], $0x2780  }
0x28: {  	[sflag:s26] =	ssyncset.done $0x0  }
0x29: {  	s24 =	rddreg [dreg:$0xf];
	[sflag:s26] =	ssyncadd.s32 $0xFFFFD880  }
0x2a: {  	[hbm4b:s24+s5] =	stream.linear.scatter [tilespmem:s28], [sflag:$0x4], $0x2780, $0x38;
	[tilespmem:$0x1E780] =	vst v63  }
0x2b: {  	_ =	swait.ge [sflag:s26], $0x2780  }
0x2c: {  	s20 =	sadd.s32 $0x1, s20;
	s25 =	rddreg [dreg:$0x10]  }
0x2d: {  	p0 =	sne.s32 s20, s25  }
.Ltmp1:
0x2e: {  	_ = 	snop;
	(pc) =	sbr.rel @!p0 .LBB2_5-.Ltmp1, $3  }
0x2f: {  	_ =	sdelay $0x1  }
0x30: {  	[sflag:s26] =	ssyncset.done $0x0  }
0x31: {  	[sflag:s26] =	ssyncadd.s32 $0xFFFFD880  }
.LBB2_1:
0x32: {  	s21 =	rddreg [dreg:$0xb]  }
0x33: {  	s22 =	rddreg [dreg:$0xc];
	s21 =	sshrl.u32 s21, $0x3  }
0x34: {  	[spmem:s21], [sflag:s23] =	dma.local [hbm:s22], $0x2780  }
0x35: {  	_ =	swait.ge [sflag:s26], $0x2780  }
0x36: {  	[sflag:s26] =	ssyncset.done $0x0  }
0x37: {  	[sflag:s26] =	ssyncadd.s32 $0xFFFFD880  }
0x38: {  	s25 =	rddreg [dreg:$0x2]  }
0x39: {  	[tilespmem:s28], [sflag:$0x4] =	stream.linear.gather [hbm4b:s25+s5], $0x2780, $0x38;
	[tilespmem:$0x1E780] =	vst v63  }
0x3a: {  	_ =	swait.ge [sflag:s26], $0x2780  }
0x3b: {  	[sflag:s26] =	ssyncset.done $0x0  }
0x3c: {  	[sflag:s26] =	ssyncadd.s32 $0xFFFFD880  }
0x3d: {  	[bflag:$0x0] =	sbarrier.arrive $0xFFFF  }
0x3e: {  	s23 =	rddreg [dreg:$0x5]  }
0x3f: {  	[tilespmem:s5], [sflag:$0x1] =	stream.linear.gather [hbm4b:s23+s5], $0x80, $0x38;
	[tilespmem:$0x1E780] =	vst v63  }
0x40: {  	s24 =	rddreg [dreg:$0x6]  }
0x41: {  	[tilespmem:s29], [sflag:$0x1] =	stream.linear.gather [hbm4b:s24+s5], $0x80, $0x38;
	[tilespmem:$0x1E780] =	vst v63  }
0x42: {  	s25 =	rddreg [dreg:$0x7]  }
0x43: {  	[tilespmem:s30], [sflag:$0x1] =	stream.linear.gather [hbm4b:s25+s5], $0x80, $0x38;
	[tilespmem:$0x1E780] =	vst v63  }
0x44: {  	s23 =	rddreg [dreg:$0x8]  }
0x45: {  	[tilespmem:s31], [sflag:$0x1] =	stream.linear.gather [hbm4b:s23+s5], $0x80, $0x38;
	[tilespmem:$0x1E780] =	vst v63  }
0x46: {  	s24 =	rddreg [dreg:$0x9]  }
0x47: {  	[tilespmem:s0], [sflag:$0x1] =	stream.linear.gather [hbm4b:s24+s5], $0x80, $0x38;
	[tilespmem:$0x1E780] =	vst v63  }
0x48: {  	s25 =	rddreg [dreg:$0xa]  }
0x49: {  	[tilespmem:s2], [sflag:$0x1] =	stream.linear.gather [hbm4b:s25+s5], $0x80, $0x38;
	[tilespmem:$0x1E780] =	vst v63  }
0x4a: {  	_ =	swait.ge [sflag:s3], $0x80  }
0x4b: {  	[sflag:s3] =	ssyncset.done $0x0  }
0x4c: {  	[sflag:s3] =	ssyncadd.s32 $0xFFFFFF80  }
0x4d: {  	_ =	swait.ge [sflag:s3], $0x80  }
0x4e: {  	[sflag:s3] =	ssyncset.done $0x0  }
0x4f: {  	s23 =	simm.s32 $0x0;
	[sflag:s3] =	ssyncadd.s32 $0xFFFFFF80  }
0x50: {  	[tilespmem:s6], [sflag:$0x2] =	stream.indirect.gather [hbm4b:s1+s30], $0x80, s5, s30, $0xb8;
	[tilespmem:$0x1E780] =	vst v63  }
.LBB2_2:
0x51: {  	_ =	swait.ge [sflag:s7], $0x4000  }
0x52: {  	[sflag:s7] =	ssyncset.done $0x0  }
0x53: {  	[sflag:s7] =	ssyncadd.s32 $0xFFFFC000  }
0x54: {  	[spmem:s4] =	stream.indirect.scatter.add.f32 [tilespmem:s6], [sflag:$0x3], $0x80, s29, s30, $0xb8;
	[tilespmem:$0x1E780] =	vst v63  }
0x55: {  	v1 =	vld [tilespmem:$0x200];
	_ =	sdelay $0x7  }
0x56: {  	[tilespmem:v1+s28+$0x0] =	vst.idx.add.f32.msk $0xffff, v0  }
0x57: {  	v1 =	vld [tilespmem:$0x210];
	_ =	sdelay $0x7  }
0x58: {  	[tilespmem:v1+s28+$0x0] =	vst.idx.add.f32.msk $0xffff, v0  }
0x59: {  	v1 =	vld [tilespmem:$0x220];
	_ =	sdelay $0x7  }
0x5a: {  	[tilespmem:v1+s28+$0x0] =	vst.idx.add.f32.msk $0xffff, v0  }
0x5b: {  	v1 =	vld [tilespmem:$0x230];
	_ =	sdelay $0x7  }
0x5c: {  	[tilespmem:v1+s28+$0x0] =	vst.idx.add.f32.msk $0xffff, v0  }
0x5d: {  	v1 =	vld [tilespmem:$0x240];
	_ =	sdelay $0x7  }
0x5e: {  	[tilespmem:v1+s28+$0x0] =	vst.idx.add.f32.msk $0xffff, v0  }
0x5f: {  	v1 =	vld [tilespmem:$0x250];
	_ =	sdelay $0x7  }
0x60: {  	[tilespmem:v1+s28+$0x0] =	vst.idx.add.f32.msk $0xffff, v0  }
0x61: {  	v1 =	vld [tilespmem:$0x260];
	_ =	sdelay $0x7  }
0x62: {  	[tilespmem:v1+s28+$0x0] =	vst.idx.add.f32.msk $0xffff, v0  }
0x63: {  	v1 =	vld [tilespmem:$0x270];
	_ =	sdelay $0x6  }
0x64: {  	p0 =	seq.s32 s23, $0x0  }
0x65: {  	s24 =	simm.s32 @!p0 $0x3;
	[tilespmem:v1+s28+$0x0] =	vst.idx.add.f32.msk $0xffff, v0  }
0x66: {  	_ =	swait.ge @!p0 [sflag:s24], $0x4000  }
0x67: {  	[sflag:s24] =	ssyncset.done @!p0 $0x0  }
0x68: {  	[sflag:s24] =	ssyncadd.s32 @!p0 $0xFFFFC000  }
0x69: {  	_ =	swait.ge [sflag:s3], $0x80  }
0x6a: {  	[sflag:s3] =	ssyncset.done $0x0  }
0x6b: {  	[sflag:s3] =	ssyncadd.s32 $0xFFFFFF80  }
0x6c: {  	_ =	swait.ge [sflag:s3], $0x80  }
0x6d: {  	[sflag:s3] =	ssyncset.done $0x0  }
0x6e: {  	[sflag:s3] =	ssyncadd.s32 $0xFFFFFF80  }
0x6f: {  	[tilespmem:s8], [sflag:$0x2] =	stream.indirect.gather [hbm4b:s1+s30], $0x80, s30, s30, $0xb8;
	[tilespmem:$0x1E780] =	vst v63  }
0x70: {  	s22 =	sadd.s32 s23, s19  }
0x71: {  	[tilespmem:s9], [sflag:$0x1] =	stream.linear.gather [hbm4b:s22+s5], $0x80, $0x38;
	[tilespmem:$0x1E780] =	vst v63  }
0x72: {  	s25 =	sadd.s32 s23, s18  }
0x73: {  	[tilespmem:s10], [sflag:$0x1] =	stream.linear.gather [hbm4b:s25+s5], $0x80, $0x38;
	[tilespmem:$0x1E780] =	vst v63  }
0x74: {  	_ =	swait.ge [sflag:s7], $0x4000  }
0x75: {  	[sflag:s7] =	ssyncset.done $0x0  }
0x76: {  	[sflag:s7] =	ssyncadd.s32 $0xFFFFC000  }
0x77: {  	[spmem:s4] =	stream.indirect.scatter.add.f32 [tilespmem:s8], [sflag:$0x3], $0x80, s31, s30, $0xb8;
	[tilespmem:$0x1E780] =	vst v63  }
0x78: {  	v1 =	vld [tilespmem:$0x280];
	_ =	sdelay $0x7  }
0x79: {  	[tilespmem:v1+s28+$0x0] =	vst.idx.add.f32.msk $0xffff, v0  }
0x7a: {  	v1 =	vld [tilespmem:$0x290];
	_ =	sdelay $0x7  }
0x7b: {  	[tilespmem:v1+s28+$0x0] =	vst.idx.add.f32.msk $0xffff, v0  }
0x7c: {  	v1 =	vld [tilespmem:$0x2A0];
	_ =	sdelay $0x7  }
0x7d: {  	[tilespmem:v1+s28+$0x0] =	vst.idx.add.f32.msk $0xffff, v0  }
0x7e: {  	v1 =	vld [tilespmem:$0x2B0];
	_ =	sdelay $0x7  }
0x7f: {  	[tilespmem:v1+s28+$0x0] =	vst.idx.add.f32.msk $0xffff, v0  }
0x80: {  	v1 =	vld [tilespmem:$0x2C0];
	_ =	sdelay $0x7  }
0x81: {  	[tilespmem:v1+s28+$0x0] =	vst.idx.add.f32.msk $0xffff, v0  }
0x82: {  	v1 =	vld [tilespmem:$0x2D0];
	_ =	sdelay $0x7  }
0x83: {  	[tilespmem:v1+s28+$0x0] =	vst.idx.add.f32.msk $0xffff, v0  }
0x84: {  	v1 =	vld [tilespmem:$0x2E0];
	_ =	sdelay $0x7  }
0x85: {  	[tilespmem:v1+s28+$0x0] =	vst.idx.add.f32.msk $0xffff, v0  }
0x86: {  	v1 =	vld [tilespmem:$0x2F0];
	_ =	sdelay $0x7  }
0x87: {  	[tilespmem:v1+s28+$0x0] =	vst.idx.add.f32.msk $0xffff, v0  }
0x88: {  	_ =	swait.ge [sflag:s11], $0x4000  }
0x89: {  	[sflag:s11] =	ssyncset.done $0x0  }
0x8a: {  	[sflag:s11] =	ssyncadd.s32 $0xFFFFC000  }
0x8b: {  	_ =	swait.ge [sflag:s3], $0x80  }
0x8c: {  	[sflag:s3] =	ssyncset.done $0x0  }
0x8d: {  	[sflag:s3] =	ssyncadd.s32 $0xFFFFFF80  }
0x8e: {  	_ =	swait.ge [sflag:s3], $0x80  }
0x8f: {  	[sflag:s3] =	ssyncset.done $0x0  }
0x90: {  	p0 =	seq.s32 s23, $0x4C0;
	[sflag:s3] =	ssyncadd.s32 $0xFFFFFF80  }
0x91: {  	[tilespmem:s6], [sflag:$0x2] =	stream.indirect.gather [hbm4b:s1+s30], $0x80, s0, s30, $0xb8;
	[tilespmem:$0x1E780] =	vst v63  }
0x92: {  	s24 =	sadd.s32 @!p0 s23, s17;
	s25 =	simm.s32 @!p0 $0x0  }
0x93: {  	[tilespmem:s25], [sflag:$0x1] =	stream.linear.gather @!p0 [hbm4b:s24+s25], $0x80, $0x38;
	[tilespmem:$0x1E780] =	vst v63  }
0x94: {  	s22 =	simm.s32 @!p0 $0x200;
	s24 =	sadd.s32 @!p0 s23, s16  }
0x95: {  	[tilespmem:s22], [sflag:$0x1] =	stream.linear.gather @!p0 [hbm4b:s24+s25], $0x80, $0x38;
	[tilespmem:$0x1E780] =	vst v63  }
0x96: {  	_ =	swait.ge [sflag:s7], $0x4000  }
0x97: {  	[sflag:s7] =	ssyncset.done $0x0  }
0x98: {  	[sflag:s7] =	ssyncadd.s32 $0xFFFFC000  }
0x99: {  	[spmem:s4] =	stream.indirect.scatter.add.f32 [tilespmem:s6], [sflag:$0x3], $0x80, s2, s30, $0xb8;
	[tilespmem:$0x1E780] =	vst v63  }
0x9a: {  	v1 =	vld [tilespmem:$0x300];
	_ =	sdelay $0x7  }
0x9b: {  	[tilespmem:v1+s28+$0x0] =	vst.idx.add.f32.msk $0xffff, v0  }
0x9c: {  	v1 =	vld [tilespmem:$0x310];
	_ =	sdelay $0x7  }
0x9d: {  	[tilespmem:v1+s28+$0x0] =	vst.idx.add.f32.msk $0xffff, v0  }
0x9e: {  	v1 =	vld [tilespmem:$0x320];
	_ =	sdelay $0x7  }
0x9f: {  	[tilespmem:v1+s28+$0x0] =	vst.idx.add.f32.msk $0xffff, v0  }
0xa0: {  	v1 =	vld [tilespmem:$0x330];
	_ =	sdelay $0x7  }
0xa1: {  	[tilespmem:v1+s28+$0x0] =	vst.idx.add.f32.msk $0xffff, v0  }
0xa2: {  	v1 =	vld [tilespmem:$0x340];
	_ =	sdelay $0x7  }
0xa3: {  	[tilespmem:v1+s28+$0x0] =	vst.idx.add.f32.msk $0xffff, v0  }
0xa4: {  	v1 =	vld [tilespmem:$0x350];
	_ =	sdelay $0x7  }
0xa5: {  	[tilespmem:v1+s28+$0x0] =	vst.idx.add.f32.msk $0xffff, v0  }
0xa6: {  	v1 =	vld [tilespmem:$0x360];
	_ =	sdelay $0x7  }
0xa7: {  	[tilespmem:v1+s28+$0x0] =	vst.idx.add.f32.msk $0xffff, v0  }
0xa8: {  	v1 =	vld [tilespmem:$0x370];
	_ =	sdelay $0x7  }
0xa9: {  	[tilespmem:v1+s28+$0x0] =	vst.idx.add.f32.msk $0xffff, v0  }
0xaa: {  	_ =	swait.ge [sflag:s11], $0x4000  }
0xab: {  	[sflag:s11] =	ssyncset.done $0x0  }
0xac: {  	[sflag:s11] =	ssyncadd.s32 $0xFFFFC000  }
0xad: {  	_ =	swait.ge [sflag:s3], $0x80  }
0xae: {  	[sflag:s3] =	ssyncset.done $0x0  }
0xaf: {  	[sflag:s3] =	ssyncadd.s32 $0xFFFFFF80  }
0xb0: {  	_ =	swait.ge [sflag:s3], $0x80  }
0xb1: {  	[sflag:s3] =	ssyncset.done $0x0  }
0xb2: {  	[sflag:s3] =	ssyncadd.s32 $0xFFFFFF80  }
0xb3: {  	[tilespmem:s8], [sflag:$0x2] =	stream.indirect.gather [hbm4b:s1+s30], $0x80, s9, s30, $0xb8;
	[tilespmem:$0x1E780] =	vst v63  }
0xb4: {  	s22 =	sadd.s32 @!p0 s23, s15;
	s24 =	simm.s32 @!p0 $0x80  }
0xb5: {  	[tilespmem:s24], [sflag:$0x1] =	stream.linear.gather @!p0 [hbm4b:s22+s25], $0x80, $0x38;
	[tilespmem:$0x1E780] =	vst v63  }
0xb6: {  	s22 =	sadd.s32 @!p0 s23, s14;
	s24 =	simm.s32 @!p0 $0x280  }
0xb7: {  	[tilespmem:s24], [sflag:$0x1] =	stream.linear.gather @!p0 [hbm4b:s22+s25], $0x80, $0x38;
	[tilespmem:$0x1E780] =	vst v63  }
0xb8: {  	_ =	swait.ge [sflag:s7], $0x4000  }
0xb9: {  	[sflag:s7] =	ssyncset.done $0x0  }
0xba: {  	[sflag:s7] =	ssyncadd.s32 $0xFFFFC000  }
0xbb: {  	[spmem:s4] =	stream.indirect.scatter.add.f32 [tilespmem:s8], [sflag:$0x3], $0x80, s10, s30, $0xb8;
	[tilespmem:$0x1E780] =	vst v63  }
0xbc: {  	v1 =	vld [tilespmem:$0x380];
	_ =	sdelay $0x7  }
0xbd: {  	[tilespmem:v1+s28+$0x0] =	vst.idx.add.f32.msk $0xffff, v0  }
0xbe: {  	v1 =	vld [tilespmem:$0x390];
	_ =	sdelay $0x7  }
0xbf: {  	[tilespmem:v1+s28+$0x0] =	vst.idx.add.f32.msk $0xffff, v0  }
0xc0: {  	v1 =	vld [tilespmem:$0x3A0];
	_ =	sdelay $0x7  }
0xc1: {  	[tilespmem:v1+s28+$0x0] =	vst.idx.add.f32.msk $0xffff, v0  }
0xc2: {  	v1 =	vld [tilespmem:$0x3B0];
	_ =	sdelay $0x7  }
0xc3: {  	[tilespmem:v1+s28+$0x0] =	vst.idx.add.f32.msk $0xffff, v0  }
0xc4: {  	v1 =	vld [tilespmem:$0x3C0];
	_ =	sdelay $0x7  }
0xc5: {  	[tilespmem:v1+s28+$0x0] =	vst.idx.add.f32.msk $0xffff, v0  }
0xc6: {  	v1 =	vld [tilespmem:$0x3D0];
	_ =	sdelay $0x7  }
0xc7: {  	[tilespmem:v1+s28+$0x0] =	vst.idx.add.f32.msk $0xffff, v0  }
0xc8: {  	v1 =	vld [tilespmem:$0x3E0];
	_ =	sdelay $0x7  }
0xc9: {  	[tilespmem:v1+s28+$0x0] =	vst.idx.add.f32.msk $0xffff, v0  }
0xca: {  	v1 =	vld [tilespmem:$0x3F0];
	_ =	sdelay $0x6  }
.Ltmp2:
0xcb: {  	_ = 	snop;
	(pc) =	sbr.rel @p0 .LBB2_4-.Ltmp2, $4  }
0xcc: {  	[tilespmem:v1+s28+$0x0] =	vst.idx.add.f32.msk $0xffff, v0  }
0xcd: {  	_ =	swait.ge [sflag:s11], $0x4000  }
0xce: {  	[sflag:s11] =	ssyncset.done $0x0  }
0xcf: {  	[sflag:s11] =	ssyncadd.s32 $0xFFFFC000  }
0xd0: {  	_ =	swait.ge [sflag:s3], $0x80  }
0xd1: {  	[sflag:s3] =	ssyncset.done $0x0  }
0xd2: {  	[sflag:s3] =	ssyncadd.s32 $0xFFFFFF80  }
0xd3: {  	_ =	swait.ge [sflag:s3], $0x80  }
0xd4: {  	[sflag:s3] =	ssyncset.done $0x0  }
0xd5: {  	[sflag:s3] =	ssyncadd.s32 $0xFFFFFF80  }
0xd6: {  	[tilespmem:s6], [sflag:$0x2] =	stream.indirect.gather [hbm4b:s1+s30], $0x80, s5, s30, $0xb8;
	[tilespmem:$0x1E780] =	vst v63  }
.Ltmp3:
0xd7: {  	_ = 	snop;
	(pc) =	sbr.rel .LBB2_2-.Ltmp3, $4  }
0xd8: {  	s22 =	sadd.s32 s23, s13  }
0xd9: {  	[tilespmem:s0], [sflag:$0x1] =	stream.linear.gather [hbm4b:s22+s5], $0x80, $0x38;
	[tilespmem:$0x1E780] =	vst v63  }
0xda: {  	s25 =	sadd.s32 s23, s12;
	s23 =	sadd.s32 $0x40, s23  }
0xdb: {  	[tilespmem:s2], [sflag:$0x1] =	stream.linear.gather [hbm4b:s25+s5], $0x80, $0x38;
	[tilespmem:$0x1E780] =	vst v63  }
.LBB2_5:
0xdc: {  	_ =	sfence.sel $0x180000  }
0xdd: {  	[bflag:$0x0] =	sbarrier.arrive $0xFFFF  }
0xde: {  	_ =	strace $0x90000047  }
0xdf: {  	s0 =	stileid.u32;
	[bflag:$0x2] =	sbarrier.arrive $0xFFFF  }
0xe0: {  	p0 =	sne.s32 s0, $0x0;
	s0 =	rddreg [dreg:$0x4]  }
0xe1: {  	s0 =	sadd.s32 @!p0 $0x100000, s0  }
0xe2: {  	[sflag:s0] =	ssyncadd.tile.s32 @!p0 $0x1;
	_ =	shalt  }
.Lfunc_end2:
_tile_overlayer_lowered:
.L_overlay_start_2:
0xe3: {  	(tag) =	ssettag $0x2  }
0xe4: {  	s0 =	rddreg [dreg:$0x0];
	s2 =	stileid.u32  }
0xe5: {  	s1 =	rddreg [dreg:$0x1];
	p0 =	sne.s32 s2, $0x0  }
0xe6: {  	s3 =	rddreg [dreg:$0x2];
	[bflag:$0x3] =	sbarrier.arrive $0xFFFF;
	s2 =	simm.s32 @!p0 $0x1C04  }
0xe7: {  	[timem:s3], [sflag:s2] =	dma.local @!p0 [hbm:s0], s1  }
0xe8: {  	s0 =	simm.s32 @!p0 $0x4  }
0xe9: {  	_ =	swait.ge @!p0 [sflag:s0], s1  }
0xea: {  	s1 =	ssub.s32 @!p0 $0x0, s1;
	[sflag:s0] =	ssyncset.done @!p0 $0x0  }
0xeb: {  	[sflag:s0] =	ssyncadd.s32 @!p0 s1  }
0xec: {  	[bflag:$0x3] =	sbarrier.arrive $0xFFFF  }
0xed: {  	_ =	shalt  }

</sc_bundles>
